<compile_context>
chip_gen: v7x
topology: tpu7x:2x2x1
jax: 0.10.2.dev20260603
libtpu: 0.0.44.dev20260713+nightly
codegen_flags: <defaults>
</compile_context>

<pallas_src>
import functools

import jax
import jax.numpy as jnp
from jax import lax
from jax.experimental import pallas as pl
from jax.experimental.pallas import tpu as pltpu
from jax.experimental.pallas import tpu_sc as plsc

N = 10000
E = 320000
D = 128
NCLS = 2

NC = 2
NS = 16
NW = NC * NS
L = 16

NPAD = 10240
EW = E // NW
SLC = NPAD // NS
CH = 125
NCH = EW // CH
SCH = 16
NSEG = NCH // SCH
STRIPE = NPAD // NS
DR = 5
DC = EW // DR

@functools.cache
def _mesh():
    return plsc.VectorSubcoreMesh(core_axis_name="c", subcore_axis_name="s")


@functools.cache
def _deg_call():
    return pl.kernel(
        _deg,
        mesh=_mesh(),
        out_type=jax.ShapeDtypeStruct((NC, 2, NS, 1, SLC), jnp.float32),
        scratch_types=[
            pltpu.VMEM((2, DR, DC), jnp.int32),
            pltpu.VMEM((NPAD,), jnp.float32),
            pltpu.VMEM((NPAD,), jnp.float32),
            pltpu.VMEM((NS, 2, SLC), jnp.float32),
            pltpu.VMEM((2, 1, SLC), jnp.float32),
            pltpu.VMEM_SHARED((NS, 2, NPAD), jnp.float32),
        ],
        compiler_params=pltpu.CompilerParams(needs_layout_passes=False),
    )


def _deg(e_hbm, out_hbm, idx_v, hs, hd, red_v, acc_v, shared):
    c = lax.axis_index("c")
    s = lax.axis_index("s")
    w = s * NC + c
    pltpu.sync_copy(e_hbm.at[0, w], idx_v.at[0])
    pltpu.sync_copy(e_hbm.at[1, w], idx_v.at[1])

    zeros = jnp.zeros((L,), jnp.float32)

    @pl.loop(0, NPAD, step=L, unroll=8)
    def _(k):
        hs[pl.ds(k, L)] = zeros
        hd[pl.ds(k, L)] = zeros

    ones = jnp.ones((L,), jnp.float32)

    @pl.loop(0, DC, step=L)
    def _(j):
        for r in range(DR):
            plsc.addupdate_scatter(hs, [idx_v[0, r, pl.ds(j, L)]], ones)
            plsc.addupdate_scatter(hd, [idx_v[1, r, pl.ds(j, L)]], ones)

    pltpu.sync_copy(hs, shared.at[s, 0])
    pltpu.sync_copy(hd, shared.at[s, 1])
    plsc.subcore_barrier()

    base = s * SLC
    for p in range(NS):
        pltpu.sync_copy(shared.at[p, :, pl.ds(base, SLC)], red_v.at[p])

    @pl.loop(0, SLC, step=L)
    def _(k):
        for e in range(2):
            a = red_v[0, e, pl.ds(k, L)]
            for p in range(1, NS):
                a = a + red_v[p, e, pl.ds(k, L)]
            acc_v[e, 0, pl.ds(k, L)] = a

    pltpu.sync_copy(acc_v.at[0], out_hbm.at[c, 0, s])
    pltpu.sync_copy(acc_v.at[1], out_hbm.at[c, 1, s])


def _scale_body(hist_ref, x_ref, h_ref, s_ref):
    deg_out = hist_ref[0, 0] + hist_ref[1, 0]
    deg_in = hist_ref[0, 1] + hist_ref[1, 1]
    so = lax.rsqrt(jnp.maximum(deg_out, 1.0))
    si = lax.rsqrt(jnp.maximum(deg_in, 1.0))
    h_ref[...] = x_ref[...] * so
    s_ref[...] = si


def _scale(hist_col, x):
    gb = N // 5
    return pl.pallas_call(
        _scale_body,
        grid=(5,),
        in_specs=[
            pl.BlockSpec((2, 2, gb, 1), lambda i: (0, 0, i, 0)),
            pl.BlockSpec((gb, D), lambda i: (i, 0)),
        ],
        out_specs=[
            pl.BlockSpec((gb, D), lambda i: (i, 0)),
            pl.BlockSpec((gb, 1), lambda i: (i, 0)),
        ],
        out_shape=[
            jax.ShapeDtypeStruct((N, D), jnp.float32),
            jax.ShapeDtypeStruct((N, 1), jnp.float32),
        ],
    )(hist_col, x)


@functools.cache
def _agg_call():
    return pl.kernel(
        _agg,
        mesh=_mesh(),
        out_type=jax.ShapeDtypeStruct((NC, NPAD, D), jnp.float32),
        scratch_types=[
            pltpu.VMEM((2, 2, SCH, CH), jnp.int32),
            pltpu.VMEM((CH, D), jnp.float32),
            pltpu.VMEM((CH, D), jnp.float32),
            pltpu.VMEM_SHARED((NPAD, D), jnp.float32),
            pltpu.SemaphoreType.DMA,
            pltpu.SemaphoreType.DMA,
            pltpu.SemaphoreType.DMA,
            pltpu.SemaphoreType.DMA,
        ],
        compiler_params=pltpu.CompilerParams(needs_layout_passes=False),
    )


def _agg(h_hbm, e3_hbm, out_hbm, idx_v, ra, rb, agg, sema, semb, semi, semj):
    c = lax.axis_index("c")
    s = lax.axis_index("s")
    w = s * NC + c

    zeros = jnp.zeros((L,), jnp.float32)

    @pl.loop(0, CH)
    def _(i):
        for k in range(D // L):
            ra[i, pl.ds(k * L, L)] = zeros

    base = s * STRIPE
    for m in range(STRIPE // CH):
        pltpu.sync_copy(ra, agg.at[pl.ds(base + m * CH, CH)])
    pltpu.sync_copy(
        ra.at[pl.ds(0, STRIPE % CH)],
        agg.at[pl.ds(base + (STRIPE // CH) * CH, STRIPE % CH)],
    )
    plsc.subcore_barrier()

    pltpu.sync_copy(e3_hbm.at[0, w, 0], idx_v.at[0, 0])
    pltpu.sync_copy(e3_hbm.at[1, w, 0], idx_v.at[1, 0])
    for seg in range(NSEG):
        b = seg % 2
        if seg > 0:
            pltpu.make_async_copy(e3_hbm.at[0, w, seg], idx_v.at[0, b], semi).wait()
            pltpu.make_async_copy(e3_hbm.at[1, w, seg], idx_v.at[1, b], semj).wait()
        if seg + 1 < NSEG:
            nb = (seg + 1) % 2
            pltpu.async_copy(e3_hbm.at[0, w, seg + 1], idx_v.at[0, nb], semi)
            pltpu.async_copy(e3_hbm.at[1, w, seg + 1], idx_v.at[1, nb], semj)
        pltpu.async_copy(h_hbm.at[idx_v.at[0, b, 0]], ra, sema)

        @pl.loop(0, SCH, step=2)
        def _(j):
            pltpu.async_copy(h_hbm.at[idx_v.at[0, b, j + 1]], rb, semb)
            pltpu.make_async_copy(h_hbm.at[idx_v.at[0, b, 0]], ra, sema).wait()
            pltpu.sync_copy(ra, agg.at[idx_v.at[1, b, j]], add=True)

            @pl.when(j + 2 < SCH)
            def _():
                pltpu.async_copy(h_hbm.at[idx_v.at[0, b, j + 2]], ra, sema)

            pltpu.make_async_copy(h_hbm.at[idx_v.at[0, b, 0]], rb, semb).wait()
            pltpu.sync_copy(rb, agg.at[idx_v.at[1, b, j + 1]], add=True)

    plsc.subcore_barrier()
    pltpu.sync_copy(agg.at[pl.ds(base, STRIPE)], out_hbm.at[c, pl.ds(base, STRIPE)])


def _head_body(aggp_ref, s_ref, w1_ref, b1_ref, wc1_ref, bc1_ref, wc2_ref,
               bc2_ref, out_ref, hg_ref):
    i = pl.program_id(0)
    a = (aggp_ref[0] + aggp_ref[1]) * s_ref[...]
    t = jnp.maximum(
        jnp.dot(a, w1_ref[...], preferred_element_type=jnp.float32) + b1_ref[...],
        0.0,
    )
    part = jnp.sum(t, axis=0, keepdims=True)

    @pl.when(i == 0)
    def _():
        hg_ref[...] = part

    @pl.when(i > 0)
    def _():
        hg_ref[...] = hg_ref[...] + part

    hg = hg_ref[...]
    a2 = jnp.dot(hg, wc1_ref[...], preferred_element_type=jnp.float32) + bc1_ref[...]
    a3 = jnp.dot(a2, wc2_ref[...], preferred_element_type=jnp.float32) + bc2_ref[...]
    out_ref[...] = jax.nn.sigmoid(a3)


def _head(aggp, in_scale, w1, b1, wc1, bc1, wc2, bc2):
    rb = N // 5
    return pl.pallas_call(
        _head_body,
        grid=(5,),
        in_specs=[
            pl.BlockSpec((2, rb, D), lambda i: (0, i, 0)),
            pl.BlockSpec((rb, 1), lambda i: (i, 0)),
            pl.BlockSpec((D, D), lambda i: (0, 0)),
            pl.BlockSpec((1, D), lambda i: (0, 0)),
            pl.BlockSpec((D, D), lambda i: (0, 0)),
            pl.BlockSpec((1, D), lambda i: (0, 0)),
            pl.BlockSpec((D, NCLS), lambda i: (0, 0)),
            pl.BlockSpec((1, NCLS), lambda i: (0, 0)),
        ],
        out_specs=[
            pl.BlockSpec((1, NCLS), lambda i: (0, 0)),
            pl.BlockSpec((1, D), lambda i: (0, 0)),
        ],
        out_shape=[
            jax.ShapeDtypeStruct((1, NCLS), jnp.float32),
            jax.ShapeDtypeStruct((1, D), jnp.float32),
        ],
    )(aggp, in_scale, w1, b1, wc1, bc1, wc2, bc2)


def kernel(x, edge_index, W1, b1, Wc1, bc1, Wc2, bc2):
    e3 = edge_index.reshape(2, NW, NSEG, SCH, CH)
    e4 = edge_index.reshape(2, NW, DR, DC)

    hist_col = _deg_call()(e4).reshape(NC, 2, NPAD, 1)
    h, in_scale = _scale(hist_col, x)
    aggp = _agg_call()(h, e3)

    out, hg = _head(
        aggp, in_scale, W1, b1.reshape(1, D), Wc1, bc1.reshape(1, D), Wc2,
        bc2.reshape(1, NCLS)
    )
    return (out, hg, hg)

# --- scband reference (transcript-rebuilt; emitter-appended) ---
"""Pipeline reference for scband-classifier-one-gcn-sum-p-43765716746302 (READ-ONLY COPY).

The authoritative reference and input builder live on the scoring server;
editing this copy changes nothing except your own understanding.
"""

import jax, jax.numpy as jnp
import numpy as np

N = 10000
E = 320000
D_IN = 128
D_H = 128
N_CLS = 2


def setup_inputs(seed: int = 0) -> dict:
    key = jax.random.key(seed)
    ks = jax.random.split(key, 8)
    x = jax.random.normal(ks[0], (N, D_IN), dtype=jnp.float32)
    edge_index = jax.random.randint(ks[1], (2, E), 0, N, dtype=jnp.int32)
    # GraphConv weight (glorot-ish) + bias
    W1 = jax.random.normal(ks[2], (D_IN, D_H), dtype=jnp.float32) * (1.0 / np.sqrt(D_IN))
    b1 = jnp.zeros((D_H,), dtype=jnp.float32)
    # classify: Linear(hidden_dim1, hidden_dim1)
    Wc1 = jax.random.normal(ks[3], (D_H, D_H), dtype=jnp.float32) * (1.0 / np.sqrt(D_H))
    bc1 = jax.random.normal(ks[4], (D_H,), dtype=jnp.float32) * 0.01
    # classify2: Linear(hidden_dim1, n_classes)
    Wc2 = jax.random.normal(ks[5], (D_H, N_CLS), dtype=jnp.float32) * (1.0 / np.sqrt(D_H))
    bc2 = jax.random.normal(ks[6], (N_CLS,), dtype=jnp.float32) * 0.01
    return {"x": x, "edge_index": edge_index, "W1": W1, "b1": b1,
            "Wc1": Wc1, "bc1": bc1, "Wc2": Wc2, "bc2": bc2}


def reference(x, edge_index, W1, b1, Wc1, bc1, Wc2, bc2):
    src = edge_index[0]
    dst = edge_index[1]
    # DGL GraphConv with norm='both': D_out^{-1/2} A D_in^{-1/2} X W + b
    out_deg = jnp.clip(jnp.zeros((N,), x.dtype).at[src].add(1.0), 1.0, None)
    in_deg = jnp.clip(jnp.zeros((N,), x.dtype).at[dst].add(1.0), 1.0, None)
    h = x * (out_deg ** -0.5)[:, None]
    # gather along src, scatter-add into dst
    agg = jnp.zeros((N, D_IN), x.dtype).at[dst].add(jnp.take(h, src, axis=0))
    agg = agg * (in_deg ** -0.5)[:, None]
    h = agg @ W1 + b1
    h = jax.nn.relu(h)
    # SumPooling over the (single) graph -> [1, D_H]
    hg = jnp.sum(h, axis=0, keepdims=True)
    g2 = hg
    # dropout is identity in eval mode
    a2 = hg @ Wc1 + bc1
    a3 = a2 @ Wc2 + bc2
    out = jax.nn.sigmoid(a3)
    return (out, g2, hg)

if __name__ == "__main__":
    import jax
    _d = setup_inputs()
    print(jax.jit(kernel)(*tuple(_d.values())))

</pallas_src>

<mosaic_0001>
#map = affine_map<(d0, d1) -> (0, 0, 0, 0)>
#map1 = affine_map<(d0, d1) -> (0, 0, 0, 0, 0)>
module attributes {stable_mosaic.version = 14 : i64} {
  func.func @_deg(%arg0: i32, %arg1: i32, %arg2: memref<2x32x5x2000xi32, #tpu.memory_space<hbm>>, %arg3: memref<2x2x16x1x640xf32, #tpu.memory_space<hbm>>, %arg4: memref<2x5x2000xi32, #tpu.memory_space<vmem>>, %arg5: memref<10240xf32, #tpu.memory_space<vmem>>, %arg6: memref<10240xf32, #tpu.memory_space<vmem>>, %arg7: memref<16x2x640xf32, #tpu.memory_space<vmem>>, %arg8: memref<2x1x640xf32, #tpu.memory_space<vmem>>, %arg9: memref<16x2x10240xf32, #tpu.memory_space<vmem_shared>>) attributes {dimension_semantics = [#tpu.dimension_semantics<core_parallel>, #tpu.dimension_semantics<subcore_parallel>], iteration_bounds = array<i64: 2, 16>, scalar_prefetch = 0 : i64, scratch_operands = 6 : i64, tpu.core_type = #tpu.core_type<sc_vector_subcore>, window_params = [{transform_indices = #map}, {transform_indices = #map1}]} {
    %mul3A = arith.constant 2 : i32
    %mul3A_0 = arith.muli %arg1, %mul3A : i32
    %add3A = arith.addi %mul3A_0, %arg0 : i32
    %run_scoped3A = arith.constant 0 : i32
    %run_scoped3A_1 = arith.constant 0 : i32
    "tpu.region"() ({
      %run_scoped3A_61 = tpu.sem_alloc : memref<!tpu.dma_semaphore, #tpu.memory_space<semaphore_mem>>
      %dma_start3A = arith.constant 0 : i32
      %dma_start3A_62 = arith.constant 0 : i32
      %dma_start3A_63 = tpu.memref_slice %arg4[%run_scoped3A_1, %dma_start3A, %dma_start3A_62] : memref<2x5x2000xi32, #tpu.memory_space<vmem>> -> memref<1x5x2000xi32, #tpu.memory_space<vmem>>
      %dma_start3A_64 = tpu.memref_squeeze %dma_start3A_63 : memref<1x5x2000xi32, #tpu.memory_space<vmem>> -> memref<5x2000xi32, #tpu.memory_space<vmem>>
      %dma_start3A_65 = arith.constant 0 : i32
      %dma_start3A_66 = arith.constant 0 : i32
      %dma_start3A_67 = tpu.memref_slice %arg2[%run_scoped3A, %add3A, %dma_start3A_65, %dma_start3A_66] : memref<2x32x5x2000xi32, #tpu.memory_space<hbm>> -> memref<1x1x5x2000xi32, #tpu.memory_space<hbm>>
      %dma_start3A_68 = tpu.memref_squeeze %dma_start3A_67 : memref<1x1x5x2000xi32, #tpu.memory_space<hbm>> -> memref<5x2000xi32, #tpu.memory_space<hbm>>
      %dma_start3A_69 = arith.constant 0 : i32
      %dma_start3A_70 = arith.constant 0 : i32
      %dma_start3A_71 = tpu.memref_slice %arg4[%run_scoped3A_1, %dma_start3A_69, %dma_start3A_70] : memref<2x5x2000xi32, #tpu.memory_space<vmem>> -> memref<1x5x2000xi32, #tpu.memory_space<vmem>>
      %dma_start3A_72 = tpu.memref_squeeze %dma_start3A_71 : memref<1x5x2000xi32, #tpu.memory_space<vmem>> -> memref<5x2000xi32, #tpu.memory_space<vmem>>
      %dma_start3A_73 = arith.constant 0 : i32
      %dma_start3A_74 = arith.constant 0 : i32
      %dma_start3A_75 = tpu.memref_slice %arg2[%run_scoped3A, %add3A, %dma_start3A_73, %dma_start3A_74] : memref<2x32x5x2000xi32, #tpu.memory_space<hbm>> -> memref<1x1x5x2000xi32, #tpu.memory_space<hbm>>
      %dma_start3A_76 = tpu.memref_squeeze %dma_start3A_75 : memref<1x1x5x2000xi32, #tpu.memory_space<hbm>> -> memref<5x2000xi32, #tpu.memory_space<hbm>>
      tpu.enqueue_dma source(%dma_start3A_76 : memref<5x2000xi32, #tpu.memory_space<hbm>>) target(%dma_start3A_72 : memref<5x2000xi32, #tpu.memory_space<vmem>>) target_semaphore(%run_scoped3A_61 : memref<!tpu.dma_semaphore, #tpu.memory_space<semaphore_mem>>)
      %dma_wait3A = arith.constant 0 : i32
      %dma_wait3A_77 = arith.constant 0 : i32
      %dma_wait3A_78 = tpu.memref_slice %arg4[%run_scoped3A_1, %dma_wait3A, %dma_wait3A_77] : memref<2x5x2000xi32, #tpu.memory_space<vmem>> -> memref<1x5x2000xi32, #tpu.memory_space<vmem>>
      %dma_wait3A_79 = tpu.memref_squeeze %dma_wait3A_78 : memref<1x5x2000xi32, #tpu.memory_space<vmem>> -> memref<5x2000xi32, #tpu.memory_space<vmem>>
      %dma_wait3A_80 = arith.constant 0 : i32
      %dma_wait3A_81 = arith.constant 0 : i32
      %dma_wait3A_82 = tpu.memref_slice %arg2[%run_scoped3A, %add3A, %dma_wait3A_80, %dma_wait3A_81] : memref<2x32x5x2000xi32, #tpu.memory_space<hbm>> -> memref<1x1x5x2000xi32, #tpu.memory_space<hbm>>
      %dma_wait3A_83 = tpu.memref_squeeze %dma_wait3A_82 : memref<1x1x5x2000xi32, #tpu.memory_space<hbm>> -> memref<5x2000xi32, #tpu.memory_space<hbm>>
      %dma_wait3A_84 = arith.constant 0 : i32
      %dma_wait3A_85 = arith.constant 0 : i32
      %dma_wait3A_86 = tpu.memref_slice %arg4[%run_scoped3A_1, %dma_wait3A_84, %dma_wait3A_85] : memref<2x5x2000xi32, #tpu.memory_space<vmem>> -> memref<1x5x2000xi32, #tpu.memory_space<vmem>>
      %dma_wait3A_87 = tpu.memref_squeeze %dma_wait3A_86 : memref<1x5x2000xi32, #tpu.memory_space<vmem>> -> memref<5x2000xi32, #tpu.memory_space<vmem>>
      %dma_wait3A_88 = arith.constant 0 : i32
      %dma_wait3A_89 = arith.constant 0 : i32
      %dma_wait3A_90 = tpu.memref_slice %arg2[%run_scoped3A, %add3A, %dma_wait3A_88, %dma_wait3A_89] : memref<2x32x5x2000xi32, #tpu.memory_space<hbm>> -> memref<1x1x5x2000xi32, #tpu.memory_space<hbm>>
      %dma_wait3A_91 = tpu.memref_squeeze %dma_wait3A_90 : memref<1x1x5x2000xi32, #tpu.memory_space<hbm>> -> memref<5x2000xi32, #tpu.memory_space<hbm>>
      tpu.wait_dma2 semaphore(%run_scoped3A_61 : memref<!tpu.dma_semaphore, #tpu.memory_space<semaphore_mem>>) src(%dma_wait3A_91 : memref<5x2000xi32, #tpu.memory_space<hbm>>) dst(%dma_wait3A_87 : memref<5x2000xi32, #tpu.memory_space<vmem>>)
      tpu.yield
    }) : () -> ()
    %run_scoped3A_2 = arith.constant 1 : i32
    %run_scoped3A_3 = arith.constant 1 : i32
    "tpu.region"() ({
      %run_scoped3A_61 = tpu.sem_alloc : memref<!tpu.dma_semaphore, #tpu.memory_space<semaphore_mem>>
      %dma_start3A = arith.constant 0 : i32
      %dma_start3A_62 = arith.constant 0 : i32
      %dma_start3A_63 = tpu.memref_slice %arg4[%run_scoped3A_3, %dma_start3A, %dma_start3A_62] : memref<2x5x2000xi32, #tpu.memory_space<vmem>> -> memref<1x5x2000xi32, #tpu.memory_space<vmem>>
      %dma_start3A_64 = tpu.memref_squeeze %dma_start3A_63 : memref<1x5x2000xi32, #tpu.memory_space<vmem>> -> memref<5x2000xi32, #tpu.memory_space<vmem>>
      %dma_start3A_65 = arith.constant 0 : i32
      %dma_start3A_66 = arith.constant 0 : i32
      %dma_start3A_67 = tpu.memref_slice %arg2[%run_scoped3A_2, %add3A, %dma_start3A_65, %dma_start3A_66] : memref<2x32x5x2000xi32, #tpu.memory_space<hbm>> -> memref<1x1x5x2000xi32, #tpu.memory_space<hbm>>
      %dma_start3A_68 = tpu.memref_squeeze %dma_start3A_67 : memref<1x1x5x2000xi32, #tpu.memory_space<hbm>> -> memref<5x2000xi32, #tpu.memory_space<hbm>>
      %dma_start3A_69 = arith.constant 0 : i32
      %dma_start3A_70 = arith.constant 0 : i32
      %dma_start3A_71 = tpu.memref_slice %arg4[%run_scoped3A_3, %dma_start3A_69, %dma_start3A_70] : memref<2x5x2000xi32, #tpu.memory_space<vmem>> -> memref<1x5x2000xi32, #tpu.memory_space<vmem>>
      %dma_start3A_72 = tpu.memref_squeeze %dma_start3A_71 : memref<1x5x2000xi32, #tpu.memory_space<vmem>> -> memref<5x2000xi32, #tpu.memory_space<vmem>>
      %dma_start3A_73 = arith.constant 0 : i32
      %dma_start3A_74 = arith.constant 0 : i32
      %dma_start3A_75 = tpu.memref_slice %arg2[%run_scoped3A_2, %add3A, %dma_start3A_73, %dma_start3A_74] : memref<2x32x5x2000xi32, #tpu.memory_space<hbm>> -> memref<1x1x5x2000xi32, #tpu.memory_space<hbm>>
      %dma_start3A_76 = tpu.memref_squeeze %dma_start3A_75 : memref<1x1x5x2000xi32, #tpu.memory_space<hbm>> -> memref<5x2000xi32, #tpu.memory_space<hbm>>
      tpu.enqueue_dma source(%dma_start3A_76 : memref<5x2000xi32, #tpu.memory_space<hbm>>) target(%dma_start3A_72 : memref<5x2000xi32, #tpu.memory_space<vmem>>) target_semaphore(%run_scoped3A_61 : memref<!tpu.dma_semaphore, #tpu.memory_space<semaphore_mem>>)
      %dma_wait3A = arith.constant 0 : i32
      %dma_wait3A_77 = arith.constant 0 : i32
      %dma_wait3A_78 = tpu.memref_slice %arg4[%run_scoped3A_3, %dma_wait3A, %dma_wait3A_77] : memref<2x5x2000xi32, #tpu.memory_space<vmem>> -> memref<1x5x2000xi32, #tpu.memory_space<vmem>>
      %dma_wait3A_79 = tpu.memref_squeeze %dma_wait3A_78 : memref<1x5x2000xi32, #tpu.memory_space<vmem>> -> memref<5x2000xi32, #tpu.memory_space<vmem>>
      %dma_wait3A_80 = arith.constant 0 : i32
      %dma_wait3A_81 = arith.constant 0 : i32
      %dma_wait3A_82 = tpu.memref_slice %arg2[%run_scoped3A_2, %add3A, %dma_wait3A_80, %dma_wait3A_81] : memref<2x32x5x2000xi32, #tpu.memory_space<hbm>> -> memref<1x1x5x2000xi32, #tpu.memory_space<hbm>>
      %dma_wait3A_83 = tpu.memref_squeeze %dma_wait3A_82 : memref<1x1x5x2000xi32, #tpu.memory_space<hbm>> -> memref<5x2000xi32, #tpu.memory_space<hbm>>
      %dma_wait3A_84 = arith.constant 0 : i32
      %dma_wait3A_85 = arith.constant 0 : i32
      %dma_wait3A_86 = tpu.memref_slice %arg4[%run_scoped3A_3, %dma_wait3A_84, %dma_wait3A_85] : memref<2x5x2000xi32, #tpu.memory_space<vmem>> -> memref<1x5x2000xi32, #tpu.memory_space<vmem>>
      %dma_wait3A_87 = tpu.memref_squeeze %dma_wait3A_86 : memref<1x5x2000xi32, #tpu.memory_space<vmem>> -> memref<5x2000xi32, #tpu.memory_space<vmem>>
      %dma_wait3A_88 = arith.constant 0 : i32
      %dma_wait3A_89 = arith.constant 0 : i32
      %dma_wait3A_90 = tpu.memref_slice %arg2[%run_scoped3A_2, %add3A, %dma_wait3A_88, %dma_wait3A_89] : memref<2x32x5x2000xi32, #tpu.memory_space<hbm>> -> memref<1x1x5x2000xi32, #tpu.memory_space<hbm>>
      %dma_wait3A_91 = tpu.memref_squeeze %dma_wait3A_90 : memref<1x1x5x2000xi32, #tpu.memory_space<hbm>> -> memref<5x2000xi32, #tpu.memory_space<hbm>>
      tpu.wait_dma2 semaphore(%run_scoped3A_61 : memref<!tpu.dma_semaphore, #tpu.memory_space<semaphore_mem>>) src(%dma_wait3A_91 : memref<5x2000xi32, #tpu.memory_space<hbm>>) dst(%dma_wait3A_87 : memref<5x2000xi32, #tpu.memory_space<vmem>>)
      tpu.yield
    }) : () -> ()
    %broadcast_in_dim3A = arith.constant 0.000000e+00 : f32
    %broadcast_in_dim3A_4 = vector.broadcast %broadcast_in_dim3A : f32 to vector<16xf32>
    %scan3A = arith.constant 0 : i32
    %scan3A_5 = arith.constant 640 : i32
    %scan3A_6 = arith.addi %scan3A, %scan3A_5 : i32
    %scan3A_7 = arith.constant 8 : i32
    scf.for %scan3A_61 = %scan3A to %scan3A_6 step %scan3A_7  : i32 {
      %mul3A_62 = arith.constant 16 : i32
      %mul3A_63 = arith.muli %scan3A_61, %mul3A_62 : i32
      %add3A_64 = arith.constant 0 : i32
      %add3A_65 = arith.addi %add3A_64, %mul3A_63 : i32
      %swap3A = arith.index_cast %add3A_65 : i32 to index
      %swap3A_66 = tpu.vector_load %arg5[%swap3A] {strides = array<i32>} : memref<10240xf32, #tpu.memory_space<vmem>>, vector<16xf32>,
      tpu.vector_store %arg5[%swap3A], %broadcast_in_dim3A_4 {strides = array<i32>} : memref<10240xf32, #tpu.memory_space<vmem>>, vector<16xf32>,
      %swap3A_67 = arith.index_cast %add3A_65 : i32 to index
      %swap3A_68 = tpu.vector_load %arg6[%swap3A_67] {strides = array<i32>} : memref<10240xf32, #tpu.memory_space<vmem>>, vector<16xf32>,
      tpu.vector_store %arg6[%swap3A_67], %broadcast_in_dim3A_4 {strides = array<i32>} : memref<10240xf32, #tpu.memory_space<vmem>>, vector<16xf32>,
      %scan3A_69 = arith.constant 1 : i32
      %scan3A_70 = arith.addi %scan3A_61, %scan3A_69 : i32
      %mul3A_71 = arith.constant 16 : i32
      %mul3A_72 = arith.muli %scan3A_70, %mul3A_71 : i32
      %add3A_73 = arith.constant 0 : i32
      %add3A_74 = arith.addi %add3A_73, %mul3A_72 : i32
      %swap3A_75 = arith.index_cast %add3A_74 : i32 to index
      %swap3A_76 = tpu.vector_load %arg5[%swap3A_75] {strides = array<i32>} : memref<10240xf32, #tpu.memory_space<vmem>>, vector<16xf32>,
      tpu.vector_store %arg5[%swap3A_75], %broadcast_in_dim3A_4 {strides = array<i32>} : memref<10240xf32, #tpu.memory_space<vmem>>, vector<16xf32>,
      %swap3A_77 = arith.index_cast %add3A_74 : i32 to index
      %swap3A_78 = tpu.vector_load %arg6[%swap3A_77] {strides = array<i32>} : memref<10240xf32, #tpu.memory_space<vmem>>, vector<16xf32>,
      tpu.vector_store %arg6[%swap3A_77], %broadcast_in_dim3A_4 {strides = array<i32>} : memref<10240xf32, #tpu.memory_space<vmem>>, vector<16xf32>,
      %scan3A_79 = arith.constant 2 : i32
      %scan3A_80 = arith.addi %scan3A_61, %scan3A_79 : i32
      %mul3A_81 = arith.constant 16 : i32
      %mul3A_82 = arith.muli %scan3A_80, %mul3A_81 : i32
      %add3A_83 = arith.constant 0 : i32
      %add3A_84 = arith.addi %add3A_83, %mul3A_82 : i32
      %swap3A_85 = arith.index_cast %add3A_84 : i32 to index
      %swap3A_86 = tpu.vector_load %arg5[%swap3A_85] {strides = array<i32>} : memref<10240xf32, #tpu.memory_space<vmem>>, vector<16xf32>,
      tpu.vector_store %arg5[%swap3A_85], %broadcast_in_dim3A_4 {strides = array<i32>} : memref<10240xf32, #tpu.memory_space<vmem>>, vector<16xf32>,
      %swap3A_87 = arith.index_cast %add3A_84 : i32 to index
      %swap3A_88 = tpu.vector_load %arg6[%swap3A_87] {strides = array<i32>} : memref<10240xf32, #tpu.memory_space<vmem>>, vector<16xf32>,
      tpu.vector_store %arg6[%swap3A_87], %broadcast_in_dim3A_4 {strides = array<i32>} : memref<10240xf32, #tpu.memory_space<vmem>>, vector<16xf32>,
      %scan3A_89 = arith.constant 3 : i32
      %scan3A_90 = arith.addi %scan3A_61, %scan3A_89 : i32
      %mul3A_91 = arith.constant 16 : i32
      %mul3A_92 = arith.muli %scan3A_90, %mul3A_91 : i32
      %add3A_93 = arith.constant 0 : i32
      %add3A_94 = arith.addi %add3A_93, %mul3A_92 : i32
      %swap3A_95 = arith.index_cast %add3A_94 : i32 to index
      %swap3A_96 = tpu.vector_load %arg5[%swap3A_95] {strides = array<i32>} : memref<10240xf32, #tpu.memory_space<vmem>>, vector<16xf32>,
      tpu.vector_store %arg5[%swap3A_95], %broadcast_in_dim3A_4 {strides = array<i32>} : memref<10240xf32, #tpu.memory_space<vmem>>, vector<16xf32>,
      %swap3A_97 = arith.index_cast %add3A_94 : i32 to index
      %swap3A_98 = tpu.vector_load %arg6[%swap3A_97] {strides = array<i32>} : memref<10240xf32, #tpu.memory_space<vmem>>, vector<16xf32>,
      tpu.vector_store %arg6[%swap3A_97], %broadcast_in_dim3A_4 {strides = array<i32>} : memref<10240xf32, #tpu.memory_space<vmem>>, vector<16xf32>,
      %scan3A_99 = arith.constant 4 : i32
      %scan3A_100 = arith.addi %scan3A_61, %scan3A_99 : i32
      %mul3A_101 = arith.constant 16 : i32
      %mul3A_102 = arith.muli %scan3A_100, %mul3A_101 : i32
      %add3A_103 = arith.constant 0 : i32
      %add3A_104 = arith.addi %add3A_103, %mul3A_102 : i32
      %swap3A_105 = arith.index_cast %add3A_104 : i32 to index
      %swap3A_106 = tpu.vector_load %arg5[%swap3A_105] {strides = array<i32>} : memref<10240xf32, #tpu.memory_space<vmem>>, vector<16xf32>,
      tpu.vector_store %arg5[%swap3A_105], %broadcast_in_dim3A_4 {strides = array<i32>} : memref<10240xf32, #tpu.memory_space<vmem>>, vector<16xf32>,
      %swap3A_107 = arith.index_cast %add3A_104 : i32 to index
      %swap3A_108 = tpu.vector_load %arg6[%swap3A_107] {strides = array<i32>} : memref<10240xf32, #tpu.memory_space<vmem>>, vector<16xf32>,
      tpu.vector_store %arg6[%swap3A_107], %broadcast_in_dim3A_4 {strides = array<i32>} : memref<10240xf32, #tpu.memory_space<vmem>>, vector<16xf32>,
      %scan3A_109 = arith.constant 5 : i32
      %scan3A_110 = arith.addi %scan3A_61, %scan3A_109 : i32
      %mul3A_111 = arith.constant 16 : i32
      %mul3A_112 = arith.muli %scan3A_110, %mul3A_111 : i32
      %add3A_113 = arith.constant 0 : i32
      %add3A_114 = arith.addi %add3A_113, %mul3A_112 : i32
      %swap3A_115 = arith.index_cast %add3A_114 : i32 to index
      %swap3A_116 = tpu.vector_load %arg5[%swap3A_115] {strides = array<i32>} : memref<10240xf32, #tpu.memory_space<vmem>>, vector<16xf32>,
      tpu.vector_store %arg5[%swap3A_115], %broadcast_in_dim3A_4 {strides = array<i32>} : memref<10240xf32, #tpu.memory_space<vmem>>, vector<16xf32>,
      %swap3A_117 = arith.index_cast %add3A_114 : i32 to index
      %swap3A_118 = tpu.vector_load %arg6[%swap3A_117] {strides = array<i32>} : memref<10240xf32, #tpu.memory_space<vmem>>, vector<16xf32>,
      tpu.vector_store %arg6[%swap3A_117], %broadcast_in_dim3A_4 {strides = array<i32>} : memref<10240xf32, #tpu.memory_space<vmem>>, vector<16xf32>,
      %scan3A_119 = arith.constant 6 : i32
      %scan3A_120 = arith.addi %scan3A_61, %scan3A_119 : i32
      %mul3A_121 = arith.constant 16 : i32
      %mul3A_122 = arith.muli %scan3A_120, %mul3A_121 : i32
      %add3A_123 = arith.constant 0 : i32
      %add3A_124 = arith.addi %add3A_123, %mul3A_122 : i32
      %swap3A_125 = arith.index_cast %add3A_124 : i32 to index
      %swap3A_126 = tpu.vector_load %arg5[%swap3A_125] {strides = array<i32>} : memref<10240xf32, #tpu.memory_space<vmem>>, vector<16xf32>,
      tpu.vector_store %arg5[%swap3A_125], %broadcast_in_dim3A_4 {strides = array<i32>} : memref<10240xf32, #tpu.memory_space<vmem>>, vector<16xf32>,
      %swap3A_127 = arith.index_cast %add3A_124 : i32 to index
      %swap3A_128 = tpu.vector_load %arg6[%swap3A_127] {strides = array<i32>} : memref<10240xf32, #tpu.memory_space<vmem>>, vector<16xf32>,
      tpu.vector_store %arg6[%swap3A_127], %broadcast_in_dim3A_4 {strides = array<i32>} : memref<10240xf32, #tpu.memory_space<vmem>>, vector<16xf32>,
      %scan3A_129 = arith.constant 7 : i32
      %scan3A_130 = arith.addi %scan3A_61, %scan3A_129 : i32
      %mul3A_131 = arith.constant 16 : i32
      %mul3A_132 = arith.muli %scan3A_130, %mul3A_131 : i32
      %add3A_133 = arith.constant 0 : i32
      %add3A_134 = arith.addi %add3A_133, %mul3A_132 : i32
      %swap3A_135 = arith.index_cast %add3A_134 : i32 to index
      %swap3A_136 = tpu.vector_load %arg5[%swap3A_135] {strides = array<i32>} : memref<10240xf32, #tpu.memory_space<vmem>>, vector<16xf32>,
      tpu.vector_store %arg5[%swap3A_135], %broadcast_in_dim3A_4 {strides = array<i32>} : memref<10240xf32, #tpu.memory_space<vmem>>, vector<16xf32>,
      %swap3A_137 = arith.index_cast %add3A_134 : i32 to index
      %swap3A_138 = tpu.vector_load %arg6[%swap3A_137] {strides = array<i32>} : memref<10240xf32, #tpu.memory_space<vmem>>, vector<16xf32>,
      tpu.vector_store %arg6[%swap3A_137], %broadcast_in_dim3A_4 {strides = array<i32>} : memref<10240xf32, #tpu.memory_space<vmem>>, vector<16xf32>,
    }
    %scan3A_8 = arith.constant 640 : i32
    %broadcast_in_dim3A_9 = arith.constant 1.000000e+00 : f32
    %broadcast_in_dim3A_10 = vector.broadcast %broadcast_in_dim3A_9 : f32 to vector<16xf32>
    %scan3A_11 = arith.constant 0 : i32
    %scan3A_12 = arith.constant 125 : i32
    %scan3A_13 = arith.addi %scan3A_11, %scan3A_12 : i32
    %scan3A_14 = arith.constant 1 : i32
    scf.for %scan3A_61 = %scan3A_11 to %scan3A_13 step %scan3A_14  : i32 {
      %mul3A_62 = arith.constant 16 : i32
      %mul3A_63 = arith.muli %scan3A_61, %mul3A_62 : i32
      %add3A_64 = arith.constant 0 : i32
      %add3A_65 = arith.addi %add3A_64, %mul3A_63 : i32
      %get3A = arith.constant 0 : i32
      %get3A_66 = arith.constant 0 : i32
      %get3A_67 = arith.index_cast %get3A : i32 to index
      %get3A_68 = arith.index_cast %get3A_66 : i32 to index
      %get3A_69 = arith.index_cast %add3A_65 : i32 to index
      %get3A_70 = tpu.vector_load %arg4[%get3A_67, %get3A_68, %get3A_69] {strides = array<i32>} : memref<2x5x2000xi32, #tpu.memory_space<vmem>>, vector<16xi32>,
      tpu.vector_store_idx %arg5[%get3A_70], %broadcast_in_dim3A_10 {add = true} : memref<10240xf32, #tpu.memory_space<vmem>>[vector<16xi32>], vector<16xf32>,
      %get3A_71 = arith.constant 1 : i32
      %get3A_72 = arith.constant 0 : i32
      %get3A_73 = arith.index_cast %get3A_71 : i32 to index
      %get3A_74 = arith.index_cast %get3A_72 : i32 to index
      %get3A_75 = arith.index_cast %add3A_65 : i32 to index
      %get3A_76 = tpu.vector_load %arg4[%get3A_73, %get3A_74, %get3A_75] {strides = array<i32>} : memref<2x5x2000xi32, #tpu.memory_space<vmem>>, vector<16xi32>,
      tpu.vector_store_idx %arg6[%get3A_76], %broadcast_in_dim3A_10 {add = true} : memref<10240xf32, #tpu.memory_space<vmem>>[vector<16xi32>], vector<16xf32>,
      %get3A_77 = arith.constant 0 : i32
      %get3A_78 = arith.constant 1 : i32
      %get3A_79 = arith.index_cast %get3A_77 : i32 to index
      %get3A_80 = arith.index_cast %get3A_78 : i32 to index
      %get3A_81 = arith.index_cast %add3A_65 : i32 to index
      %get3A_82 = tpu.vector_load %arg4[%get3A_79, %get3A_80, %get3A_81] {strides = array<i32>} : memref<2x5x2000xi32, #tpu.memory_space<vmem>>, vector<16xi32>,
      tpu.vector_store_idx %arg5[%get3A_82], %broadcast_in_dim3A_10 {add = true} : memref<10240xf32, #tpu.memory_space<vmem>>[vector<16xi32>], vector<16xf32>,
      %get3A_83 = arith.constant 1 : i32
      %get3A_84 = arith.constant 1 : i32
      %get3A_85 = arith.index_cast %get3A_83 : i32 to index
      %get3A_86 = arith.index_cast %get3A_84 : i32 to index
      %get3A_87 = arith.index_cast %add3A_65 : i32 to index
      %get3A_88 = tpu.vector_load %arg4[%get3A_85, %get3A_86, %get3A_87] {strides = array<i32>} : memref<2x5x2000xi32, #tpu.memory_space<vmem>>, vector<16xi32>,
      tpu.vector_store_idx %arg6[%get3A_88], %broadcast_in_dim3A_10 {add = true} : memref<10240xf32, #tpu.memory_space<vmem>>[vector<16xi32>], vector<16xf32>,
      %get3A_89 = arith.constant 0 : i32
      %get3A_90 = arith.constant 2 : i32
      %get3A_91 = arith.index_cast %get3A_89 : i32 to index
      %get3A_92 = arith.index_cast %get3A_90 : i32 to index
      %get3A_93 = arith.index_cast %add3A_65 : i32 to index
      %get3A_94 = tpu.vector_load %arg4[%get3A_91, %get3A_92, %get3A_93] {strides = array<i32>} : memref<2x5x2000xi32, #tpu.memory_space<vmem>>, vector<16xi32>,
      tpu.vector_store_idx %arg5[%get3A_94], %broadcast_in_dim3A_10 {add = true} : memref<10240xf32, #tpu.memory_space<vmem>>[vector<16xi32>], vector<16xf32>,
      %get3A_95 = arith.constant 1 : i32
      %get3A_96 = arith.constant 2 : i32
      %get3A_97 = arith.index_cast %get3A_95 : i32 to index
      %get3A_98 = arith.index_cast %get3A_96 : i32 to index
      %get3A_99 = arith.index_cast %add3A_65 : i32 to index
      %get3A_100 = tpu.vector_load %arg4[%get3A_97, %get3A_98, %get3A_99] {strides = array<i32>} : memref<2x5x2000xi32, #tpu.memory_space<vmem>>, vector<16xi32>,
      tpu.vector_store_idx %arg6[%get3A_100], %broadcast_in_dim3A_10 {add = true} : memref<10240xf32, #tpu.memory_space<vmem>>[vector<16xi32>], vector<16xf32>,
      %get3A_101 = arith.constant 0 : i32
      %get3A_102 = arith.constant 3 : i32
      %get3A_103 = arith.index_cast %get3A_101 : i32 to index
      %get3A_104 = arith.index_cast %get3A_102 : i32 to index
      %get3A_105 = arith.index_cast %add3A_65 : i32 to index
      %get3A_106 = tpu.vector_load %arg4[%get3A_103, %get3A_104, %get3A_105] {strides = array<i32>} : memref<2x5x2000xi32, #tpu.memory_space<vmem>>, vector<16xi32>,
      tpu.vector_store_idx %arg5[%get3A_106], %broadcast_in_dim3A_10 {add = true} : memref<10240xf32, #tpu.memory_space<vmem>>[vector<16xi32>], vector<16xf32>,
      %get3A_107 = arith.constant 1 : i32
      %get3A_108 = arith.constant 3 : i32
      %get3A_109 = arith.index_cast %get3A_107 : i32 to index
      %get3A_110 = arith.index_cast %get3A_108 : i32 to index
      %get3A_111 = arith.index_cast %add3A_65 : i32 to index
      %get3A_112 = tpu.vector_load %arg4[%get3A_109, %get3A_110, %get3A_111] {strides = array<i32>} : memref<2x5x2000xi32, #tpu.memory_space<vmem>>, vector<16xi32>,
      tpu.vector_store_idx %arg6[%get3A_112], %broadcast_in_dim3A_10 {add = true} : memref<10240xf32, #tpu.memory_space<vmem>>[vector<16xi32>], vector<16xf32>,
      %get3A_113 = arith.constant 0 : i32
      %get3A_114 = arith.constant 4 : i32
      %get3A_115 = arith.index_cast %get3A_113 : i32 to index
      %get3A_116 = arith.index_cast %get3A_114 : i32 to index
      %get3A_117 = arith.index_cast %add3A_65 : i32 to index
      %get3A_118 = tpu.vector_load %arg4[%get3A_115, %get3A_116, %get3A_117] {strides = array<i32>} : memref<2x5x2000xi32, #tpu.memory_space<vmem>>, vector<16xi32>,
      tpu.vector_store_idx %arg5[%get3A_118], %broadcast_in_dim3A_10 {add = true} : memref<10240xf32, #tpu.memory_space<vmem>>[vector<16xi32>], vector<16xf32>,
      %get3A_119 = arith.constant 1 : i32
      %get3A_120 = arith.constant 4 : i32
      %get3A_121 = arith.index_cast %get3A_119 : i32 to index
      %get3A_122 = arith.index_cast %get3A_120 : i32 to index
      %get3A_123 = arith.index_cast %add3A_65 : i32 to index
      %get3A_124 = tpu.vector_load %arg4[%get3A_121, %get3A_122, %get3A_123] {strides = array<i32>} : memref<2x5x2000xi32, #tpu.memory_space<vmem>>, vector<16xi32>,
      tpu.vector_store_idx %arg6[%get3A_124], %broadcast_in_dim3A_10 {add = true} : memref<10240xf32, #tpu.memory_space<vmem>>[vector<16xi32>], vector<16xf32>,
    }
    %scan3A_15 = arith.constant 125 : i32
    %run_scoped3A_16 = arith.constant 0 : i32
    "tpu.region"() ({
      %run_scoped3A_61 = tpu.sem_alloc : memref<!tpu.dma_semaphore, #tpu.memory_space<semaphore_mem>>
      %dma_start3A = arith.constant 0 : i32
      %dma_start3A_62 = tpu.memref_slice %arg9[%arg1, %run_scoped3A_16, %dma_start3A] : memref<16x2x10240xf32, #tpu.memory_space<vmem_shared>> -> memref<1x1x10240xf32, #tpu.memory_space<vmem_shared>>
      %dma_start3A_63 = tpu.memref_squeeze %dma_start3A_62 : memref<1x1x10240xf32, #tpu.memory_space<vmem_shared>> -> memref<10240xf32, #tpu.memory_space<vmem_shared>>
      %dma_start3A_64 = arith.constant 0 : i32
      %dma_start3A_65 = tpu.memref_slice %arg9[%arg1, %run_scoped3A_16, %dma_start3A_64] : memref<16x2x10240xf32, #tpu.memory_space<vmem_shared>> -> memref<1x1x10240xf32, #tpu.memory_space<vmem_shared>>
      %dma_start3A_66 = tpu.memref_squeeze %dma_start3A_65 : memref<1x1x10240xf32, #tpu.memory_space<vmem_shared>> -> memref<10240xf32, #tpu.memory_space<vmem_shared>>
      tpu.enqueue_dma source(%arg5 : memref<10240xf32, #tpu.memory_space<vmem>>) target(%dma_start3A_66 : memref<10240xf32, #tpu.memory_space<vmem_shared>>) target_semaphore(%run_scoped3A_61 : memref<!tpu.dma_semaphore, #tpu.memory_space<semaphore_mem>>)
      %dma_wait3A = arith.constant 0 : i32
      %dma_wait3A_67 = tpu.memref_slice %arg9[%arg1, %run_scoped3A_16, %dma_wait3A] : memref<16x2x10240xf32, #tpu.memory_space<vmem_shared>> -> memref<1x1x10240xf32, #tpu.memory_space<vmem_shared>>
      %dma_wait3A_68 = tpu.memref_squeeze %dma_wait3A_67 : memref<1x1x10240xf32, #tpu.memory_space<vmem_shared>> -> memref<10240xf32, #tpu.memory_space<vmem_shared>>
      %dma_wait3A_69 = arith.constant 0 : i32
      %dma_wait3A_70 = tpu.memref_slice %arg9[%arg1, %run_scoped3A_16, %dma_wait3A_69] : memref<16x2x10240xf32, #tpu.memory_space<vmem_shared>> -> memref<1x1x10240xf32, #tpu.memory_space<vmem_shared>>
      %dma_wait3A_71 = tpu.memref_squeeze %dma_wait3A_70 : memref<1x1x10240xf32, #tpu.memory_space<vmem_shared>> -> memref<10240xf32, #tpu.memory_space<vmem_shared>>
      tpu.wait_dma2 semaphore(%run_scoped3A_61 : memref<!tpu.dma_semaphore, #tpu.memory_space<semaphore_mem>>) src(%arg5 : memref<10240xf32, #tpu.memory_space<vmem>>) dst(%dma_wait3A_71 : memref<10240xf32, #tpu.memory_space<vmem_shared>>)
      tpu.yield
    }) : () -> ()
    %run_scoped3A_17 = arith.constant 1 : i32
    "tpu.region"() ({
      %run_scoped3A_61 = tpu.sem_alloc : memref<!tpu.dma_semaphore, #tpu.memory_space<semaphore_mem>>
      %dma_start3A = arith.constant 0 : i32
      %dma_start3A_62 = tpu.memref_slice %arg9[%arg1, %run_scoped3A_17, %dma_start3A] : memref<16x2x10240xf32, #tpu.memory_space<vmem_shared>> -> memref<1x1x10240xf32, #tpu.memory_space<vmem_shared>>
      %dma_start3A_63 = tpu.memref_squeeze %dma_start3A_62 : memref<1x1x10240xf32, #tpu.memory_space<vmem_shared>> -> memref<10240xf32, #tpu.memory_space<vmem_shared>>
      %dma_start3A_64 = arith.constant 0 : i32
      %dma_start3A_65 = tpu.memref_slice %arg9[%arg1, %run_scoped3A_17, %dma_start3A_64] : memref<16x2x10240xf32, #tpu.memory_space<vmem_shared>> -> memref<1x1x10240xf32, #tpu.memory_space<vmem_shared>>
      %dma_start3A_66 = tpu.memref_squeeze %dma_start3A_65 : memref<1x1x10240xf32, #tpu.memory_space<vmem_shared>> -> memref<10240xf32, #tpu.memory_space<vmem_shared>>
      tpu.enqueue_dma source(%arg6 : memref<10240xf32, #tpu.memory_space<vmem>>) target(%dma_start3A_66 : memref<10240xf32, #tpu.memory_space<vmem_shared>>) target_semaphore(%run_scoped3A_61 : memref<!tpu.dma_semaphore, #tpu.memory_space<semaphore_mem>>)
      %dma_wait3A = arith.constant 0 : i32
      %dma_wait3A_67 = tpu.memref_slice %arg9[%arg1, %run_scoped3A_17, %dma_wait3A] : memref<16x2x10240xf32, #tpu.memory_space<vmem_shared>> -> memref<1x1x10240xf32, #tpu.memory_space<vmem_shared>>
      %dma_wait3A_68 = tpu.memref_squeeze %dma_wait3A_67 : memref<1x1x10240xf32, #tpu.memory_space<vmem_shared>> -> memref<10240xf32, #tpu.memory_space<vmem_shared>>
      %dma_wait3A_69 = arith.constant 0 : i32
      %dma_wait3A_70 = tpu.memref_slice %arg9[%arg1, %run_scoped3A_17, %dma_wait3A_69] : memref<16x2x10240xf32, #tpu.memory_space<vmem_shared>> -> memref<1x1x10240xf32, #tpu.memory_space<vmem_shared>>
      %dma_wait3A_71 = tpu.memref_squeeze %dma_wait3A_70 : memref<1x1x10240xf32, #tpu.memory_space<vmem_shared>> -> memref<10240xf32, #tpu.memory_space<vmem_shared>>
      tpu.wait_dma2 semaphore(%run_scoped3A_61 : memref<!tpu.dma_semaphore, #tpu.memory_space<semaphore_mem>>) src(%arg6 : memref<10240xf32, #tpu.memory_space<vmem>>) dst(%dma_wait3A_71 : memref<10240xf32, #tpu.memory_space<vmem_shared>>)
      tpu.yield
    }) : () -> ()
    %barrier3A = arith.constant 0 : index
    tpu.barrier barrier_id(%barrier3A)
    %mul3A_18 = arith.constant 640 : i32
    %mul3A_19 = arith.muli %arg1, %mul3A_18 : i32
    %run_scoped3A_20 = arith.constant 0 : i32
    %run_scoped3A_21 = arith.constant 0 : i32
    "tpu.region"() ({
      %run_scoped3A_61 = tpu.sem_alloc : memref<!tpu.dma_semaphore, #tpu.memory_space<semaphore_mem>>
      %dma_start3A = arith.constant 0 : i32
      %dma_start3A_62 = arith.constant 0 : i32
      %dma_start3A_63 = tpu.memref_slice %arg7[%run_scoped3A_21, %dma_start3A, %dma_start3A_62] : memref<16x2x640xf32, #tpu.memory_space<vmem>> -> memref<1x2x640xf32, #tpu.memory_space<vmem>>
      %dma_start3A_64 = tpu.memref_squeeze %dma_start3A_63 : memref<1x2x640xf32, #tpu.memory_space<vmem>> -> memref<2x640xf32, #tpu.memory_space<vmem>>
      %dma_start3A_65 = arith.constant 0 : i32
      %dma_start3A_66 = tpu.memref_slice %arg9[%run_scoped3A_20, %dma_start3A_65, %mul3A_19] : memref<16x2x10240xf32, #tpu.memory_space<vmem_shared>> -> memref<1x2x640xf32, #tpu.memory_space<vmem_shared>>
      %dma_start3A_67 = tpu.memref_squeeze %dma_start3A_66 : memref<1x2x640xf32, #tpu.memory_space<vmem_shared>> -> memref<2x640xf32, #tpu.memory_space<vmem_shared>>
      %dma_start3A_68 = arith.constant 0 : i32
      %dma_start3A_69 = arith.constant 0 : i32
      %dma_start3A_70 = tpu.memref_slice %arg7[%run_scoped3A_21, %dma_start3A_68, %dma_start3A_69] : memref<16x2x640xf32, #tpu.memory_space<vmem>> -> memref<1x2x640xf32, #tpu.memory_space<vmem>>
      %dma_start3A_71 = tpu.memref_squeeze %dma_start3A_70 : memref<1x2x640xf32, #tpu.memory_space<vmem>> -> memref<2x640xf32, #tpu.memory_space<vmem>>
      %dma_start3A_72 = arith.constant 0 : i32
      %dma_start3A_73 = tpu.memref_slice %arg9[%run_scoped3A_20, %dma_start3A_72, %mul3A_19] : memref<16x2x10240xf32, #tpu.memory_space<vmem_shared>> -> memref<1x2x640xf32, #tpu.memory_space<vmem_shared>>
      %dma_start3A_74 = tpu.memref_squeeze %dma_start3A_73 : memref<1x2x640xf32, #tpu.memory_space<vmem_shared>> -> memref<2x640xf32, #tpu.memory_space<vmem_shared>>
      tpu.enqueue_dma source(%dma_start3A_74 : memref<2x640xf32, #tpu.memory_space<vmem_shared>>) target(%dma_start3A_71 : memref<2x640xf32, #tpu.memory_space<vmem>>) target_semaphore(%run_scoped3A_61 : memref<!tpu.dma_semaphore, #tpu.memory_space<semaphore_mem>>)
      %dma_wait3A = arith.constant 0 : i32
      %dma_wait3A_75 = arith.constant 0 : i32
      %dma_wait3A_76 = tpu.memref_slice %arg7[%run_scoped3A_21, %dma_wait3A, %dma_wait3A_75] : memref<16x2x640xf32, #tpu.memory_space<vmem>> -> memref<1x2x640xf32, #tpu.memory_space<vmem>>
      %dma_wait3A_77 = tpu.memref_squeeze %dma_wait3A_76 : memref<1x2x640xf32, #tpu.memory_space<vmem>> -> memref<2x640xf32, #tpu.memory_space<vmem>>
      %dma_wait3A_78 = arith.constant 0 : i32
      %dma_wait3A_79 = tpu.memref_slice %arg9[%run_scoped3A_20, %dma_wait3A_78, %mul3A_19] : memref<16x2x10240xf32, #tpu.memory_space<vmem_shared>> -> memref<1x2x640xf32, #tpu.memory_space<vmem_shared>>
      %dma_wait3A_80 = tpu.memref_squeeze %dma_wait3A_79 : memref<1x2x640xf32, #tpu.memory_space<vmem_shared>> -> memref<2x640xf32, #tpu.memory_space<vmem_shared>>
      %dma_wait3A_81 = arith.constant 0 : i32
      %dma_wait3A_82 = arith.constant 0 : i32
      %dma_wait3A_83 = tpu.memref_slice %arg7[%run_scoped3A_21, %dma_wait3A_81, %dma_wait3A_82] : memref<16x2x640xf32, #tpu.memory_space<vmem>> -> memref<1x2x640xf32, #tpu.memory_space<vmem>>
      %dma_wait3A_84 = tpu.memref_squeeze %dma_wait3A_83 : memref<1x2x640xf32, #tpu.memory_space<vmem>> -> memref<2x640xf32, #tpu.memory_space<vmem>>
      %dma_wait3A_85 = arith.constant 0 : i32
      %dma_wait3A_86 = tpu.memref_slice %arg9[%run_scoped3A_20, %dma_wait3A_85, %mul3A_19] : memref<16x2x10240xf32, #tpu.memory_space<vmem_shared>> -> memref<1x2x640xf32, #tpu.memory_space<vmem_shared>>
      %dma_wait3A_87 = tpu.memref_squeeze %dma_wait3A_86 : memref<1x2x640xf32, #tpu.memory_space<vmem_shared>> -> memref<2x640xf32, #tpu.memory_space<vmem_shared>>
      tpu.wait_dma2 semaphore(%run_scoped3A_61 : memref<!tpu.dma_semaphore, #tpu.memory_space<semaphore_mem>>) src(%dma_wait3A_87 : memref<2x640xf32, #tpu.memory_space<vmem_shared>>) dst(%dma_wait3A_84 : memref<2x640xf32, #tpu.memory_space<vmem>>)
      tpu.yield
    }) : () -> ()
    %run_scoped3A_22 = arith.constant 1 : i32
    %run_scoped3A_23 = arith.constant 1 : i32
    "tpu.region"() ({
      %run_scoped3A_61 = tpu.sem_alloc : memref<!tpu.dma_semaphore, #tpu.memory_space<semaphore_mem>>
      %dma_start3A = arith.constant 0 : i32
      %dma_start3A_62 = arith.constant 0 : i32
      %dma_start3A_63 = tpu.memref_slice %arg7[%run_scoped3A_23, %dma_start3A, %dma_start3A_62] : memref<16x2x640xf32, #tpu.memory_space<vmem>> -> memref<1x2x640xf32, #tpu.memory_space<vmem>>
      %dma_start3A_64 = tpu.memref_squeeze %dma_start3A_63 : memref<1x2x640xf32, #tpu.memory_space<vmem>> -> memref<2x640xf32, #tpu.memory_space<vmem>>
      %dma_start3A_65 = arith.constant 0 : i32
      %dma_start3A_66 = tpu.memref_slice %arg9[%run_scoped3A_22, %dma_start3A_65, %mul3A_19] : memref<16x2x10240xf32, #tpu.memory_space<vmem_shared>> -> memref<1x2x640xf32, #tpu.memory_space<vmem_shared>>
      %dma_start3A_67 = tpu.memref_squeeze %dma_start3A_66 : memref<1x2x640xf32, #tpu.memory_space<vmem_shared>> -> memref<2x640xf32, #tpu.memory_space<vmem_shared>>
      %dma_start3A_68 = arith.constant 0 : i32
      %dma_start3A_69 = arith.constant 0 : i32
      %dma_start3A_70 = tpu.memref_slice %arg7[%run_scoped3A_23, %dma_start3A_68, %dma_start3A_69] : memref<16x2x640xf32, #tpu.memory_space<vmem>> -> memref<1x2x640xf32, #tpu.memory_space<vmem>>
      %dma_start3A_71 = tpu.memref_squeeze %dma_start3A_70 : memref<1x2x640xf32, #tpu.memory_space<vmem>> -> memref<2x640xf32, #tpu.memory_space<vmem>>
      %dma_start3A_72 = arith.constant 0 : i32
      %dma_start3A_73 = tpu.memref_slice %arg9[%run_scoped3A_22, %dma_start3A_72, %mul3A_19] : memref<16x2x10240xf32, #tpu.memory_space<vmem_shared>> -> memref<1x2x640xf32, #tpu.memory_space<vmem_shared>>
      %dma_start3A_74 = tpu.memref_squeeze %dma_start3A_73 : memref<1x2x640xf32, #tpu.memory_space<vmem_shared>> -> memref<2x640xf32, #tpu.memory_space<vmem_shared>>
      tpu.enqueue_dma source(%dma_start3A_74 : memref<2x640xf32, #tpu.memory_space<vmem_shared>>) target(%dma_start3A_71 : memref<2x640xf32, #tpu.memory_space<vmem>>) target_semaphore(%run_scoped3A_61 : memref<!tpu.dma_semaphore, #tpu.memory_space<semaphore_mem>>)
      %dma_wait3A = arith.constant 0 : i32
      %dma_wait3A_75 = arith.constant 0 : i32
      %dma_wait3A_76 = tpu.memref_slice %arg7[%run_scoped3A_23, %dma_wait3A, %dma_wait3A_75] : memref<16x2x640xf32, #tpu.memory_space<vmem>> -> memref<1x2x640xf32, #tpu.memory_space<vmem>>
      %dma_wait3A_77 = tpu.memref_squeeze %dma_wait3A_76 : memref<1x2x640xf32, #tpu.memory_space<vmem>> -> memref<2x640xf32, #tpu.memory_space<vmem>>
      %dma_wait3A_78 = arith.constant 0 : i32
      %dma_wait3A_79 = tpu.memref_slice %arg9[%run_scoped3A_22, %dma_wait3A_78, %mul3A_19] : memref<16x2x10240xf32, #tpu.memory_space<vmem_shared>> -> memref<1x2x640xf32, #tpu.memory_space<vmem_shared>>
      %dma_wait3A_80 = tpu.memref_squeeze %dma_wait3A_79 : memref<1x2x640xf32, #tpu.memory_space<vmem_shared>> -> memref<2x640xf32, #tpu.memory_space<vmem_shared>>
      %dma_wait3A_81 = arith.constant 0 : i32
      %dma_wait3A_82 = arith.constant 0 : i32
      %dma_wait3A_83 = tpu.memref_slice %arg7[%run_scoped3A_23, %dma_wait3A_81, %dma_wait3A_82] : memref<16x2x640xf32, #tpu.memory_space<vmem>> -> memref<1x2x640xf32, #tpu.memory_space<vmem>>
      %dma_wait3A_84 = tpu.memref_squeeze %dma_wait3A_83 : memref<1x2x640xf32, #tpu.memory_space<vmem>> -> memref<2x640xf32, #tpu.memory_space<vmem>>
      %dma_wait3A_85 = arith.constant 0 : i32
      %dma_wait3A_86 = tpu.memref_slice %arg9[%run_scoped3A_22, %dma_wait3A_85, %mul3A_19] : memref<16x2x10240xf32, #tpu.memory_space<vmem_shared>> -> memref<1x2x640xf32, #tpu.memory_space<vmem_shared>>
      %dma_wait3A_87 = tpu.memref_squeeze %dma_wait3A_86 : memref<1x2x640xf32, #tpu.memory_space<vmem_shared>> -> memref<2x640xf32, #tpu.memory_space<vmem_shared>>
      tpu.wait_dma2 semaphore(%run_scoped3A_61 : memref<!tpu.dma_semaphore, #tpu.memory_space<semaphore_mem>>) src(%dma_wait3A_87 : memref<2x640xf32, #tpu.memory_space<vmem_shared>>) dst(%dma_wait3A_84 : memref<2x640xf32, #tpu.memory_space<vmem>>)
      tpu.yield
    }) : () -> ()
    %run_scoped3A_24 = arith.constant 2 : i32
    %run_scoped3A_25 = arith.constant 2 : i32
    "tpu.region"() ({
      %run_scoped3A_61 = tpu.sem_alloc : memref<!tpu.dma_semaphore, #tpu.memory_space<semaphore_mem>>
      %dma_start3A = arith.constant 0 : i32
      %dma_start3A_62 = arith.constant 0 : i32
      %dma_start3A_63 = tpu.memref_slice %arg7[%run_scoped3A_25, %dma_start3A, %dma_start3A_62] : memref<16x2x640xf32, #tpu.memory_space<vmem>> -> memref<1x2x640xf32, #tpu.memory_space<vmem>>
      %dma_start3A_64 = tpu.memref_squeeze %dma_start3A_63 : memref<1x2x640xf32, #tpu.memory_space<vmem>> -> memref<2x640xf32, #tpu.memory_space<vmem>>
      %dma_start3A_65 = arith.constant 0 : i32
      %dma_start3A_66 = tpu.memref_slice %arg9[%run_scoped3A_24, %dma_start3A_65, %mul3A_19] : memref<16x2x10240xf32, #tpu.memory_space<vmem_shared>> -> memref<1x2x640xf32, #tpu.memory_space<vmem_shared>>
      %dma_start3A_67 = tpu.memref_squeeze %dma_start3A_66 : memref<1x2x640xf32, #tpu.memory_space<vmem_shared>> -> memref<2x640xf32, #tpu.memory_space<vmem_shared>>
      %dma_start3A_68 = arith.constant 0 : i32
      %dma_start3A_69 = arith.constant 0 : i32
      %dma_start3A_70 = tpu.memref_slice %arg7[%run_scoped3A_25, %dma_start3A_68, %dma_start3A_69] : memref<16x2x640xf32, #tpu.memory_space<vmem>> -> memref<1x2x640xf32, #tpu.memory_space<vmem>>
      %dma_start3A_71 = tpu.memref_squeeze %dma_start3A_70 : memref<1x2x640xf32, #tpu.memory_space<vmem>> -> memref<2x640xf32, #tpu.memory_space<vmem>>
      %dma_start3A_72 = arith.constant 0 : i32
      %dma_start3A_73 = tpu.memref_slice %arg9[%run_scoped3A_24, %dma_start3A_72, %mul3A_19] : memref<16x2x10240xf32, #tpu.memory_space<vmem_shared>> -> memref<1x2x640xf32, #tpu.memory_space<vmem_shared>>
      %dma_start3A_74 = tpu.memref_squeeze %dma_start3A_73 : memref<1x2x640xf32, #tpu.memory_space<vmem_shared>> -> memref<2x640xf32, #tpu.memory_space<vmem_shared>>
      tpu.enqueue_dma source(%dma_start3A_74 : memref<2x640xf32, #tpu.memory_space<vmem_shared>>) target(%dma_start3A_71 : memref<2x640xf32, #tpu.memory_space<vmem>>) target_semaphore(%run_scoped3A_61 : memref<!tpu.dma_semaphore, #tpu.memory_space<semaphore_mem>>)
      %dma_wait3A = arith.constant 0 : i32
      %dma_wait3A_75 = arith.constant 0 : i32
      %dma_wait3A_76 = tpu.memref_slice %arg7[%run_scoped3A_25, %dma_wait3A, %dma_wait3A_75] : memref<16x2x640xf32, #tpu.memory_space<vmem>> -> memref<1x2x640xf32, #tpu.memory_space<vmem>>
      %dma_wait3A_77 = tpu.memref_squeeze %dma_wait3A_76 : memref<1x2x640xf32, #tpu.memory_space<vmem>> -> memref<2x640xf32, #tpu.memory_space<vmem>>
      %dma_wait3A_78 = arith.constant 0 : i32
      %dma_wait3A_79 = tpu.memref_slice %arg9[%run_scoped3A_24, %dma_wait3A_78, %mul3A_19] : memref<16x2x10240xf32, #tpu.memory_space<vmem_shared>> -> memref<1x2x640xf32, #tpu.memory_space<vmem_shared>>
      %dma_wait3A_80 = tpu.memref_squeeze %dma_wait3A_79 : memref<1x2x640xf32, #tpu.memory_space<vmem_shared>> -> memref<2x640xf32, #tpu.memory_space<vmem_shared>>
      %dma_wait3A_81 = arith.constant 0 : i32
      %dma_wait3A_82 = arith.constant 0 : i32
      %dma_wait3A_83 = tpu.memref_slice %arg7[%run_scoped3A_25, %dma_wait3A_81, %dma_wait3A_82] : memref<16x2x640xf32, #tpu.memory_space<vmem>> -> memref<1x2x640xf32, #tpu.memory_space<vmem>>
      %dma_wait3A_84 = tpu.memref_squeeze %dma_wait3A_83 : memref<1x2x640xf32, #tpu.memory_space<vmem>> -> memref<2x640xf32, #tpu.memory_space<vmem>>
      %dma_wait3A_85 = arith.constant 0 : i32
      %dma_wait3A_86 = tpu.memref_slice %arg9[%run_scoped3A_24, %dma_wait3A_85, %mul3A_19] : memref<16x2x10240xf32, #tpu.memory_space<vmem_shared>> -> memref<1x2x640xf32, #tpu.memory_space<vmem_shared>>
      %dma_wait3A_87 = tpu.memref_squeeze %dma_wait3A_86 : memref<1x2x640xf32, #tpu.memory_space<vmem_shared>> -> memref<2x640xf32, #tpu.memory_space<vmem_shared>>
      tpu.wait_dma2 semaphore(%run_scoped3A_61 : memref<!tpu.dma_semaphore, #tpu.memory_space<semaphore_mem>>) src(%dma_wait3A_87 : memref<2x640xf32, #tpu.memory_space<vmem_shared>>) dst(%dma_wait3A_84 : memref<2x640xf32, #tpu.memory_space<vmem>>)
      tpu.yield
    }) : () -> ()
    %run_scoped3A_26 = arith.constant 3 : i32
    %run_scoped3A_27 = arith.constant 3 : i32
    "tpu.region"() ({
      %run_scoped3A_61 = tpu.sem_alloc : memref<!tpu.dma_semaphore, #tpu.memory_space<semaphore_mem>>
      %dma_start3A = arith.constant 0 : i32
      %dma_start3A_62 = arith.constant 0 : i32
      %dma_start3A_63 = tpu.memref_slice %arg7[%run_scoped3A_27, %dma_start3A, %dma_start3A_62] : memref<16x2x640xf32, #tpu.memory_space<vmem>> -> memref<1x2x640xf32, #tpu.memory_space<vmem>>
      %dma_start3A_64 = tpu.memref_squeeze %dma_start3A_63 : memref<1x2x640xf32, #tpu.memory_space<vmem>> -> memref<2x640xf32, #tpu.memory_space<vmem>>
      %dma_start3A_65 = arith.constant 0 : i32
      %dma_start3A_66 = tpu.memref_slice %arg9[%run_scoped3A_26, %dma_start3A_65, %mul3A_19] : memref<16x2x10240xf32, #tpu.memory_space<vmem_shared>> -> memref<1x2x640xf32, #tpu.memory_space<vmem_shared>>
      %dma_start3A_67 = tpu.memref_squeeze %dma_start3A_66 : memref<1x2x640xf32, #tpu.memory_space<vmem_shared>> -> memref<2x640xf32, #tpu.memory_space<vmem_shared>>
      %dma_start3A_68 = arith.constant 0 : i32
      %dma_start3A_69 = arith.constant 0 : i32
      %dma_start3A_70 = tpu.memref_slice %arg7[%run_scoped3A_27, %dma_start3A_68, %dma_start3A_69] : memref<16x2x640xf32, #tpu.memory_space<vmem>> -> memref<1x2x640xf32, #tpu.memory_space<vmem>>
      %dma_start3A_71 = tpu.memref_squeeze %dma_start3A_70 : memref<1x2x640xf32, #tpu.memory_space<vmem>> -> memref<2x640xf32, #tpu.memory_space<vmem>>
      %dma_start3A_72 = arith.constant 0 : i32
      %dma_start3A_73 = tpu.memref_slice %arg9[%run_scoped3A_26, %dma_start3A_72, %mul3A_19] : memref<16x2x10240xf32, #tpu.memory_space<vmem_shared>> -> memref<1x2x640xf32, #tpu.memory_space<vmem_shared>>
      %dma_start3A_74 = tpu.memref_squeeze %dma_start3A_73 : memref<1x2x640xf32, #tpu.memory_space<vmem_shared>> -> memref<2x640xf32, #tpu.memory_space<vmem_shared>>
      tpu.enqueue_dma source(%dma_start3A_74 : memref<2x640xf32, #tpu.memory_space<vmem_shared>>) target(%dma_start3A_71 : memref<2x640xf32, #tpu.memory_space<vmem>>) target_semaphore(%run_scoped3A_61 : memref<!tpu.dma_semaphore, #tpu.memory_space<semaphore_mem>>)
      %dma_wait3A = arith.constant 0 : i32
      %dma_wait3A_75 = arith.constant 0 : i32
      %dma_wait3A_76 = tpu.memref_slice %arg7[%run_scoped3A_27, %dma_wait3A, %dma_wait3A_75] : memref<16x2x640xf32, #tpu.memory_space<vmem>> -> memref<1x2x640xf32, #tpu.memory_space<vmem>>
      %dma_wait3A_77 = tpu.memref_squeeze %dma_wait3A_76 : memref<1x2x640xf32, #tpu.memory_space<vmem>> -> memref<2x640xf32, #tpu.memory_space<vmem>>
      %dma_wait3A_78 = arith.constant 0 : i32
      %dma_wait3A_79 = tpu.memref_slice %arg9[%run_scoped3A_26, %dma_wait3A_78, %mul3A_19] : memref<16x2x10240xf32, #tpu.memory_space<vmem_shared>> -> memref<1x2x640xf32, #tpu.memory_space<vmem_shared>>
      %dma_wait3A_80 = tpu.memref_squeeze %dma_wait3A_79 : memref<1x2x640xf32, #tpu.memory_space<vmem_shared>> -> memref<2x640xf32, #tpu.memory_space<vmem_shared>>
      %dma_wait3A_81 = arith.constant 0 : i32
      %dma_wait3A_82 = arith.constant 0 : i32
      %dma_wait3A_83 = tpu.memref_slice %arg7[%run_scoped3A_27, %dma_wait3A_81, %dma_wait3A_82] : memref<16x2x640xf32, #tpu.memory_space<vmem>> -> memref<1x2x640xf32, #tpu.memory_space<vmem>>
      %dma_wait3A_84 = tpu.memref_squeeze %dma_wait3A_83 : memref<1x2x640xf32, #tpu.memory_space<vmem>> -> memref<2x640xf32, #tpu.memory_space<vmem>>
      %dma_wait3A_85 = arith.constant 0 : i32
      %dma_wait3A_86 = tpu.memref_slice %arg9[%run_scoped3A_26, %dma_wait3A_85, %mul3A_19] : memref<16x2x10240xf32, #tpu.memory_space<vmem_shared>> -> memref<1x2x640xf32, #tpu.memory_space<vmem_shared>>
      %dma_wait3A_87 = tpu.memref_squeeze %dma_wait3A_86 : memref<1x2x640xf32, #tpu.memory_space<vmem_shared>> -> memref<2x640xf32, #tpu.memory_space<vmem_shared>>
      tpu.wait_dma2 semaphore(%run_scoped3A_61 : memref<!tpu.dma_semaphore, #tpu.memory_space<semaphore_mem>>) src(%dma_wait3A_87 : memref<2x640xf32, #tpu.memory_space<vmem_shared>>) dst(%dma_wait3A_84 : memref<2x640xf32, #tpu.memory_space<vmem>>)
      tpu.yield
    }) : () -> ()
    %run_scoped3A_28 = arith.constant 4 : i32
    %run_scoped3A_29 = arith.constant 4 : i32
    "tpu.region"() ({
      %run_scoped3A_61 = tpu.sem_alloc : memref<!tpu.dma_semaphore, #tpu.memory_space<semaphore_mem>>
      %dma_start3A = arith.constant 0 : i32
      %dma_start3A_62 = arith.constant 0 : i32
      %dma_start3A_63 = tpu.memref_slice %arg7[%run_scoped3A_29, %dma_start3A, %dma_start3A_62] : memref<16x2x640xf32, #tpu.memory_space<vmem>> -> memref<1x2x640xf32, #tpu.memory_space<vmem>>
      %dma_start3A_64 = tpu.memref_squeeze %dma_start3A_63 : memref<1x2x640xf32, #tpu.memory_space<vmem>> -> memref<2x640xf32, #tpu.memory_space<vmem>>
      %dma_start3A_65 = arith.constant 0 : i32
      %dma_start3A_66 = tpu.memref_slice %arg9[%run_scoped3A_28, %dma_start3A_65, %mul3A_19] : memref<16x2x10240xf32, #tpu.memory_space<vmem_shared>> -> memref<1x2x640xf32, #tpu.memory_space<vmem_shared>>
      %dma_start3A_67 = tpu.memref_squeeze %dma_start3A_66 : memref<1x2x640xf32, #tpu.memory_space<vmem_shared>> -> memref<2x640xf32, #tpu.memory_space<vmem_shared>>
      %dma_start3A_68 = arith.constant 0 : i32
      %dma_start3A_69 = arith.constant 0 : i32
      %dma_start3A_70 = tpu.memref_slice %arg7[%run_scoped3A_29, %dma_start3A_68, %dma_start3A_69] : memref<16x2x640xf32, #tpu.memory_space<vmem>> -> memref<1x2x640xf32, #tpu.memory_space<vmem>>
      %dma_start3A_71 = tpu.memref_squeeze %dma_start3A_70 : memref<1x2x640xf32, #tpu.memory_space<vmem>> -> memref<2x640xf32, #tpu.memory_space<vmem>>
      %dma_start3A_72 = arith.constant 0 : i32
      %dma_start3A_73 = tpu.memref_slice %arg9[%run_scoped3A_28, %dma_start3A_72, %mul3A_19] : memref<16x2x10240xf32, #tpu.memory_space<vmem_shared>> -> memref<1x2x640xf32, #tpu.memory_space<vmem_shared>>
      %dma_start3A_74 = tpu.memref_squeeze %dma_start3A_73 : memref<1x2x640xf32, #tpu.memory_space<vmem_shared>> -> memref<2x640xf32, #tpu.memory_space<vmem_shared>>
      tpu.enqueue_dma source(%dma_start3A_74 : memref<2x640xf32, #tpu.memory_space<vmem_shared>>) target(%dma_start3A_71 : memref<2x640xf32, #tpu.memory_space<vmem>>) target_semaphore(%run_scoped3A_61 : memref<!tpu.dma_semaphore, #tpu.memory_space<semaphore_mem>>)
      %dma_wait3A = arith.constant 0 : i32
      %dma_wait3A_75 = arith.constant 0 : i32
      %dma_wait3A_76 = tpu.memref_slice %arg7[%run_scoped3A_29, %dma_wait3A, %dma_wait3A_75] : memref<16x2x640xf32, #tpu.memory_space<vmem>> -> memref<1x2x640xf32, #tpu.memory_space<vmem>>
      %dma_wait3A_77 = tpu.memref_squeeze %dma_wait3A_76 : memref<1x2x640xf32, #tpu.memory_space<vmem>> -> memref<2x640xf32, #tpu.memory_space<vmem>>
      %dma_wait3A_78 = arith.constant 0 : i32
      %dma_wait3A_79 = tpu.memref_slice %arg9[%run_scoped3A_28, %dma_wait3A_78, %mul3A_19] : memref<16x2x10240xf32, #tpu.memory_space<vmem_shared>> -> memref<1x2x640xf32, #tpu.memory_space<vmem_shared>>
      %dma_wait3A_80 = tpu.memref_squeeze %dma_wait3A_79 : memref<1x2x640xf32, #tpu.memory_space<vmem_shared>> -> memref<2x640xf32, #tpu.memory_space<vmem_shared>>
      %dma_wait3A_81 = arith.constant 0 : i32
      %dma_wait3A_82 = arith.constant 0 : i32
      %dma_wait3A_83 = tpu.memref_slice %arg7[%run_scoped3A_29, %dma_wait3A_81, %dma_wait3A_82] : memref<16x2x640xf32, #tpu.memory_space<vmem>> -> memref<1x2x640xf32, #tpu.memory_space<vmem>>
      %dma_wait3A_84 = tpu.memref_squeeze %dma_wait3A_83 : memref<1x2x640xf32, #tpu.memory_space<vmem>> -> memref<2x640xf32, #tpu.memory_space<vmem>>
      %dma_wait3A_85 = arith.constant 0 : i32
      %dma_wait3A_86 = tpu.memref_slice %arg9[%run_scoped3A_28, %dma_wait3A_85, %mul3A_19] : memref<16x2x10240xf32, #tpu.memory_space<vmem_shared>> -> memref<1x2x640xf32, #tpu.memory_space<vmem_shared>>
      %dma_wait3A_87 = tpu.memref_squeeze %dma_wait3A_86 : memref<1x2x640xf32, #tpu.memory_space<vmem_shared>> -> memref<2x640xf32, #tpu.memory_space<vmem_shared>>
      tpu.wait_dma2 semaphore(%run_scoped3A_61 : memref<!tpu.dma_semaphore, #tpu.memory_space<semaphore_mem>>) src(%dma_wait3A_87 : memref<2x640xf32, #tpu.memory_space<vmem_shared>>) dst(%dma_wait3A_84 : memref<2x640xf32, #tpu.memory_space<vmem>>)
      tpu.yield
    }) : () -> ()
    %run_scoped3A_30 = arith.constant 5 : i32
    %run_scoped3A_31 = arith.constant 5 : i32
    "tpu.region"() ({
      %run_scoped3A_61 = tpu.sem_alloc : memref<!tpu.dma_semaphore, #tpu.memory_space<semaphore_mem>>
      %dma_start3A = arith.constant 0 : i32
      %dma_start3A_62 = arith.constant 0 : i32
      %dma_start3A_63 = tpu.memref_slice %arg7[%run_scoped3A_31, %dma_start3A, %dma_start3A_62] : memref<16x2x640xf32, #tpu.memory_space<vmem>> -> memref<1x2x640xf32, #tpu.memory_space<vmem>>
      %dma_start3A_64 = tpu.memref_squeeze %dma_start3A_63 : memref<1x2x640xf32, #tpu.memory_space<vmem>> -> memref<2x640xf32, #tpu.memory_space<vmem>>
      %dma_start3A_65 = arith.constant 0 : i32
      %dma_start3A_66 = tpu.memref_slice %arg9[%run_scoped3A_30, %dma_start3A_65, %mul3A_19] : memref<16x2x10240xf32, #tpu.memory_space<vmem_shared>> -> memref<1x2x640xf32, #tpu.memory_space<vmem_shared>>
      %dma_start3A_67 = tpu.memref_squeeze %dma_start3A_66 : memref<1x2x640xf32, #tpu.memory_space<vmem_shared>> -> memref<2x640xf32, #tpu.memory_space<vmem_shared>>
      %dma_start3A_68 = arith.constant 0 : i32
      %dma_start3A_69 = arith.constant 0 : i32
      %dma_start3A_70 = tpu.memref_slice %arg7[%run_scoped3A_31, %dma_start3A_68, %dma_start3A_69] : memref<16x2x640xf32, #tpu.memory_space<vmem>> -> memref<1x2x640xf32, #tpu.memory_space<vmem>>
      %dma_start3A_71 = tpu.memref_squeeze %dma_start3A_70 : memref<1x2x640xf32, #tpu.memory_space<vmem>> -> memref<2x640xf32, #tpu.memory_space<vmem>>
      %dma_start3A_72 = arith.constant 0 : i32
      %dma_start3A_73 = tpu.memref_slice %arg9[%run_scoped3A_30, %dma_start3A_72, %mul3A_19] : memref<16x2x10240xf32, #tpu.memory_space<vmem_shared>> -> memref<1x2x640xf32, #tpu.memory_space<vmem_shared>>
      %dma_start3A_74 = tpu.memref_squeeze %dma_start3A_73 : memref<1x2x640xf32, #tpu.memory_space<vmem_shared>> -> memref<2x640xf32, #tpu.memory_space<vmem_shared>>
      tpu.enqueue_dma source(%dma_start3A_74 : memref<2x640xf32, #tpu.memory_space<vmem_shared>>) target(%dma_start3A_71 : memref<2x640xf32, #tpu.memory_space<vmem>>) target_semaphore(%run_scoped3A_61 : memref<!tpu.dma_semaphore, #tpu.memory_space<semaphore_mem>>)
      %dma_wait3A = arith.constant 0 : i32
      %dma_wait3A_75 = arith.constant 0 : i32
      %dma_wait3A_76 = tpu.memref_slice %arg7[%run_scoped3A_31, %dma_wait3A, %dma_wait3A_75] : memref<16x2x640xf32, #tpu.memory_space<vmem>> -> memref<1x2x640xf32, #tpu.memory_space<vmem>>
      %dma_wait3A_77 = tpu.memref_squeeze %dma_wait3A_76 : memref<1x2x640xf32, #tpu.memory_space<vmem>> -> memref<2x640xf32, #tpu.memory_space<vmem>>
      %dma_wait3A_78 = arith.constant 0 : i32
      %dma_wait3A_79 = tpu.memref_slice %arg9[%run_scoped3A_30, %dma_wait3A_78, %mul3A_19] : memref<16x2x10240xf32, #tpu.memory_space<vmem_shared>> -> memref<1x2x640xf32, #tpu.memory_space<vmem_shared>>
      %dma_wait3A_80 = tpu.memref_squeeze %dma_wait3A_79 : memref<1x2x640xf32, #tpu.memory_space<vmem_shared>> -> memref<2x640xf32, #tpu.memory_space<vmem_shared>>
      %dma_wait3A_81 = arith.constant 0 : i32
      %dma_wait3A_82 = arith.constant 0 : i32
      %dma_wait3A_83 = tpu.memref_slice %arg7[%run_scoped3A_31, %dma_wait3A_81, %dma_wait3A_82] : memref<16x2x640xf32, #tpu.memory_space<vmem>> -> memref<1x2x640xf32, #tpu.memory_space<vmem>>
      %dma_wait3A_84 = tpu.memref_squeeze %dma_wait3A_83 : memref<1x2x640xf32, #tpu.memory_space<vmem>> -> memref<2x640xf32, #tpu.memory_space<vmem>>
      %dma_wait3A_85 = arith.constant 0 : i32
      %dma_wait3A_86 = tpu.memref_slice %arg9[%run_scoped3A_30, %dma_wait3A_85, %mul3A_19] : memref<16x2x10240xf32, #tpu.memory_space<vmem_shared>> -> memref<1x2x640xf32, #tpu.memory_space<vmem_shared>>
      %dma_wait3A_87 = tpu.memref_squeeze %dma_wait3A_86 : memref<1x2x640xf32, #tpu.memory_space<vmem_shared>> -> memref<2x640xf32, #tpu.memory_space<vmem_shared>>
      tpu.wait_dma2 semaphore(%run_scoped3A_61 : memref<!tpu.dma_semaphore, #tpu.memory_space<semaphore_mem>>) src(%dma_wait3A_87 : memref<2x640xf32, #tpu.memory_space<vmem_shared>>) dst(%dma_wait3A_84 : memref<2x640xf32, #tpu.memory_space<vmem>>)
      tpu.yield
    }) : () -> ()
    %run_scoped3A_32 = arith.constant 6 : i32
    %run_scoped3A_33 = arith.constant 6 : i32
    "tpu.region"() ({
      %run_scoped3A_61 = tpu.sem_alloc : memref<!tpu.dma_semaphore, #tpu.memory_space<semaphore_mem>>
      %dma_start3A = arith.constant 0 : i32
      %dma_start3A_62 = arith.constant 0 : i32
      %dma_start3A_63 = tpu.memref_slice %arg7[%run_scoped3A_33, %dma_start3A, %dma_start3A_62] : memref<16x2x640xf32, #tpu.memory_space<vmem>> -> memref<1x2x640xf32, #tpu.memory_space<vmem>>
      %dma_start3A_64 = tpu.memref_squeeze %dma_start3A_63 : memref<1x2x640xf32, #tpu.memory_space<vmem>> -> memref<2x640xf32, #tpu.memory_space<vmem>>
      %dma_start3A_65 = arith.constant 0 : i32
      %dma_start3A_66 = tpu.memref_slice %arg9[%run_scoped3A_32, %dma_start3A_65, %mul3A_19] : memref<16x2x10240xf32, #tpu.memory_space<vmem_shared>> -> memref<1x2x640xf32, #tpu.memory_space<vmem_shared>>
      %dma_start3A_67 = tpu.memref_squeeze %dma_start3A_66 : memref<1x2x640xf32, #tpu.memory_space<vmem_shared>> -> memref<2x640xf32, #tpu.memory_space<vmem_shared>>
      %dma_start3A_68 = arith.constant 0 : i32
      %dma_start3A_69 = arith.constant 0 : i32
      %dma_start3A_70 = tpu.memref_slice %arg7[%run_scoped3A_33, %dma_start3A_68, %dma_start3A_69] : memref<16x2x640xf32, #tpu.memory_space<vmem>> -> memref<1x2x640xf32, #tpu.memory_space<vmem>>
      %dma_start3A_71 = tpu.memref_squeeze %dma_start3A_70 : memref<1x2x640xf32, #tpu.memory_space<vmem>> -> memref<2x640xf32, #tpu.memory_space<vmem>>
      %dma_start3A_72 = arith.constant 0 : i32
      %dma_start3A_73 = tpu.memref_slice %arg9[%run_scoped3A_32, %dma_start3A_72, %mul3A_19] : memref<16x2x10240xf32, #tpu.memory_space<vmem_shared>> -> memref<1x2x640xf32, #tpu.memory_space<vmem_shared>>
      %dma_start3A_74 = tpu.memref_squeeze %dma_start3A_73 : memref<1x2x640xf32, #tpu.memory_space<vmem_shared>> -> memref<2x640xf32, #tpu.memory_space<vmem_shared>>
      tpu.enqueue_dma source(%dma_start3A_74 : memref<2x640xf32, #tpu.memory_space<vmem_shared>>) target(%dma_start3A_71 : memref<2x640xf32, #tpu.memory_space<vmem>>) target_semaphore(%run_scoped3A_61 : memref<!tpu.dma_semaphore, #tpu.memory_space<semaphore_mem>>)
      %dma_wait3A = arith.constant 0 : i32
      %dma_wait3A_75 = arith.constant 0 : i32
      %dma_wait3A_76 = tpu.memref_slice %arg7[%run_scoped3A_33, %dma_wait3A, %dma_wait3A_75] : memref<16x2x640xf32, #tpu.memory_space<vmem>> -> memref<1x2x640xf32, #tpu.memory_space<vmem>>
      %dma_wait3A_77 = tpu.memref_squeeze %dma_wait3A_76 : memref<1x2x640xf32, #tpu.memory_space<vmem>> -> memref<2x640xf32, #tpu.memory_space<vmem>>
      %dma_wait3A_78 = arith.constant 0 : i32
      %dma_wait3A_79 = tpu.memref_slice %arg9[%run_scoped3A_32, %dma_wait3A_78, %mul3A_19] : memref<16x2x10240xf32, #tpu.memory_space<vmem_shared>> -> memref<1x2x640xf32, #tpu.memory_space<vmem_shared>>
      %dma_wait3A_80 = tpu.memref_squeeze %dma_wait3A_79 : memref<1x2x640xf32, #tpu.memory_space<vmem_shared>> -> memref<2x640xf32, #tpu.memory_space<vmem_shared>>
      %dma_wait3A_81 = arith.constant 0 : i32
      %dma_wait3A_82 = arith.constant 0 : i32
      %dma_wait3A_83 = tpu.memref_slice %arg7[%run_scoped3A_33, %dma_wait3A_81, %dma_wait3A_82] : memref<16x2x640xf32, #tpu.memory_space<vmem>> -> memref<1x2x640xf32, #tpu.memory_space<vmem>>
      %dma_wait3A_84 = tpu.memref_squeeze %dma_wait3A_83 : memref<1x2x640xf32, #tpu.memory_space<vmem>> -> memref<2x640xf32, #tpu.memory_space<vmem>>
      %dma_wait3A_85 = arith.constant 0 : i32
      %dma_wait3A_86 = tpu.memref_slice %arg9[%run_scoped3A_32, %dma_wait3A_85, %mul3A_19] : memref<16x2x10240xf32, #tpu.memory_space<vmem_shared>> -> memref<1x2x640xf32, #tpu.memory_space<vmem_shared>>
      %dma_wait3A_87 = tpu.memref_squeeze %dma_wait3A_86 : memref<1x2x640xf32, #tpu.memory_space<vmem_shared>> -> memref<2x640xf32, #tpu.memory_space<vmem_shared>>
      tpu.wait_dma2 semaphore(%run_scoped3A_61 : memref<!tpu.dma_semaphore, #tpu.memory_space<semaphore_mem>>) src(%dma_wait3A_87 : memref<2x640xf32, #tpu.memory_space<vmem_shared>>) dst(%dma_wait3A_84 : memref<2x640xf32, #tpu.memory_space<vmem>>)
      tpu.yield
    }) : () -> ()
    %run_scoped3A_34 = arith.constant 7 : i32
    %run_scoped3A_35 = arith.constant 7 : i32
    "tpu.region"() ({
      %run_scoped3A_61 = tpu.sem_alloc : memref<!tpu.dma_semaphore, #tpu.memory_space<semaphore_mem>>
      %dma_start3A = arith.constant 0 : i32
      %dma_start3A_62 = arith.constant 0 : i32
      %dma_start3A_63 = tpu.memref_slice %arg7[%run_scoped3A_35, %dma_start3A, %dma_start3A_62] : memref<16x2x640xf32, #tpu.memory_space<vmem>> -> memref<1x2x640xf32, #tpu.memory_space<vmem>>
      %dma_start3A_64 = tpu.memref_squeeze %dma_start3A_63 : memref<1x2x640xf32, #tpu.memory_space<vmem>> -> memref<2x640xf32, #tpu.memory_space<vmem>>
      %dma_start3A_65 = arith.constant 0 : i32
      %dma_start3A_66 = tpu.memref_slice %arg9[%run_scoped3A_34, %dma_start3A_65, %mul3A_19] : memref<16x2x10240xf32, #tpu.memory_space<vmem_shared>> -> memref<1x2x640xf32, #tpu.memory_space<vmem_shared>>
      %dma_start3A_67 = tpu.memref_squeeze %dma_start3A_66 : memref<1x2x640xf32, #tpu.memory_space<vmem_shared>> -> memref<2x640xf32, #tpu.memory_space<vmem_shared>>
      %dma_start3A_68 = arith.constant 0 : i32
      %dma_start3A_69 = arith.constant 0 : i32
      %dma_start3A_70 = tpu.memref_slice %arg7[%run_scoped3A_35, %dma_start3A_68, %dma_start3A_69] : memref<16x2x640xf32, #tpu.memory_space<vmem>> -> memref<1x2x640xf32, #tpu.memory_space<vmem>>
      %dma_start3A_71 = tpu.memref_squeeze %dma_start3A_70 : memref<1x2x640xf32, #tpu.memory_space<vmem>> -> memref<2x640xf32, #tpu.memory_space<vmem>>
      %dma_start3A_72 = arith.constant 0 : i32
      %dma_start3A_73 = tpu.memref_slice %arg9[%run_scoped3A_34, %dma_start3A_72, %mul3A_19] : memref<16x2x10240xf32, #tpu.memory_space<vmem_shared>> -> memref<1x2x640xf32, #tpu.memory_space<vmem_shared>>
      %dma_start3A_74 = tpu.memref_squeeze %dma_start3A_73 : memref<1x2x640xf32, #tpu.memory_space<vmem_shared>> -> memref<2x640xf32, #tpu.memory_space<vmem_shared>>
      tpu.enqueue_dma source(%dma_start3A_74 : memref<2x640xf32, #tpu.memory_space<vmem_shared>>) target(%dma_start3A_71 : memref<2x640xf32, #tpu.memory_space<vmem>>) target_semaphore(%run_scoped3A_61 : memref<!tpu.dma_semaphore, #tpu.memory_space<semaphore_mem>>)
      %dma_wait3A = arith.constant 0 : i32
      %dma_wait3A_75 = arith.constant 0 : i32
      %dma_wait3A_76 = tpu.memref_slice %arg7[%run_scoped3A_35, %dma_wait3A, %dma_wait3A_75] : memref<16x2x640xf32, #tpu.memory_space<vmem>> -> memref<1x2x640xf32, #tpu.memory_space<vmem>>
      %dma_wait3A_77 = tpu.memref_squeeze %dma_wait3A_76 : memref<1x2x640xf32, #tpu.memory_space<vmem>> -> memref<2x640xf32, #tpu.memory_space<vmem>>
      %dma_wait3A_78 = arith.constant 0 : i32
      %dma_wait3A_79 = tpu.memref_slice %arg9[%run_scoped3A_34, %dma_wait3A_78, %mul3A_19] : memref<16x2x10240xf32, #tpu.memory_space<vmem_shared>> -> memref<1x2x640xf32, #tpu.memory_space<vmem_shared>>
      %dma_wait3A_80 = tpu.memref_squeeze %dma_wait3A_79 : memref<1x2x640xf32, #tpu.memory_space<vmem_shared>> -> memref<2x640xf32, #tpu.memory_space<vmem_shared>>
      %dma_wait3A_81 = arith.constant 0 : i32
      %dma_wait3A_82 = arith.constant 0 : i32
      %dma_wait3A_83 = tpu.memref_slice %arg7[%run_scoped3A_35, %dma_wait3A_81, %dma_wait3A_82] : memref<16x2x640xf32, #tpu.memory_space<vmem>> -> memref<1x2x640xf32, #tpu.memory_space<vmem>>
      %dma_wait3A_84 = tpu.memref_squeeze %dma_wait3A_83 : memref<1x2x640xf32, #tpu.memory_space<vmem>> -> memref<2x640xf32, #tpu.memory_space<vmem>>
      %dma_wait3A_85 = arith.constant 0 : i32
      %dma_wait3A_86 = tpu.memref_slice %arg9[%run_scoped3A_34, %dma_wait3A_85, %mul3A_19] : memref<16x2x10240xf32, #tpu.memory_space<vmem_shared>> -> memref<1x2x640xf32, #tpu.memory_space<vmem_shared>>
      %dma_wait3A_87 = tpu.memref_squeeze %dma_wait3A_86 : memref<1x2x640xf32, #tpu.memory_space<vmem_shared>> -> memref<2x640xf32, #tpu.memory_space<vmem_shared>>
      tpu.wait_dma2 semaphore(%run_scoped3A_61 : memref<!tpu.dma_semaphore, #tpu.memory_space<semaphore_mem>>) src(%dma_wait3A_87 : memref<2x640xf32, #tpu.memory_space<vmem_shared>>) dst(%dma_wait3A_84 : memref<2x640xf32, #tpu.memory_space<vmem>>)
      tpu.yield
    }) : () -> ()
    %run_scoped3A_36 = arith.constant 8 : i32
    %run_scoped3A_37 = arith.constant 8 : i32
    "tpu.region"() ({
      %run_scoped3A_61 = tpu.sem_alloc : memref<!tpu.dma_semaphore, #tpu.memory_space<semaphore_mem>>
      %dma_start3A = arith.constant 0 : i32
      %dma_start3A_62 = arith.constant 0 : i32
      %dma_start3A_63 = tpu.memref_slice %arg7[%run_scoped3A_37, %dma_start3A, %dma_start3A_62] : memref<16x2x640xf32, #tpu.memory_space<vmem>> -> memref<1x2x640xf32, #tpu.memory_space<vmem>>
      %dma_start3A_64 = tpu.memref_squeeze %dma_start3A_63 : memref<1x2x640xf32, #tpu.memory_space<vmem>> -> memref<2x640xf32, #tpu.memory_space<vmem>>
      %dma_start3A_65 = arith.constant 0 : i32
      %dma_start3A_66 = tpu.memref_slice %arg9[%run_scoped3A_36, %dma_start3A_65, %mul3A_19] : memref<16x2x10240xf32, #tpu.memory_space<vmem_shared>> -> memref<1x2x640xf32, #tpu.memory_space<vmem_shared>>
      %dma_start3A_67 = tpu.memref_squeeze %dma_start3A_66 : memref<1x2x640xf32, #tpu.memory_space<vmem_shared>> -> memref<2x640xf32, #tpu.memory_space<vmem_shared>>
      %dma_start3A_68 = arith.constant 0 : i32
      %dma_start3A_69 = arith.constant 0 : i32
      %dma_start3A_70 = tpu.memref_slice %arg7[%run_scoped3A_37, %dma_start3A_68, %dma_start3A_69] : memref<16x2x640xf32, #tpu.memory_space<vmem>> -> memref<1x2x640xf32, #tpu.memory_space<vmem>>
      %dma_start3A_71 = tpu.memref_squeeze %dma_start3A_70 : memref<1x2x640xf32, #tpu.memory_space<vmem>> -> memref<2x640xf32, #tpu.memory_space<vmem>>
      %dma_start3A_72 = arith.constant 0 : i32
      %dma_start3A_73 = tpu.memref_slice %arg9[%run_scoped3A_36, %dma_start3A_72, %mul3A_19] : memref<16x2x10240xf32, #tpu.memory_space<vmem_shared>> -> memref<1x2x640xf32, #tpu.memory_space<vmem_shared>>
      %dma_start3A_74 = tpu.memref_squeeze %dma_start3A_73 : memref<1x2x640xf32, #tpu.memory_space<vmem_shared>> -> memref<2x640xf32, #tpu.memory_space<vmem_shared>>
      tpu.enqueue_dma source(%dma_start3A_74 : memref<2x640xf32, #tpu.memory_space<vmem_shared>>) target(%dma_start3A_71 : memref<2x640xf32, #tpu.memory_space<vmem>>) target_semaphore(%run_scoped3A_61 : memref<!tpu.dma_semaphore, #tpu.memory_space<semaphore_mem>>)
      %dma_wait3A = arith.constant 0 : i32
      %dma_wait3A_75 = arith.constant 0 : i32
      %dma_wait3A_76 = tpu.memref_slice %arg7[%run_scoped3A_37, %dma_wait3A, %dma_wait3A_75] : memref<16x2x640xf32, #tpu.memory_space<vmem>> -> memref<1x2x640xf32, #tpu.memory_space<vmem>>
      %dma_wait3A_77 = tpu.memref_squeeze %dma_wait3A_76 : memref<1x2x640xf32, #tpu.memory_space<vmem>> -> memref<2x640xf32, #tpu.memory_space<vmem>>
      %dma_wait3A_78 = arith.constant 0 : i32
      %dma_wait3A_79 = tpu.memref_slice %arg9[%run_scoped3A_36, %dma_wait3A_78, %mul3A_19] : memref<16x2x10240xf32, #tpu.memory_space<vmem_shared>> -> memref<1x2x640xf32, #tpu.memory_space<vmem_shared>>
      %dma_wait3A_80 = tpu.memref_squeeze %dma_wait3A_79 : memref<1x2x640xf32, #tpu.memory_space<vmem_shared>> -> memref<2x640xf32, #tpu.memory_space<vmem_shared>>
      %dma_wait3A_81 = arith.constant 0 : i32
      %dma_wait3A_82 = arith.constant 0 : i32
      %dma_wait3A_83 = tpu.memref_slice %arg7[%run_scoped3A_37, %dma_wait3A_81, %dma_wait3A_82] : memref<16x2x640xf32, #tpu.memory_space<vmem>> -> memref<1x2x640xf32, #tpu.memory_space<vmem>>
      %dma_wait3A_84 = tpu.memref_squeeze %dma_wait3A_83 : memref<1x2x640xf32, #tpu.memory_space<vmem>> -> memref<2x640xf32, #tpu.memory_space<vmem>>
      %dma_wait3A_85 = arith.constant 0 : i32
      %dma_wait3A_86 = tpu.memref_slice %arg9[%run_scoped3A_36, %dma_wait3A_85, %mul3A_19] : memref<16x2x10240xf32, #tpu.memory_space<vmem_shared>> -> memref<1x2x640xf32, #tpu.memory_space<vmem_shared>>
      %dma_wait3A_87 = tpu.memref_squeeze %dma_wait3A_86 : memref<1x2x640xf32, #tpu.memory_space<vmem_shared>> -> memref<2x640xf32, #tpu.memory_space<vmem_shared>>
      tpu.wait_dma2 semaphore(%run_scoped3A_61 : memref<!tpu.dma_semaphore, #tpu.memory_space<semaphore_mem>>) src(%dma_wait3A_87 : memref<2x640xf32, #tpu.memory_space<vmem_shared>>) dst(%dma_wait3A_84 : memref<2x640xf32, #tpu.memory_space<vmem>>)
      tpu.yield
    }) : () -> ()
    %run_scoped3A_38 = arith.constant 9 : i32
    %run_scoped3A_39 = arith.constant 9 : i32
    "tpu.region"() ({
      %run_scoped3A_61 = tpu.sem_alloc : memref<!tpu.dma_semaphore, #tpu.memory_space<semaphore_mem>>
      %dma_start3A = arith.constant 0 : i32
      %dma_start3A_62 = arith.constant 0 : i32
      %dma_start3A_63 = tpu.memref_slice %arg7[%run_scoped3A_39, %dma_start3A, %dma_start3A_62] : memref<16x2x640xf32, #tpu.memory_space<vmem>> -> memref<1x2x640xf32, #tpu.memory_space<vmem>>
      %dma_start3A_64 = tpu.memref_squeeze %dma_start3A_63 : memref<1x2x640xf32, #tpu.memory_space<vmem>> -> memref<2x640xf32, #tpu.memory_space<vmem>>
      %dma_start3A_65 = arith.constant 0 : i32
      %dma_start3A_66 = tpu.memref_slice %arg9[%run_scoped3A_38, %dma_start3A_65, %mul3A_19] : memref<16x2x10240xf32, #tpu.memory_space<vmem_shared>> -> memref<1x2x640xf32, #tpu.memory_space<vmem_shared>>
      %dma_start3A_67 = tpu.memref_squeeze %dma_start3A_66 : memref<1x2x640xf32, #tpu.memory_space<vmem_shared>> -> memref<2x640xf32, #tpu.memory_space<vmem_shared>>
      %dma_start3A_68 = arith.constant 0 : i32
      %dma_start3A_69 = arith.constant 0 : i32
      %dma_start3A_70 = tpu.memref_slice %arg7[%run_scoped3A_39, %dma_start3A_68, %dma_start3A_69] : memref<16x2x640xf32, #tpu.memory_space<vmem>> -> memref<1x2x640xf32, #tpu.memory_space<vmem>>
      %dma_start3A_71 = tpu.memref_squeeze %dma_start3A_70 : memref<1x2x640xf32, #tpu.memory_space<vmem>> -> memref<2x640xf32, #tpu.memory_space<vmem>>
      %dma_start3A_72 = arith.constant 0 : i32
      %dma_start3A_73 = tpu.memref_slice %arg9[%run_scoped3A_38, %dma_start3A_72, %mul3A_19] : memref<16x2x10240xf32, #tpu.memory_space<vmem_shared>> -> memref<1x2x640xf32, #tpu.memory_space<vmem_shared>>
      %dma_start3A_74 = tpu.memref_squeeze %dma_start3A_73 : memref<1x2x640xf32, #tpu.memory_space<vmem_shared>> -> memref<2x640xf32, #tpu.memory_space<vmem_shared>>
      tpu.enqueue_dma source(%dma_start3A_74 : memref<2x640xf32, #tpu.memory_space<vmem_shared>>) target(%dma_start3A_71 : memref<2x640xf32, #tpu.memory_space<vmem>>) target_semaphore(%run_scoped3A_61 : memref<!tpu.dma_semaphore, #tpu.memory_space<semaphore_mem>>)
      %dma_wait3A = arith.constant 0 : i32
      %dma_wait3A_75 = arith.constant 0 : i32
      %dma_wait3A_76 = tpu.memref_slice %arg7[%run_scoped3A_39, %dma_wait3A, %dma_wait3A_75] : memref<16x2x640xf32, #tpu.memory_space<vmem>> -> memref<1x2x640xf32, #tpu.memory_space<vmem>>
      %dma_wait3A_77 = tpu.memref_squeeze %dma_wait3A_76 : memref<1x2x640xf32, #tpu.memory_space<vmem>> -> memref<2x640xf32, #tpu.memory_space<vmem>>
      %dma_wait3A_78 = arith.constant 0 : i32
      %dma_wait3A_79 = tpu.memref_slice %arg9[%run_scoped3A_38, %dma_wait3A_78, %mul3A_19] : memref<16x2x10240xf32, #tpu.memory_space<vmem_shared>> -> memref<1x2x640xf32, #tpu.memory_space<vmem_shared>>
      %dma_wait3A_80 = tpu.memref_squeeze %dma_wait3A_79 : memref<1x2x640xf32, #tpu.memory_space<vmem_shared>> -> memref<2x640xf32, #tpu.memory_space<vmem_shared>>
      %dma_wait3A_81 = arith.constant 0 : i32
      %dma_wait3A_82 = arith.constant 0 : i32
      %dma_wait3A_83 = tpu.memref_slice %arg7[%run_scoped3A_39, %dma_wait3A_81, %dma_wait3A_82] : memref<16x2x640xf32, #tpu.memory_space<vmem>> -> memref<1x2x640xf32, #tpu.memory_space<vmem>>
      %dma_wait3A_84 = tpu.memref_squeeze %dma_wait3A_83 : memref<1x2x640xf32, #tpu.memory_space<vmem>> -> memref<2x640xf32, #tpu.memory_space<vmem>>
      %dma_wait3A_85 = arith.constant 0 : i32
      %dma_wait3A_86 = tpu.memref_slice %arg9[%run_scoped3A_38, %dma_wait3A_85, %mul3A_19] : memref<16x2x10240xf32, #tpu.memory_space<vmem_shared>> -> memref<1x2x640xf32, #tpu.memory_space<vmem_shared>>
      %dma_wait3A_87 = tpu.memref_squeeze %dma_wait3A_86 : memref<1x2x640xf32, #tpu.memory_space<vmem_shared>> -> memref<2x640xf32, #tpu.memory_space<vmem_shared>>
      tpu.wait_dma2 semaphore(%run_scoped3A_61 : memref<!tpu.dma_semaphore, #tpu.memory_space<semaphore_mem>>) src(%dma_wait3A_87 : memref<2x640xf32, #tpu.memory_space<vmem_shared>>) dst(%dma_wait3A_84 : memref<2x640xf32, #tpu.memory_space<vmem>>)
      tpu.yield
    }) : () -> ()
    %run_scoped3A_40 = arith.constant 10 : i32
    %run_scoped3A_41 = arith.constant 10 : i32
    "tpu.region"() ({
      %run_scoped3A_61 = tpu.sem_alloc : memref<!tpu.dma_semaphore, #tpu.memory_space<semaphore_mem>>
      %dma_start3A = arith.constant 0 : i32
      %dma_start3A_62 = arith.constant 0 : i32
      %dma_start3A_63 = tpu.memref_slice %arg7[%run_scoped3A_41, %dma_start3A, %dma_start3A_62] : memref<16x2x640xf32, #tpu.memory_space<vmem>> -> memref<1x2x640xf32, #tpu.memory_space<vmem>>
      %dma_start3A_64 = tpu.memref_squeeze %dma_start3A_63 : memref<1x2x640xf32, #tpu.memory_space<vmem>> -> memref<2x640xf32, #tpu.memory_space<vmem>>
      %dma_start3A_65 = arith.constant 0 : i32
      %dma_start3A_66 = tpu.memref_slice %arg9[%run_scoped3A_40, %dma_start3A_65, %mul3A_19] : memref<16x2x10240xf32, #tpu.memory_space<vmem_shared>> -> memref<1x2x640xf32, #tpu.memory_space<vmem_shared>>
      %dma_start3A_67 = tpu.memref_squeeze %dma_start3A_66 : memref<1x2x640xf32, #tpu.memory_space<vmem_shared>> -> memref<2x640xf32, #tpu.memory_space<vmem_shared>>
      %dma_start3A_68 = arith.constant 0 : i32
      %dma_start3A_69 = arith.constant 0 : i32
      %dma_start3A_70 = tpu.memref_slice %arg7[%run_scoped3A_41, %dma_start3A_68, %dma_start3A_69] : memref<16x2x640xf32, #tpu.memory_space<vmem>> -> memref<1x2x640xf32, #tpu.memory_space<vmem>>
      %dma_start3A_71 = tpu.memref_squeeze %dma_start3A_70 : memref<1x2x640xf32, #tpu.memory_space<vmem>> -> memref<2x640xf32, #tpu.memory_space<vmem>>
      %dma_start3A_72 = arith.constant 0 : i32
      %dma_start3A_73 = tpu.memref_slice %arg9[%run_scoped3A_40, %dma_start3A_72, %mul3A_19] : memref<16x2x10240xf32, #tpu.memory_space<vmem_shared>> -> memref<1x2x640xf32, #tpu.memory_space<vmem_shared>>
      %dma_start3A_74 = tpu.memref_squeeze %dma_start3A_73 : memref<1x2x640xf32, #tpu.memory_space<vmem_shared>> -> memref<2x640xf32, #tpu.memory_space<vmem_shared>>
      tpu.enqueue_dma source(%dma_start3A_74 : memref<2x640xf32, #tpu.memory_space<vmem_shared>>) target(%dma_start3A_71 : memref<2x640xf32, #tpu.memory_space<vmem>>) target_semaphore(%run_scoped3A_61 : memref<!tpu.dma_semaphore, #tpu.memory_space<semaphore_mem>>)
      %dma_wait3A = arith.constant 0 : i32
      %dma_wait3A_75 = arith.constant 0 : i32
      %dma_wait3A_76 = tpu.memref_slice %arg7[%run_scoped3A_41, %dma_wait3A, %dma_wait3A_75] : memref<16x2x640xf32, #tpu.memory_space<vmem>> -> memref<1x2x640xf32, #tpu.memory_space<vmem>>
      %dma_wait3A_77 = tpu.memref_squeeze %dma_wait3A_76 : memref<1x2x640xf32, #tpu.memory_space<vmem>> -> memref<2x640xf32, #tpu.memory_space<vmem>>
      %dma_wait3A_78 = arith.constant 0 : i32
      %dma_wait3A_79 = tpu.memref_slice %arg9[%run_scoped3A_40, %dma_wait3A_78, %mul3A_19] : memref<16x2x10240xf32, #tpu.memory_space<vmem_shared>> -> memref<1x2x640xf32, #tpu.memory_space<vmem_shared>>
      %dma_wait3A_80 = tpu.memref_squeeze %dma_wait3A_79 : memref<1x2x640xf32, #tpu.memory_space<vmem_shared>> -> memref<2x640xf32, #tpu.memory_space<vmem_shared>>
      %dma_wait3A_81 = arith.constant 0 : i32
      %dma_wait3A_82 = arith.constant 0 : i32
      %dma_wait3A_83 = tpu.memref_slice %arg7[%run_scoped3A_41, %dma_wait3A_81, %dma_wait3A_82] : memref<16x2x640xf32, #tpu.memory_space<vmem>> -> memref<1x2x640xf32, #tpu.memory_space<vmem>>
      %dma_wait3A_84 = tpu.memref_squeeze %dma_wait3A_83 : memref<1x2x640xf32, #tpu.memory_space<vmem>> -> memref<2x640xf32, #tpu.memory_space<vmem>>
      %dma_wait3A_85 = arith.constant 0 : i32
      %dma_wait3A_86 = tpu.memref_slice %arg9[%run_scoped3A_40, %dma_wait3A_85, %mul3A_19] : memref<16x2x10240xf32, #tpu.memory_space<vmem_shared>> -> memref<1x2x640xf32, #tpu.memory_space<vmem_shared>>
      %dma_wait3A_87 = tpu.memref_squeeze %dma_wait3A_86 : memref<1x2x640xf32, #tpu.memory_space<vmem_shared>> -> memref<2x640xf32, #tpu.memory_space<vmem_shared>>
      tpu.wait_dma2 semaphore(%run_scoped3A_61 : memref<!tpu.dma_semaphore, #tpu.memory_space<semaphore_mem>>) src(%dma_wait3A_87 : memref<2x640xf32, #tpu.memory_space<vmem_shared>>) dst(%dma_wait3A_84 : memref<2x640xf32, #tpu.memory_space<vmem>>)
      tpu.yield
    }) : () -> ()
    %run_scoped3A_42 = arith.constant 11 : i32
    %run_scoped3A_43 = arith.constant 11 : i32
    "tpu.region"() ({
      %run_scoped3A_61 = tpu.sem_alloc : memref<!tpu.dma_semaphore, #tpu.memory_space<semaphore_mem>>
      %dma_start3A = arith.constant 0 : i32
      %dma_start3A_62 = arith.constant 0 : i32
      %dma_start3A_63 = tpu.memref_slice %arg7[%run_scoped3A_43, %dma_start3A, %dma_start3A_62] : memref<16x2x640xf32, #tpu.memory_space<vmem>> -> memref<1x2x640xf32, #tpu.memory_space<vmem>>
      %dma_start3A_64 = tpu.memref_squeeze %dma_start3A_63 : memref<1x2x640xf32, #tpu.memory_space<vmem>> -> memref<2x640xf32, #tpu.memory_space<vmem>>
      %dma_start3A_65 = arith.constant 0 : i32
      %dma_start3A_66 = tpu.memref_slice %arg9[%run_scoped3A_42, %dma_start3A_65, %mul3A_19] : memref<16x2x10240xf32, #tpu.memory_space<vmem_shared>> -> memref<1x2x640xf32, #tpu.memory_space<vmem_shared>>
      %dma_start3A_67 = tpu.memref_squeeze %dma_start3A_66 : memref<1x2x640xf32, #tpu.memory_space<vmem_shared>> -> memref<2x640xf32, #tpu.memory_space<vmem_shared>>
      %dma_start3A_68 = arith.constant 0 : i32
      %dma_start3A_69 = arith.constant 0 : i32
      %dma_start3A_70 = tpu.memref_slice %arg7[%run_scoped3A_43, %dma_start3A_68, %dma_start3A_69] : memref<16x2x640xf32, #tpu.memory_space<vmem>> -> memref<1x2x640xf32, #tpu.memory_space<vmem>>
      %dma_start3A_71 = tpu.memref_squeeze %dma_start3A_70 : memref<1x2x640xf32, #tpu.memory_space<vmem>> -> memref<2x640xf32, #tpu.memory_space<vmem>>
      %dma_start3A_72 = arith.constant 0 : i32
      %dma_start3A_73 = tpu.memref_slice %arg9[%run_scoped3A_42, %dma_start3A_72, %mul3A_19] : memref<16x2x10240xf32, #tpu.memory_space<vmem_shared>> -> memref<1x2x640xf32, #tpu.memory_space<vmem_shared>>
      %dma_start3A_74 = tpu.memref_squeeze %dma_start3A_73 : memref<1x2x640xf32, #tpu.memory_space<vmem_shared>> -> memref<2x640xf32, #tpu.memory_space<vmem_shared>>
      tpu.enqueue_dma source(%dma_start3A_74 : memref<2x640xf32, #tpu.memory_space<vmem_shared>>) target(%dma_start3A_71 : memref<2x640xf32, #tpu.memory_space<vmem>>) target_semaphore(%run_scoped3A_61 : memref<!tpu.dma_semaphore, #tpu.memory_space<semaphore_mem>>)
      %dma_wait3A = arith.constant 0 : i32
      %dma_wait3A_75 = arith.constant 0 : i32
      %dma_wait3A_76 = tpu.memref_slice %arg7[%run_scoped3A_43, %dma_wait3A, %dma_wait3A_75] : memref<16x2x640xf32, #tpu.memory_space<vmem>> -> memref<1x2x640xf32, #tpu.memory_space<vmem>>
      %dma_wait3A_77 = tpu.memref_squeeze %dma_wait3A_76 : memref<1x2x640xf32, #tpu.memory_space<vmem>> -> memref<2x640xf32, #tpu.memory_space<vmem>>
      %dma_wait3A_78 = arith.constant 0 : i32
      %dma_wait3A_79 = tpu.memref_slice %arg9[%run_scoped3A_42, %dma_wait3A_78, %mul3A_19] : memref<16x2x10240xf32, #tpu.memory_space<vmem_shared>> -> memref<1x2x640xf32, #tpu.memory_space<vmem_shared>>
      %dma_wait3A_80 = tpu.memref_squeeze %dma_wait3A_79 : memref<1x2x640xf32, #tpu.memory_space<vmem_shared>> -> memref<2x640xf32, #tpu.memory_space<vmem_shared>>
      %dma_wait3A_81 = arith.constant 0 : i32
      %dma_wait3A_82 = arith.constant 0 : i32
      %dma_wait3A_83 = tpu.memref_slice %arg7[%run_scoped3A_43, %dma_wait3A_81, %dma_wait3A_82] : memref<16x2x640xf32, #tpu.memory_space<vmem>> -> memref<1x2x640xf32, #tpu.memory_space<vmem>>
      %dma_wait3A_84 = tpu.memref_squeeze %dma_wait3A_83 : memref<1x2x640xf32, #tpu.memory_space<vmem>> -> memref<2x640xf32, #tpu.memory_space<vmem>>
      %dma_wait3A_85 = arith.constant 0 : i32
      %dma_wait3A_86 = tpu.memref_slice %arg9[%run_scoped3A_42, %dma_wait3A_85, %mul3A_19] : memref<16x2x10240xf32, #tpu.memory_space<vmem_shared>> -> memref<1x2x640xf32, #tpu.memory_space<vmem_shared>>
      %dma_wait3A_87 = tpu.memref_squeeze %dma_wait3A_86 : memref<1x2x640xf32, #tpu.memory_space<vmem_shared>> -> memref<2x640xf32, #tpu.memory_space<vmem_shared>>
      tpu.wait_dma2 semaphore(%run_scoped3A_61 : memref<!tpu.dma_semaphore, #tpu.memory_space<semaphore_mem>>) src(%dma_wait3A_87 : memref<2x640xf32, #tpu.memory_space<vmem_shared>>) dst(%dma_wait3A_84 : memref<2x640xf32, #tpu.memory_space<vmem>>)
      tpu.yield
    }) : () -> ()
    %run_scoped3A_44 = arith.constant 12 : i32
    %run_scoped3A_45 = arith.constant 12 : i32
    "tpu.region"() ({
      %run_scoped3A_61 = tpu.sem_alloc : memref<!tpu.dma_semaphore, #tpu.memory_space<semaphore_mem>>
      %dma_start3A = arith.constant 0 : i32
      %dma_start3A_62 = arith.constant 0 : i32
      %dma_start3A_63 = tpu.memref_slice %arg7[%run_scoped3A_45, %dma_start3A, %dma_start3A_62] : memref<16x2x640xf32, #tpu.memory_space<vmem>> -> memref<1x2x640xf32, #tpu.memory_space<vmem>>
      %dma_start3A_64 = tpu.memref_squeeze %dma_start3A_63 : memref<1x2x640xf32, #tpu.memory_space<vmem>> -> memref<2x640xf32, #tpu.memory_space<vmem>>
      %dma_start3A_65 = arith.constant 0 : i32
      %dma_start3A_66 = tpu.memref_slice %arg9[%run_scoped3A_44, %dma_start3A_65, %mul3A_19] : memref<16x2x10240xf32, #tpu.memory_space<vmem_shared>> -> memref<1x2x640xf32, #tpu.memory_space<vmem_shared>>
      %dma_start3A_67 = tpu.memref_squeeze %dma_start3A_66 : memref<1x2x640xf32, #tpu.memory_space<vmem_shared>> -> memref<2x640xf32, #tpu.memory_space<vmem_shared>>
      %dma_start3A_68 = arith.constant 0 : i32
      %dma_start3A_69 = arith.constant 0 : i32
      %dma_start3A_70 = tpu.memref_slice %arg7[%run_scoped3A_45, %dma_start3A_68, %dma_start3A_69] : memref<16x2x640xf32, #tpu.memory_space<vmem>> -> memref<1x2x640xf32, #tpu.memory_space<vmem>>
      %dma_start3A_71 = tpu.memref_squeeze %dma_start3A_70 : memref<1x2x640xf32, #tpu.memory_space<vmem>> -> memref<2x640xf32, #tpu.memory_space<vmem>>
      %dma_start3A_72 = arith.constant 0 : i32
      %dma_start3A_73 = tpu.memref_slice %arg9[%run_scoped3A_44, %dma_start3A_72, %mul3A_19] : memref<16x2x10240xf32, #tpu.memory_space<vmem_shared>> -> memref<1x2x640xf32, #tpu.memory_space<vmem_shared>>
      %dma_start3A_74 = tpu.memref_squeeze %dma_start3A_73 : memref<1x2x640xf32, #tpu.memory_space<vmem_shared>> -> memref<2x640xf32, #tpu.memory_space<vmem_shared>>
      tpu.enqueue_dma source(%dma_start3A_74 : memref<2x640xf32, #tpu.memory_space<vmem_shared>>) target(%dma_start3A_71 : memref<2x640xf32, #tpu.memory_space<vmem>>) target_semaphore(%run_scoped3A_61 : memref<!tpu.dma_semaphore, #tpu.memory_space<semaphore_mem>>)
      %dma_wait3A = arith.constant 0 : i32
      %dma_wait3A_75 = arith.constant 0 : i32
      %dma_wait3A_76 = tpu.memref_slice %arg7[%run_scoped3A_45, %dma_wait3A, %dma_wait3A_75] : memref<16x2x640xf32, #tpu.memory_space<vmem>> -> memref<1x2x640xf32, #tpu.memory_space<vmem>>
      %dma_wait3A_77 = tpu.memref_squeeze %dma_wait3A_76 : memref<1x2x640xf32, #tpu.memory_space<vmem>> -> memref<2x640xf32, #tpu.memory_space<vmem>>
      %dma_wait3A_78 = arith.constant 0 : i32
      %dma_wait3A_79 = tpu.memref_slice %arg9[%run_scoped3A_44, %dma_wait3A_78, %mul3A_19] : memref<16x2x10240xf32, #tpu.memory_space<vmem_shared>> -> memref<1x2x640xf32, #tpu.memory_space<vmem_shared>>
      %dma_wait3A_80 = tpu.memref_squeeze %dma_wait3A_79 : memref<1x2x640xf32, #tpu.memory_space<vmem_shared>> -> memref<2x640xf32, #tpu.memory_space<vmem_shared>>
      %dma_wait3A_81 = arith.constant 0 : i32
      %dma_wait3A_82 = arith.constant 0 : i32
      %dma_wait3A_83 = tpu.memref_slice %arg7[%run_scoped3A_45, %dma_wait3A_81, %dma_wait3A_82] : memref<16x2x640xf32, #tpu.memory_space<vmem>> -> memref<1x2x640xf32, #tpu.memory_space<vmem>>
      %dma_wait3A_84 = tpu.memref_squeeze %dma_wait3A_83 : memref<1x2x640xf32, #tpu.memory_space<vmem>> -> memref<2x640xf32, #tpu.memory_space<vmem>>
      %dma_wait3A_85 = arith.constant 0 : i32
      %dma_wait3A_86 = tpu.memref_slice %arg9[%run_scoped3A_44, %dma_wait3A_85, %mul3A_19] : memref<16x2x10240xf32, #tpu.memory_space<vmem_shared>> -> memref<1x2x640xf32, #tpu.memory_space<vmem_shared>>
      %dma_wait3A_87 = tpu.memref_squeeze %dma_wait3A_86 : memref<1x2x640xf32, #tpu.memory_space<vmem_shared>> -> memref<2x640xf32, #tpu.memory_space<vmem_shared>>
      tpu.wait_dma2 semaphore(%run_scoped3A_61 : memref<!tpu.dma_semaphore, #tpu.memory_space<semaphore_mem>>) src(%dma_wait3A_87 : memref<2x640xf32, #tpu.memory_space<vmem_shared>>) dst(%dma_wait3A_84 : memref<2x640xf32, #tpu.memory_space<vmem>>)
      tpu.yield
    }) : () -> ()
    %run_scoped3A_46 = arith.constant 13 : i32
    %run_scoped3A_47 = arith.constant 13 : i32
    "tpu.region"() ({
      %run_scoped3A_61 = tpu.sem_alloc : memref<!tpu.dma_semaphore, #tpu.memory_space<semaphore_mem>>
      %dma_start3A = arith.constant 0 : i32
      %dma_start3A_62 = arith.constant 0 : i32
      %dma_start3A_63 = tpu.memref_slice %arg7[%run_scoped3A_47, %dma_start3A, %dma_start3A_62] : memref<16x2x640xf32, #tpu.memory_space<vmem>> -> memref<1x2x640xf32, #tpu.memory_space<vmem>>
      %dma_start3A_64 = tpu.memref_squeeze %dma_start3A_63 : memref<1x2x640xf32, #tpu.memory_space<vmem>> -> memref<2x640xf32, #tpu.memory_space<vmem>>
      %dma_start3A_65 = arith.constant 0 : i32
      %dma_start3A_66 = tpu.memref_slice %arg9[%run_scoped3A_46, %dma_start3A_65, %mul3A_19] : memref<16x2x10240xf32, #tpu.memory_space<vmem_shared>> -> memref<1x2x640xf32, #tpu.memory_space<vmem_shared>>
      %dma_start3A_67 = tpu.memref_squeeze %dma_start3A_66 : memref<1x2x640xf32, #tpu.memory_space<vmem_shared>> -> memref<2x640xf32, #tpu.memory_space<vmem_shared>>
      %dma_start3A_68 = arith.constant 0 : i32
      %dma_start3A_69 = arith.constant 0 : i32
      %dma_start3A_70 = tpu.memref_slice %arg7[%run_scoped3A_47, %dma_start3A_68, %dma_start3A_69] : memref<16x2x640xf32, #tpu.memory_space<vmem>> -> memref<1x2x640xf32, #tpu.memory_space<vmem>>
      %dma_start3A_71 = tpu.memref_squeeze %dma_start3A_70 : memref<1x2x640xf32, #tpu.memory_space<vmem>> -> memref<2x640xf32, #tpu.memory_space<vmem>>
      %dma_start3A_72 = arith.constant 0 : i32
      %dma_start3A_73 = tpu.memref_slice %arg9[%run_scoped3A_46, %dma_start3A_72, %mul3A_19] : memref<16x2x10240xf32, #tpu.memory_space<vmem_shared>> -> memref<1x2x640xf32, #tpu.memory_space<vmem_shared>>
      %dma_start3A_74 = tpu.memref_squeeze %dma_start3A_73 : memref<1x2x640xf32, #tpu.memory_space<vmem_shared>> -> memref<2x640xf32, #tpu.memory_space<vmem_shared>>
      tpu.enqueue_dma source(%dma_start3A_74 : memref<2x640xf32, #tpu.memory_space<vmem_shared>>) target(%dma_start3A_71 : memref<2x640xf32, #tpu.memory_space<vmem>>) target_semaphore(%run_scoped3A_61 : memref<!tpu.dma_semaphore, #tpu.memory_space<semaphore_mem>>)
      %dma_wait3A = arith.constant 0 : i32
      %dma_wait3A_75 = arith.constant 0 : i32
      %dma_wait3A_76 = tpu.memref_slice %arg7[%run_scoped3A_47, %dma_wait3A, %dma_wait3A_75] : memref<16x2x640xf32, #tpu.memory_space<vmem>> -> memref<1x2x640xf32, #tpu.memory_space<vmem>>
      %dma_wait3A_77 = tpu.memref_squeeze %dma_wait3A_76 : memref<1x2x640xf32, #tpu.memory_space<vmem>> -> memref<2x640xf32, #tpu.memory_space<vmem>>
      %dma_wait3A_78 = arith.constant 0 : i32
      %dma_wait3A_79 = tpu.memref_slice %arg9[%run_scoped3A_46, %dma_wait3A_78, %mul3A_19] : memref<16x2x10240xf32, #tpu.memory_space<vmem_shared>> -> memref<1x2x640xf32, #tpu.memory_space<vmem_shared>>
      %dma_wait3A_80 = tpu.memref_squeeze %dma_wait3A_79 : memref<1x2x640xf32, #tpu.memory_space<vmem_shared>> -> memref<2x640xf32, #tpu.memory_space<vmem_shared>>
      %dma_wait3A_81 = arith.constant 0 : i32
      %dma_wait3A_82 = arith.constant 0 : i32
      %dma_wait3A_83 = tpu.memref_slice %arg7[%run_scoped3A_47, %dma_wait3A_81, %dma_wait3A_82] : memref<16x2x640xf32, #tpu.memory_space<vmem>> -> memref<1x2x640xf32, #tpu.memory_space<vmem>>
      %dma_wait3A_84 = tpu.memref_squeeze %dma_wait3A_83 : memref<1x2x640xf32, #tpu.memory_space<vmem>> -> memref<2x640xf32, #tpu.memory_space<vmem>>
      %dma_wait3A_85 = arith.constant 0 : i32
      %dma_wait3A_86 = tpu.memref_slice %arg9[%run_scoped3A_46, %dma_wait3A_85, %mul3A_19] : memref<16x2x10240xf32, #tpu.memory_space<vmem_shared>> -> memref<1x2x640xf32, #tpu.memory_space<vmem_shared>>
      %dma_wait3A_87 = tpu.memref_squeeze %dma_wait3A_86 : memref<1x2x640xf32, #tpu.memory_space<vmem_shared>> -> memref<2x640xf32, #tpu.memory_space<vmem_shared>>
      tpu.wait_dma2 semaphore(%run_scoped3A_61 : memref<!tpu.dma_semaphore, #tpu.memory_space<semaphore_mem>>) src(%dma_wait3A_87 : memref<2x640xf32, #tpu.memory_space<vmem_shared>>) dst(%dma_wait3A_84 : memref<2x640xf32, #tpu.memory_space<vmem>>)
      tpu.yield
    }) : () -> ()
    %run_scoped3A_48 = arith.constant 14 : i32
    %run_scoped3A_49 = arith.constant 14 : i32
    "tpu.region"() ({
      %run_scoped3A_61 = tpu.sem_alloc : memref<!tpu.dma_semaphore, #tpu.memory_space<semaphore_mem>>
      %dma_start3A = arith.constant 0 : i32
      %dma_start3A_62 = arith.constant 0 : i32
      %dma_start3A_63 = tpu.memref_slice %arg7[%run_scoped3A_49, %dma_start3A, %dma_start3A_62] : memref<16x2x640xf32, #tpu.memory_space<vmem>> -> memref<1x2x640xf32, #tpu.memory_space<vmem>>
      %dma_start3A_64 = tpu.memref_squeeze %dma_start3A_63 : memref<1x2x640xf32, #tpu.memory_space<vmem>> -> memref<2x640xf32, #tpu.memory_space<vmem>>
      %dma_start3A_65 = arith.constant 0 : i32
      %dma_start3A_66 = tpu.memref_slice %arg9[%run_scoped3A_48, %dma_start3A_65, %mul3A_19] : memref<16x2x10240xf32, #tpu.memory_space<vmem_shared>> -> memref<1x2x640xf32, #tpu.memory_space<vmem_shared>>
      %dma_start3A_67 = tpu.memref_squeeze %dma_start3A_66 : memref<1x2x640xf32, #tpu.memory_space<vmem_shared>> -> memref<2x640xf32, #tpu.memory_space<vmem_shared>>
      %dma_start3A_68 = arith.constant 0 : i32
      %dma_start3A_69 = arith.constant 0 : i32
      %dma_start3A_70 = tpu.memref_slice %arg7[%run_scoped3A_49, %dma_start3A_68, %dma_start3A_69] : memref<16x2x640xf32, #tpu.memory_space<vmem>> -> memref<1x2x640xf32, #tpu.memory_space<vmem>>
      %dma_start3A_71 = tpu.memref_squeeze %dma_start3A_70 : memref<1x2x640xf32, #tpu.memory_space<vmem>> -> memref<2x640xf32, #tpu.memory_space<vmem>>
      %dma_start3A_72 = arith.constant 0 : i32
      %dma_start3A_73 = tpu.memref_slice %arg9[%run_scoped3A_48, %dma_start3A_72, %mul3A_19] : memref<16x2x10240xf32, #tpu.memory_space<vmem_shared>> -> memref<1x2x640xf32, #tpu.memory_space<vmem_shared>>
      %dma_start3A_74 = tpu.memref_squeeze %dma_start3A_73 : memref<1x2x640xf32, #tpu.memory_space<vmem_shared>> -> memref<2x640xf32, #tpu.memory_space<vmem_shared>>
      tpu.enqueue_dma source(%dma_start3A_74 : memref<2x640xf32, #tpu.memory_space<vmem_shared>>) target(%dma_start3A_71 : memref<2x640xf32, #tpu.memory_space<vmem>>) target_semaphore(%run_scoped3A_61 : memref<!tpu.dma_semaphore, #tpu.memory_space<semaphore_mem>>)
      %dma_wait3A = arith.constant 0 : i32
      %dma_wait3A_75 = arith.constant 0 : i32
      %dma_wait3A_76 = tpu.memref_slice %arg7[%run_scoped3A_49, %dma_wait3A, %dma_wait3A_75] : memref<16x2x640xf32, #tpu.memory_space<vmem>> -> memref<1x2x640xf32, #tpu.memory_space<vmem>>
      %dma_wait3A_77 = tpu.memref_squeeze %dma_wait3A_76 : memref<1x2x640xf32, #tpu.memory_space<vmem>> -> memref<2x640xf32, #tpu.memory_space<vmem>>
      %dma_wait3A_78 = arith.constant 0 : i32
      %dma_wait3A_79 = tpu.memref_slice %arg9[%run_scoped3A_48, %dma_wait3A_78, %mul3A_19] : memref<16x2x10240xf32, #tpu.memory_space<vmem_shared>> -> memref<1x2x640xf32, #tpu.memory_space<vmem_shared>>
      %dma_wait3A_80 = tpu.memref_squeeze %dma_wait3A_79 : memref<1x2x640xf32, #tpu.memory_space<vmem_shared>> -> memref<2x640xf32, #tpu.memory_space<vmem_shared>>
      %dma_wait3A_81 = arith.constant 0 : i32
      %dma_wait3A_82 = arith.constant 0 : i32
      %dma_wait3A_83 = tpu.memref_slice %arg7[%run_scoped3A_49, %dma_wait3A_81, %dma_wait3A_82] : memref<16x2x640xf32, #tpu.memory_space<vmem>> -> memref<1x2x640xf32, #tpu.memory_space<vmem>>
      %dma_wait3A_84 = tpu.memref_squeeze %dma_wait3A_83 : memref<1x2x640xf32, #tpu.memory_space<vmem>> -> memref<2x640xf32, #tpu.memory_space<vmem>>
      %dma_wait3A_85 = arith.constant 0 : i32
      %dma_wait3A_86 = tpu.memref_slice %arg9[%run_scoped3A_48, %dma_wait3A_85, %mul3A_19] : memref<16x2x10240xf32, #tpu.memory_space<vmem_shared>> -> memref<1x2x640xf32, #tpu.memory_space<vmem_shared>>
      %dma_wait3A_87 = tpu.memref_squeeze %dma_wait3A_86 : memref<1x2x640xf32, #tpu.memory_space<vmem_shared>> -> memref<2x640xf32, #tpu.memory_space<vmem_shared>>
      tpu.wait_dma2 semaphore(%run_scoped3A_61 : memref<!tpu.dma_semaphore, #tpu.memory_space<semaphore_mem>>) src(%dma_wait3A_87 : memref<2x640xf32, #tpu.memory_space<vmem_shared>>) dst(%dma_wait3A_84 : memref<2x640xf32, #tpu.memory_space<vmem>>)
      tpu.yield
    }) : () -> ()
    %run_scoped3A_50 = arith.constant 15 : i32
    %run_scoped3A_51 = arith.constant 15 : i32
    "tpu.region"() ({
      %run_scoped3A_61 = tpu.sem_alloc : memref<!tpu.dma_semaphore, #tpu.memory_space<semaphore_mem>>
      %dma_start3A = arith.constant 0 : i32
      %dma_start3A_62 = arith.constant 0 : i32
      %dma_start3A_63 = tpu.memref_slice %arg7[%run_scoped3A_51, %dma_start3A, %dma_start3A_62] : memref<16x2x640xf32, #tpu.memory_space<vmem>> -> memref<1x2x640xf32, #tpu.memory_space<vmem>>
      %dma_start3A_64 = tpu.memref_squeeze %dma_start3A_63 : memref<1x2x640xf32, #tpu.memory_space<vmem>> -> memref<2x640xf32, #tpu.memory_space<vmem>>
      %dma_start3A_65 = arith.constant 0 : i32
      %dma_start3A_66 = tpu.memref_slice %arg9[%run_scoped3A_50, %dma_start3A_65, %mul3A_19] : memref<16x2x10240xf32, #tpu.memory_space<vmem_shared>> -> memref<1x2x640xf32, #tpu.memory_space<vmem_shared>>
      %dma_start3A_67 = tpu.memref_squeeze %dma_start3A_66 : memref<1x2x640xf32, #tpu.memory_space<vmem_shared>> -> memref<2x640xf32, #tpu.memory_space<vmem_shared>>
      %dma_start3A_68 = arith.constant 0 : i32
      %dma_start3A_69 = arith.constant 0 : i32
      %dma_start3A_70 = tpu.memref_slice %arg7[%run_scoped3A_51, %dma_start3A_68, %dma_start3A_69] : memref<16x2x640xf32, #tpu.memory_space<vmem>> -> memref<1x2x640xf32, #tpu.memory_space<vmem>>
      %dma_start3A_71 = tpu.memref_squeeze %dma_start3A_70 : memref<1x2x640xf32, #tpu.memory_space<vmem>> -> memref<2x640xf32, #tpu.memory_space<vmem>>
      %dma_start3A_72 = arith.constant 0 : i32
      %dma_start3A_73 = tpu.memref_slice %arg9[%run_scoped3A_50, %dma_start3A_72, %mul3A_19] : memref<16x2x10240xf32, #tpu.memory_space<vmem_shared>> -> memref<1x2x640xf32, #tpu.memory_space<vmem_shared>>
      %dma_start3A_74 = tpu.memref_squeeze %dma_start3A_73 : memref<1x2x640xf32, #tpu.memory_space<vmem_shared>> -> memref<2x640xf32, #tpu.memory_space<vmem_shared>>
      tpu.enqueue_dma source(%dma_start3A_74 : memref<2x640xf32, #tpu.memory_space<vmem_shared>>) target(%dma_start3A_71 : memref<2x640xf32, #tpu.memory_space<vmem>>) target_semaphore(%run_scoped3A_61 : memref<!tpu.dma_semaphore, #tpu.memory_space<semaphore_mem>>)
      %dma_wait3A = arith.constant 0 : i32
      %dma_wait3A_75 = arith.constant 0 : i32
      %dma_wait3A_76 = tpu.memref_slice %arg7[%run_scoped3A_51, %dma_wait3A, %dma_wait3A_75] : memref<16x2x640xf32, #tpu.memory_space<vmem>> -> memref<1x2x640xf32, #tpu.memory_space<vmem>>
      %dma_wait3A_77 = tpu.memref_squeeze %dma_wait3A_76 : memref<1x2x640xf32, #tpu.memory_space<vmem>> -> memref<2x640xf32, #tpu.memory_space<vmem>>
      %dma_wait3A_78 = arith.constant 0 : i32
      %dma_wait3A_79 = tpu.memref_slice %arg9[%run_scoped3A_50, %dma_wait3A_78, %mul3A_19] : memref<16x2x10240xf32, #tpu.memory_space<vmem_shared>> -> memref<1x2x640xf32, #tpu.memory_space<vmem_shared>>
      %dma_wait3A_80 = tpu.memref_squeeze %dma_wait3A_79 : memref<1x2x640xf32, #tpu.memory_space<vmem_shared>> -> memref<2x640xf32, #tpu.memory_space<vmem_shared>>
      %dma_wait3A_81 = arith.constant 0 : i32
      %dma_wait3A_82 = arith.constant 0 : i32
      %dma_wait3A_83 = tpu.memref_slice %arg7[%run_scoped3A_51, %dma_wait3A_81, %dma_wait3A_82] : memref<16x2x640xf32, #tpu.memory_space<vmem>> -> memref<1x2x640xf32, #tpu.memory_space<vmem>>
      %dma_wait3A_84 = tpu.memref_squeeze %dma_wait3A_83 : memref<1x2x640xf32, #tpu.memory_space<vmem>> -> memref<2x640xf32, #tpu.memory_space<vmem>>
      %dma_wait3A_85 = arith.constant 0 : i32
      %dma_wait3A_86 = tpu.memref_slice %arg9[%run_scoped3A_50, %dma_wait3A_85, %mul3A_19] : memref<16x2x10240xf32, #tpu.memory_space<vmem_shared>> -> memref<1x2x640xf32, #tpu.memory_space<vmem_shared>>
      %dma_wait3A_87 = tpu.memref_squeeze %dma_wait3A_86 : memref<1x2x640xf32, #tpu.memory_space<vmem_shared>> -> memref<2x640xf32, #tpu.memory_space<vmem_shared>>
      tpu.wait_dma2 semaphore(%run_scoped3A_61 : memref<!tpu.dma_semaphore, #tpu.memory_space<semaphore_mem>>) src(%dma_wait3A_87 : memref<2x640xf32, #tpu.memory_space<vmem_shared>>) dst(%dma_wait3A_84 : memref<2x640xf32, #tpu.memory_space<vmem>>)
      tpu.yield
    }) : () -> ()
    %scan3A_52 = arith.constant 0 : i32
    %scan3A_53 = arith.constant 40 : i32
    %scan3A_54 = arith.addi %scan3A_52, %scan3A_53 : i32
    %scan3A_55 = arith.constant 1 : i32
    scf.for %scan3A_61 = %scan3A_52 to %scan3A_54 step %scan3A_55  : i32 {
      %mul3A_62 = arith.constant 16 : i32
      %mul3A_63 = arith.muli %scan3A_61, %mul3A_62 : i32
      %add3A_64 = arith.constant 0 : i32
      %add3A_65 = arith.addi %add3A_64, %mul3A_63 : i32
      %get3A = arith.constant 0 : i32
      %get3A_66 = arith.constant 0 : i32
      %get3A_67 = arith.index_cast %get3A : i32 to index
      %get3A_68 = arith.index_cast %get3A_66 : i32 to index
      %get3A_69 = arith.index_cast %add3A_65 : i32 to index
      %get3A_70 = tpu.vector_load %arg7[%get3A_67, %get3A_68, %get3A_69] {strides = array<i32>} : memref<16x2x640xf32, #tpu.memory_space<vmem>>, vector<16xf32>,
      %get3A_71 = arith.constant 1 : i32
      %get3A_72 = arith.constant 0 : i32
      %get3A_73 = arith.index_cast %get3A_71 : i32 to index
      %get3A_74 = arith.index_cast %get3A_72 : i32 to index
      %get3A_75 = arith.index_cast %add3A_65 : i32 to index
      %get3A_76 = tpu.vector_load %arg7[%get3A_73, %get3A_74, %get3A_75] {strides = array<i32>} : memref<16x2x640xf32, #tpu.memory_space<vmem>>, vector<16xf32>,
      %add3A_77 = arith.addf %get3A_70, %get3A_76 : vector<16xf32>
      %get3A_78 = arith.constant 2 : i32
      %get3A_79 = arith.constant 0 : i32
      %get3A_80 = arith.index_cast %get3A_78 : i32 to index
      %get3A_81 = arith.index_cast %get3A_79 : i32 to index
      %get3A_82 = arith.index_cast %add3A_65 : i32 to index
      %get3A_83 = tpu.vector_load %arg7[%get3A_80, %get3A_81, %get3A_82] {strides = array<i32>} : memref<16x2x640xf32, #tpu.memory_space<vmem>>, vector<16xf32>,
      %add3A_84 = arith.addf %add3A_77, %get3A_83 : vector<16xf32>
      %get3A_85 = arith.constant 3 : i32
      %get3A_86 = arith.constant 0 : i32
      %get3A_87 = arith.index_cast %get3A_85 : i32 to index
      %get3A_88 = arith.index_cast %get3A_86 : i32 to index
      %get3A_89 = arith.index_cast %add3A_65 : i32 to index
      %get3A_90 = tpu.vector_load %arg7[%get3A_87, %get3A_88, %get3A_89] {strides = array<i32>} : memref<16x2x640xf32, #tpu.memory_space<vmem>>, vector<16xf32>,
      %add3A_91 = arith.addf %add3A_84, %get3A_90 : vector<16xf32>
      %get3A_92 = arith.constant 4 : i32
      %get3A_93 = arith.constant 0 : i32
      %get3A_94 = arith.index_cast %get3A_92 : i32 to index
      %get3A_95 = arith.index_cast %get3A_93 : i32 to index
      %get3A_96 = arith.index_cast %add3A_65 : i32 to index
      %get3A_97 = tpu.vector_load %arg7[%get3A_94, %get3A_95, %get3A_96] {strides = array<i32>} : memref<16x2x640xf32, #tpu.memory_space<vmem>>, vector<16xf32>,
      %add3A_98 = arith.addf %add3A_91, %get3A_97 : vector<16xf32>
      %get3A_99 = arith.constant 5 : i32
      %get3A_100 = arith.constant 0 : i32
      %get3A_101 = arith.index_cast %get3A_99 : i32 to index
      %get3A_102 = arith.index_cast %get3A_100 : i32 to index
      %get3A_103 = arith.index_cast %add3A_65 : i32 to index
      %get3A_104 = tpu.vector_load %arg7[%get3A_101, %get3A_102, %get3A_103] {strides = array<i32>} : memref<16x2x640xf32, #tpu.memory_space<vmem>>, vector<16xf32>,
      %add3A_105 = arith.addf %add3A_98, %get3A_104 : vector<16xf32>
      %get3A_106 = arith.constant 6 : i32
      %get3A_107 = arith.constant 0 : i32
      %get3A_108 = arith.index_cast %get3A_106 : i32 to index
      %get3A_109 = arith.index_cast %get3A_107 : i32 to index
      %get3A_110 = arith.index_cast %add3A_65 : i32 to index
      %get3A_111 = tpu.vector_load %arg7[%get3A_108, %get3A_109, %get3A_110] {strides = array<i32>} : memref<16x2x640xf32, #tpu.memory_space<vmem>>, vector<16xf32>,
      %add3A_112 = arith.addf %add3A_105, %get3A_111 : vector<16xf32>
      %get3A_113 = arith.constant 7 : i32
      %get3A_114 = arith.constant 0 : i32
      %get3A_115 = arith.index_cast %get3A_113 : i32 to index
      %get3A_116 = arith.index_cast %get3A_114 : i32 to index
      %get3A_117 = arith.index_cast %add3A_65 : i32 to index
      %get3A_118 = tpu.vector_load %arg7[%get3A_115, %get3A_116, %get3A_117] {strides = array<i32>} : memref<16x2x640xf32, #tpu.memory_space<vmem>>, vector<16xf32>,
      %add3A_119 = arith.addf %add3A_112, %get3A_118 : vector<16xf32>
      %get3A_120 = arith.constant 8 : i32
      %get3A_121 = arith.constant 0 : i32
      %get3A_122 = arith.index_cast %get3A_120 : i32 to index
      %get3A_123 = arith.index_cast %get3A_121 : i32 to index
      %get3A_124 = arith.index_cast %add3A_65 : i32 to index
      %get3A_125 = tpu.vector_load %arg7[%get3A_122, %get3A_123, %get3A_124] {strides = array<i32>} : memref<16x2x640xf32, #tpu.memory_space<vmem>>, vector<16xf32>,
      %add3A_126 = arith.addf %add3A_119, %get3A_125 : vector<16xf32>
      %get3A_127 = arith.constant 9 : i32
      %get3A_128 = arith.constant 0 : i32
      %get3A_129 = arith.index_cast %get3A_127 : i32 to index
      %get3A_130 = arith.index_cast %get3A_128 : i32 to index
      %get3A_131 = arith.index_cast %add3A_65 : i32 to index
      %get3A_132 = tpu.vector_load %arg7[%get3A_129, %get3A_130, %get3A_131] {strides = array<i32>} : memref<16x2x640xf32, #tpu.memory_space<vmem>>, vector<16xf32>,
      %add3A_133 = arith.addf %add3A_126, %get3A_132 : vector<16xf32>
      %get3A_134 = arith.constant 10 : i32
      %get3A_135 = arith.constant 0 : i32
      %get3A_136 = arith.index_cast %get3A_134 : i32 to index
      %get3A_137 = arith.index_cast %get3A_135 : i32 to index
      %get3A_138 = arith.index_cast %add3A_65 : i32 to index
      %get3A_139 = tpu.vector_load %arg7[%get3A_136, %get3A_137, %get3A_138] {strides = array<i32>} : memref<16x2x640xf32, #tpu.memory_space<vmem>>, vector<16xf32>,
      %add3A_140 = arith.addf %add3A_133, %get3A_139 : vector<16xf32>
      %get3A_141 = arith.constant 11 : i32
      %get3A_142 = arith.constant 0 : i32
      %get3A_143 = arith.index_cast %get3A_141 : i32 to index
      %get3A_144 = arith.index_cast %get3A_142 : i32 to index
      %get3A_145 = arith.index_cast %add3A_65 : i32 to index
      %get3A_146 = tpu.vector_load %arg7[%get3A_143, %get3A_144, %get3A_145] {strides = array<i32>} : memref<16x2x640xf32, #tpu.memory_space<vmem>>, vector<16xf32>,
      %add3A_147 = arith.addf %add3A_140, %get3A_146 : vector<16xf32>
      %get3A_148 = arith.constant 12 : i32
      %get3A_149 = arith.constant 0 : i32
      %get3A_150 = arith.index_cast %get3A_148 : i32 to index
      %get3A_151 = arith.index_cast %get3A_149 : i32 to index
      %get3A_152 = arith.index_cast %add3A_65 : i32 to index
      %get3A_153 = tpu.vector_load %arg7[%get3A_150, %get3A_151, %get3A_152] {strides = array<i32>} : memref<16x2x640xf32, #tpu.memory_space<vmem>>, vector<16xf32>,
      %add3A_154 = arith.addf %add3A_147, %get3A_153 : vector<16xf32>
      %get3A_155 = arith.constant 13 : i32
      %get3A_156 = arith.constant 0 : i32
      %get3A_157 = arith.index_cast %get3A_155 : i32 to index
      %get3A_158 = arith.index_cast %get3A_156 : i32 to index
      %get3A_159 = arith.index_cast %add3A_65 : i32 to index
      %get3A_160 = tpu.vector_load %arg7[%get3A_157, %get3A_158, %get3A_159] {strides = array<i32>} : memref<16x2x640xf32, #tpu.memory_space<vmem>>, vector<16xf32>,
      %add3A_161 = arith.addf %add3A_154, %get3A_160 : vector<16xf32>
      %get3A_162 = arith.constant 14 : i32
      %get3A_163 = arith.constant 0 : i32
      %get3A_164 = arith.index_cast %get3A_162 : i32 to index
      %get3A_165 = arith.index_cast %get3A_163 : i32 to index
      %get3A_166 = arith.index_cast %add3A_65 : i32 to index
      %get3A_167 = tpu.vector_load %arg7[%get3A_164, %get3A_165, %get3A_166] {strides = array<i32>} : memref<16x2x640xf32, #tpu.memory_space<vmem>>, vector<16xf32>,
      %add3A_168 = arith.addf %add3A_161, %get3A_167 : vector<16xf32>
      %get3A_169 = arith.constant 15 : i32
      %get3A_170 = arith.constant 0 : i32
      %get3A_171 = arith.index_cast %get3A_169 : i32 to index
      %get3A_172 = arith.index_cast %get3A_170 : i32 to index
      %get3A_173 = arith.index_cast %add3A_65 : i32 to index
      %get3A_174 = tpu.vector_load %arg7[%get3A_171, %get3A_172, %get3A_173] {strides = array<i32>} : memref<16x2x640xf32, #tpu.memory_space<vmem>>, vector<16xf32>,
      %add3A_175 = arith.addf %add3A_168, %get3A_174 : vector<16xf32>
      %swap3A = arith.constant 0 : i32
      %swap3A_176 = arith.constant 0 : i32
      %swap3A_177 = arith.index_cast %swap3A : i32 to index
      %swap3A_178 = arith.index_cast %swap3A_176 : i32 to index
      %swap3A_179 = arith.index_cast %add3A_65 : i32 to index
      %swap3A_180 = tpu.vector_load %arg8[%swap3A_177, %swap3A_178, %swap3A_179] {strides = array<i32>} : memref<2x1x640xf32, #tpu.memory_space<vmem>>, vector<16xf32>,
      tpu.vector_store %arg8[%swap3A_177, %swap3A_178, %swap3A_179], %add3A_175 {strides = array<i32>} : memref<2x1x640xf32, #tpu.memory_space<vmem>>, vector<16xf32>,
      %get3A_181 = arith.constant 0 : i32
      %get3A_182 = arith.constant 1 : i32
      %get3A_183 = arith.index_cast %get3A_181 : i32 to index
      %get3A_184 = arith.index_cast %get3A_182 : i32 to index
      %get3A_185 = arith.index_cast %add3A_65 : i32 to index
      %get3A_186 = tpu.vector_load %arg7[%get3A_183, %get3A_184, %get3A_185] {strides = array<i32>} : memref<16x2x640xf32, #tpu.memory_space<vmem>>, vector<16xf32>,
      %get3A_187 = arith.constant 1 : i32
      %get3A_188 = arith.constant 1 : i32
      %get3A_189 = arith.index_cast %get3A_187 : i32 to index
      %get3A_190 = arith.index_cast %get3A_188 : i32 to index
      %get3A_191 = arith.index_cast %add3A_65 : i32 to index
      %get3A_192 = tpu.vector_load %arg7[%get3A_189, %get3A_190, %get3A_191] {strides = array<i32>} : memref<16x2x640xf32, #tpu.memory_space<vmem>>, vector<16xf32>,
      %add3A_193 = arith.addf %get3A_186, %get3A_192 : vector<16xf32>
      %get3A_194 = arith.constant 2 : i32
      %get3A_195 = arith.constant 1 : i32
      %get3A_196 = arith.index_cast %get3A_194 : i32 to index
      %get3A_197 = arith.index_cast %get3A_195 : i32 to index
      %get3A_198 = arith.index_cast %add3A_65 : i32 to index
      %get3A_199 = tpu.vector_load %arg7[%get3A_196, %get3A_197, %get3A_198] {strides = array<i32>} : memref<16x2x640xf32, #tpu.memory_space<vmem>>, vector<16xf32>,
      %add3A_200 = arith.addf %add3A_193, %get3A_199 : vector<16xf32>
      %get3A_201 = arith.constant 3 : i32
      %get3A_202 = arith.constant 1 : i32
      %get3A_203 = arith.index_cast %get3A_201 : i32 to index
      %get3A_204 = arith.index_cast %get3A_202 : i32 to index
      %get3A_205 = arith.index_cast %add3A_65 : i32 to index
      %get3A_206 = tpu.vector_load %arg7[%get3A_203, %get3A_204, %get3A_205] {strides = array<i32>} : memref<16x2x640xf32, #tpu.memory_space<vmem>>, vector<16xf32>,
      %add3A_207 = arith.addf %add3A_200, %get3A_206 : vector<16xf32>
      %get3A_208 = arith.constant 4 : i32
      %get3A_209 = arith.constant 1 : i32
      %get3A_210 = arith.index_cast %get3A_208 : i32 to index
      %get3A_211 = arith.index_cast %get3A_209 : i32 to index
      %get3A_212 = arith.index_cast %add3A_65 : i32 to index
      %get3A_213 = tpu.vector_load %arg7[%get3A_210, %get3A_211, %get3A_212] {strides = array<i32>} : memref<16x2x640xf32, #tpu.memory_space<vmem>>, vector<16xf32>,
      %add3A_214 = arith.addf %add3A_207, %get3A_213 : vector<16xf32>
      %get3A_215 = arith.constant 5 : i32
      %get3A_216 = arith.constant 1 : i32
      %get3A_217 = arith.index_cast %get3A_215 : i32 to index
      %get3A_218 = arith.index_cast %get3A_216 : i32 to index
      %get3A_219 = arith.index_cast %add3A_65 : i32 to index
      %get3A_220 = tpu.vector_load %arg7[%get3A_217, %get3A_218, %get3A_219] {strides = array<i32>} : memref<16x2x640xf32, #tpu.memory_space<vmem>>, vector<16xf32>,
      %add3A_221 = arith.addf %add3A_214, %get3A_220 : vector<16xf32>
      %get3A_222 = arith.constant 6 : i32
      %get3A_223 = arith.constant 1 : i32
      %get3A_224 = arith.index_cast %get3A_222 : i32 to index
      %get3A_225 = arith.index_cast %get3A_223 : i32 to index
      %get3A_226 = arith.index_cast %add3A_65 : i32 to index
      %get3A_227 = tpu.vector_load %arg7[%get3A_224, %get3A_225, %get3A_226] {strides = array<i32>} : memref<16x2x640xf32, #tpu.memory_space<vmem>>, vector<16xf32>,
      %add3A_228 = arith.addf %add3A_221, %get3A_227 : vector<16xf32>
      %get3A_229 = arith.constant 7 : i32
      %get3A_230 = arith.constant 1 : i32
      %get3A_231 = arith.index_cast %get3A_229 : i32 to index
      %get3A_232 = arith.index_cast %get3A_230 : i32 to index
      %get3A_233 = arith.index_cast %add3A_65 : i32 to index
      %get3A_234 = tpu.vector_load %arg7[%get3A_231, %get3A_232, %get3A_233] {strides = array<i32>} : memref<16x2x640xf32, #tpu.memory_space<vmem>>, vector<16xf32>,
      %add3A_235 = arith.addf %add3A_228, %get3A_234 : vector<16xf32>
      %get3A_236 = arith.constant 8 : i32
      %get3A_237 = arith.constant 1 : i32
      %get3A_238 = arith.index_cast %get3A_236 : i32 to index
      %get3A_239 = arith.index_cast %get3A_237 : i32 to index
      %get3A_240 = arith.index_cast %add3A_65 : i32 to index
      %get3A_241 = tpu.vector_load %arg7[%get3A_238, %get3A_239, %get3A_240] {strides = array<i32>} : memref<16x2x640xf32, #tpu.memory_space<vmem>>, vector<16xf32>,
      %add3A_242 = arith.addf %add3A_235, %get3A_241 : vector<16xf32>
      %get3A_243 = arith.constant 9 : i32
      %get3A_244 = arith.constant 1 : i32
      %get3A_245 = arith.index_cast %get3A_243 : i32 to index
      %get3A_246 = arith.index_cast %get3A_244 : i32 to index
      %get3A_247 = arith.index_cast %add3A_65 : i32 to index
      %get3A_248 = tpu.vector_load %arg7[%get3A_245, %get3A_246, %get3A_247] {strides = array<i32>} : memref<16x2x640xf32, #tpu.memory_space<vmem>>, vector<16xf32>,
      %add3A_249 = arith.addf %add3A_242, %get3A_248 : vector<16xf32>
      %get3A_250 = arith.constant 10 : i32
      %get3A_251 = arith.constant 1 : i32
      %get3A_252 = arith.index_cast %get3A_250 : i32 to index
      %get3A_253 = arith.index_cast %get3A_251 : i32 to index
      %get3A_254 = arith.index_cast %add3A_65 : i32 to index
      %get3A_255 = tpu.vector_load %arg7[%get3A_252, %get3A_253, %get3A_254] {strides = array<i32>} : memref<16x2x640xf32, #tpu.memory_space<vmem>>, vector<16xf32>,
      %add3A_256 = arith.addf %add3A_249, %get3A_255 : vector<16xf32>
      %get3A_257 = arith.constant 11 : i32
      %get3A_258 = arith.constant 1 : i32
      %get3A_259 = arith.index_cast %get3A_257 : i32 to index
      %get3A_260 = arith.index_cast %get3A_258 : i32 to index
      %get3A_261 = arith.index_cast %add3A_65 : i32 to index
      %get3A_262 = tpu.vector_load %arg7[%get3A_259, %get3A_260, %get3A_261] {strides = array<i32>} : memref<16x2x640xf32, #tpu.memory_space<vmem>>, vector<16xf32>,
      %add3A_263 = arith.addf %add3A_256, %get3A_262 : vector<16xf32>
      %get3A_264 = arith.constant 12 : i32
      %get3A_265 = arith.constant 1 : i32
      %get3A_266 = arith.index_cast %get3A_264 : i32 to index
      %get3A_267 = arith.index_cast %get3A_265 : i32 to index
      %get3A_268 = arith.index_cast %add3A_65 : i32 to index
      %get3A_269 = tpu.vector_load %arg7[%get3A_266, %get3A_267, %get3A_268] {strides = array<i32>} : memref<16x2x640xf32, #tpu.memory_space<vmem>>, vector<16xf32>,
      %add3A_270 = arith.addf %add3A_263, %get3A_269 : vector<16xf32>
      %get3A_271 = arith.constant 13 : i32
      %get3A_272 = arith.constant 1 : i32
      %get3A_273 = arith.index_cast %get3A_271 : i32 to index
      %get3A_274 = arith.index_cast %get3A_272 : i32 to index
      %get3A_275 = arith.index_cast %add3A_65 : i32 to index
      %get3A_276 = tpu.vector_load %arg7[%get3A_273, %get3A_274, %get3A_275] {strides = array<i32>} : memref<16x2x640xf32, #tpu.memory_space<vmem>>, vector<16xf32>,
      %add3A_277 = arith.addf %add3A_270, %get3A_276 : vector<16xf32>
      %get3A_278 = arith.constant 14 : i32
      %get3A_279 = arith.constant 1 : i32
      %get3A_280 = arith.index_cast %get3A_278 : i32 to index
      %get3A_281 = arith.index_cast %get3A_279 : i32 to index
      %get3A_282 = arith.index_cast %add3A_65 : i32 to index
      %get3A_283 = tpu.vector_load %arg7[%get3A_280, %get3A_281, %get3A_282] {strides = array<i32>} : memref<16x2x640xf32, #tpu.memory_space<vmem>>, vector<16xf32>,
      %add3A_284 = arith.addf %add3A_277, %get3A_283 : vector<16xf32>
      %get3A_285 = arith.constant 15 : i32
      %get3A_286 = arith.constant 1 : i32
      %get3A_287 = arith.index_cast %get3A_285 : i32 to index
      %get3A_288 = arith.index_cast %get3A_286 : i32 to index
      %get3A_289 = arith.index_cast %add3A_65 : i32 to index
      %get3A_290 = tpu.vector_load %arg7[%get3A_287, %get3A_288, %get3A_289] {strides = array<i32>} : memref<16x2x640xf32, #tpu.memory_space<vmem>>, vector<16xf32>,
      %add3A_291 = arith.addf %add3A_284, %get3A_290 : vector<16xf32>
      %swap3A_292 = arith.constant 1 : i32
      %swap3A_293 = arith.constant 0 : i32
      %swap3A_294 = arith.index_cast %swap3A_292 : i32 to index
      %swap3A_295 = arith.index_cast %swap3A_293 : i32 to index
      %swap3A_296 = arith.index_cast %add3A_65 : i32 to index
      %swap3A_297 = tpu.vector_load %arg8[%swap3A_294, %swap3A_295, %swap3A_296] {strides = array<i32>} : memref<2x1x640xf32, #tpu.memory_space<vmem>>, vector<16xf32>,
      tpu.vector_store %arg8[%swap3A_294, %swap3A_295, %swap3A_296], %add3A_291 {strides = array<i32>} : memref<2x1x640xf32, #tpu.memory_space<vmem>>, vector<16xf32>,
    }
    %scan3A_56 = arith.constant 40 : i32
    %run_scoped3A_57 = arith.constant 0 : i32
    %run_scoped3A_58 = arith.constant 0 : i32
    "tpu.region"() ({
      %run_scoped3A_61 = tpu.sem_alloc : memref<!tpu.dma_semaphore, #tpu.memory_space<semaphore_mem>>
      %dma_start3A = arith.constant 0 : i32
      %dma_start3A_62 = arith.constant 0 : i32
      %dma_start3A_63 = tpu.memref_slice %arg8[%run_scoped3A_57, %dma_start3A, %dma_start3A_62] : memref<2x1x640xf32, #tpu.memory_space<vmem>> -> memref<1x1x640xf32, #tpu.memory_space<vmem>>
      %dma_start3A_64 = tpu.memref_squeeze %dma_start3A_63 : memref<1x1x640xf32, #tpu.memory_space<vmem>> -> memref<1x640xf32, #tpu.memory_space<vmem>>
      %dma_start3A_65 = arith.constant 0 : i32
      %dma_start3A_66 = arith.constant 0 : i32
      %dma_start3A_67 = tpu.memref_slice %arg3[%arg0, %run_scoped3A_58, %arg1, %dma_start3A_65, %dma_start3A_66] : memref<2x2x16x1x640xf32, #tpu.memory_space<hbm>> -> memref<1x1x1x1x640xf32, #tpu.memory_space<hbm>>
      %dma_start3A_68 = tpu.memref_squeeze %dma_start3A_67 : memref<1x1x1x1x640xf32, #tpu.memory_space<hbm>> -> memref<1x640xf32, #tpu.memory_space<hbm>>
      %dma_start3A_69 = arith.constant 0 : i32
      %dma_start3A_70 = arith.constant 0 : i32
      %dma_start3A_71 = tpu.memref_slice %arg3[%arg0, %run_scoped3A_58, %arg1, %dma_start3A_69, %dma_start3A_70] : memref<2x2x16x1x640xf32, #tpu.memory_space<hbm>> -> memref<1x1x1x1x640xf32, #tpu.memory_space<hbm>>
      %dma_start3A_72 = tpu.memref_squeeze %dma_start3A_71 : memref<1x1x1x1x640xf32, #tpu.memory_space<hbm>> -> memref<1x640xf32, #tpu.memory_space<hbm>>
      %dma_start3A_73 = arith.constant 0 : i32
      %dma_start3A_74 = arith.constant 0 : i32
      %dma_start3A_75 = tpu.memref_slice %arg8[%run_scoped3A_57, %dma_start3A_73, %dma_start3A_74] : memref<2x1x640xf32, #tpu.memory_space<vmem>> -> memref<1x1x640xf32, #tpu.memory_space<vmem>>
      %dma_start3A_76 = tpu.memref_squeeze %dma_start3A_75 : memref<1x1x640xf32, #tpu.memory_space<vmem>> -> memref<1x640xf32, #tpu.memory_space<vmem>>
      tpu.enqueue_dma source(%dma_start3A_76 : memref<1x640xf32, #tpu.memory_space<vmem>>) target(%dma_start3A_72 : memref<1x640xf32, #tpu.memory_space<hbm>>) target_semaphore(%run_scoped3A_61 : memref<!tpu.dma_semaphore, #tpu.memory_space<semaphore_mem>>)
      %dma_wait3A = arith.constant 0 : i32
      %dma_wait3A_77 = arith.constant 0 : i32
      %dma_wait3A_78 = tpu.memref_slice %arg8[%run_scoped3A_57, %dma_wait3A, %dma_wait3A_77] : memref<2x1x640xf32, #tpu.memory_space<vmem>> -> memref<1x1x640xf32, #tpu.memory_space<vmem>>
      %dma_wait3A_79 = tpu.memref_squeeze %dma_wait3A_78 : memref<1x1x640xf32, #tpu.memory_space<vmem>> -> memref<1x640xf32, #tpu.memory_space<vmem>>
      %dma_wait3A_80 = arith.constant 0 : i32
      %dma_wait3A_81 = arith.constant 0 : i32
      %dma_wait3A_82 = tpu.memref_slice %arg3[%arg0, %run_scoped3A_58, %arg1, %dma_wait3A_80, %dma_wait3A_81] : memref<2x2x16x1x640xf32, #tpu.memory_space<hbm>> -> memref<1x1x1x1x640xf32, #tpu.memory_space<hbm>>
      %dma_wait3A_83 = tpu.memref_squeeze %dma_wait3A_82 : memref<1x1x1x1x640xf32, #tpu.memory_space<hbm>> -> memref<1x640xf32, #tpu.memory_space<hbm>>
      %dma_wait3A_84 = arith.constant 0 : i32
      %dma_wait3A_85 = arith.constant 0 : i32
      %dma_wait3A_86 = tpu.memref_slice %arg3[%arg0, %run_scoped3A_58, %arg1, %dma_wait3A_84, %dma_wait3A_85] : memref<2x2x16x1x640xf32, #tpu.memory_space<hbm>> -> memref<1x1x1x1x640xf32, #tpu.memory_space<hbm>>
      %dma_wait3A_87 = tpu.memref_squeeze %dma_wait3A_86 : memref<1x1x1x1x640xf32, #tpu.memory_space<hbm>> -> memref<1x640xf32, #tpu.memory_space<hbm>>
      %dma_wait3A_88 = arith.constant 0 : i32
      %dma_wait3A_89 = arith.constant 0 : i32
      %dma_wait3A_90 = tpu.memref_slice %arg8[%run_scoped3A_57, %dma_wait3A_88, %dma_wait3A_89] : memref<2x1x640xf32, #tpu.memory_space<vmem>> -> memref<1x1x640xf32, #tpu.memory_space<vmem>>
      %dma_wait3A_91 = tpu.memref_squeeze %dma_wait3A_90 : memref<1x1x640xf32, #tpu.memory_space<vmem>> -> memref<1x640xf32, #tpu.memory_space<vmem>>
      tpu.wait_dma2 semaphore(%run_scoped3A_61 : memref<!tpu.dma_semaphore, #tpu.memory_space<semaphore_mem>>) src(%dma_wait3A_91 : memref<1x640xf32, #tpu.memory_space<vmem>>) dst(%dma_wait3A_87 : memref<1x640xf32, #tpu.memory_space<hbm>>)
      tpu.yield
    }) : () -> ()
    %run_scoped3A_59 = arith.constant 1 : i32
    %run_scoped3A_60 = arith.constant 1 : i32
    "tpu.region"() ({
      %run_scoped3A_61 = tpu.sem_alloc : memref<!tpu.dma_semaphore, #tpu.memory_space<semaphore_mem>>
      %dma_start3A = arith.constant 0 : i32
      %dma_start3A_62 = arith.constant 0 : i32
      %dma_start3A_63 = tpu.memref_slice %arg8[%run_scoped3A_59, %dma_start3A, %dma_start3A_62] : memref<2x1x640xf32, #tpu.memory_space<vmem>> -> memref<1x1x640xf32, #tpu.memory_space<vmem>>
      %dma_start3A_64 = tpu.memref_squeeze %dma_start3A_63 : memref<1x1x640xf32, #tpu.memory_space<vmem>> -> memref<1x640xf32, #tpu.memory_space<vmem>>
      %dma_start3A_65 = arith.constant 0 : i32
      %dma_start3A_66 = arith.constant 0 : i32
      %dma_start3A_67 = tpu.memref_slice %arg3[%arg0, %run_scoped3A_60, %arg1, %dma_start3A_65, %dma_start3A_66] : memref<2x2x16x1x640xf32, #tpu.memory_space<hbm>> -> memref<1x1x1x1x640xf32, #tpu.memory_space<hbm>>
      %dma_start3A_68 = tpu.memref_squeeze %dma_start3A_67 : memref<1x1x1x1x640xf32, #tpu.memory_space<hbm>> -> memref<1x640xf32, #tpu.memory_space<hbm>>
      %dma_start3A_69 = arith.constant 0 : i32
      %dma_start3A_70 = arith.constant 0 : i32
      %dma_start3A_71 = tpu.memref_slice %arg3[%arg0, %run_scoped3A_60, %arg1, %dma_start3A_69, %dma_start3A_70] : memref<2x2x16x1x640xf32, #tpu.memory_space<hbm>> -> memref<1x1x1x1x640xf32, #tpu.memory_space<hbm>>
      %dma_start3A_72 = tpu.memref_squeeze %dma_start3A_71 : memref<1x1x1x1x640xf32, #tpu.memory_space<hbm>> -> memref<1x640xf32, #tpu.memory_space<hbm>>
      %dma_start3A_73 = arith.constant 0 : i32
      %dma_start3A_74 = arith.constant 0 : i32
      %dma_start3A_75 = tpu.memref_slice %arg8[%run_scoped3A_59, %dma_start3A_73, %dma_start3A_74] : memref<2x1x640xf32, #tpu.memory_space<vmem>> -> memref<1x1x640xf32, #tpu.memory_space<vmem>>
      %dma_start3A_76 = tpu.memref_squeeze %dma_start3A_75 : memref<1x1x640xf32, #tpu.memory_space<vmem>> -> memref<1x640xf32, #tpu.memory_space<vmem>>
      tpu.enqueue_dma source(%dma_start3A_76 : memref<1x640xf32, #tpu.memory_space<vmem>>) target(%dma_start3A_72 : memref<1x640xf32, #tpu.memory_space<hbm>>) target_semaphore(%run_scoped3A_61 : memref<!tpu.dma_semaphore, #tpu.memory_space<semaphore_mem>>)
      %dma_wait3A = arith.constant 0 : i32
      %dma_wait3A_77 = arith.constant 0 : i32
      %dma_wait3A_78 = tpu.memref_slice %arg8[%run_scoped3A_59, %dma_wait3A, %dma_wait3A_77] : memref<2x1x640xf32, #tpu.memory_space<vmem>> -> memref<1x1x640xf32, #tpu.memory_space<vmem>>
      %dma_wait3A_79 = tpu.memref_squeeze %dma_wait3A_78 : memref<1x1x640xf32, #tpu.memory_space<vmem>> -> memref<1x640xf32, #tpu.memory_space<vmem>>
      %dma_wait3A_80 = arith.constant 0 : i32
      %dma_wait3A_81 = arith.constant 0 : i32
      %dma_wait3A_82 = tpu.memref_slice %arg3[%arg0, %run_scoped3A_60, %arg1, %dma_wait3A_80, %dma_wait3A_81] : memref<2x2x16x1x640xf32, #tpu.memory_space<hbm>> -> memref<1x1x1x1x640xf32, #tpu.memory_space<hbm>>
      %dma_wait3A_83 = tpu.memref_squeeze %dma_wait3A_82 : memref<1x1x1x1x640xf32, #tpu.memory_space<hbm>> -> memref<1x640xf32, #tpu.memory_space<hbm>>
      %dma_wait3A_84 = arith.constant 0 : i32
      %dma_wait3A_85 = arith.constant 0 : i32
      %dma_wait3A_86 = tpu.memref_slice %arg3[%arg0, %run_scoped3A_60, %arg1, %dma_wait3A_84, %dma_wait3A_85] : memref<2x2x16x1x640xf32, #tpu.memory_space<hbm>> -> memref<1x1x1x1x640xf32, #tpu.memory_space<hbm>>
      %dma_wait3A_87 = tpu.memref_squeeze %dma_wait3A_86 : memref<1x1x1x1x640xf32, #tpu.memory_space<hbm>> -> memref<1x640xf32, #tpu.memory_space<hbm>>
      %dma_wait3A_88 = arith.constant 0 : i32
      %dma_wait3A_89 = arith.constant 0 : i32
      %dma_wait3A_90 = tpu.memref_slice %arg8[%run_scoped3A_59, %dma_wait3A_88, %dma_wait3A_89] : memref<2x1x640xf32, #tpu.memory_space<vmem>> -> memref<1x1x640xf32, #tpu.memory_space<vmem>>
      %dma_wait3A_91 = tpu.memref_squeeze %dma_wait3A_90 : memref<1x1x640xf32, #tpu.memory_space<vmem>> -> memref<1x640xf32, #tpu.memory_space<vmem>>
      tpu.wait_dma2 semaphore(%run_scoped3A_61 : memref<!tpu.dma_semaphore, #tpu.memory_space<semaphore_mem>>) src(%dma_wait3A_91 : memref<1x640xf32, #tpu.memory_space<vmem>>) dst(%dma_wait3A_87 : memref<1x640xf32, #tpu.memory_space<hbm>>)
      tpu.yield
    }) : () -> ()
    return
  }
}

#map = affine_map<(d0, d1) -> (0, 0)>
#map1 = affine_map<(d0, d1) -> (0, 0, 0, 0, 0)>
#map2 = affine_map<(d0, d1) -> (0, 0, 0)>
module attributes {stable_mosaic.version = 14 : i64} {
  func.func @_agg(%arg0: i32, %arg1: i32, %arg2: memref<10000x128xf32, #tpu.memory_space<hbm>>, %arg3: memref<2x32x5x16x125xi32, #tpu.memory_space<hbm>>, %arg4: memref<2x10240x128xf32, #tpu.memory_space<hbm>>, %arg5: memref<2x2x16x125xi32, #tpu.memory_space<vmem>>, %arg6: memref<125x128xf32, #tpu.memory_space<vmem>>, %arg7: memref<125x128xf32, #tpu.memory_space<vmem>>, %arg8: memref<10240x128xf32, #tpu.memory_space<vmem_shared>>, %arg9: memref<!tpu.dma_semaphore, #tpu.memory_space<semaphore_mem>>, %arg10: memref<!tpu.dma_semaphore, #tpu.memory_space<semaphore_mem>>, %arg11: memref<!tpu.dma_semaphore, #tpu.memory_space<semaphore_mem>>, %arg12: memref<!tpu.dma_semaphore, #tpu.memory_space<semaphore_mem>>) attributes {dimension_semantics = [#tpu.dimension_semantics<core_parallel>, #tpu.dimension_semantics<subcore_parallel>], iteration_bounds = array<i64: 2, 16>, scalar_prefetch = 0 : i64, scratch_operands = 8 : i64, tpu.core_type = #tpu.core_type<sc_vector_subcore>, window_params = [{transform_indices = #map}, {transform_indices = #map1}, {transform_indices = #map2}]} {
    %mul3A = arith.constant 2 : i32
    %mul3A_0 = arith.muli %arg1, %mul3A : i32
    %add3A = arith.addi %mul3A_0, %arg0 : i32
    %broadcast_in_dim3A = arith.constant 0.000000e+00 : f32
    %broadcast_in_dim3A_1 = vector.broadcast %broadcast_in_dim3A : f32 to vector<16xf32>
    %scan3A = arith.constant 0 : i32
    %scan3A_2 = arith.constant 125 : i32
    %scan3A_3 = arith.addi %scan3A, %scan3A_2 : i32
    %scan3A_4 = arith.constant 1 : i32
    scf.for %scan3A_416 = %scan3A to %scan3A_3 step %scan3A_4  : i32 {
      %mul3A_417 = arith.constant 1 : i32
      %mul3A_418 = arith.muli %scan3A_416, %mul3A_417 : i32
      %add3A_419 = arith.constant 0 : i32
      %add3A_420 = arith.addi %add3A_419, %mul3A_418 : i32
      %swap3A = arith.index_cast %add3A_420 : i32 to index
      %swap3A_421 = arith.constant 0 : index
      %swap3A_422 = tpu.vector_load %arg6[%swap3A, %swap3A_421] {strides = array<i32>} : memref<125x128xf32, #tpu.memory_space<vmem>>, vector<16xf32>,
      tpu.vector_store %arg6[%swap3A, %swap3A_421], %broadcast_in_dim3A_1 {strides = array<i32>} : memref<125x128xf32, #tpu.memory_space<vmem>>, vector<16xf32>,
      %swap3A_423 = arith.index_cast %add3A_420 : i32 to index
      %swap3A_424 = arith.constant 16 : index
      %swap3A_425 = tpu.vector_load %arg6[%swap3A_423, %swap3A_424] {strides = array<i32>} : memref<125x128xf32, #tpu.memory_space<vmem>>, vector<16xf32>,
      tpu.vector_store %arg6[%swap3A_423, %swap3A_424], %broadcast_in_dim3A_1 {strides = array<i32>} : memref<125x128xf32, #tpu.memory_space<vmem>>, vector<16xf32>,
      %swap3A_426 = arith.index_cast %add3A_420 : i32 to index
      %swap3A_427 = arith.constant 32 : index
      %swap3A_428 = tpu.vector_load %arg6[%swap3A_426, %swap3A_427] {strides = array<i32>} : memref<125x128xf32, #tpu.memory_space<vmem>>, vector<16xf32>,
      tpu.vector_store %arg6[%swap3A_426, %swap3A_427], %broadcast_in_dim3A_1 {strides = array<i32>} : memref<125x128xf32, #tpu.memory_space<vmem>>, vector<16xf32>,
      %swap3A_429 = arith.index_cast %add3A_420 : i32 to index
      %swap3A_430 = arith.constant 48 : index
      %swap3A_431 = tpu.vector_load %arg6[%swap3A_429, %swap3A_430] {strides = array<i32>} : memref<125x128xf32, #tpu.memory_space<vmem>>, vector<16xf32>,
      tpu.vector_store %arg6[%swap3A_429, %swap3A_430], %broadcast_in_dim3A_1 {strides = array<i32>} : memref<125x128xf32, #tpu.memory_space<vmem>>, vector<16xf32>,
      %swap3A_432 = arith.index_cast %add3A_420 : i32 to index
      %swap3A_433 = arith.constant 64 : index
      %swap3A_434 = tpu.vector_load %arg6[%swap3A_432, %swap3A_433] {strides = array<i32>} : memref<125x128xf32, #tpu.memory_space<vmem>>, vector<16xf32>,
      tpu.vector_store %arg6[%swap3A_432, %swap3A_433], %broadcast_in_dim3A_1 {strides = array<i32>} : memref<125x128xf32, #tpu.memory_space<vmem>>, vector<16xf32>,
      %swap3A_435 = arith.index_cast %add3A_420 : i32 to index
      %swap3A_436 = arith.constant 80 : index
      %swap3A_437 = tpu.vector_load %arg6[%swap3A_435, %swap3A_436] {strides = array<i32>} : memref<125x128xf32, #tpu.memory_space<vmem>>, vector<16xf32>,
      tpu.vector_store %arg6[%swap3A_435, %swap3A_436], %broadcast_in_dim3A_1 {strides = array<i32>} : memref<125x128xf32, #tpu.memory_space<vmem>>, vector<16xf32>,
      %swap3A_438 = arith.index_cast %add3A_420 : i32 to index
      %swap3A_439 = arith.constant 96 : index
      %swap3A_440 = tpu.vector_load %arg6[%swap3A_438, %swap3A_439] {strides = array<i32>} : memref<125x128xf32, #tpu.memory_space<vmem>>, vector<16xf32>,
      tpu.vector_store %arg6[%swap3A_438, %swap3A_439], %broadcast_in_dim3A_1 {strides = array<i32>} : memref<125x128xf32, #tpu.memory_space<vmem>>, vector<16xf32>,
      %swap3A_441 = arith.index_cast %add3A_420 : i32 to index
      %swap3A_442 = arith.constant 112 : index
      %swap3A_443 = tpu.vector_load %arg6[%swap3A_441, %swap3A_442] {strides = array<i32>} : memref<125x128xf32, #tpu.memory_space<vmem>>, vector<16xf32>,
      tpu.vector_store %arg6[%swap3A_441, %swap3A_442], %broadcast_in_dim3A_1 {strides = array<i32>} : memref<125x128xf32, #tpu.memory_space<vmem>>, vector<16xf32>,
    }
    %scan3A_5 = arith.constant 125 : i32
    %mul3A_6 = arith.constant 640 : i32
    %mul3A_7 = arith.muli %arg1, %mul3A_6 : i32
    %add3A_8 = arith.constant 0 : i32
    %add3A_9 = arith.addi %mul3A_7, %add3A_8 : i32
    "tpu.region"() ({
      %run_scoped3A_416 = tpu.sem_alloc : memref<!tpu.dma_semaphore, #tpu.memory_space<semaphore_mem>>
      %dma_start3A_417 = arith.constant 0 : i32
      %dma_start3A_418 = tpu.memref_slice %arg8[%add3A_9, %dma_start3A_417] : memref<10240x128xf32, #tpu.memory_space<vmem_shared>> -> memref<125x128xf32, #tpu.memory_space<vmem_shared>>
      %dma_start3A_419 = arith.constant 0 : i32
      %dma_start3A_420 = tpu.memref_slice %arg8[%add3A_9, %dma_start3A_419] : memref<10240x128xf32, #tpu.memory_space<vmem_shared>> -> memref<125x128xf32, #tpu.memory_space<vmem_shared>>
      tpu.enqueue_dma source(%arg6 : memref<125x128xf32, #tpu.memory_space<vmem>>) target(%dma_start3A_420 : memref<125x128xf32, #tpu.memory_space<vmem_shared>>) target_semaphore(%run_scoped3A_416 : memref<!tpu.dma_semaphore, #tpu.memory_space<semaphore_mem>>)
      %dma_wait3A_421 = arith.constant 0 : i32
      %dma_wait3A_422 = tpu.memref_slice %arg8[%add3A_9, %dma_wait3A_421] : memref<10240x128xf32, #tpu.memory_space<vmem_shared>> -> memref<125x128xf32, #tpu.memory_space<vmem_shared>>
      %dma_wait3A_423 = arith.constant 0 : i32
      %dma_wait3A_424 = tpu.memref_slice %arg8[%add3A_9, %dma_wait3A_423] : memref<10240x128xf32, #tpu.memory_space<vmem_shared>> -> memref<125x128xf32, #tpu.memory_space<vmem_shared>>
      tpu.wait_dma2 semaphore(%run_scoped3A_416 : memref<!tpu.dma_semaphore, #tpu.memory_space<semaphore_mem>>) src(%arg6 : memref<125x128xf32, #tpu.memory_space<vmem>>) dst(%dma_wait3A_424 : memref<125x128xf32, #tpu.memory_space<vmem_shared>>)
      tpu.yield
    }) : () -> ()
    %add3A_10 = arith.constant 125 : i32
    %add3A_11 = arith.addi %mul3A_7, %add3A_10 : i32
    "tpu.region"() ({
      %run_scoped3A_416 = tpu.sem_alloc : memref<!tpu.dma_semaphore, #tpu.memory_space<semaphore_mem>>
      %dma_start3A_417 = arith.constant 0 : i32
      %dma_start3A_418 = tpu.memref_slice %arg8[%add3A_11, %dma_start3A_417] : memref<10240x128xf32, #tpu.memory_space<vmem_shared>> -> memref<125x128xf32, #tpu.memory_space<vmem_shared>>
      %dma_start3A_419 = arith.constant 0 : i32
      %dma_start3A_420 = tpu.memref_slice %arg8[%add3A_11, %dma_start3A_419] : memref<10240x128xf32, #tpu.memory_space<vmem_shared>> -> memref<125x128xf32, #tpu.memory_space<vmem_shared>>
      tpu.enqueue_dma source(%arg6 : memref<125x128xf32, #tpu.memory_space<vmem>>) target(%dma_start3A_420 : memref<125x128xf32, #tpu.memory_space<vmem_shared>>) target_semaphore(%run_scoped3A_416 : memref<!tpu.dma_semaphore, #tpu.memory_space<semaphore_mem>>)
      %dma_wait3A_421 = arith.constant 0 : i32
      %dma_wait3A_422 = tpu.memref_slice %arg8[%add3A_11, %dma_wait3A_421] : memref<10240x128xf32, #tpu.memory_space<vmem_shared>> -> memref<125x128xf32, #tpu.memory_space<vmem_shared>>
      %dma_wait3A_423 = arith.constant 0 : i32
      %dma_wait3A_424 = tpu.memref_slice %arg8[%add3A_11, %dma_wait3A_423] : memref<10240x128xf32, #tpu.memory_space<vmem_shared>> -> memref<125x128xf32, #tpu.memory_space<vmem_shared>>
      tpu.wait_dma2 semaphore(%run_scoped3A_416 : memref<!tpu.dma_semaphore, #tpu.memory_space<semaphore_mem>>) src(%arg6 : memref<125x128xf32, #tpu.memory_space<vmem>>) dst(%dma_wait3A_424 : memref<125x128xf32, #tpu.memory_space<vmem_shared>>)
      tpu.yield
    }) : () -> ()
    %add3A_12 = arith.constant 250 : i32
    %add3A_13 = arith.addi %mul3A_7, %add3A_12 : i32
    "tpu.region"() ({
      %run_scoped3A_416 = tpu.sem_alloc : memref<!tpu.dma_semaphore, #tpu.memory_space<semaphore_mem>>
      %dma_start3A_417 = arith.constant 0 : i32
      %dma_start3A_418 = tpu.memref_slice %arg8[%add3A_13, %dma_start3A_417] : memref<10240x128xf32, #tpu.memory_space<vmem_shared>> -> memref<125x128xf32, #tpu.memory_space<vmem_shared>>
      %dma_start3A_419 = arith.constant 0 : i32
      %dma_start3A_420 = tpu.memref_slice %arg8[%add3A_13, %dma_start3A_419] : memref<10240x128xf32, #tpu.memory_space<vmem_shared>> -> memref<125x128xf32, #tpu.memory_space<vmem_shared>>
      tpu.enqueue_dma source(%arg6 : memref<125x128xf32, #tpu.memory_space<vmem>>) target(%dma_start3A_420 : memref<125x128xf32, #tpu.memory_space<vmem_shared>>) target_semaphore(%run_scoped3A_416 : memref<!tpu.dma_semaphore, #tpu.memory_space<semaphore_mem>>)
      %dma_wait3A_421 = arith.constant 0 : i32
      %dma_wait3A_422 = tpu.memref_slice %arg8[%add3A_13, %dma_wait3A_421] : memref<10240x128xf32, #tpu.memory_space<vmem_shared>> -> memref<125x128xf32, #tpu.memory_space<vmem_shared>>
      %dma_wait3A_423 = arith.constant 0 : i32
      %dma_wait3A_424 = tpu.memref_slice %arg8[%add3A_13, %dma_wait3A_423] : memref<10240x128xf32, #tpu.memory_space<vmem_shared>> -> memref<125x128xf32, #tpu.memory_space<vmem_shared>>
      tpu.wait_dma2 semaphore(%run_scoped3A_416 : memref<!tpu.dma_semaphore, #tpu.memory_space<semaphore_mem>>) src(%arg6 : memref<125x128xf32, #tpu.memory_space<vmem>>) dst(%dma_wait3A_424 : memref<125x128xf32, #tpu.memory_space<vmem_shared>>)
      tpu.yield
    }) : () -> ()
    %add3A_14 = arith.constant 375 : i32
    %add3A_15 = arith.addi %mul3A_7, %add3A_14 : i32
    "tpu.region"() ({
      %run_scoped3A_416 = tpu.sem_alloc : memref<!tpu.dma_semaphore, #tpu.memory_space<semaphore_mem>>
      %dma_start3A_417 = arith.constant 0 : i32
      %dma_start3A_418 = tpu.memref_slice %arg8[%add3A_15, %dma_start3A_417] : memref<10240x128xf32, #tpu.memory_space<vmem_shared>> -> memref<125x128xf32, #tpu.memory_space<vmem_shared>>
      %dma_start3A_419 = arith.constant 0 : i32
      %dma_start3A_420 = tpu.memref_slice %arg8[%add3A_15, %dma_start3A_419] : memref<10240x128xf32, #tpu.memory_space<vmem_shared>> -> memref<125x128xf32, #tpu.memory_space<vmem_shared>>
      tpu.enqueue_dma source(%arg6 : memref<125x128xf32, #tpu.memory_space<vmem>>) target(%dma_start3A_420 : memref<125x128xf32, #tpu.memory_space<vmem_shared>>) target_semaphore(%run_scoped3A_416 : memref<!tpu.dma_semaphore, #tpu.memory_space<semaphore_mem>>)
      %dma_wait3A_421 = arith.constant 0 : i32
      %dma_wait3A_422 = tpu.memref_slice %arg8[%add3A_15, %dma_wait3A_421] : memref<10240x128xf32, #tpu.memory_space<vmem_shared>> -> memref<125x128xf32, #tpu.memory_space<vmem_shared>>
      %dma_wait3A_423 = arith.constant 0 : i32
      %dma_wait3A_424 = tpu.memref_slice %arg8[%add3A_15, %dma_wait3A_423] : memref<10240x128xf32, #tpu.memory_space<vmem_shared>> -> memref<125x128xf32, #tpu.memory_space<vmem_shared>>
      tpu.wait_dma2 semaphore(%run_scoped3A_416 : memref<!tpu.dma_semaphore, #tpu.memory_space<semaphore_mem>>) src(%arg6 : memref<125x128xf32, #tpu.memory_space<vmem>>) dst(%dma_wait3A_424 : memref<125x128xf32, #tpu.memory_space<vmem_shared>>)
      tpu.yield
    }) : () -> ()
    %add3A_16 = arith.constant 500 : i32
    %add3A_17 = arith.addi %mul3A_7, %add3A_16 : i32
    "tpu.region"() ({
      %run_scoped3A_416 = tpu.sem_alloc : memref<!tpu.dma_semaphore, #tpu.memory_space<semaphore_mem>>
      %dma_start3A_417 = arith.constant 0 : i32
      %dma_start3A_418 = tpu.memref_slice %arg8[%add3A_17, %dma_start3A_417] : memref<10240x128xf32, #tpu.memory_space<vmem_shared>> -> memref<125x128xf32, #tpu.memory_space<vmem_shared>>
      %dma_start3A_419 = arith.constant 0 : i32
      %dma_start3A_420 = tpu.memref_slice %arg8[%add3A_17, %dma_start3A_419] : memref<10240x128xf32, #tpu.memory_space<vmem_shared>> -> memref<125x128xf32, #tpu.memory_space<vmem_shared>>
      tpu.enqueue_dma source(%arg6 : memref<125x128xf32, #tpu.memory_space<vmem>>) target(%dma_start3A_420 : memref<125x128xf32, #tpu.memory_space<vmem_shared>>) target_semaphore(%run_scoped3A_416 : memref<!tpu.dma_semaphore, #tpu.memory_space<semaphore_mem>>)
      %dma_wait3A_421 = arith.constant 0 : i32
      %dma_wait3A_422 = tpu.memref_slice %arg8[%add3A_17, %dma_wait3A_421] : memref<10240x128xf32, #tpu.memory_space<vmem_shared>> -> memref<125x128xf32, #tpu.memory_space<vmem_shared>>
      %dma_wait3A_423 = arith.constant 0 : i32
      %dma_wait3A_424 = tpu.memref_slice %arg8[%add3A_17, %dma_wait3A_423] : memref<10240x128xf32, #tpu.memory_space<vmem_shared>> -> memref<125x128xf32, #tpu.memory_space<vmem_shared>>
      tpu.wait_dma2 semaphore(%run_scoped3A_416 : memref<!tpu.dma_semaphore, #tpu.memory_space<semaphore_mem>>) src(%arg6 : memref<125x128xf32, #tpu.memory_space<vmem>>) dst(%dma_wait3A_424 : memref<125x128xf32, #tpu.memory_space<vmem_shared>>)
      tpu.yield
    }) : () -> ()
    %add3A_18 = arith.constant 625 : i32
    %add3A_19 = arith.addi %mul3A_7, %add3A_18 : i32
    "tpu.region"() ({
      %run_scoped3A_416 = tpu.sem_alloc : memref<!tpu.dma_semaphore, #tpu.memory_space<semaphore_mem>>
      %dma_start3A_417 = arith.constant 0 : i32
      %dma_start3A_418 = arith.constant 0 : i32
      %dma_start3A_419 = tpu.memref_slice %arg6[%dma_start3A_417, %dma_start3A_418] : memref<125x128xf32, #tpu.memory_space<vmem>> -> memref<15x128xf32, #tpu.memory_space<vmem>>
      %dma_start3A_420 = arith.constant 0 : i32
      %dma_start3A_421 = tpu.memref_slice %arg8[%add3A_19, %dma_start3A_420] : memref<10240x128xf32, #tpu.memory_space<vmem_shared>> -> memref<15x128xf32, #tpu.memory_space<vmem_shared>>
      %dma_start3A_422 = arith.constant 0 : i32
      %dma_start3A_423 = tpu.memref_slice %arg8[%add3A_19, %dma_start3A_422] : memref<10240x128xf32, #tpu.memory_space<vmem_shared>> -> memref<15x128xf32, #tpu.memory_space<vmem_shared>>
      %dma_start3A_424 = arith.constant 0 : i32
      %dma_start3A_425 = arith.constant 0 : i32
      %dma_start3A_426 = tpu.memref_slice %arg6[%dma_start3A_424, %dma_start3A_425] : memref<125x128xf32, #tpu.memory_space<vmem>> -> memref<15x128xf32, #tpu.memory_space<vmem>>
      tpu.enqueue_dma source(%dma_start3A_426 : memref<15x128xf32, #tpu.memory_space<vmem>>) target(%dma_start3A_423 : memref<15x128xf32, #tpu.memory_space<vmem_shared>>) target_semaphore(%run_scoped3A_416 : memref<!tpu.dma_semaphore, #tpu.memory_space<semaphore_mem>>)
      %dma_wait3A_427 = arith.constant 0 : i32
      %dma_wait3A_428 = arith.constant 0 : i32
      %dma_wait3A_429 = tpu.memref_slice %arg6[%dma_wait3A_427, %dma_wait3A_428] : memref<125x128xf32, #tpu.memory_space<vmem>> -> memref<15x128xf32, #tpu.memory_space<vmem>>
      %dma_wait3A_430 = arith.constant 0 : i32
      %dma_wait3A_431 = tpu.memref_slice %arg8[%add3A_19, %dma_wait3A_430] : memref<10240x128xf32, #tpu.memory_space<vmem_shared>> -> memref<15x128xf32, #tpu.memory_space<vmem_shared>>
      %dma_wait3A_432 = arith.constant 0 : i32
      %dma_wait3A_433 = tpu.memref_slice %arg8[%add3A_19, %dma_wait3A_432] : memref<10240x128xf32, #tpu.memory_space<vmem_shared>> -> memref<15x128xf32, #tpu.memory_space<vmem_shared>>
      %dma_wait3A_434 = arith.constant 0 : i32
      %dma_wait3A_435 = arith.constant 0 : i32
      %dma_wait3A_436 = tpu.memref_slice %arg6[%dma_wait3A_434, %dma_wait3A_435] : memref<125x128xf32, #tpu.memory_space<vmem>> -> memref<15x128xf32, #tpu.memory_space<vmem>>
      tpu.wait_dma2 semaphore(%run_scoped3A_416 : memref<!tpu.dma_semaphore, #tpu.memory_space<semaphore_mem>>) src(%dma_wait3A_436 : memref<15x128xf32, #tpu.memory_space<vmem>>) dst(%dma_wait3A_433 : memref<15x128xf32, #tpu.memory_space<vmem_shared>>)
      tpu.yield
    }) : () -> ()
    %barrier3A = arith.constant 0 : index
    tpu.barrier barrier_id(%barrier3A)
    %run_scoped3A = arith.constant 0 : i32
    %run_scoped3A_20 = arith.constant 0 : i32
    %run_scoped3A_21 = arith.constant 0 : i32
    %run_scoped3A_22 = arith.constant 0 : i32
    "tpu.region"() ({
      %run_scoped3A_416 = tpu.sem_alloc : memref<!tpu.dma_semaphore, #tpu.memory_space<semaphore_mem>>
      %dma_start3A_417 = arith.constant 0 : i32
      %dma_start3A_418 = arith.constant 0 : i32
      %dma_start3A_419 = tpu.memref_slice %arg5[%run_scoped3A_21, %run_scoped3A_22, %dma_start3A_417, %dma_start3A_418] : memref<2x2x16x125xi32, #tpu.memory_space<vmem>> -> memref<1x1x16x125xi32, #tpu.memory_space<vmem>>
      %dma_start3A_420 = tpu.memref_squeeze %dma_start3A_419 : memref<1x1x16x125xi32, #tpu.memory_space<vmem>> -> memref<16x125xi32, #tpu.memory_space<vmem>>
      %dma_start3A_421 = arith.constant 0 : i32
      %dma_start3A_422 = arith.constant 0 : i32
      %dma_start3A_423 = tpu.memref_slice %arg3[%run_scoped3A, %add3A, %run_scoped3A_20, %dma_start3A_421, %dma_start3A_422] : memref<2x32x5x16x125xi32, #tpu.memory_space<hbm>> -> memref<1x1x1x16x125xi32, #tpu.memory_space<hbm>>
      %dma_start3A_424 = tpu.memref_squeeze %dma_start3A_423 : memref<1x1x1x16x125xi32, #tpu.memory_space<hbm>> -> memref<16x125xi32, #tpu.memory_space<hbm>>
      %dma_start3A_425 = arith.constant 0 : i32
      %dma_start3A_426 = arith.constant 0 : i32
      %dma_start3A_427 = tpu.memref_slice %arg5[%run_scoped3A_21, %run_scoped3A_22, %dma_start3A_425, %dma_start3A_426] : memref<2x2x16x125xi32, #tpu.memory_space<vmem>> -> memref<1x1x16x125xi32, #tpu.memory_space<vmem>>
      %dma_start3A_428 = tpu.memref_squeeze %dma_start3A_427 : memref<1x1x16x125xi32, #tpu.memory_space<vmem>> -> memref<16x125xi32, #tpu.memory_space<vmem>>
      %dma_start3A_429 = arith.constant 0 : i32
      %dma_start3A_430 = arith.constant 0 : i32
      %dma_start3A_431 = tpu.memref_slice %arg3[%run_scoped3A, %add3A, %run_scoped3A_20, %dma_start3A_429, %dma_start3A_430] : memref<2x32x5x16x125xi32, #tpu.memory_space<hbm>> -> memref<1x1x1x16x125xi32, #tpu.memory_space<hbm>>
      %dma_start3A_432 = tpu.memref_squeeze %dma_start3A_431 : memref<1x1x1x16x125xi32, #tpu.memory_space<hbm>> -> memref<16x125xi32, #tpu.memory_space<hbm>>
      tpu.enqueue_dma source(%dma_start3A_432 : memref<16x125xi32, #tpu.memory_space<hbm>>) target(%dma_start3A_428 : memref<16x125xi32, #tpu.memory_space<vmem>>) target_semaphore(%run_scoped3A_416 : memref<!tpu.dma_semaphore, #tpu.memory_space<semaphore_mem>>)
      %dma_wait3A_433 = arith.constant 0 : i32
      %dma_wait3A_434 = arith.constant 0 : i32
      %dma_wait3A_435 = tpu.memref_slice %arg5[%run_scoped3A_21, %run_scoped3A_22, %dma_wait3A_433, %dma_wait3A_434] : memref<2x2x16x125xi32, #tpu.memory_space<vmem>> -> memref<1x1x16x125xi32, #tpu.memory_space<vmem>>
      %dma_wait3A_436 = tpu.memref_squeeze %dma_wait3A_435 : memref<1x1x16x125xi32, #tpu.memory_space<vmem>> -> memref<16x125xi32, #tpu.memory_space<vmem>>
      %dma_wait3A_437 = arith.constant 0 : i32
      %dma_wait3A_438 = arith.constant 0 : i32
      %dma_wait3A_439 = tpu.memref_slice %arg3[%run_scoped3A, %add3A, %run_scoped3A_20, %dma_wait3A_437, %dma_wait3A_438] : memref<2x32x5x16x125xi32, #tpu.memory_space<hbm>> -> memref<1x1x1x16x125xi32, #tpu.memory_space<hbm>>
      %dma_wait3A_440 = tpu.memref_squeeze %dma_wait3A_439 : memref<1x1x1x16x125xi32, #tpu.memory_space<hbm>> -> memref<16x125xi32, #tpu.memory_space<hbm>>
      %dma_wait3A_441 = arith.constant 0 : i32
      %dma_wait3A_442 = arith.constant 0 : i32
      %dma_wait3A_443 = tpu.memref_slice %arg5[%run_scoped3A_21, %run_scoped3A_22, %dma_wait3A_441, %dma_wait3A_442] : memref<2x2x16x125xi32, #tpu.memory_space<vmem>> -> memref<1x1x16x125xi32, #tpu.memory_space<vmem>>
      %dma_wait3A_444 = tpu.memref_squeeze %dma_wait3A_443 : memref<1x1x16x125xi32, #tpu.memory_space<vmem>> -> memref<16x125xi32, #tpu.memory_space<vmem>>
      %dma_wait3A_445 = arith.constant 0 : i32
      %dma_wait3A_446 = arith.constant 0 : i32
      %dma_wait3A_447 = tpu.memref_slice %arg3[%run_scoped3A, %add3A, %run_scoped3A_20, %dma_wait3A_445, %dma_wait3A_446] : memref<2x32x5x16x125xi32, #tpu.memory_space<hbm>> -> memref<1x1x1x16x125xi32, #tpu.memory_space<hbm>>
      %dma_wait3A_448 = tpu.memref_squeeze %dma_wait3A_447 : memref<1x1x1x16x125xi32, #tpu.memory_space<hbm>> -> memref<16x125xi32, #tpu.memory_space<hbm>>
      tpu.wait_dma2 semaphore(%run_scoped3A_416 : memref<!tpu.dma_semaphore, #tpu.memory_space<semaphore_mem>>) src(%dma_wait3A_448 : memref<16x125xi32, #tpu.memory_space<hbm>>) dst(%dma_wait3A_444 : memref<16x125xi32, #tpu.memory_space<vmem>>)
      tpu.yield
    }) : () -> ()
    %run_scoped3A_23 = arith.constant 1 : i32
    %run_scoped3A_24 = arith.constant 0 : i32
    %run_scoped3A_25 = arith.constant 1 : i32
    %run_scoped3A_26 = arith.constant 0 : i32
    "tpu.region"() ({
      %run_scoped3A_416 = tpu.sem_alloc : memref<!tpu.dma_semaphore, #tpu.memory_space<semaphore_mem>>
      %dma_start3A_417 = arith.constant 0 : i32
      %dma_start3A_418 = arith.constant 0 : i32
      %dma_start3A_419 = tpu.memref_slice %arg5[%run_scoped3A_25, %run_scoped3A_26, %dma_start3A_417, %dma_start3A_418] : memref<2x2x16x125xi32, #tpu.memory_space<vmem>> -> memref<1x1x16x125xi32, #tpu.memory_space<vmem>>
      %dma_start3A_420 = tpu.memref_squeeze %dma_start3A_419 : memref<1x1x16x125xi32, #tpu.memory_space<vmem>> -> memref<16x125xi32, #tpu.memory_space<vmem>>
      %dma_start3A_421 = arith.constant 0 : i32
      %dma_start3A_422 = arith.constant 0 : i32
      %dma_start3A_423 = tpu.memref_slice %arg3[%run_scoped3A_23, %add3A, %run_scoped3A_24, %dma_start3A_421, %dma_start3A_422] : memref<2x32x5x16x125xi32, #tpu.memory_space<hbm>> -> memref<1x1x1x16x125xi32, #tpu.memory_space<hbm>>
      %dma_start3A_424 = tpu.memref_squeeze %dma_start3A_423 : memref<1x1x1x16x125xi32, #tpu.memory_space<hbm>> -> memref<16x125xi32, #tpu.memory_space<hbm>>
      %dma_start3A_425 = arith.constant 0 : i32
      %dma_start3A_426 = arith.constant 0 : i32
      %dma_start3A_427 = tpu.memref_slice %arg5[%run_scoped3A_25, %run_scoped3A_26, %dma_start3A_425, %dma_start3A_426] : memref<2x2x16x125xi32, #tpu.memory_space<vmem>> -> memref<1x1x16x125xi32, #tpu.memory_space<vmem>>
      %dma_start3A_428 = tpu.memref_squeeze %dma_start3A_427 : memref<1x1x16x125xi32, #tpu.memory_space<vmem>> -> memref<16x125xi32, #tpu.memory_space<vmem>>
      %dma_start3A_429 = arith.constant 0 : i32
      %dma_start3A_430 = arith.constant 0 : i32
      %dma_start3A_431 = tpu.memref_slice %arg3[%run_scoped3A_23, %add3A, %run_scoped3A_24, %dma_start3A_429, %dma_start3A_430] : memref<2x32x5x16x125xi32, #tpu.memory_space<hbm>> -> memref<1x1x1x16x125xi32, #tpu.memory_space<hbm>>
      %dma_start3A_432 = tpu.memref_squeeze %dma_start3A_431 : memref<1x1x1x16x125xi32, #tpu.memory_space<hbm>> -> memref<16x125xi32, #tpu.memory_space<hbm>>
      tpu.enqueue_dma source(%dma_start3A_432 : memref<16x125xi32, #tpu.memory_space<hbm>>) target(%dma_start3A_428 : memref<16x125xi32, #tpu.memory_space<vmem>>) target_semaphore(%run_scoped3A_416 : memref<!tpu.dma_semaphore, #tpu.memory_space<semaphore_mem>>)
      %dma_wait3A_433 = arith.constant 0 : i32
      %dma_wait3A_434 = arith.constant 0 : i32
      %dma_wait3A_435 = tpu.memref_slice %arg5[%run_scoped3A_25, %run_scoped3A_26, %dma_wait3A_433, %dma_wait3A_434] : memref<2x2x16x125xi32, #tpu.memory_space<vmem>> -> memref<1x1x16x125xi32, #tpu.memory_space<vmem>>
      %dma_wait3A_436 = tpu.memref_squeeze %dma_wait3A_435 : memref<1x1x16x125xi32, #tpu.memory_space<vmem>> -> memref<16x125xi32, #tpu.memory_space<vmem>>
      %dma_wait3A_437 = arith.constant 0 : i32
      %dma_wait3A_438 = arith.constant 0 : i32
      %dma_wait3A_439 = tpu.memref_slice %arg3[%run_scoped3A_23, %add3A, %run_scoped3A_24, %dma_wait3A_437, %dma_wait3A_438] : memref<2x32x5x16x125xi32, #tpu.memory_space<hbm>> -> memref<1x1x1x16x125xi32, #tpu.memory_space<hbm>>
      %dma_wait3A_440 = tpu.memref_squeeze %dma_wait3A_439 : memref<1x1x1x16x125xi32, #tpu.memory_space<hbm>> -> memref<16x125xi32, #tpu.memory_space<hbm>>
      %dma_wait3A_441 = arith.constant 0 : i32
      %dma_wait3A_442 = arith.constant 0 : i32
      %dma_wait3A_443 = tpu.memref_slice %arg5[%run_scoped3A_25, %run_scoped3A_26, %dma_wait3A_441, %dma_wait3A_442] : memref<2x2x16x125xi32, #tpu.memory_space<vmem>> -> memref<1x1x16x125xi32, #tpu.memory_space<vmem>>
      %dma_wait3A_444 = tpu.memref_squeeze %dma_wait3A_443 : memref<1x1x16x125xi32, #tpu.memory_space<vmem>> -> memref<16x125xi32, #tpu.memory_space<vmem>>
      %dma_wait3A_445 = arith.constant 0 : i32
      %dma_wait3A_446 = arith.constant 0 : i32
      %dma_wait3A_447 = tpu.memref_slice %arg3[%run_scoped3A_23, %add3A, %run_scoped3A_24, %dma_wait3A_445, %dma_wait3A_446] : memref<2x32x5x16x125xi32, #tpu.memory_space<hbm>> -> memref<1x1x1x16x125xi32, #tpu.memory_space<hbm>>
      %dma_wait3A_448 = tpu.memref_squeeze %dma_wait3A_447 : memref<1x1x1x16x125xi32, #tpu.memory_space<hbm>> -> memref<16x125xi32, #tpu.memory_space<hbm>>
      tpu.wait_dma2 semaphore(%run_scoped3A_416 : memref<!tpu.dma_semaphore, #tpu.memory_space<semaphore_mem>>) src(%dma_wait3A_448 : memref<16x125xi32, #tpu.memory_space<hbm>>) dst(%dma_wait3A_444 : memref<16x125xi32, #tpu.memory_space<vmem>>)
      tpu.yield
    }) : () -> ()
    %dma_start3A = arith.constant 0 : i32
    %dma_start3A_27 = arith.constant 1 : i32
    %dma_start3A_28 = arith.constant 0 : i32
    %dma_start3A_29 = arith.constant 1 : i32
    %dma_start3A_30 = arith.constant 0 : i32
    %dma_start3A_31 = arith.constant 0 : i32
    %dma_start3A_32 = tpu.memref_slice %arg5[%dma_start3A_28, %dma_start3A_29, %dma_start3A_30, %dma_start3A_31] : memref<2x2x16x125xi32, #tpu.memory_space<vmem>> -> memref<1x1x16x125xi32, #tpu.memory_space<vmem>>
    %dma_start3A_33 = tpu.memref_squeeze %dma_start3A_32 : memref<1x1x16x125xi32, #tpu.memory_space<vmem>> -> memref<16x125xi32, #tpu.memory_space<vmem>>
    %dma_start3A_34 = arith.constant 0 : i32
    %dma_start3A_35 = arith.constant 0 : i32
    %dma_start3A_36 = tpu.memref_slice %arg3[%dma_start3A, %add3A, %dma_start3A_27, %dma_start3A_34, %dma_start3A_35] : memref<2x32x5x16x125xi32, #tpu.memory_space<hbm>> -> memref<1x1x1x16x125xi32, #tpu.memory_space<hbm>>
    %dma_start3A_37 = tpu.memref_squeeze %dma_start3A_36 : memref<1x1x1x16x125xi32, #tpu.memory_space<hbm>> -> memref<16x125xi32, #tpu.memory_space<hbm>>
    %dma_start3A_38 = arith.constant 0 : i32
    %dma_start3A_39 = arith.constant 0 : i32
    %dma_start3A_40 = tpu.memref_slice %arg5[%dma_start3A_28, %dma_start3A_29, %dma_start3A_38, %dma_start3A_39] : memref<2x2x16x125xi32, #tpu.memory_space<vmem>> -> memref<1x1x16x125xi32, #tpu.memory_space<vmem>>
    %dma_start3A_41 = tpu.memref_squeeze %dma_start3A_40 : memref<1x1x16x125xi32, #tpu.memory_space<vmem>> -> memref<16x125xi32, #tpu.memory_space<vmem>>
    %dma_start3A_42 = arith.constant 0 : i32
    %dma_start3A_43 = arith.constant 0 : i32
    %dma_start3A_44 = tpu.memref_slice %arg3[%dma_start3A, %add3A, %dma_start3A_27, %dma_start3A_42, %dma_start3A_43] : memref<2x32x5x16x125xi32, #tpu.memory_space<hbm>> -> memref<1x1x1x16x125xi32, #tpu.memory_space<hbm>>
    %dma_start3A_45 = tpu.memref_squeeze %dma_start3A_44 : memref<1x1x1x16x125xi32, #tpu.memory_space<hbm>> -> memref<16x125xi32, #tpu.memory_space<hbm>>
    tpu.enqueue_dma source(%dma_start3A_45 : memref<16x125xi32, #tpu.memory_space<hbm>>) target(%dma_start3A_41 : memref<16x125xi32, #tpu.memory_space<vmem>>) target_semaphore(%arg11 : memref<!tpu.dma_semaphore, #tpu.memory_space<semaphore_mem>>)
    %dma_start3A_46 = arith.constant 1 : i32
    %dma_start3A_47 = arith.constant 1 : i32
    %dma_start3A_48 = arith.constant 1 : i32
    %dma_start3A_49 = arith.constant 1 : i32
    %dma_start3A_50 = arith.constant 0 : i32
    %dma_start3A_51 = arith.constant 0 : i32
    %dma_start3A_52 = tpu.memref_slice %arg5[%dma_start3A_48, %dma_start3A_49, %dma_start3A_50, %dma_start3A_51] : memref<2x2x16x125xi32, #tpu.memory_space<vmem>> -> memref<1x1x16x125xi32, #tpu.memory_space<vmem>>
    %dma_start3A_53 = tpu.memref_squeeze %dma_start3A_52 : memref<1x1x16x125xi32, #tpu.memory_space<vmem>> -> memref<16x125xi32, #tpu.memory_space<vmem>>
    %dma_start3A_54 = arith.constant 0 : i32
    %dma_start3A_55 = arith.constant 0 : i32
    %dma_start3A_56 = tpu.memref_slice %arg3[%dma_start3A_46, %add3A, %dma_start3A_47, %dma_start3A_54, %dma_start3A_55] : memref<2x32x5x16x125xi32, #tpu.memory_space<hbm>> -> memref<1x1x1x16x125xi32, #tpu.memory_space<hbm>>
    %dma_start3A_57 = tpu.memref_squeeze %dma_start3A_56 : memref<1x1x1x16x125xi32, #tpu.memory_space<hbm>> -> memref<16x125xi32, #tpu.memory_space<hbm>>
    %dma_start3A_58 = arith.constant 0 : i32
    %dma_start3A_59 = arith.constant 0 : i32
    %dma_start3A_60 = tpu.memref_slice %arg5[%dma_start3A_48, %dma_start3A_49, %dma_start3A_58, %dma_start3A_59] : memref<2x2x16x125xi32, #tpu.memory_space<vmem>> -> memref<1x1x16x125xi32, #tpu.memory_space<vmem>>
    %dma_start3A_61 = tpu.memref_squeeze %dma_start3A_60 : memref<1x1x16x125xi32, #tpu.memory_space<vmem>> -> memref<16x125xi32, #tpu.memory_space<vmem>>
    %dma_start3A_62 = arith.constant 0 : i32
    %dma_start3A_63 = arith.constant 0 : i32
    %dma_start3A_64 = tpu.memref_slice %arg3[%dma_start3A_46, %add3A, %dma_start3A_47, %dma_start3A_62, %dma_start3A_63] : memref<2x32x5x16x125xi32, #tpu.memory_space<hbm>> -> memref<1x1x1x16x125xi32, #tpu.memory_space<hbm>>
    %dma_start3A_65 = tpu.memref_squeeze %dma_start3A_64 : memref<1x1x1x16x125xi32, #tpu.memory_space<hbm>> -> memref<16x125xi32, #tpu.memory_space<hbm>>
    tpu.enqueue_dma source(%dma_start3A_65 : memref<16x125xi32, #tpu.memory_space<hbm>>) target(%dma_start3A_61 : memref<16x125xi32, #tpu.memory_space<vmem>>) target_semaphore(%arg12 : memref<!tpu.dma_semaphore, #tpu.memory_space<semaphore_mem>>)
    %dma_start3A_66 = arith.constant 0 : i32
    %dma_start3A_67 = arith.constant 0 : i32
    %dma_start3A_68 = arith.constant 0 : i32
    %dma_start3A_69 = arith.constant 0 : i32
    %dma_start3A_70 = tpu.memref_slice %arg5[%dma_start3A_66, %dma_start3A_67, %dma_start3A_68, %dma_start3A_69] : memref<2x2x16x125xi32, #tpu.memory_space<vmem>> -> memref<1x1x1x125xi32, #tpu.memory_space<vmem>>
    %dma_start3A_71 = tpu.memref_squeeze %dma_start3A_70 : memref<1x1x1x125xi32, #tpu.memory_space<vmem>> -> memref<125xi32, #tpu.memory_space<vmem>>
    %dma_start3A_72 = arith.constant 0 : i32
    %dma_start3A_73 = arith.constant 0 : i32
    %dma_start3A_74 = tpu.memref_slice %arg2[%dma_start3A_72, %dma_start3A_73] : memref<10000x128xf32, #tpu.memory_space<hbm>> -> memref<10000x128xf32, #tpu.memory_space<hbm>>
    tpu.enqueue_indirect_dma source(%dma_start3A_74 : memref<10000x128xf32, #tpu.memory_space<hbm>>) target(%arg6 : memref<125x128xf32, #tpu.memory_space<vmem>>) offsets(%dma_start3A_71 : memref<125xi32, #tpu.memory_space<vmem>>) semaphore(%arg9 : memref<!tpu.dma_semaphore, #tpu.memory_space<semaphore_mem>>)
    %scan3A_75 = arith.constant 0 : i32
    %scan3A_76 = arith.constant 8 : i32
    %scan3A_77 = arith.addi %scan3A_75, %scan3A_76 : i32
    %scan3A_78 = arith.constant 1 : i32
    scf.for %scan3A_416 = %scan3A_75 to %scan3A_77 step %scan3A_78  : i32 {
      %mul3A_417 = arith.constant 2 : i32
      %mul3A_418 = arith.muli %scan3A_416, %mul3A_417 : i32
      %add3A_419 = arith.constant 0 : i32
      %add3A_420 = arith.addi %add3A_419, %mul3A_418 : i32
      %add3A_421 = arith.constant 1 : i32
      %add3A_422 = arith.addi %add3A_420, %add3A_421 : i32
      %dma_start3A_423 = arith.constant 0 : i32
      %dma_start3A_424 = arith.constant 0 : i32
      %dma_start3A_425 = arith.constant 0 : i32
      %dma_start3A_426 = tpu.memref_slice %arg5[%dma_start3A_423, %dma_start3A_424, %add3A_422, %dma_start3A_425] : memref<2x2x16x125xi32, #tpu.memory_space<vmem>> -> memref<1x1x1x125xi32, #tpu.memory_space<vmem>>
      %dma_start3A_427 = tpu.memref_squeeze %dma_start3A_426 : memref<1x1x1x125xi32, #tpu.memory_space<vmem>> -> memref<125xi32, #tpu.memory_space<vmem>>
      %dma_start3A_428 = arith.constant 0 : i32
      %dma_start3A_429 = arith.constant 0 : i32
      %dma_start3A_430 = tpu.memref_slice %arg2[%dma_start3A_428, %dma_start3A_429] : memref<10000x128xf32, #tpu.memory_space<hbm>> -> memref<10000x128xf32, #tpu.memory_space<hbm>>
      tpu.enqueue_indirect_dma source(%dma_start3A_430 : memref<10000x128xf32, #tpu.memory_space<hbm>>) target(%arg7 : memref<125x128xf32, #tpu.memory_space<vmem>>) offsets(%dma_start3A_427 : memref<125xi32, #tpu.memory_space<vmem>>) semaphore(%arg10 : memref<!tpu.dma_semaphore, #tpu.memory_space<semaphore_mem>>)
      %dma_wait3A_431 = arith.constant 0 : i32
      %dma_wait3A_432 = arith.constant 0 : i32
      %dma_wait3A_433 = arith.constant 0 : i32
      %dma_wait3A_434 = arith.constant 0 : i32
      %dma_wait3A_435 = tpu.memref_slice %arg5[%dma_wait3A_431, %dma_wait3A_432, %dma_wait3A_433, %dma_wait3A_434] : memref<2x2x16x125xi32, #tpu.memory_space<vmem>> -> memref<1x1x1x125xi32, #tpu.memory_space<vmem>>
      %dma_wait3A_436 = tpu.memref_squeeze %dma_wait3A_435 : memref<1x1x1x125xi32, #tpu.memory_space<vmem>> -> memref<125xi32, #tpu.memory_space<vmem>>
      %dma_wait3A_437 = arith.constant 0 : i32
      %dma_wait3A_438 = arith.constant 0 : i32
      %dma_wait3A_439 = tpu.memref_slice %arg2[%dma_wait3A_437, %dma_wait3A_438] : memref<10000x128xf32, #tpu.memory_space<hbm>> -> memref<10000x128xf32, #tpu.memory_space<hbm>>
      tpu.wait_indirect_dma semaphore(%arg9 : memref<!tpu.dma_semaphore, #tpu.memory_space<semaphore_mem>>) src(%dma_wait3A_439 : memref<10000x128xf32, #tpu.memory_space<hbm>>) dst(%arg6 : memref<125x128xf32, #tpu.memory_space<vmem>>)
      %run_scoped3A_440 = arith.constant 1 : i32
      %run_scoped3A_441 = arith.constant 0 : i32
      "tpu.region"() ({
        %run_scoped3A_459 = tpu.sem_alloc : memref<!tpu.dma_semaphore, #tpu.memory_space<semaphore_mem>>
        %dma_start3A_460 = arith.constant 0 : i32
        %dma_start3A_461 = tpu.memref_slice %arg5[%run_scoped3A_440, %run_scoped3A_441, %add3A_420, %dma_start3A_460] : memref<2x2x16x125xi32, #tpu.memory_space<vmem>> -> memref<1x1x1x125xi32, #tpu.memory_space<vmem>>
        %dma_start3A_462 = tpu.memref_squeeze %dma_start3A_461 : memref<1x1x1x125xi32, #tpu.memory_space<vmem>> -> memref<125xi32, #tpu.memory_space<vmem>>
        %dma_start3A_463 = arith.constant 0 : i32
        %dma_start3A_464 = arith.constant 0 : i32
        %dma_start3A_465 = tpu.memref_slice %arg8[%dma_start3A_463, %dma_start3A_464] : memref<10240x128xf32, #tpu.memory_space<vmem_shared>> -> memref<10240x128xf32, #tpu.memory_space<vmem_shared>>
        tpu.enqueue_indirect_dma source(%arg6 : memref<125x128xf32, #tpu.memory_space<vmem>>) target(%dma_start3A_465 : memref<10240x128xf32, #tpu.memory_space<vmem_shared>>) offsets(%dma_start3A_462 : memref<125xi32, #tpu.memory_space<vmem>>) semaphore(%run_scoped3A_459 : memref<!tpu.dma_semaphore, #tpu.memory_space<semaphore_mem>>) {add = true}
        %dma_wait3A_466 = arith.constant 0 : i32
        %dma_wait3A_467 = tpu.memref_slice %arg5[%run_scoped3A_440, %run_scoped3A_441, %add3A_420, %dma_wait3A_466] : memref<2x2x16x125xi32, #tpu.memory_space<vmem>> -> memref<1x1x1x125xi32, #tpu.memory_space<vmem>>
        %dma_wait3A_468 = tpu.memref_squeeze %dma_wait3A_467 : memref<1x1x1x125xi32, #tpu.memory_space<vmem>> -> memref<125xi32, #tpu.memory_space<vmem>>
        %dma_wait3A_469 = arith.constant 0 : i32
        %dma_wait3A_470 = arith.constant 0 : i32
        %dma_wait3A_471 = tpu.memref_slice %arg8[%dma_wait3A_469, %dma_wait3A_470] : memref<10240x128xf32, #tpu.memory_space<vmem_shared>> -> memref<10240x128xf32, #tpu.memory_space<vmem_shared>>
        tpu.wait_indirect_dma semaphore(%run_scoped3A_459 : memref<!tpu.dma_semaphore, #tpu.memory_space<semaphore_mem>>) src(%arg6 : memref<125x128xf32, #tpu.memory_space<vmem>>) dst(%dma_wait3A_471 : memref<10240x128xf32, #tpu.memory_space<vmem_shared>>)
        tpu.yield
      }) : () -> ()
      %add3A_442 = arith.constant 2 : i32
      %add3A_443 = arith.addi %add3A_420, %add3A_442 : i32
      %lt3A = arith.constant 16 : i32
      %lt3A_444 = arith.cmpi slt, %add3A_443, %lt3A : i32
      %convert_element_type3A = arith.extui %lt3A_444 : i1 to i32
      %cond3A = arith.constant 0 : i32
      %cond3A_445 = arith.cmpi ne, %convert_element_type3A, %cond3A : i32
      scf.if %cond3A_445 {
        %add3A_459 = arith.constant 2 : i32
        %add3A_460 = arith.addi %add3A_420, %add3A_459 : i32
        %dma_start3A_461 = arith.constant 0 : i32
        %dma_start3A_462 = arith.constant 0 : i32
        %dma_start3A_463 = arith.constant 0 : i32
        %dma_start3A_464 = tpu.memref_slice %arg5[%dma_start3A_461, %dma_start3A_462, %add3A_460, %dma_start3A_463] : memref<2x2x16x125xi32, #tpu.memory_space<vmem>> -> memref<1x1x1x125xi32, #tpu.memory_space<vmem>>
        %dma_start3A_465 = tpu.memref_squeeze %dma_start3A_464 : memref<1x1x1x125xi32, #tpu.memory_space<vmem>> -> memref<125xi32, #tpu.memory_space<vmem>>
        %dma_start3A_466 = arith.constant 0 : i32
        %dma_start3A_467 = arith.constant 0 : i32
        %dma_start3A_468 = tpu.memref_slice %arg2[%dma_start3A_466, %dma_start3A_467] : memref<10000x128xf32, #tpu.memory_space<hbm>> -> memref<10000x128xf32, #tpu.memory_space<hbm>>
        tpu.enqueue_indirect_dma source(%dma_start3A_468 : memref<10000x128xf32, #tpu.memory_space<hbm>>) target(%arg6 : memref<125x128xf32, #tpu.memory_space<vmem>>) offsets(%dma_start3A_465 : memref<125xi32, #tpu.memory_space<vmem>>) semaphore(%arg9 : memref<!tpu.dma_semaphore, #tpu.memory_space<semaphore_mem>>)
      } else {
      }
      %dma_wait3A_446 = arith.constant 0 : i32
      %dma_wait3A_447 = arith.constant 0 : i32
      %dma_wait3A_448 = arith.constant 0 : i32
      %dma_wait3A_449 = arith.constant 0 : i32
      %dma_wait3A_450 = tpu.memref_slice %arg5[%dma_wait3A_446, %dma_wait3A_447, %dma_wait3A_448, %dma_wait3A_449] : memref<2x2x16x125xi32, #tpu.memory_space<vmem>> -> memref<1x1x1x125xi32, #tpu.memory_space<vmem>>
      %dma_wait3A_451 = tpu.memref_squeeze %dma_wait3A_450 : memref<1x1x1x125xi32, #tpu.memory_space<vmem>> -> memref<125xi32, #tpu.memory_space<vmem>>
      %dma_wait3A_452 = arith.constant 0 : i32
      %dma_wait3A_453 = arith.constant 0 : i32
      %dma_wait3A_454 = tpu.memref_slice %arg2[%dma_wait3A_452, %dma_wait3A_453] : memref<10000x128xf32, #tpu.memory_space<hbm>> -> memref<10000x128xf32, #tpu.memory_space<hbm>>
      tpu.wait_indirect_dma semaphore(%arg10 : memref<!tpu.dma_semaphore, #tpu.memory_space<semaphore_mem>>) src(%dma_wait3A_454 : memref<10000x128xf32, #tpu.memory_space<hbm>>) dst(%arg7 : memref<125x128xf32, #tpu.memory_space<vmem>>)
      %add3A_455 = arith.constant 1 : i32
      %add3A_456 = arith.addi %add3A_420, %add3A_455 : i32
      %run_scoped3A_457 = arith.constant 1 : i32
      %run_scoped3A_458 = arith.constant 0 : i32
      "tpu.region"() ({
        %run_scoped3A_459 = tpu.sem_alloc : memref<!tpu.dma_semaphore, #tpu.memory_space<semaphore_mem>>
        %dma_start3A_460 = arith.constant 0 : i32
        %dma_start3A_461 = tpu.memref_slice %arg5[%run_scoped3A_457, %run_scoped3A_458, %add3A_456, %dma_start3A_460] : memref<2x2x16x125xi32, #tpu.memory_space<vmem>> -> memref<1x1x1x125xi32, #tpu.memory_space<vmem>>
        %dma_start3A_462 = tpu.memref_squeeze %dma_start3A_461 : memref<1x1x1x125xi32, #tpu.memory_space<vmem>> -> memref<125xi32, #tpu.memory_space<vmem>>
        %dma_start3A_463 = arith.constant 0 : i32
        %dma_start3A_464 = arith.constant 0 : i32
        %dma_start3A_465 = tpu.memref_slice %arg8[%dma_start3A_463, %dma_start3A_464] : memref<10240x128xf32, #tpu.memory_space<vmem_shared>> -> memref<10240x128xf32, #tpu.memory_space<vmem_shared>>
        tpu.enqueue_indirect_dma source(%arg7 : memref<125x128xf32, #tpu.memory_space<vmem>>) target(%dma_start3A_465 : memref<10240x128xf32, #tpu.memory_space<vmem_shared>>) offsets(%dma_start3A_462 : memref<125xi32, #tpu.memory_space<vmem>>) semaphore(%run_scoped3A_459 : memref<!tpu.dma_semaphore, #tpu.memory_space<semaphore_mem>>) {add = true}
        %dma_wait3A_466 = arith.constant 0 : i32
        %dma_wait3A_467 = tpu.memref_slice %arg5[%run_scoped3A_457, %run_scoped3A_458, %add3A_456, %dma_wait3A_466] : memref<2x2x16x125xi32, #tpu.memory_space<vmem>> -> memref<1x1x1x125xi32, #tpu.memory_space<vmem>>
        %dma_wait3A_468 = tpu.memref_squeeze %dma_wait3A_467 : memref<1x1x1x125xi32, #tpu.memory_space<vmem>> -> memref<125xi32, #tpu.memory_space<vmem>>
        %dma_wait3A_469 = arith.constant 0 : i32
        %dma_wait3A_470 = arith.constant 0 : i32
        %dma_wait3A_471 = tpu.memref_slice %arg8[%dma_wait3A_469, %dma_wait3A_470] : memref<10240x128xf32, #tpu.memory_space<vmem_shared>> -> memref<10240x128xf32, #tpu.memory_space<vmem_shared>>
        tpu.wait_indirect_dma semaphore(%run_scoped3A_459 : memref<!tpu.dma_semaphore, #tpu.memory_space<semaphore_mem>>) src(%arg7 : memref<125x128xf32, #tpu.memory_space<vmem>>) dst(%dma_wait3A_471 : memref<10240x128xf32, #tpu.memory_space<vmem_shared>>)
        tpu.yield
      }) : () -> ()
    }
    %scan3A_79 = arith.constant 8 : i32
    %dma_wait3A = arith.constant 0 : i32
    %dma_wait3A_80 = arith.constant 1 : i32
    %dma_wait3A_81 = arith.constant 0 : i32
    %dma_wait3A_82 = arith.constant 1 : i32
    %dma_wait3A_83 = arith.constant 0 : i32
    %dma_wait3A_84 = arith.constant 0 : i32
    %dma_wait3A_85 = tpu.memref_slice %arg5[%dma_wait3A_81, %dma_wait3A_82, %dma_wait3A_83, %dma_wait3A_84] : memref<2x2x16x125xi32, #tpu.memory_space<vmem>> -> memref<1x1x16x125xi32, #tpu.memory_space<vmem>>
    %dma_wait3A_86 = tpu.memref_squeeze %dma_wait3A_85 : memref<1x1x16x125xi32, #tpu.memory_space<vmem>> -> memref<16x125xi32, #tpu.memory_space<vmem>>
    %dma_wait3A_87 = arith.constant 0 : i32
    %dma_wait3A_88 = arith.constant 0 : i32
    %dma_wait3A_89 = tpu.memref_slice %arg3[%dma_wait3A, %add3A, %dma_wait3A_80, %dma_wait3A_87, %dma_wait3A_88] : memref<2x32x5x16x125xi32, #tpu.memory_space<hbm>> -> memref<1x1x1x16x125xi32, #tpu.memory_space<hbm>>
    %dma_wait3A_90 = tpu.memref_squeeze %dma_wait3A_89 : memref<1x1x1x16x125xi32, #tpu.memory_space<hbm>> -> memref<16x125xi32, #tpu.memory_space<hbm>>
    %dma_wait3A_91 = arith.constant 0 : i32
    %dma_wait3A_92 = arith.constant 0 : i32
    %dma_wait3A_93 = tpu.memref_slice %arg5[%dma_wait3A_81, %dma_wait3A_82, %dma_wait3A_91, %dma_wait3A_92] : memref<2x2x16x125xi32, #tpu.memory_space<vmem>> -> memref<1x1x16x125xi32, #tpu.memory_space<vmem>>
    %dma_wait3A_94 = tpu.memref_squeeze %dma_wait3A_93 : memref<1x1x16x125xi32, #tpu.memory_space<vmem>> -> memref<16x125xi32, #tpu.memory_space<vmem>>
    %dma_wait3A_95 = arith.constant 0 : i32
    %dma_wait3A_96 = arith.constant 0 : i32
    %dma_wait3A_97 = tpu.memref_slice %arg3[%dma_wait3A, %add3A, %dma_wait3A_80, %dma_wait3A_95, %dma_wait3A_96] : memref<2x32x5x16x125xi32, #tpu.memory_space<hbm>> -> memref<1x1x1x16x125xi32, #tpu.memory_space<hbm>>
    %dma_wait3A_98 = tpu.memref_squeeze %dma_wait3A_97 : memref<1x1x1x16x125xi32, #tpu.memory_space<hbm>> -> memref<16x125xi32, #tpu.memory_space<hbm>>
    tpu.wait_dma2 semaphore(%arg11 : memref<!tpu.dma_semaphore, #tpu.memory_space<semaphore_mem>>) src(%dma_wait3A_98 : memref<16x125xi32, #tpu.memory_space<hbm>>) dst(%dma_wait3A_94 : memref<16x125xi32, #tpu.memory_space<vmem>>)
    %dma_wait3A_99 = arith.constant 1 : i32
    %dma_wait3A_100 = arith.constant 1 : i32
    %dma_wait3A_101 = arith.constant 1 : i32
    %dma_wait3A_102 = arith.constant 1 : i32
    %dma_wait3A_103 = arith.constant 0 : i32
    %dma_wait3A_104 = arith.constant 0 : i32
    %dma_wait3A_105 = tpu.memref_slice %arg5[%dma_wait3A_101, %dma_wait3A_102, %dma_wait3A_103, %dma_wait3A_104] : memref<2x2x16x125xi32, #tpu.memory_space<vmem>> -> memref<1x1x16x125xi32, #tpu.memory_space<vmem>>
    %dma_wait3A_106 = tpu.memref_squeeze %dma_wait3A_105 : memref<1x1x16x125xi32, #tpu.memory_space<vmem>> -> memref<16x125xi32, #tpu.memory_space<vmem>>
    %dma_wait3A_107 = arith.constant 0 : i32
    %dma_wait3A_108 = arith.constant 0 : i32
    %dma_wait3A_109 = tpu.memref_slice %arg3[%dma_wait3A_99, %add3A, %dma_wait3A_100, %dma_wait3A_107, %dma_wait3A_108] : memref<2x32x5x16x125xi32, #tpu.memory_space<hbm>> -> memref<1x1x1x16x125xi32, #tpu.memory_space<hbm>>
    %dma_wait3A_110 = tpu.memref_squeeze %dma_wait3A_109 : memref<1x1x1x16x125xi32, #tpu.memory_space<hbm>> -> memref<16x125xi32, #tpu.memory_space<hbm>>
    %dma_wait3A_111 = arith.constant 0 : i32
    %dma_wait3A_112 = arith.constant 0 : i32
    %dma_wait3A_113 = tpu.memref_slice %arg5[%dma_wait3A_101, %dma_wait3A_102, %dma_wait3A_111, %dma_wait3A_112] : memref<2x2x16x125xi32, #tpu.memory_space<vmem>> -> memref<1x1x16x125xi32, #tpu.memory_space<vmem>>
    %dma_wait3A_114 = tpu.memref_squeeze %dma_wait3A_113 : memref<1x1x16x125xi32, #tpu.memory_space<vmem>> -> memref<16x125xi32, #tpu.memory_space<vmem>>
    %dma_wait3A_115 = arith.constant 0 : i32
    %dma_wait3A_116 = arith.constant 0 : i32
    %dma_wait3A_117 = tpu.memref_slice %arg3[%dma_wait3A_99, %add3A, %dma_wait3A_100, %dma_wait3A_115, %dma_wait3A_116] : memref<2x32x5x16x125xi32, #tpu.memory_space<hbm>> -> memref<1x1x1x16x125xi32, #tpu.memory_space<hbm>>
    %dma_wait3A_118 = tpu.memref_squeeze %dma_wait3A_117 : memref<1x1x1x16x125xi32, #tpu.memory_space<hbm>> -> memref<16x125xi32, #tpu.memory_space<hbm>>
    tpu.wait_dma2 semaphore(%arg12 : memref<!tpu.dma_semaphore, #tpu.memory_space<semaphore_mem>>) src(%dma_wait3A_118 : memref<16x125xi32, #tpu.memory_space<hbm>>) dst(%dma_wait3A_114 : memref<16x125xi32, #tpu.memory_space<vmem>>)
    %dma_start3A_119 = arith.constant 0 : i32
    %dma_start3A_120 = arith.constant 2 : i32
    %dma_start3A_121 = arith.constant 0 : i32
    %dma_start3A_122 = arith.constant 0 : i32
    %dma_start3A_123 = arith.constant 0 : i32
    %dma_start3A_124 = arith.constant 0 : i32
    %dma_start3A_125 = tpu.memref_slice %arg5[%dma_start3A_121, %dma_start3A_122, %dma_start3A_123, %dma_start3A_124] : memref<2x2x16x125xi32, #tpu.memory_space<vmem>> -> memref<1x1x16x125xi32, #tpu.memory_space<vmem>>
    %dma_start3A_126 = tpu.memref_squeeze %dma_start3A_125 : memref<1x1x16x125xi32, #tpu.memory_space<vmem>> -> memref<16x125xi32, #tpu.memory_space<vmem>>
    %dma_start3A_127 = arith.constant 0 : i32
    %dma_start3A_128 = arith.constant 0 : i32
    %dma_start3A_129 = tpu.memref_slice %arg3[%dma_start3A_119, %add3A, %dma_start3A_120, %dma_start3A_127, %dma_start3A_128] : memref<2x32x5x16x125xi32, #tpu.memory_space<hbm>> -> memref<1x1x1x16x125xi32, #tpu.memory_space<hbm>>
    %dma_start3A_130 = tpu.memref_squeeze %dma_start3A_129 : memref<1x1x1x16x125xi32, #tpu.memory_space<hbm>> -> memref<16x125xi32, #tpu.memory_space<hbm>>
    %dma_start3A_131 = arith.constant 0 : i32
    %dma_start3A_132 = arith.constant 0 : i32
    %dma_start3A_133 = tpu.memref_slice %arg5[%dma_start3A_121, %dma_start3A_122, %dma_start3A_131, %dma_start3A_132] : memref<2x2x16x125xi32, #tpu.memory_space<vmem>> -> memref<1x1x16x125xi32, #tpu.memory_space<vmem>>
    %dma_start3A_134 = tpu.memref_squeeze %dma_start3A_133 : memref<1x1x16x125xi32, #tpu.memory_space<vmem>> -> memref<16x125xi32, #tpu.memory_space<vmem>>
    %dma_start3A_135 = arith.constant 0 : i32
    %dma_start3A_136 = arith.constant 0 : i32
    %dma_start3A_137 = tpu.memref_slice %arg3[%dma_start3A_119, %add3A, %dma_start3A_120, %dma_start3A_135, %dma_start3A_136] : memref<2x32x5x16x125xi32, #tpu.memory_space<hbm>> -> memref<1x1x1x16x125xi32, #tpu.memory_space<hbm>>
    %dma_start3A_138 = tpu.memref_squeeze %dma_start3A_137 : memref<1x1x1x16x125xi32, #tpu.memory_space<hbm>> -> memref<16x125xi32, #tpu.memory_space<hbm>>
    tpu.enqueue_dma source(%dma_start3A_138 : memref<16x125xi32, #tpu.memory_space<hbm>>) target(%dma_start3A_134 : memref<16x125xi32, #tpu.memory_space<vmem>>) target_semaphore(%arg11 : memref<!tpu.dma_semaphore, #tpu.memory_space<semaphore_mem>>)
    %dma_start3A_139 = arith.constant 1 : i32
    %dma_start3A_140 = arith.constant 2 : i32
    %dma_start3A_141 = arith.constant 1 : i32
    %dma_start3A_142 = arith.constant 0 : i32
    %dma_start3A_143 = arith.constant 0 : i32
    %dma_start3A_144 = arith.constant 0 : i32
    %dma_start3A_145 = tpu.memref_slice %arg5[%dma_start3A_141, %dma_start3A_142, %dma_start3A_143, %dma_start3A_144] : memref<2x2x16x125xi32, #tpu.memory_space<vmem>> -> memref<1x1x16x125xi32, #tpu.memory_space<vmem>>
    %dma_start3A_146 = tpu.memref_squeeze %dma_start3A_145 : memref<1x1x16x125xi32, #tpu.memory_space<vmem>> -> memref<16x125xi32, #tpu.memory_space<vmem>>
    %dma_start3A_147 = arith.constant 0 : i32
    %dma_start3A_148 = arith.constant 0 : i32
    %dma_start3A_149 = tpu.memref_slice %arg3[%dma_start3A_139, %add3A, %dma_start3A_140, %dma_start3A_147, %dma_start3A_148] : memref<2x32x5x16x125xi32, #tpu.memory_space<hbm>> -> memref<1x1x1x16x125xi32, #tpu.memory_space<hbm>>
    %dma_start3A_150 = tpu.memref_squeeze %dma_start3A_149 : memref<1x1x1x16x125xi32, #tpu.memory_space<hbm>> -> memref<16x125xi32, #tpu.memory_space<hbm>>
    %dma_start3A_151 = arith.constant 0 : i32
    %dma_start3A_152 = arith.constant 0 : i32
    %dma_start3A_153 = tpu.memref_slice %arg5[%dma_start3A_141, %dma_start3A_142, %dma_start3A_151, %dma_start3A_152] : memref<2x2x16x125xi32, #tpu.memory_space<vmem>> -> memref<1x1x16x125xi32, #tpu.memory_space<vmem>>
    %dma_start3A_154 = tpu.memref_squeeze %dma_start3A_153 : memref<1x1x16x125xi32, #tpu.memory_space<vmem>> -> memref<16x125xi32, #tpu.memory_space<vmem>>
    %dma_start3A_155 = arith.constant 0 : i32
    %dma_start3A_156 = arith.constant 0 : i32
    %dma_start3A_157 = tpu.memref_slice %arg3[%dma_start3A_139, %add3A, %dma_start3A_140, %dma_start3A_155, %dma_start3A_156] : memref<2x32x5x16x125xi32, #tpu.memory_space<hbm>> -> memref<1x1x1x16x125xi32, #tpu.memory_space<hbm>>
    %dma_start3A_158 = tpu.memref_squeeze %dma_start3A_157 : memref<1x1x1x16x125xi32, #tpu.memory_space<hbm>> -> memref<16x125xi32, #tpu.memory_space<hbm>>
    tpu.enqueue_dma source(%dma_start3A_158 : memref<16x125xi32, #tpu.memory_space<hbm>>) target(%dma_start3A_154 : memref<16x125xi32, #tpu.memory_space<vmem>>) target_semaphore(%arg12 : memref<!tpu.dma_semaphore, #tpu.memory_space<semaphore_mem>>)
    %dma_start3A_159 = arith.constant 0 : i32
    %dma_start3A_160 = arith.constant 1 : i32
    %dma_start3A_161 = arith.constant 0 : i32
    %dma_start3A_162 = arith.constant 0 : i32
    %dma_start3A_163 = tpu.memref_slice %arg5[%dma_start3A_159, %dma_start3A_160, %dma_start3A_161, %dma_start3A_162] : memref<2x2x16x125xi32, #tpu.memory_space<vmem>> -> memref<1x1x1x125xi32, #tpu.memory_space<vmem>>
    %dma_start3A_164 = tpu.memref_squeeze %dma_start3A_163 : memref<1x1x1x125xi32, #tpu.memory_space<vmem>> -> memref<125xi32, #tpu.memory_space<vmem>>
    %dma_start3A_165 = arith.constant 0 : i32
    %dma_start3A_166 = arith.constant 0 : i32
    %dma_start3A_167 = tpu.memref_slice %arg2[%dma_start3A_165, %dma_start3A_166] : memref<10000x128xf32, #tpu.memory_space<hbm>> -> memref<10000x128xf32, #tpu.memory_space<hbm>>
    tpu.enqueue_indirect_dma source(%dma_start3A_167 : memref<10000x128xf32, #tpu.memory_space<hbm>>) target(%arg6 : memref<125x128xf32, #tpu.memory_space<vmem>>) offsets(%dma_start3A_164 : memref<125xi32, #tpu.memory_space<vmem>>) semaphore(%arg9 : memref<!tpu.dma_semaphore, #tpu.memory_space<semaphore_mem>>)
    %scan3A_168 = arith.constant 0 : i32
    %scan3A_169 = arith.constant 8 : i32
    %scan3A_170 = arith.addi %scan3A_168, %scan3A_169 : i32
    %scan3A_171 = arith.constant 1 : i32
    scf.for %scan3A_416 = %scan3A_168 to %scan3A_170 step %scan3A_171  : i32 {
      %mul3A_417 = arith.constant 2 : i32
      %mul3A_418 = arith.muli %scan3A_416, %mul3A_417 : i32
      %add3A_419 = arith.constant 0 : i32
      %add3A_420 = arith.addi %add3A_419, %mul3A_418 : i32
      %add3A_421 = arith.constant 1 : i32
      %add3A_422 = arith.addi %add3A_420, %add3A_421 : i32
      %dma_start3A_423 = arith.constant 0 : i32
      %dma_start3A_424 = arith.constant 1 : i32
      %dma_start3A_425 = arith.constant 0 : i32
      %dma_start3A_426 = tpu.memref_slice %arg5[%dma_start3A_423, %dma_start3A_424, %add3A_422, %dma_start3A_425] : memref<2x2x16x125xi32, #tpu.memory_space<vmem>> -> memref<1x1x1x125xi32, #tpu.memory_space<vmem>>
      %dma_start3A_427 = tpu.memref_squeeze %dma_start3A_426 : memref<1x1x1x125xi32, #tpu.memory_space<vmem>> -> memref<125xi32, #tpu.memory_space<vmem>>
      %dma_start3A_428 = arith.constant 0 : i32
      %dma_start3A_429 = arith.constant 0 : i32
      %dma_start3A_430 = tpu.memref_slice %arg2[%dma_start3A_428, %dma_start3A_429] : memref<10000x128xf32, #tpu.memory_space<hbm>> -> memref<10000x128xf32, #tpu.memory_space<hbm>>
      tpu.enqueue_indirect_dma source(%dma_start3A_430 : memref<10000x128xf32, #tpu.memory_space<hbm>>) target(%arg7 : memref<125x128xf32, #tpu.memory_space<vmem>>) offsets(%dma_start3A_427 : memref<125xi32, #tpu.memory_space<vmem>>) semaphore(%arg10 : memref<!tpu.dma_semaphore, #tpu.memory_space<semaphore_mem>>)
      %dma_wait3A_431 = arith.constant 0 : i32
      %dma_wait3A_432 = arith.constant 1 : i32
      %dma_wait3A_433 = arith.constant 0 : i32
      %dma_wait3A_434 = arith.constant 0 : i32
      %dma_wait3A_435 = tpu.memref_slice %arg5[%dma_wait3A_431, %dma_wait3A_432, %dma_wait3A_433, %dma_wait3A_434] : memref<2x2x16x125xi32, #tpu.memory_space<vmem>> -> memref<1x1x1x125xi32, #tpu.memory_space<vmem>>
      %dma_wait3A_436 = tpu.memref_squeeze %dma_wait3A_435 : memref<1x1x1x125xi32, #tpu.memory_space<vmem>> -> memref<125xi32, #tpu.memory_space<vmem>>
      %dma_wait3A_437 = arith.constant 0 : i32
      %dma_wait3A_438 = arith.constant 0 : i32
      %dma_wait3A_439 = tpu.memref_slice %arg2[%dma_wait3A_437, %dma_wait3A_438] : memref<10000x128xf32, #tpu.memory_space<hbm>> -> memref<10000x128xf32, #tpu.memory_space<hbm>>
      tpu.wait_indirect_dma semaphore(%arg9 : memref<!tpu.dma_semaphore, #tpu.memory_space<semaphore_mem>>) src(%dma_wait3A_439 : memref<10000x128xf32, #tpu.memory_space<hbm>>) dst(%arg6 : memref<125x128xf32, #tpu.memory_space<vmem>>)
      %run_scoped3A_440 = arith.constant 1 : i32
      %run_scoped3A_441 = arith.constant 1 : i32
      "tpu.region"() ({
        %run_scoped3A_459 = tpu.sem_alloc : memref<!tpu.dma_semaphore, #tpu.memory_space<semaphore_mem>>
        %dma_start3A_460 = arith.constant 0 : i32
        %dma_start3A_461 = tpu.memref_slice %arg5[%run_scoped3A_440, %run_scoped3A_441, %add3A_420, %dma_start3A_460] : memref<2x2x16x125xi32, #tpu.memory_space<vmem>> -> memref<1x1x1x125xi32, #tpu.memory_space<vmem>>
        %dma_start3A_462 = tpu.memref_squeeze %dma_start3A_461 : memref<1x1x1x125xi32, #tpu.memory_space<vmem>> -> memref<125xi32, #tpu.memory_space<vmem>>
        %dma_start3A_463 = arith.constant 0 : i32
        %dma_start3A_464 = arith.constant 0 : i32
        %dma_start3A_465 = tpu.memref_slice %arg8[%dma_start3A_463, %dma_start3A_464] : memref<10240x128xf32, #tpu.memory_space<vmem_shared>> -> memref<10240x128xf32, #tpu.memory_space<vmem_shared>>
        tpu.enqueue_indirect_dma source(%arg6 : memref<125x128xf32, #tpu.memory_space<vmem>>) target(%dma_start3A_465 : memref<10240x128xf32, #tpu.memory_space<vmem_shared>>) offsets(%dma_start3A_462 : memref<125xi32, #tpu.memory_space<vmem>>) semaphore(%run_scoped3A_459 : memref<!tpu.dma_semaphore, #tpu.memory_space<semaphore_mem>>) {add = true}
        %dma_wait3A_466 = arith.constant 0 : i32
        %dma_wait3A_467 = tpu.memref_slice %arg5[%run_scoped3A_440, %run_scoped3A_441, %add3A_420, %dma_wait3A_466] : memref<2x2x16x125xi32, #tpu.memory_space<vmem>> -> memref<1x1x1x125xi32, #tpu.memory_space<vmem>>
        %dma_wait3A_468 = tpu.memref_squeeze %dma_wait3A_467 : memref<1x1x1x125xi32, #tpu.memory_space<vmem>> -> memref<125xi32, #tpu.memory_space<vmem>>
        %dma_wait3A_469 = arith.constant 0 : i32
        %dma_wait3A_470 = arith.constant 0 : i32
        %dma_wait3A_471 = tpu.memref_slice %arg8[%dma_wait3A_469, %dma_wait3A_470] : memref<10240x128xf32, #tpu.memory_space<vmem_shared>> -> memref<10240x128xf32, #tpu.memory_space<vmem_shared>>
        tpu.wait_indirect_dma semaphore(%run_scoped3A_459 : memref<!tpu.dma_semaphore, #tpu.memory_space<semaphore_mem>>) src(%arg6 : memref<125x128xf32, #tpu.memory_space<vmem>>) dst(%dma_wait3A_471 : memref<10240x128xf32, #tpu.memory_space<vmem_shared>>)
        tpu.yield
      }) : () -> ()
      %add3A_442 = arith.constant 2 : i32
      %add3A_443 = arith.addi %add3A_420, %add3A_442 : i32
      %lt3A = arith.constant 16 : i32
      %lt3A_444 = arith.cmpi slt, %add3A_443, %lt3A : i32
      %convert_element_type3A = arith.extui %lt3A_444 : i1 to i32
      %cond3A = arith.constant 0 : i32
      %cond3A_445 = arith.cmpi ne, %convert_element_type3A, %cond3A : i32
      scf.if %cond3A_445 {
        %add3A_459 = arith.constant 2 : i32
        %add3A_460 = arith.addi %add3A_420, %add3A_459 : i32
        %dma_start3A_461 = arith.constant 0 : i32
        %dma_start3A_462 = arith.constant 1 : i32
        %dma_start3A_463 = arith.constant 0 : i32
        %dma_start3A_464 = tpu.memref_slice %arg5[%dma_start3A_461, %dma_start3A_462, %add3A_460, %dma_start3A_463] : memref<2x2x16x125xi32, #tpu.memory_space<vmem>> -> memref<1x1x1x125xi32, #tpu.memory_space<vmem>>
        %dma_start3A_465 = tpu.memref_squeeze %dma_start3A_464 : memref<1x1x1x125xi32, #tpu.memory_space<vmem>> -> memref<125xi32, #tpu.memory_space<vmem>>
        %dma_start3A_466 = arith.constant 0 : i32
        %dma_start3A_467 = arith.constant 0 : i32
        %dma_start3A_468 = tpu.memref_slice %arg2[%dma_start3A_466, %dma_start3A_467] : memref<10000x128xf32, #tpu.memory_space<hbm>> -> memref<10000x128xf32, #tpu.memory_space<hbm>>
        tpu.enqueue_indirect_dma source(%dma_start3A_468 : memref<10000x128xf32, #tpu.memory_space<hbm>>) target(%arg6 : memref<125x128xf32, #tpu.memory_space<vmem>>) offsets(%dma_start3A_465 : memref<125xi32, #tpu.memory_space<vmem>>) semaphore(%arg9 : memref<!tpu.dma_semaphore, #tpu.memory_space<semaphore_mem>>)
      } else {
      }
      %dma_wait3A_446 = arith.constant 0 : i32
      %dma_wait3A_447 = arith.constant 1 : i32
      %dma_wait3A_448 = arith.constant 0 : i32
      %dma_wait3A_449 = arith.constant 0 : i32
      %dma_wait3A_450 = tpu.memref_slice %arg5[%dma_wait3A_446, %dma_wait3A_447, %dma_wait3A_448, %dma_wait3A_449] : memref<2x2x16x125xi32, #tpu.memory_space<vmem>> -> memref<1x1x1x125xi32, #tpu.memory_space<vmem>>
      %dma_wait3A_451 = tpu.memref_squeeze %dma_wait3A_450 : memref<1x1x1x125xi32, #tpu.memory_space<vmem>> -> memref<125xi32, #tpu.memory_space<vmem>>
      %dma_wait3A_452 = arith.constant 0 : i32
      %dma_wait3A_453 = arith.constant 0 : i32
      %dma_wait3A_454 = tpu.memref_slice %arg2[%dma_wait3A_452, %dma_wait3A_453] : memref<10000x128xf32, #tpu.memory_space<hbm>> -> memref<10000x128xf32, #tpu.memory_space<hbm>>
      tpu.wait_indirect_dma semaphore(%arg10 : memref<!tpu.dma_semaphore, #tpu.memory_space<semaphore_mem>>) src(%dma_wait3A_454 : memref<10000x128xf32, #tpu.memory_space<hbm>>) dst(%arg7 : memref<125x128xf32, #tpu.memory_space<vmem>>)
      %add3A_455 = arith.constant 1 : i32
      %add3A_456 = arith.addi %add3A_420, %add3A_455 : i32
      %run_scoped3A_457 = arith.constant 1 : i32
      %run_scoped3A_458 = arith.constant 1 : i32
      "tpu.region"() ({
        %run_scoped3A_459 = tpu.sem_alloc : memref<!tpu.dma_semaphore, #tpu.memory_space<semaphore_mem>>
        %dma_start3A_460 = arith.constant 0 : i32
        %dma_start3A_461 = tpu.memref_slice %arg5[%run_scoped3A_457, %run_scoped3A_458, %add3A_456, %dma_start3A_460] : memref<2x2x16x125xi32, #tpu.memory_space<vmem>> -> memref<1x1x1x125xi32, #tpu.memory_space<vmem>>
        %dma_start3A_462 = tpu.memref_squeeze %dma_start3A_461 : memref<1x1x1x125xi32, #tpu.memory_space<vmem>> -> memref<125xi32, #tpu.memory_space<vmem>>
        %dma_start3A_463 = arith.constant 0 : i32
        %dma_start3A_464 = arith.constant 0 : i32
        %dma_start3A_465 = tpu.memref_slice %arg8[%dma_start3A_463, %dma_start3A_464] : memref<10240x128xf32, #tpu.memory_space<vmem_shared>> -> memref<10240x128xf32, #tpu.memory_space<vmem_shared>>
        tpu.enqueue_indirect_dma source(%arg7 : memref<125x128xf32, #tpu.memory_space<vmem>>) target(%dma_start3A_465 : memref<10240x128xf32, #tpu.memory_space<vmem_shared>>) offsets(%dma_start3A_462 : memref<125xi32, #tpu.memory_space<vmem>>) semaphore(%run_scoped3A_459 : memref<!tpu.dma_semaphore, #tpu.memory_space<semaphore_mem>>) {add = true}
        %dma_wait3A_466 = arith.constant 0 : i32
        %dma_wait3A_467 = tpu.memref_slice %arg5[%run_scoped3A_457, %run_scoped3A_458, %add3A_456, %dma_wait3A_466] : memref<2x2x16x125xi32, #tpu.memory_space<vmem>> -> memref<1x1x1x125xi32, #tpu.memory_space<vmem>>
        %dma_wait3A_468 = tpu.memref_squeeze %dma_wait3A_467 : memref<1x1x1x125xi32, #tpu.memory_space<vmem>> -> memref<125xi32, #tpu.memory_space<vmem>>
        %dma_wait3A_469 = arith.constant 0 : i32
        %dma_wait3A_470 = arith.constant 0 : i32
        %dma_wait3A_471 = tpu.memref_slice %arg8[%dma_wait3A_469, %dma_wait3A_470] : memref<10240x128xf32, #tpu.memory_space<vmem_shared>> -> memref<10240x128xf32, #tpu.memory_space<vmem_shared>>
        tpu.wait_indirect_dma semaphore(%run_scoped3A_459 : memref<!tpu.dma_semaphore, #tpu.memory_space<semaphore_mem>>) src(%arg7 : memref<125x128xf32, #tpu.memory_space<vmem>>) dst(%dma_wait3A_471 : memref<10240x128xf32, #tpu.memory_space<vmem_shared>>)
        tpu.yield
      }) : () -> ()
    }
    %scan3A_172 = arith.constant 8 : i32
    %dma_wait3A_173 = arith.constant 0 : i32
    %dma_wait3A_174 = arith.constant 2 : i32
    %dma_wait3A_175 = arith.constant 0 : i32
    %dma_wait3A_176 = arith.constant 0 : i32
    %dma_wait3A_177 = arith.constant 0 : i32
    %dma_wait3A_178 = arith.constant 0 : i32
    %dma_wait3A_179 = tpu.memref_slice %arg5[%dma_wait3A_175, %dma_wait3A_176, %dma_wait3A_177, %dma_wait3A_178] : memref<2x2x16x125xi32, #tpu.memory_space<vmem>> -> memref<1x1x16x125xi32, #tpu.memory_space<vmem>>
    %dma_wait3A_180 = tpu.memref_squeeze %dma_wait3A_179 : memref<1x1x16x125xi32, #tpu.memory_space<vmem>> -> memref<16x125xi32, #tpu.memory_space<vmem>>
    %dma_wait3A_181 = arith.constant 0 : i32
    %dma_wait3A_182 = arith.constant 0 : i32
    %dma_wait3A_183 = tpu.memref_slice %arg3[%dma_wait3A_173, %add3A, %dma_wait3A_174, %dma_wait3A_181, %dma_wait3A_182] : memref<2x32x5x16x125xi32, #tpu.memory_space<hbm>> -> memref<1x1x1x16x125xi32, #tpu.memory_space<hbm>>
    %dma_wait3A_184 = tpu.memref_squeeze %dma_wait3A_183 : memref<1x1x1x16x125xi32, #tpu.memory_space<hbm>> -> memref<16x125xi32, #tpu.memory_space<hbm>>
    %dma_wait3A_185 = arith.constant 0 : i32
    %dma_wait3A_186 = arith.constant 0 : i32
    %dma_wait3A_187 = tpu.memref_slice %arg5[%dma_wait3A_175, %dma_wait3A_176, %dma_wait3A_185, %dma_wait3A_186] : memref<2x2x16x125xi32, #tpu.memory_space<vmem>> -> memref<1x1x16x125xi32, #tpu.memory_space<vmem>>
    %dma_wait3A_188 = tpu.memref_squeeze %dma_wait3A_187 : memref<1x1x16x125xi32, #tpu.memory_space<vmem>> -> memref<16x125xi32, #tpu.memory_space<vmem>>
    %dma_wait3A_189 = arith.constant 0 : i32
    %dma_wait3A_190 = arith.constant 0 : i32
    %dma_wait3A_191 = tpu.memref_slice %arg3[%dma_wait3A_173, %add3A, %dma_wait3A_174, %dma_wait3A_189, %dma_wait3A_190] : memref<2x32x5x16x125xi32, #tpu.memory_space<hbm>> -> memref<1x1x1x16x125xi32, #tpu.memory_space<hbm>>
    %dma_wait3A_192 = tpu.memref_squeeze %dma_wait3A_191 : memref<1x1x1x16x125xi32, #tpu.memory_space<hbm>> -> memref<16x125xi32, #tpu.memory_space<hbm>>
    tpu.wait_dma2 semaphore(%arg11 : memref<!tpu.dma_semaphore, #tpu.memory_space<semaphore_mem>>) src(%dma_wait3A_192 : memref<16x125xi32, #tpu.memory_space<hbm>>) dst(%dma_wait3A_188 : memref<16x125xi32, #tpu.memory_space<vmem>>)
    %dma_wait3A_193 = arith.constant 1 : i32
    %dma_wait3A_194 = arith.constant 2 : i32
    %dma_wait3A_195 = arith.constant 1 : i32
    %dma_wait3A_196 = arith.constant 0 : i32
    %dma_wait3A_197 = arith.constant 0 : i32
    %dma_wait3A_198 = arith.constant 0 : i32
    %dma_wait3A_199 = tpu.memref_slice %arg5[%dma_wait3A_195, %dma_wait3A_196, %dma_wait3A_197, %dma_wait3A_198] : memref<2x2x16x125xi32, #tpu.memory_space<vmem>> -> memref<1x1x16x125xi32, #tpu.memory_space<vmem>>
    %dma_wait3A_200 = tpu.memref_squeeze %dma_wait3A_199 : memref<1x1x16x125xi32, #tpu.memory_space<vmem>> -> memref<16x125xi32, #tpu.memory_space<vmem>>
    %dma_wait3A_201 = arith.constant 0 : i32
    %dma_wait3A_202 = arith.constant 0 : i32
    %dma_wait3A_203 = tpu.memref_slice %arg3[%dma_wait3A_193, %add3A, %dma_wait3A_194, %dma_wait3A_201, %dma_wait3A_202] : memref<2x32x5x16x125xi32, #tpu.memory_space<hbm>> -> memref<1x1x1x16x125xi32, #tpu.memory_space<hbm>>
    %dma_wait3A_204 = tpu.memref_squeeze %dma_wait3A_203 : memref<1x1x1x16x125xi32, #tpu.memory_space<hbm>> -> memref<16x125xi32, #tpu.memory_space<hbm>>
    %dma_wait3A_205 = arith.constant 0 : i32
    %dma_wait3A_206 = arith.constant 0 : i32
    %dma_wait3A_207 = tpu.memref_slice %arg5[%dma_wait3A_195, %dma_wait3A_196, %dma_wait3A_205, %dma_wait3A_206] : memref<2x2x16x125xi32, #tpu.memory_space<vmem>> -> memref<1x1x16x125xi32, #tpu.memory_space<vmem>>
    %dma_wait3A_208 = tpu.memref_squeeze %dma_wait3A_207 : memref<1x1x16x125xi32, #tpu.memory_space<vmem>> -> memref<16x125xi32, #tpu.memory_space<vmem>>
    %dma_wait3A_209 = arith.constant 0 : i32
    %dma_wait3A_210 = arith.constant 0 : i32
    %dma_wait3A_211 = tpu.memref_slice %arg3[%dma_wait3A_193, %add3A, %dma_wait3A_194, %dma_wait3A_209, %dma_wait3A_210] : memref<2x32x5x16x125xi32, #tpu.memory_space<hbm>> -> memref<1x1x1x16x125xi32, #tpu.memory_space<hbm>>
    %dma_wait3A_212 = tpu.memref_squeeze %dma_wait3A_211 : memref<1x1x1x16x125xi32, #tpu.memory_space<hbm>> -> memref<16x125xi32, #tpu.memory_space<hbm>>
    tpu.wait_dma2 semaphore(%arg12 : memref<!tpu.dma_semaphore, #tpu.memory_space<semaphore_mem>>) src(%dma_wait3A_212 : memref<16x125xi32, #tpu.memory_space<hbm>>) dst(%dma_wait3A_208 : memref<16x125xi32, #tpu.memory_space<vmem>>)
    %dma_start3A_213 = arith.constant 0 : i32
    %dma_start3A_214 = arith.constant 3 : i32
    %dma_start3A_215 = arith.constant 0 : i32
    %dma_start3A_216 = arith.constant 1 : i32
    %dma_start3A_217 = arith.constant 0 : i32
    %dma_start3A_218 = arith.constant 0 : i32
    %dma_start3A_219 = tpu.memref_slice %arg5[%dma_start3A_215, %dma_start3A_216, %dma_start3A_217, %dma_start3A_218] : memref<2x2x16x125xi32, #tpu.memory_space<vmem>> -> memref<1x1x16x125xi32, #tpu.memory_space<vmem>>
    %dma_start3A_220 = tpu.memref_squeeze %dma_start3A_219 : memref<1x1x16x125xi32, #tpu.memory_space<vmem>> -> memref<16x125xi32, #tpu.memory_space<vmem>>
    %dma_start3A_221 = arith.constant 0 : i32
    %dma_start3A_222 = arith.constant 0 : i32
    %dma_start3A_223 = tpu.memref_slice %arg3[%dma_start3A_213, %add3A, %dma_start3A_214, %dma_start3A_221, %dma_start3A_222] : memref<2x32x5x16x125xi32, #tpu.memory_space<hbm>> -> memref<1x1x1x16x125xi32, #tpu.memory_space<hbm>>
    %dma_start3A_224 = tpu.memref_squeeze %dma_start3A_223 : memref<1x1x1x16x125xi32, #tpu.memory_space<hbm>> -> memref<16x125xi32, #tpu.memory_space<hbm>>
    %dma_start3A_225 = arith.constant 0 : i32
    %dma_start3A_226 = arith.constant 0 : i32
    %dma_start3A_227 = tpu.memref_slice %arg5[%dma_start3A_215, %dma_start3A_216, %dma_start3A_225, %dma_start3A_226] : memref<2x2x16x125xi32, #tpu.memory_space<vmem>> -> memref<1x1x16x125xi32, #tpu.memory_space<vmem>>
    %dma_start3A_228 = tpu.memref_squeeze %dma_start3A_227 : memref<1x1x16x125xi32, #tpu.memory_space<vmem>> -> memref<16x125xi32, #tpu.memory_space<vmem>>
    %dma_start3A_229 = arith.constant 0 : i32
    %dma_start3A_230 = arith.constant 0 : i32
    %dma_start3A_231 = tpu.memref_slice %arg3[%dma_start3A_213, %add3A, %dma_start3A_214, %dma_start3A_229, %dma_start3A_230] : memref<2x32x5x16x125xi32, #tpu.memory_space<hbm>> -> memref<1x1x1x16x125xi32, #tpu.memory_space<hbm>>
    %dma_start3A_232 = tpu.memref_squeeze %dma_start3A_231 : memref<1x1x1x16x125xi32, #tpu.memory_space<hbm>> -> memref<16x125xi32, #tpu.memory_space<hbm>>
    tpu.enqueue_dma source(%dma_start3A_232 : memref<16x125xi32, #tpu.memory_space<hbm>>) target(%dma_start3A_228 : memref<16x125xi32, #tpu.memory_space<vmem>>) target_semaphore(%arg11 : memref<!tpu.dma_semaphore, #tpu.memory_space<semaphore_mem>>)
    %dma_start3A_233 = arith.constant 1 : i32
    %dma_start3A_234 = arith.constant 3 : i32
    %dma_start3A_235 = arith.constant 1 : i32
    %dma_start3A_236 = arith.constant 1 : i32
    %dma_start3A_237 = arith.constant 0 : i32
    %dma_start3A_238 = arith.constant 0 : i32
    %dma_start3A_239 = tpu.memref_slice %arg5[%dma_start3A_235, %dma_start3A_236, %dma_start3A_237, %dma_start3A_238] : memref<2x2x16x125xi32, #tpu.memory_space<vmem>> -> memref<1x1x16x125xi32, #tpu.memory_space<vmem>>
    %dma_start3A_240 = tpu.memref_squeeze %dma_start3A_239 : memref<1x1x16x125xi32, #tpu.memory_space<vmem>> -> memref<16x125xi32, #tpu.memory_space<vmem>>
    %dma_start3A_241 = arith.constant 0 : i32
    %dma_start3A_242 = arith.constant 0 : i32
    %dma_start3A_243 = tpu.memref_slice %arg3[%dma_start3A_233, %add3A, %dma_start3A_234, %dma_start3A_241, %dma_start3A_242] : memref<2x32x5x16x125xi32, #tpu.memory_space<hbm>> -> memref<1x1x1x16x125xi32, #tpu.memory_space<hbm>>
    %dma_start3A_244 = tpu.memref_squeeze %dma_start3A_243 : memref<1x1x1x16x125xi32, #tpu.memory_space<hbm>> -> memref<16x125xi32, #tpu.memory_space<hbm>>
    %dma_start3A_245 = arith.constant 0 : i32
    %dma_start3A_246 = arith.constant 0 : i32
    %dma_start3A_247 = tpu.memref_slice %arg5[%dma_start3A_235, %dma_start3A_236, %dma_start3A_245, %dma_start3A_246] : memref<2x2x16x125xi32, #tpu.memory_space<vmem>> -> memref<1x1x16x125xi32, #tpu.memory_space<vmem>>
    %dma_start3A_248 = tpu.memref_squeeze %dma_start3A_247 : memref<1x1x16x125xi32, #tpu.memory_space<vmem>> -> memref<16x125xi32, #tpu.memory_space<vmem>>
    %dma_start3A_249 = arith.constant 0 : i32
    %dma_start3A_250 = arith.constant 0 : i32
    %dma_start3A_251 = tpu.memref_slice %arg3[%dma_start3A_233, %add3A, %dma_start3A_234, %dma_start3A_249, %dma_start3A_250] : memref<2x32x5x16x125xi32, #tpu.memory_space<hbm>> -> memref<1x1x1x16x125xi32, #tpu.memory_space<hbm>>
    %dma_start3A_252 = tpu.memref_squeeze %dma_start3A_251 : memref<1x1x1x16x125xi32, #tpu.memory_space<hbm>> -> memref<16x125xi32, #tpu.memory_space<hbm>>
    tpu.enqueue_dma source(%dma_start3A_252 : memref<16x125xi32, #tpu.memory_space<hbm>>) target(%dma_start3A_248 : memref<16x125xi32, #tpu.memory_space<vmem>>) target_semaphore(%arg12 : memref<!tpu.dma_semaphore, #tpu.memory_space<semaphore_mem>>)
    %dma_start3A_253 = arith.constant 0 : i32
    %dma_start3A_254 = arith.constant 0 : i32
    %dma_start3A_255 = arith.constant 0 : i32
    %dma_start3A_256 = arith.constant 0 : i32
    %dma_start3A_257 = tpu.memref_slice %arg5[%dma_start3A_253, %dma_start3A_254, %dma_start3A_255, %dma_start3A_256] : memref<2x2x16x125xi32, #tpu.memory_space<vmem>> -> memref<1x1x1x125xi32, #tpu.memory_space<vmem>>
    %dma_start3A_258 = tpu.memref_squeeze %dma_start3A_257 : memref<1x1x1x125xi32, #tpu.memory_space<vmem>> -> memref<125xi32, #tpu.memory_space<vmem>>
    %dma_start3A_259 = arith.constant 0 : i32
    %dma_start3A_260 = arith.constant 0 : i32
    %dma_start3A_261 = tpu.memref_slice %arg2[%dma_start3A_259, %dma_start3A_260] : memref<10000x128xf32, #tpu.memory_space<hbm>> -> memref<10000x128xf32, #tpu.memory_space<hbm>>
    tpu.enqueue_indirect_dma source(%dma_start3A_261 : memref<10000x128xf32, #tpu.memory_space<hbm>>) target(%arg6 : memref<125x128xf32, #tpu.memory_space<vmem>>) offsets(%dma_start3A_258 : memref<125xi32, #tpu.memory_space<vmem>>) semaphore(%arg9 : memref<!tpu.dma_semaphore, #tpu.memory_space<semaphore_mem>>)
    %scan3A_262 = arith.constant 0 : i32
    %scan3A_263 = arith.constant 8 : i32
    %scan3A_264 = arith.addi %scan3A_262, %scan3A_263 : i32
    %scan3A_265 = arith.constant 1 : i32
    scf.for %scan3A_416 = %scan3A_262 to %scan3A_264 step %scan3A_265  : i32 {
      %mul3A_417 = arith.constant 2 : i32
      %mul3A_418 = arith.muli %scan3A_416, %mul3A_417 : i32
      %add3A_419 = arith.constant 0 : i32
      %add3A_420 = arith.addi %add3A_419, %mul3A_418 : i32
      %add3A_421 = arith.constant 1 : i32
      %add3A_422 = arith.addi %add3A_420, %add3A_421 : i32
      %dma_start3A_423 = arith.constant 0 : i32
      %dma_start3A_424 = arith.constant 0 : i32
      %dma_start3A_425 = arith.constant 0 : i32
      %dma_start3A_426 = tpu.memref_slice %arg5[%dma_start3A_423, %dma_start3A_424, %add3A_422, %dma_start3A_425] : memref<2x2x16x125xi32, #tpu.memory_space<vmem>> -> memref<1x1x1x125xi32, #tpu.memory_space<vmem>>
      %dma_start3A_427 = tpu.memref_squeeze %dma_start3A_426 : memref<1x1x1x125xi32, #tpu.memory_space<vmem>> -> memref<125xi32, #tpu.memory_space<vmem>>
      %dma_start3A_428 = arith.constant 0 : i32
      %dma_start3A_429 = arith.constant 0 : i32
      %dma_start3A_430 = tpu.memref_slice %arg2[%dma_start3A_428, %dma_start3A_429] : memref<10000x128xf32, #tpu.memory_space<hbm>> -> memref<10000x128xf32, #tpu.memory_space<hbm>>
      tpu.enqueue_indirect_dma source(%dma_start3A_430 : memref<10000x128xf32, #tpu.memory_space<hbm>>) target(%arg7 : memref<125x128xf32, #tpu.memory_space<vmem>>) offsets(%dma_start3A_427 : memref<125xi32, #tpu.memory_space<vmem>>) semaphore(%arg10 : memref<!tpu.dma_semaphore, #tpu.memory_space<semaphore_mem>>)
      %dma_wait3A_431 = arith.constant 0 : i32
      %dma_wait3A_432 = arith.constant 0 : i32
      %dma_wait3A_433 = arith.constant 0 : i32
      %dma_wait3A_434 = arith.constant 0 : i32
      %dma_wait3A_435 = tpu.memref_slice %arg5[%dma_wait3A_431, %dma_wait3A_432, %dma_wait3A_433, %dma_wait3A_434] : memref<2x2x16x125xi32, #tpu.memory_space<vmem>> -> memref<1x1x1x125xi32, #tpu.memory_space<vmem>>
      %dma_wait3A_436 = tpu.memref_squeeze %dma_wait3A_435 : memref<1x1x1x125xi32, #tpu.memory_space<vmem>> -> memref<125xi32, #tpu.memory_space<vmem>>
      %dma_wait3A_437 = arith.constant 0 : i32
      %dma_wait3A_438 = arith.constant 0 : i32
      %dma_wait3A_439 = tpu.memref_slice %arg2[%dma_wait3A_437, %dma_wait3A_438] : memref<10000x128xf32, #tpu.memory_space<hbm>> -> memref<10000x128xf32, #tpu.memory_space<hbm>>
      tpu.wait_indirect_dma semaphore(%arg9 : memref<!tpu.dma_semaphore, #tpu.memory_space<semaphore_mem>>) src(%dma_wait3A_439 : memref<10000x128xf32, #tpu.memory_space<hbm>>) dst(%arg6 : memref<125x128xf32, #tpu.memory_space<vmem>>)
      %run_scoped3A_440 = arith.constant 1 : i32
      %run_scoped3A_441 = arith.constant 0 : i32
      "tpu.region"() ({
        %run_scoped3A_459 = tpu.sem_alloc : memref<!tpu.dma_semaphore, #tpu.memory_space<semaphore_mem>>
        %dma_start3A_460 = arith.constant 0 : i32
        %dma_start3A_461 = tpu.memref_slice %arg5[%run_scoped3A_440, %run_scoped3A_441, %add3A_420, %dma_start3A_460] : memref<2x2x16x125xi32, #tpu.memory_space<vmem>> -> memref<1x1x1x125xi32, #tpu.memory_space<vmem>>
        %dma_start3A_462 = tpu.memref_squeeze %dma_start3A_461 : memref<1x1x1x125xi32, #tpu.memory_space<vmem>> -> memref<125xi32, #tpu.memory_space<vmem>>
        %dma_start3A_463 = arith.constant 0 : i32
        %dma_start3A_464 = arith.constant 0 : i32
        %dma_start3A_465 = tpu.memref_slice %arg8[%dma_start3A_463, %dma_start3A_464] : memref<10240x128xf32, #tpu.memory_space<vmem_shared>> -> memref<10240x128xf32, #tpu.memory_space<vmem_shared>>
        tpu.enqueue_indirect_dma source(%arg6 : memref<125x128xf32, #tpu.memory_space<vmem>>) target(%dma_start3A_465 : memref<10240x128xf32, #tpu.memory_space<vmem_shared>>) offsets(%dma_start3A_462 : memref<125xi32, #tpu.memory_space<vmem>>) semaphore(%run_scoped3A_459 : memref<!tpu.dma_semaphore, #tpu.memory_space<semaphore_mem>>) {add = true}
        %dma_wait3A_466 = arith.constant 0 : i32
        %dma_wait3A_467 = tpu.memref_slice %arg5[%run_scoped3A_440, %run_scoped3A_441, %add3A_420, %dma_wait3A_466] : memref<2x2x16x125xi32, #tpu.memory_space<vmem>> -> memref<1x1x1x125xi32, #tpu.memory_space<vmem>>
        %dma_wait3A_468 = tpu.memref_squeeze %dma_wait3A_467 : memref<1x1x1x125xi32, #tpu.memory_space<vmem>> -> memref<125xi32, #tpu.memory_space<vmem>>
        %dma_wait3A_469 = arith.constant 0 : i32
        %dma_wait3A_470 = arith.constant 0 : i32
        %dma_wait3A_471 = tpu.memref_slice %arg8[%dma_wait3A_469, %dma_wait3A_470] : memref<10240x128xf32, #tpu.memory_space<vmem_shared>> -> memref<10240x128xf32, #tpu.memory_space<vmem_shared>>
        tpu.wait_indirect_dma semaphore(%run_scoped3A_459 : memref<!tpu.dma_semaphore, #tpu.memory_space<semaphore_mem>>) src(%arg6 : memref<125x128xf32, #tpu.memory_space<vmem>>) dst(%dma_wait3A_471 : memref<10240x128xf32, #tpu.memory_space<vmem_shared>>)
        tpu.yield
      }) : () -> ()
      %add3A_442 = arith.constant 2 : i32
      %add3A_443 = arith.addi %add3A_420, %add3A_442 : i32
      %lt3A = arith.constant 16 : i32
      %lt3A_444 = arith.cmpi slt, %add3A_443, %lt3A : i32
      %convert_element_type3A = arith.extui %lt3A_444 : i1 to i32
      %cond3A = arith.constant 0 : i32
      %cond3A_445 = arith.cmpi ne, %convert_element_type3A, %cond3A : i32
      scf.if %cond3A_445 {
        %add3A_459 = arith.constant 2 : i32
        %add3A_460 = arith.addi %add3A_420, %add3A_459 : i32
        %dma_start3A_461 = arith.constant 0 : i32
        %dma_start3A_462 = arith.constant 0 : i32
        %dma_start3A_463 = arith.constant 0 : i32
        %dma_start3A_464 = tpu.memref_slice %arg5[%dma_start3A_461, %dma_start3A_462, %add3A_460, %dma_start3A_463] : memref<2x2x16x125xi32, #tpu.memory_space<vmem>> -> memref<1x1x1x125xi32, #tpu.memory_space<vmem>>
        %dma_start3A_465 = tpu.memref_squeeze %dma_start3A_464 : memref<1x1x1x125xi32, #tpu.memory_space<vmem>> -> memref<125xi32, #tpu.memory_space<vmem>>
        %dma_start3A_466 = arith.constant 0 : i32
        %dma_start3A_467 = arith.constant 0 : i32
        %dma_start3A_468 = tpu.memref_slice %arg2[%dma_start3A_466, %dma_start3A_467] : memref<10000x128xf32, #tpu.memory_space<hbm>> -> memref<10000x128xf32, #tpu.memory_space<hbm>>
        tpu.enqueue_indirect_dma source(%dma_start3A_468 : memref<10000x128xf32, #tpu.memory_space<hbm>>) target(%arg6 : memref<125x128xf32, #tpu.memory_space<vmem>>) offsets(%dma_start3A_465 : memref<125xi32, #tpu.memory_space<vmem>>) semaphore(%arg9 : memref<!tpu.dma_semaphore, #tpu.memory_space<semaphore_mem>>)
      } else {
      }
      %dma_wait3A_446 = arith.constant 0 : i32
      %dma_wait3A_447 = arith.constant 0 : i32
      %dma_wait3A_448 = arith.constant 0 : i32
      %dma_wait3A_449 = arith.constant 0 : i32
      %dma_wait3A_450 = tpu.memref_slice %arg5[%dma_wait3A_446, %dma_wait3A_447, %dma_wait3A_448, %dma_wait3A_449] : memref<2x2x16x125xi32, #tpu.memory_space<vmem>> -> memref<1x1x1x125xi32, #tpu.memory_space<vmem>>
      %dma_wait3A_451 = tpu.memref_squeeze %dma_wait3A_450 : memref<1x1x1x125xi32, #tpu.memory_space<vmem>> -> memref<125xi32, #tpu.memory_space<vmem>>
      %dma_wait3A_452 = arith.constant 0 : i32
      %dma_wait3A_453 = arith.constant 0 : i32
      %dma_wait3A_454 = tpu.memref_slice %arg2[%dma_wait3A_452, %dma_wait3A_453] : memref<10000x128xf32, #tpu.memory_space<hbm>> -> memref<10000x128xf32, #tpu.memory_space<hbm>>
      tpu.wait_indirect_dma semaphore(%arg10 : memref<!tpu.dma_semaphore, #tpu.memory_space<semaphore_mem>>) src(%dma_wait3A_454 : memref<10000x128xf32, #tpu.memory_space<hbm>>) dst(%arg7 : memref<125x128xf32, #tpu.memory_space<vmem>>)
      %add3A_455 = arith.constant 1 : i32
      %add3A_456 = arith.addi %add3A_420, %add3A_455 : i32
      %run_scoped3A_457 = arith.constant 1 : i32
      %run_scoped3A_458 = arith.constant 0 : i32
      "tpu.region"() ({
        %run_scoped3A_459 = tpu.sem_alloc : memref<!tpu.dma_semaphore, #tpu.memory_space<semaphore_mem>>
        %dma_start3A_460 = arith.constant 0 : i32
        %dma_start3A_461 = tpu.memref_slice %arg5[%run_scoped3A_457, %run_scoped3A_458, %add3A_456, %dma_start3A_460] : memref<2x2x16x125xi32, #tpu.memory_space<vmem>> -> memref<1x1x1x125xi32, #tpu.memory_space<vmem>>
        %dma_start3A_462 = tpu.memref_squeeze %dma_start3A_461 : memref<1x1x1x125xi32, #tpu.memory_space<vmem>> -> memref<125xi32, #tpu.memory_space<vmem>>
        %dma_start3A_463 = arith.constant 0 : i32
        %dma_start3A_464 = arith.constant 0 : i32
        %dma_start3A_465 = tpu.memref_slice %arg8[%dma_start3A_463, %dma_start3A_464] : memref<10240x128xf32, #tpu.memory_space<vmem_shared>> -> memref<10240x128xf32, #tpu.memory_space<vmem_shared>>
        tpu.enqueue_indirect_dma source(%arg7 : memref<125x128xf32, #tpu.memory_space<vmem>>) target(%dma_start3A_465 : memref<10240x128xf32, #tpu.memory_space<vmem_shared>>) offsets(%dma_start3A_462 : memref<125xi32, #tpu.memory_space<vmem>>) semaphore(%run_scoped3A_459 : memref<!tpu.dma_semaphore, #tpu.memory_space<semaphore_mem>>) {add = true}
        %dma_wait3A_466 = arith.constant 0 : i32
        %dma_wait3A_467 = tpu.memref_slice %arg5[%run_scoped3A_457, %run_scoped3A_458, %add3A_456, %dma_wait3A_466] : memref<2x2x16x125xi32, #tpu.memory_space<vmem>> -> memref<1x1x1x125xi32, #tpu.memory_space<vmem>>
        %dma_wait3A_468 = tpu.memref_squeeze %dma_wait3A_467 : memref<1x1x1x125xi32, #tpu.memory_space<vmem>> -> memref<125xi32, #tpu.memory_space<vmem>>
        %dma_wait3A_469 = arith.constant 0 : i32
        %dma_wait3A_470 = arith.constant 0 : i32
        %dma_wait3A_471 = tpu.memref_slice %arg8[%dma_wait3A_469, %dma_wait3A_470] : memref<10240x128xf32, #tpu.memory_space<vmem_shared>> -> memref<10240x128xf32, #tpu.memory_space<vmem_shared>>
        tpu.wait_indirect_dma semaphore(%run_scoped3A_459 : memref<!tpu.dma_semaphore, #tpu.memory_space<semaphore_mem>>) src(%arg7 : memref<125x128xf32, #tpu.memory_space<vmem>>) dst(%dma_wait3A_471 : memref<10240x128xf32, #tpu.memory_space<vmem_shared>>)
        tpu.yield
      }) : () -> ()
    }
    %scan3A_266 = arith.constant 8 : i32
    %dma_wait3A_267 = arith.constant 0 : i32
    %dma_wait3A_268 = arith.constant 3 : i32
    %dma_wait3A_269 = arith.constant 0 : i32
    %dma_wait3A_270 = arith.constant 1 : i32
    %dma_wait3A_271 = arith.constant 0 : i32
    %dma_wait3A_272 = arith.constant 0 : i32
    %dma_wait3A_273 = tpu.memref_slice %arg5[%dma_wait3A_269, %dma_wait3A_270, %dma_wait3A_271, %dma_wait3A_272] : memref<2x2x16x125xi32, #tpu.memory_space<vmem>> -> memref<1x1x16x125xi32, #tpu.memory_space<vmem>>
    %dma_wait3A_274 = tpu.memref_squeeze %dma_wait3A_273 : memref<1x1x16x125xi32, #tpu.memory_space<vmem>> -> memref<16x125xi32, #tpu.memory_space<vmem>>
    %dma_wait3A_275 = arith.constant 0 : i32
    %dma_wait3A_276 = arith.constant 0 : i32
    %dma_wait3A_277 = tpu.memref_slice %arg3[%dma_wait3A_267, %add3A, %dma_wait3A_268, %dma_wait3A_275, %dma_wait3A_276] : memref<2x32x5x16x125xi32, #tpu.memory_space<hbm>> -> memref<1x1x1x16x125xi32, #tpu.memory_space<hbm>>
    %dma_wait3A_278 = tpu.memref_squeeze %dma_wait3A_277 : memref<1x1x1x16x125xi32, #tpu.memory_space<hbm>> -> memref<16x125xi32, #tpu.memory_space<hbm>>
    %dma_wait3A_279 = arith.constant 0 : i32
    %dma_wait3A_280 = arith.constant 0 : i32
    %dma_wait3A_281 = tpu.memref_slice %arg5[%dma_wait3A_269, %dma_wait3A_270, %dma_wait3A_279, %dma_wait3A_280] : memref<2x2x16x125xi32, #tpu.memory_space<vmem>> -> memref<1x1x16x125xi32, #tpu.memory_space<vmem>>
    %dma_wait3A_282 = tpu.memref_squeeze %dma_wait3A_281 : memref<1x1x16x125xi32, #tpu.memory_space<vmem>> -> memref<16x125xi32, #tpu.memory_space<vmem>>
    %dma_wait3A_283 = arith.constant 0 : i32
    %dma_wait3A_284 = arith.constant 0 : i32
    %dma_wait3A_285 = tpu.memref_slice %arg3[%dma_wait3A_267, %add3A, %dma_wait3A_268, %dma_wait3A_283, %dma_wait3A_284] : memref<2x32x5x16x125xi32, #tpu.memory_space<hbm>> -> memref<1x1x1x16x125xi32, #tpu.memory_space<hbm>>
    %dma_wait3A_286 = tpu.memref_squeeze %dma_wait3A_285 : memref<1x1x1x16x125xi32, #tpu.memory_space<hbm>> -> memref<16x125xi32, #tpu.memory_space<hbm>>
    tpu.wait_dma2 semaphore(%arg11 : memref<!tpu.dma_semaphore, #tpu.memory_space<semaphore_mem>>) src(%dma_wait3A_286 : memref<16x125xi32, #tpu.memory_space<hbm>>) dst(%dma_wait3A_282 : memref<16x125xi32, #tpu.memory_space<vmem>>)
    %dma_wait3A_287 = arith.constant 1 : i32
    %dma_wait3A_288 = arith.constant 3 : i32
    %dma_wait3A_289 = arith.constant 1 : i32
    %dma_wait3A_290 = arith.constant 1 : i32
    %dma_wait3A_291 = arith.constant 0 : i32
    %dma_wait3A_292 = arith.constant 0 : i32
    %dma_wait3A_293 = tpu.memref_slice %arg5[%dma_wait3A_289, %dma_wait3A_290, %dma_wait3A_291, %dma_wait3A_292] : memref<2x2x16x125xi32, #tpu.memory_space<vmem>> -> memref<1x1x16x125xi32, #tpu.memory_space<vmem>>
    %dma_wait3A_294 = tpu.memref_squeeze %dma_wait3A_293 : memref<1x1x16x125xi32, #tpu.memory_space<vmem>> -> memref<16x125xi32, #tpu.memory_space<vmem>>
    %dma_wait3A_295 = arith.constant 0 : i32
    %dma_wait3A_296 = arith.constant 0 : i32
    %dma_wait3A_297 = tpu.memref_slice %arg3[%dma_wait3A_287, %add3A, %dma_wait3A_288, %dma_wait3A_295, %dma_wait3A_296] : memref<2x32x5x16x125xi32, #tpu.memory_space<hbm>> -> memref<1x1x1x16x125xi32, #tpu.memory_space<hbm>>
    %dma_wait3A_298 = tpu.memref_squeeze %dma_wait3A_297 : memref<1x1x1x16x125xi32, #tpu.memory_space<hbm>> -> memref<16x125xi32, #tpu.memory_space<hbm>>
    %dma_wait3A_299 = arith.constant 0 : i32
    %dma_wait3A_300 = arith.constant 0 : i32
    %dma_wait3A_301 = tpu.memref_slice %arg5[%dma_wait3A_289, %dma_wait3A_290, %dma_wait3A_299, %dma_wait3A_300] : memref<2x2x16x125xi32, #tpu.memory_space<vmem>> -> memref<1x1x16x125xi32, #tpu.memory_space<vmem>>
    %dma_wait3A_302 = tpu.memref_squeeze %dma_wait3A_301 : memref<1x1x16x125xi32, #tpu.memory_space<vmem>> -> memref<16x125xi32, #tpu.memory_space<vmem>>
    %dma_wait3A_303 = arith.constant 0 : i32
    %dma_wait3A_304 = arith.constant 0 : i32
    %dma_wait3A_305 = tpu.memref_slice %arg3[%dma_wait3A_287, %add3A, %dma_wait3A_288, %dma_wait3A_303, %dma_wait3A_304] : memref<2x32x5x16x125xi32, #tpu.memory_space<hbm>> -> memref<1x1x1x16x125xi32, #tpu.memory_space<hbm>>
    %dma_wait3A_306 = tpu.memref_squeeze %dma_wait3A_305 : memref<1x1x1x16x125xi32, #tpu.memory_space<hbm>> -> memref<16x125xi32, #tpu.memory_space<hbm>>
    tpu.wait_dma2 semaphore(%arg12 : memref<!tpu.dma_semaphore, #tpu.memory_space<semaphore_mem>>) src(%dma_wait3A_306 : memref<16x125xi32, #tpu.memory_space<hbm>>) dst(%dma_wait3A_302 : memref<16x125xi32, #tpu.memory_space<vmem>>)
    %dma_start3A_307 = arith.constant 0 : i32
    %dma_start3A_308 = arith.constant 4 : i32
    %dma_start3A_309 = arith.constant 0 : i32
    %dma_start3A_310 = arith.constant 0 : i32
    %dma_start3A_311 = arith.constant 0 : i32
    %dma_start3A_312 = arith.constant 0 : i32
    %dma_start3A_313 = tpu.memref_slice %arg5[%dma_start3A_309, %dma_start3A_310, %dma_start3A_311, %dma_start3A_312] : memref<2x2x16x125xi32, #tpu.memory_space<vmem>> -> memref<1x1x16x125xi32, #tpu.memory_space<vmem>>
    %dma_start3A_314 = tpu.memref_squeeze %dma_start3A_313 : memref<1x1x16x125xi32, #tpu.memory_space<vmem>> -> memref<16x125xi32, #tpu.memory_space<vmem>>
    %dma_start3A_315 = arith.constant 0 : i32
    %dma_start3A_316 = arith.constant 0 : i32
    %dma_start3A_317 = tpu.memref_slice %arg3[%dma_start3A_307, %add3A, %dma_start3A_308, %dma_start3A_315, %dma_start3A_316] : memref<2x32x5x16x125xi32, #tpu.memory_space<hbm>> -> memref<1x1x1x16x125xi32, #tpu.memory_space<hbm>>
    %dma_start3A_318 = tpu.memref_squeeze %dma_start3A_317 : memref<1x1x1x16x125xi32, #tpu.memory_space<hbm>> -> memref<16x125xi32, #tpu.memory_space<hbm>>
    %dma_start3A_319 = arith.constant 0 : i32
    %dma_start3A_320 = arith.constant 0 : i32
    %dma_start3A_321 = tpu.memref_slice %arg5[%dma_start3A_309, %dma_start3A_310, %dma_start3A_319, %dma_start3A_320] : memref<2x2x16x125xi32, #tpu.memory_space<vmem>> -> memref<1x1x16x125xi32, #tpu.memory_space<vmem>>
    %dma_start3A_322 = tpu.memref_squeeze %dma_start3A_321 : memref<1x1x16x125xi32, #tpu.memory_space<vmem>> -> memref<16x125xi32, #tpu.memory_space<vmem>>
    %dma_start3A_323 = arith.constant 0 : i32
    %dma_start3A_324 = arith.constant 0 : i32
    %dma_start3A_325 = tpu.memref_slice %arg3[%dma_start3A_307, %add3A, %dma_start3A_308, %dma_start3A_323, %dma_start3A_324] : memref<2x32x5x16x125xi32, #tpu.memory_space<hbm>> -> memref<1x1x1x16x125xi32, #tpu.memory_space<hbm>>
    %dma_start3A_326 = tpu.memref_squeeze %dma_start3A_325 : memref<1x1x1x16x125xi32, #tpu.memory_space<hbm>> -> memref<16x125xi32, #tpu.memory_space<hbm>>
    tpu.enqueue_dma source(%dma_start3A_326 : memref<16x125xi32, #tpu.memory_space<hbm>>) target(%dma_start3A_322 : memref<16x125xi32, #tpu.memory_space<vmem>>) target_semaphore(%arg11 : memref<!tpu.dma_semaphore, #tpu.memory_space<semaphore_mem>>)
    %dma_start3A_327 = arith.constant 1 : i32
    %dma_start3A_328 = arith.constant 4 : i32
    %dma_start3A_329 = arith.constant 1 : i32
    %dma_start3A_330 = arith.constant 0 : i32
    %dma_start3A_331 = arith.constant 0 : i32
    %dma_start3A_332 = arith.constant 0 : i32
    %dma_start3A_333 = tpu.memref_slice %arg5[%dma_start3A_329, %dma_start3A_330, %dma_start3A_331, %dma_start3A_332] : memref<2x2x16x125xi32, #tpu.memory_space<vmem>> -> memref<1x1x16x125xi32, #tpu.memory_space<vmem>>
    %dma_start3A_334 = tpu.memref_squeeze %dma_start3A_333 : memref<1x1x16x125xi32, #tpu.memory_space<vmem>> -> memref<16x125xi32, #tpu.memory_space<vmem>>
    %dma_start3A_335 = arith.constant 0 : i32
    %dma_start3A_336 = arith.constant 0 : i32
    %dma_start3A_337 = tpu.memref_slice %arg3[%dma_start3A_327, %add3A, %dma_start3A_328, %dma_start3A_335, %dma_start3A_336] : memref<2x32x5x16x125xi32, #tpu.memory_space<hbm>> -> memref<1x1x1x16x125xi32, #tpu.memory_space<hbm>>
    %dma_start3A_338 = tpu.memref_squeeze %dma_start3A_337 : memref<1x1x1x16x125xi32, #tpu.memory_space<hbm>> -> memref<16x125xi32, #tpu.memory_space<hbm>>
    %dma_start3A_339 = arith.constant 0 : i32
    %dma_start3A_340 = arith.constant 0 : i32
    %dma_start3A_341 = tpu.memref_slice %arg5[%dma_start3A_329, %dma_start3A_330, %dma_start3A_339, %dma_start3A_340] : memref<2x2x16x125xi32, #tpu.memory_space<vmem>> -> memref<1x1x16x125xi32, #tpu.memory_space<vmem>>
    %dma_start3A_342 = tpu.memref_squeeze %dma_start3A_341 : memref<1x1x16x125xi32, #tpu.memory_space<vmem>> -> memref<16x125xi32, #tpu.memory_space<vmem>>
    %dma_start3A_343 = arith.constant 0 : i32
    %dma_start3A_344 = arith.constant 0 : i32
    %dma_start3A_345 = tpu.memref_slice %arg3[%dma_start3A_327, %add3A, %dma_start3A_328, %dma_start3A_343, %dma_start3A_344] : memref<2x32x5x16x125xi32, #tpu.memory_space<hbm>> -> memref<1x1x1x16x125xi32, #tpu.memory_space<hbm>>
    %dma_start3A_346 = tpu.memref_squeeze %dma_start3A_345 : memref<1x1x1x16x125xi32, #tpu.memory_space<hbm>> -> memref<16x125xi32, #tpu.memory_space<hbm>>
    tpu.enqueue_dma source(%dma_start3A_346 : memref<16x125xi32, #tpu.memory_space<hbm>>) target(%dma_start3A_342 : memref<16x125xi32, #tpu.memory_space<vmem>>) target_semaphore(%arg12 : memref<!tpu.dma_semaphore, #tpu.memory_space<semaphore_mem>>)
    %dma_start3A_347 = arith.constant 0 : i32
    %dma_start3A_348 = arith.constant 1 : i32
    %dma_start3A_349 = arith.constant 0 : i32
    %dma_start3A_350 = arith.constant 0 : i32
    %dma_start3A_351 = tpu.memref_slice %arg5[%dma_start3A_347, %dma_start3A_348, %dma_start3A_349, %dma_start3A_350] : memref<2x2x16x125xi32, #tpu.memory_space<vmem>> -> memref<1x1x1x125xi32, #tpu.memory_space<vmem>>
    %dma_start3A_352 = tpu.memref_squeeze %dma_start3A_351 : memref<1x1x1x125xi32, #tpu.memory_space<vmem>> -> memref<125xi32, #tpu.memory_space<vmem>>
    %dma_start3A_353 = arith.constant 0 : i32
    %dma_start3A_354 = arith.constant 0 : i32
    %dma_start3A_355 = tpu.memref_slice %arg2[%dma_start3A_353, %dma_start3A_354] : memref<10000x128xf32, #tpu.memory_space<hbm>> -> memref<10000x128xf32, #tpu.memory_space<hbm>>
    tpu.enqueue_indirect_dma source(%dma_start3A_355 : memref<10000x128xf32, #tpu.memory_space<hbm>>) target(%arg6 : memref<125x128xf32, #tpu.memory_space<vmem>>) offsets(%dma_start3A_352 : memref<125xi32, #tpu.memory_space<vmem>>) semaphore(%arg9 : memref<!tpu.dma_semaphore, #tpu.memory_space<semaphore_mem>>)
    %scan3A_356 = arith.constant 0 : i32
    %scan3A_357 = arith.constant 8 : i32
    %scan3A_358 = arith.addi %scan3A_356, %scan3A_357 : i32
    %scan3A_359 = arith.constant 1 : i32
    scf.for %scan3A_416 = %scan3A_356 to %scan3A_358 step %scan3A_359  : i32 {
      %mul3A_417 = arith.constant 2 : i32
      %mul3A_418 = arith.muli %scan3A_416, %mul3A_417 : i32
      %add3A_419 = arith.constant 0 : i32
      %add3A_420 = arith.addi %add3A_419, %mul3A_418 : i32
      %add3A_421 = arith.constant 1 : i32
      %add3A_422 = arith.addi %add3A_420, %add3A_421 : i32
      %dma_start3A_423 = arith.constant 0 : i32
      %dma_start3A_424 = arith.constant 1 : i32
      %dma_start3A_425 = arith.constant 0 : i32
      %dma_start3A_426 = tpu.memref_slice %arg5[%dma_start3A_423, %dma_start3A_424, %add3A_422, %dma_start3A_425] : memref<2x2x16x125xi32, #tpu.memory_space<vmem>> -> memref<1x1x1x125xi32, #tpu.memory_space<vmem>>
      %dma_start3A_427 = tpu.memref_squeeze %dma_start3A_426 : memref<1x1x1x125xi32, #tpu.memory_space<vmem>> -> memref<125xi32, #tpu.memory_space<vmem>>
      %dma_start3A_428 = arith.constant 0 : i32
      %dma_start3A_429 = arith.constant 0 : i32
      %dma_start3A_430 = tpu.memref_slice %arg2[%dma_start3A_428, %dma_start3A_429] : memref<10000x128xf32, #tpu.memory_space<hbm>> -> memref<10000x128xf32, #tpu.memory_space<hbm>>
      tpu.enqueue_indirect_dma source(%dma_start3A_430 : memref<10000x128xf32, #tpu.memory_space<hbm>>) target(%arg7 : memref<125x128xf32, #tpu.memory_space<vmem>>) offsets(%dma_start3A_427 : memref<125xi32, #tpu.memory_space<vmem>>) semaphore(%arg10 : memref<!tpu.dma_semaphore, #tpu.memory_space<semaphore_mem>>)
      %dma_wait3A_431 = arith.constant 0 : i32
      %dma_wait3A_432 = arith.constant 1 : i32
      %dma_wait3A_433 = arith.constant 0 : i32
      %dma_wait3A_434 = arith.constant 0 : i32
      %dma_wait3A_435 = tpu.memref_slice %arg5[%dma_wait3A_431, %dma_wait3A_432, %dma_wait3A_433, %dma_wait3A_434] : memref<2x2x16x125xi32, #tpu.memory_space<vmem>> -> memref<1x1x1x125xi32, #tpu.memory_space<vmem>>
      %dma_wait3A_436 = tpu.memref_squeeze %dma_wait3A_435 : memref<1x1x1x125xi32, #tpu.memory_space<vmem>> -> memref<125xi32, #tpu.memory_space<vmem>>
      %dma_wait3A_437 = arith.constant 0 : i32
      %dma_wait3A_438 = arith.constant 0 : i32
      %dma_wait3A_439 = tpu.memref_slice %arg2[%dma_wait3A_437, %dma_wait3A_438] : memref<10000x128xf32, #tpu.memory_space<hbm>> -> memref<10000x128xf32, #tpu.memory_space<hbm>>
      tpu.wait_indirect_dma semaphore(%arg9 : memref<!tpu.dma_semaphore, #tpu.memory_space<semaphore_mem>>) src(%dma_wait3A_439 : memref<10000x128xf32, #tpu.memory_space<hbm>>) dst(%arg6 : memref<125x128xf32, #tpu.memory_space<vmem>>)
      %run_scoped3A_440 = arith.constant 1 : i32
      %run_scoped3A_441 = arith.constant 1 : i32
      "tpu.region"() ({
        %run_scoped3A_459 = tpu.sem_alloc : memref<!tpu.dma_semaphore, #tpu.memory_space<semaphore_mem>>
        %dma_start3A_460 = arith.constant 0 : i32
        %dma_start3A_461 = tpu.memref_slice %arg5[%run_scoped3A_440, %run_scoped3A_441, %add3A_420, %dma_start3A_460] : memref<2x2x16x125xi32, #tpu.memory_space<vmem>> -> memref<1x1x1x125xi32, #tpu.memory_space<vmem>>
        %dma_start3A_462 = tpu.memref_squeeze %dma_start3A_461 : memref<1x1x1x125xi32, #tpu.memory_space<vmem>> -> memref<125xi32, #tpu.memory_space<vmem>>
        %dma_start3A_463 = arith.constant 0 : i32
        %dma_start3A_464 = arith.constant 0 : i32
        %dma_start3A_465 = tpu.memref_slice %arg8[%dma_start3A_463, %dma_start3A_464] : memref<10240x128xf32, #tpu.memory_space<vmem_shared>> -> memref<10240x128xf32, #tpu.memory_space<vmem_shared>>
        tpu.enqueue_indirect_dma source(%arg6 : memref<125x128xf32, #tpu.memory_space<vmem>>) target(%dma_start3A_465 : memref<10240x128xf32, #tpu.memory_space<vmem_shared>>) offsets(%dma_start3A_462 : memref<125xi32, #tpu.memory_space<vmem>>) semaphore(%run_scoped3A_459 : memref<!tpu.dma_semaphore, #tpu.memory_space<semaphore_mem>>) {add = true}
        %dma_wait3A_466 = arith.constant 0 : i32
        %dma_wait3A_467 = tpu.memref_slice %arg5[%run_scoped3A_440, %run_scoped3A_441, %add3A_420, %dma_wait3A_466] : memref<2x2x16x125xi32, #tpu.memory_space<vmem>> -> memref<1x1x1x125xi32, #tpu.memory_space<vmem>>
        %dma_wait3A_468 = tpu.memref_squeeze %dma_wait3A_467 : memref<1x1x1x125xi32, #tpu.memory_space<vmem>> -> memref<125xi32, #tpu.memory_space<vmem>>
        %dma_wait3A_469 = arith.constant 0 : i32
        %dma_wait3A_470 = arith.constant 0 : i32
        %dma_wait3A_471 = tpu.memref_slice %arg8[%dma_wait3A_469, %dma_wait3A_470] : memref<10240x128xf32, #tpu.memory_space<vmem_shared>> -> memref<10240x128xf32, #tpu.memory_space<vmem_shared>>
        tpu.wait_indirect_dma semaphore(%run_scoped3A_459 : memref<!tpu.dma_semaphore, #tpu.memory_space<semaphore_mem>>) src(%arg6 : memref<125x128xf32, #tpu.memory_space<vmem>>) dst(%dma_wait3A_471 : memref<10240x128xf32, #tpu.memory_space<vmem_shared>>)
        tpu.yield
      }) : () -> ()
      %add3A_442 = arith.constant 2 : i32
      %add3A_443 = arith.addi %add3A_420, %add3A_442 : i32
      %lt3A = arith.constant 16 : i32
      %lt3A_444 = arith.cmpi slt, %add3A_443, %lt3A : i32
      %convert_element_type3A = arith.extui %lt3A_444 : i1 to i32
      %cond3A = arith.constant 0 : i32
      %cond3A_445 = arith.cmpi ne, %convert_element_type3A, %cond3A : i32
      scf.if %cond3A_445 {
        %add3A_459 = arith.constant 2 : i32
        %add3A_460 = arith.addi %add3A_420, %add3A_459 : i32
        %dma_start3A_461 = arith.constant 0 : i32
        %dma_start3A_462 = arith.constant 1 : i32
        %dma_start3A_463 = arith.constant 0 : i32
        %dma_start3A_464 = tpu.memref_slice %arg5[%dma_start3A_461, %dma_start3A_462, %add3A_460, %dma_start3A_463] : memref<2x2x16x125xi32, #tpu.memory_space<vmem>> -> memref<1x1x1x125xi32, #tpu.memory_space<vmem>>
        %dma_start3A_465 = tpu.memref_squeeze %dma_start3A_464 : memref<1x1x1x125xi32, #tpu.memory_space<vmem>> -> memref<125xi32, #tpu.memory_space<vmem>>
        %dma_start3A_466 = arith.constant 0 : i32
        %dma_start3A_467 = arith.constant 0 : i32
        %dma_start3A_468 = tpu.memref_slice %arg2[%dma_start3A_466, %dma_start3A_467] : memref<10000x128xf32, #tpu.memory_space<hbm>> -> memref<10000x128xf32, #tpu.memory_space<hbm>>
        tpu.enqueue_indirect_dma source(%dma_start3A_468 : memref<10000x128xf32, #tpu.memory_space<hbm>>) target(%arg6 : memref<125x128xf32, #tpu.memory_space<vmem>>) offsets(%dma_start3A_465 : memref<125xi32, #tpu.memory_space<vmem>>) semaphore(%arg9 : memref<!tpu.dma_semaphore, #tpu.memory_space<semaphore_mem>>)
      } else {
      }
      %dma_wait3A_446 = arith.constant 0 : i32
      %dma_wait3A_447 = arith.constant 1 : i32
      %dma_wait3A_448 = arith.constant 0 : i32
      %dma_wait3A_449 = arith.constant 0 : i32
      %dma_wait3A_450 = tpu.memref_slice %arg5[%dma_wait3A_446, %dma_wait3A_447, %dma_wait3A_448, %dma_wait3A_449] : memref<2x2x16x125xi32, #tpu.memory_space<vmem>> -> memref<1x1x1x125xi32, #tpu.memory_space<vmem>>
      %dma_wait3A_451 = tpu.memref_squeeze %dma_wait3A_450 : memref<1x1x1x125xi32, #tpu.memory_space<vmem>> -> memref<125xi32, #tpu.memory_space<vmem>>
      %dma_wait3A_452 = arith.constant 0 : i32
      %dma_wait3A_453 = arith.constant 0 : i32
      %dma_wait3A_454 = tpu.memref_slice %arg2[%dma_wait3A_452, %dma_wait3A_453] : memref<10000x128xf32, #tpu.memory_space<hbm>> -> memref<10000x128xf32, #tpu.memory_space<hbm>>
      tpu.wait_indirect_dma semaphore(%arg10 : memref<!tpu.dma_semaphore, #tpu.memory_space<semaphore_mem>>) src(%dma_wait3A_454 : memref<10000x128xf32, #tpu.memory_space<hbm>>) dst(%arg7 : memref<125x128xf32, #tpu.memory_space<vmem>>)
      %add3A_455 = arith.constant 1 : i32
      %add3A_456 = arith.addi %add3A_420, %add3A_455 : i32
      %run_scoped3A_457 = arith.constant 1 : i32
      %run_scoped3A_458 = arith.constant 1 : i32
      "tpu.region"() ({
        %run_scoped3A_459 = tpu.sem_alloc : memref<!tpu.dma_semaphore, #tpu.memory_space<semaphore_mem>>
        %dma_start3A_460 = arith.constant 0 : i32
        %dma_start3A_461 = tpu.memref_slice %arg5[%run_scoped3A_457, %run_scoped3A_458, %add3A_456, %dma_start3A_460] : memref<2x2x16x125xi32, #tpu.memory_space<vmem>> -> memref<1x1x1x125xi32, #tpu.memory_space<vmem>>
        %dma_start3A_462 = tpu.memref_squeeze %dma_start3A_461 : memref<1x1x1x125xi32, #tpu.memory_space<vmem>> -> memref<125xi32, #tpu.memory_space<vmem>>
        %dma_start3A_463 = arith.constant 0 : i32
        %dma_start3A_464 = arith.constant 0 : i32
        %dma_start3A_465 = tpu.memref_slice %arg8[%dma_start3A_463, %dma_start3A_464] : memref<10240x128xf32, #tpu.memory_space<vmem_shared>> -> memref<10240x128xf32, #tpu.memory_space<vmem_shared>>
        tpu.enqueue_indirect_dma source(%arg7 : memref<125x128xf32, #tpu.memory_space<vmem>>) target(%dma_start3A_465 : memref<10240x128xf32, #tpu.memory_space<vmem_shared>>) offsets(%dma_start3A_462 : memref<125xi32, #tpu.memory_space<vmem>>) semaphore(%run_scoped3A_459 : memref<!tpu.dma_semaphore, #tpu.memory_space<semaphore_mem>>) {add = true}
        %dma_wait3A_466 = arith.constant 0 : i32
        %dma_wait3A_467 = tpu.memref_slice %arg5[%run_scoped3A_457, %run_scoped3A_458, %add3A_456, %dma_wait3A_466] : memref<2x2x16x125xi32, #tpu.memory_space<vmem>> -> memref<1x1x1x125xi32, #tpu.memory_space<vmem>>
        %dma_wait3A_468 = tpu.memref_squeeze %dma_wait3A_467 : memref<1x1x1x125xi32, #tpu.memory_space<vmem>> -> memref<125xi32, #tpu.memory_space<vmem>>
        %dma_wait3A_469 = arith.constant 0 : i32
        %dma_wait3A_470 = arith.constant 0 : i32
        %dma_wait3A_471 = tpu.memref_slice %arg8[%dma_wait3A_469, %dma_wait3A_470] : memref<10240x128xf32, #tpu.memory_space<vmem_shared>> -> memref<10240x128xf32, #tpu.memory_space<vmem_shared>>
        tpu.wait_indirect_dma semaphore(%run_scoped3A_459 : memref<!tpu.dma_semaphore, #tpu.memory_space<semaphore_mem>>) src(%arg7 : memref<125x128xf32, #tpu.memory_space<vmem>>) dst(%dma_wait3A_471 : memref<10240x128xf32, #tpu.memory_space<vmem_shared>>)
        tpu.yield
      }) : () -> ()
    }
    %scan3A_360 = arith.constant 8 : i32
    %dma_wait3A_361 = arith.constant 0 : i32
    %dma_wait3A_362 = arith.constant 4 : i32
    %dma_wait3A_363 = arith.constant 0 : i32
    %dma_wait3A_364 = arith.constant 0 : i32
    %dma_wait3A_365 = arith.constant 0 : i32
    %dma_wait3A_366 = arith.constant 0 : i32
    %dma_wait3A_367 = tpu.memref_slice %arg5[%dma_wait3A_363, %dma_wait3A_364, %dma_wait3A_365, %dma_wait3A_366] : memref<2x2x16x125xi32, #tpu.memory_space<vmem>> -> memref<1x1x16x125xi32, #tpu.memory_space<vmem>>
    %dma_wait3A_368 = tpu.memref_squeeze %dma_wait3A_367 : memref<1x1x16x125xi32, #tpu.memory_space<vmem>> -> memref<16x125xi32, #tpu.memory_space<vmem>>
    %dma_wait3A_369 = arith.constant 0 : i32
    %dma_wait3A_370 = arith.constant 0 : i32
    %dma_wait3A_371 = tpu.memref_slice %arg3[%dma_wait3A_361, %add3A, %dma_wait3A_362, %dma_wait3A_369, %dma_wait3A_370] : memref<2x32x5x16x125xi32, #tpu.memory_space<hbm>> -> memref<1x1x1x16x125xi32, #tpu.memory_space<hbm>>
    %dma_wait3A_372 = tpu.memref_squeeze %dma_wait3A_371 : memref<1x1x1x16x125xi32, #tpu.memory_space<hbm>> -> memref<16x125xi32, #tpu.memory_space<hbm>>
    %dma_wait3A_373 = arith.constant 0 : i32
    %dma_wait3A_374 = arith.constant 0 : i32
    %dma_wait3A_375 = tpu.memref_slice %arg5[%dma_wait3A_363, %dma_wait3A_364, %dma_wait3A_373, %dma_wait3A_374] : memref<2x2x16x125xi32, #tpu.memory_space<vmem>> -> memref<1x1x16x125xi32, #tpu.memory_space<vmem>>
    %dma_wait3A_376 = tpu.memref_squeeze %dma_wait3A_375 : memref<1x1x16x125xi32, #tpu.memory_space<vmem>> -> memref<16x125xi32, #tpu.memory_space<vmem>>
    %dma_wait3A_377 = arith.constant 0 : i32
    %dma_wait3A_378 = arith.constant 0 : i32
    %dma_wait3A_379 = tpu.memref_slice %arg3[%dma_wait3A_361, %add3A, %dma_wait3A_362, %dma_wait3A_377, %dma_wait3A_378] : memref<2x32x5x16x125xi32, #tpu.memory_space<hbm>> -> memref<1x1x1x16x125xi32, #tpu.memory_space<hbm>>
    %dma_wait3A_380 = tpu.memref_squeeze %dma_wait3A_379 : memref<1x1x1x16x125xi32, #tpu.memory_space<hbm>> -> memref<16x125xi32, #tpu.memory_space<hbm>>
    tpu.wait_dma2 semaphore(%arg11 : memref<!tpu.dma_semaphore, #tpu.memory_space<semaphore_mem>>) src(%dma_wait3A_380 : memref<16x125xi32, #tpu.memory_space<hbm>>) dst(%dma_wait3A_376 : memref<16x125xi32, #tpu.memory_space<vmem>>)
    %dma_wait3A_381 = arith.constant 1 : i32
    %dma_wait3A_382 = arith.constant 4 : i32
    %dma_wait3A_383 = arith.constant 1 : i32
    %dma_wait3A_384 = arith.constant 0 : i32
    %dma_wait3A_385 = arith.constant 0 : i32
    %dma_wait3A_386 = arith.constant 0 : i32
    %dma_wait3A_387 = tpu.memref_slice %arg5[%dma_wait3A_383, %dma_wait3A_384, %dma_wait3A_385, %dma_wait3A_386] : memref<2x2x16x125xi32, #tpu.memory_space<vmem>> -> memref<1x1x16x125xi32, #tpu.memory_space<vmem>>
    %dma_wait3A_388 = tpu.memref_squeeze %dma_wait3A_387 : memref<1x1x16x125xi32, #tpu.memory_space<vmem>> -> memref<16x125xi32, #tpu.memory_space<vmem>>
    %dma_wait3A_389 = arith.constant 0 : i32
    %dma_wait3A_390 = arith.constant 0 : i32
    %dma_wait3A_391 = tpu.memref_slice %arg3[%dma_wait3A_381, %add3A, %dma_wait3A_382, %dma_wait3A_389, %dma_wait3A_390] : memref<2x32x5x16x125xi32, #tpu.memory_space<hbm>> -> memref<1x1x1x16x125xi32, #tpu.memory_space<hbm>>
    %dma_wait3A_392 = tpu.memref_squeeze %dma_wait3A_391 : memref<1x1x1x16x125xi32, #tpu.memory_space<hbm>> -> memref<16x125xi32, #tpu.memory_space<hbm>>
    %dma_wait3A_393 = arith.constant 0 : i32
    %dma_wait3A_394 = arith.constant 0 : i32
    %dma_wait3A_395 = tpu.memref_slice %arg5[%dma_wait3A_383, %dma_wait3A_384, %dma_wait3A_393, %dma_wait3A_394] : memref<2x2x16x125xi32, #tpu.memory_space<vmem>> -> memref<1x1x16x125xi32, #tpu.memory_space<vmem>>
    %dma_wait3A_396 = tpu.memref_squeeze %dma_wait3A_395 : memref<1x1x16x125xi32, #tpu.memory_space<vmem>> -> memref<16x125xi32, #tpu.memory_space<vmem>>
    %dma_wait3A_397 = arith.constant 0 : i32
    %dma_wait3A_398 = arith.constant 0 : i32
    %dma_wait3A_399 = tpu.memref_slice %arg3[%dma_wait3A_381, %add3A, %dma_wait3A_382, %dma_wait3A_397, %dma_wait3A_398] : memref<2x32x5x16x125xi32, #tpu.memory_space<hbm>> -> memref<1x1x1x16x125xi32, #tpu.memory_space<hbm>>
    %dma_wait3A_400 = tpu.memref_squeeze %dma_wait3A_399 : memref<1x1x1x16x125xi32, #tpu.memory_space<hbm>> -> memref<16x125xi32, #tpu.memory_space<hbm>>
    tpu.wait_dma2 semaphore(%arg12 : memref<!tpu.dma_semaphore, #tpu.memory_space<semaphore_mem>>) src(%dma_wait3A_400 : memref<16x125xi32, #tpu.memory_space<hbm>>) dst(%dma_wait3A_396 : memref<16x125xi32, #tpu.memory_space<vmem>>)
    %dma_start3A_401 = arith.constant 0 : i32
    %dma_start3A_402 = arith.constant 0 : i32
    %dma_start3A_403 = arith.constant 0 : i32
    %dma_start3A_404 = arith.constant 0 : i32
    %dma_start3A_405 = tpu.memref_slice %arg5[%dma_start3A_401, %dma_start3A_402, %dma_start3A_403, %dma_start3A_404] : memref<2x2x16x125xi32, #tpu.memory_space<vmem>> -> memref<1x1x1x125xi32, #tpu.memory_space<vmem>>
    %dma_start3A_406 = tpu.memref_squeeze %dma_start3A_405 : memref<1x1x1x125xi32, #tpu.memory_space<vmem>> -> memref<125xi32, #tpu.memory_space<vmem>>
    %dma_start3A_407 = arith.constant 0 : i32
    %dma_start3A_408 = arith.constant 0 : i32
    %dma_start3A_409 = tpu.memref_slice %arg2[%dma_start3A_407, %dma_start3A_408] : memref<10000x128xf32, #tpu.memory_space<hbm>> -> memref<10000x128xf32, #tpu.memory_space<hbm>>
    tpu.enqueue_indirect_dma source(%dma_start3A_409 : memref<10000x128xf32, #tpu.memory_space<hbm>>) target(%arg6 : memref<125x128xf32, #tpu.memory_space<vmem>>) offsets(%dma_start3A_406 : memref<125xi32, #tpu.memory_space<vmem>>) semaphore(%arg9 : memref<!tpu.dma_semaphore, #tpu.memory_space<semaphore_mem>>)
    %scan3A_410 = arith.constant 0 : i32
    %scan3A_411 = arith.constant 8 : i32
    %scan3A_412 = arith.addi %scan3A_410, %scan3A_411 : i32
    %scan3A_413 = arith.constant 1 : i32
    scf.for %scan3A_416 = %scan3A_410 to %scan3A_412 step %scan3A_413  : i32 {
      %mul3A_417 = arith.constant 2 : i32
      %mul3A_418 = arith.muli %scan3A_416, %mul3A_417 : i32
      %add3A_419 = arith.constant 0 : i32
      %add3A_420 = arith.addi %add3A_419, %mul3A_418 : i32
      %add3A_421 = arith.constant 1 : i32
      %add3A_422 = arith.addi %add3A_420, %add3A_421 : i32
      %dma_start3A_423 = arith.constant 0 : i32
      %dma_start3A_424 = arith.constant 0 : i32
      %dma_start3A_425 = arith.constant 0 : i32
      %dma_start3A_426 = tpu.memref_slice %arg5[%dma_start3A_423, %dma_start3A_424, %add3A_422, %dma_start3A_425] : memref<2x2x16x125xi32, #tpu.memory_space<vmem>> -> memref<1x1x1x125xi32, #tpu.memory_space<vmem>>
      %dma_start3A_427 = tpu.memref_squeeze %dma_start3A_426 : memref<1x1x1x125xi32, #tpu.memory_space<vmem>> -> memref<125xi32, #tpu.memory_space<vmem>>
      %dma_start3A_428 = arith.constant 0 : i32
      %dma_start3A_429 = arith.constant 0 : i32
      %dma_start3A_430 = tpu.memref_slice %arg2[%dma_start3A_428, %dma_start3A_429] : memref<10000x128xf32, #tpu.memory_space<hbm>> -> memref<10000x128xf32, #tpu.memory_space<hbm>>
      tpu.enqueue_indirect_dma source(%dma_start3A_430 : memref<10000x128xf32, #tpu.memory_space<hbm>>) target(%arg7 : memref<125x128xf32, #tpu.memory_space<vmem>>) offsets(%dma_start3A_427 : memref<125xi32, #tpu.memory_space<vmem>>) semaphore(%arg10 : memref<!tpu.dma_semaphore, #tpu.memory_space<semaphore_mem>>)
      %dma_wait3A_431 = arith.constant 0 : i32
      %dma_wait3A_432 = arith.constant 0 : i32
      %dma_wait3A_433 = arith.constant 0 : i32
      %dma_wait3A_434 = arith.constant 0 : i32
      %dma_wait3A_435 = tpu.memref_slice %arg5[%dma_wait3A_431, %dma_wait3A_432, %dma_wait3A_433, %dma_wait3A_434] : memref<2x2x16x125xi32, #tpu.memory_space<vmem>> -> memref<1x1x1x125xi32, #tpu.memory_space<vmem>>
      %dma_wait3A_436 = tpu.memref_squeeze %dma_wait3A_435 : memref<1x1x1x125xi32, #tpu.memory_space<vmem>> -> memref<125xi32, #tpu.memory_space<vmem>>
      %dma_wait3A_437 = arith.constant 0 : i32
      %dma_wait3A_438 = arith.constant 0 : i32
      %dma_wait3A_439 = tpu.memref_slice %arg2[%dma_wait3A_437, %dma_wait3A_438] : memref<10000x128xf32, #tpu.memory_space<hbm>> -> memref<10000x128xf32, #tpu.memory_space<hbm>>
      tpu.wait_indirect_dma semaphore(%arg9 : memref<!tpu.dma_semaphore, #tpu.memory_space<semaphore_mem>>) src(%dma_wait3A_439 : memref<10000x128xf32, #tpu.memory_space<hbm>>) dst(%arg6 : memref<125x128xf32, #tpu.memory_space<vmem>>)
      %run_scoped3A_440 = arith.constant 1 : i32
      %run_scoped3A_441 = arith.constant 0 : i32
      "tpu.region"() ({
        %run_scoped3A_459 = tpu.sem_alloc : memref<!tpu.dma_semaphore, #tpu.memory_space<semaphore_mem>>
        %dma_start3A_460 = arith.constant 0 : i32
        %dma_start3A_461 = tpu.memref_slice %arg5[%run_scoped3A_440, %run_scoped3A_441, %add3A_420, %dma_start3A_460] : memref<2x2x16x125xi32, #tpu.memory_space<vmem>> -> memref<1x1x1x125xi32, #tpu.memory_space<vmem>>
        %dma_start3A_462 = tpu.memref_squeeze %dma_start3A_461 : memref<1x1x1x125xi32, #tpu.memory_space<vmem>> -> memref<125xi32, #tpu.memory_space<vmem>>
        %dma_start3A_463 = arith.constant 0 : i32
        %dma_start3A_464 = arith.constant 0 : i32
        %dma_start3A_465 = tpu.memref_slice %arg8[%dma_start3A_463, %dma_start3A_464] : memref<10240x128xf32, #tpu.memory_space<vmem_shared>> -> memref<10240x128xf32, #tpu.memory_space<vmem_shared>>
        tpu.enqueue_indirect_dma source(%arg6 : memref<125x128xf32, #tpu.memory_space<vmem>>) target(%dma_start3A_465 : memref<10240x128xf32, #tpu.memory_space<vmem_shared>>) offsets(%dma_start3A_462 : memref<125xi32, #tpu.memory_space<vmem>>) semaphore(%run_scoped3A_459 : memref<!tpu.dma_semaphore, #tpu.memory_space<semaphore_mem>>) {add = true}
        %dma_wait3A_466 = arith.constant 0 : i32
        %dma_wait3A_467 = tpu.memref_slice %arg5[%run_scoped3A_440, %run_scoped3A_441, %add3A_420, %dma_wait3A_466] : memref<2x2x16x125xi32, #tpu.memory_space<vmem>> -> memref<1x1x1x125xi32, #tpu.memory_space<vmem>>
        %dma_wait3A_468 = tpu.memref_squeeze %dma_wait3A_467 : memref<1x1x1x125xi32, #tpu.memory_space<vmem>> -> memref<125xi32, #tpu.memory_space<vmem>>
        %dma_wait3A_469 = arith.constant 0 : i32
        %dma_wait3A_470 = arith.constant 0 : i32
        %dma_wait3A_471 = tpu.memref_slice %arg8[%dma_wait3A_469, %dma_wait3A_470] : memref<10240x128xf32, #tpu.memory_space<vmem_shared>> -> memref<10240x128xf32, #tpu.memory_space<vmem_shared>>
        tpu.wait_indirect_dma semaphore(%run_scoped3A_459 : memref<!tpu.dma_semaphore, #tpu.memory_space<semaphore_mem>>) src(%arg6 : memref<125x128xf32, #tpu.memory_space<vmem>>) dst(%dma_wait3A_471 : memref<10240x128xf32, #tpu.memory_space<vmem_shared>>)
        tpu.yield
      }) : () -> ()
      %add3A_442 = arith.constant 2 : i32
      %add3A_443 = arith.addi %add3A_420, %add3A_442 : i32
      %lt3A = arith.constant 16 : i32
      %lt3A_444 = arith.cmpi slt, %add3A_443, %lt3A : i32
      %convert_element_type3A = arith.extui %lt3A_444 : i1 to i32
      %cond3A = arith.constant 0 : i32
      %cond3A_445 = arith.cmpi ne, %convert_element_type3A, %cond3A : i32
      scf.if %cond3A_445 {
        %add3A_459 = arith.constant 2 : i32
        %add3A_460 = arith.addi %add3A_420, %add3A_459 : i32
        %dma_start3A_461 = arith.constant 0 : i32
        %dma_start3A_462 = arith.constant 0 : i32
        %dma_start3A_463 = arith.constant 0 : i32
        %dma_start3A_464 = tpu.memref_slice %arg5[%dma_start3A_461, %dma_start3A_462, %add3A_460, %dma_start3A_463] : memref<2x2x16x125xi32, #tpu.memory_space<vmem>> -> memref<1x1x1x125xi32, #tpu.memory_space<vmem>>
        %dma_start3A_465 = tpu.memref_squeeze %dma_start3A_464 : memref<1x1x1x125xi32, #tpu.memory_space<vmem>> -> memref<125xi32, #tpu.memory_space<vmem>>
        %dma_start3A_466 = arith.constant 0 : i32
        %dma_start3A_467 = arith.constant 0 : i32
        %dma_start3A_468 = tpu.memref_slice %arg2[%dma_start3A_466, %dma_start3A_467] : memref<10000x128xf32, #tpu.memory_space<hbm>> -> memref<10000x128xf32, #tpu.memory_space<hbm>>
        tpu.enqueue_indirect_dma source(%dma_start3A_468 : memref<10000x128xf32, #tpu.memory_space<hbm>>) target(%arg6 : memref<125x128xf32, #tpu.memory_space<vmem>>) offsets(%dma_start3A_465 : memref<125xi32, #tpu.memory_space<vmem>>) semaphore(%arg9 : memref<!tpu.dma_semaphore, #tpu.memory_space<semaphore_mem>>)
      } else {
      }
      %dma_wait3A_446 = arith.constant 0 : i32
      %dma_wait3A_447 = arith.constant 0 : i32
      %dma_wait3A_448 = arith.constant 0 : i32
      %dma_wait3A_449 = arith.constant 0 : i32
      %dma_wait3A_450 = tpu.memref_slice %arg5[%dma_wait3A_446, %dma_wait3A_447, %dma_wait3A_448, %dma_wait3A_449] : memref<2x2x16x125xi32, #tpu.memory_space<vmem>> -> memref<1x1x1x125xi32, #tpu.memory_space<vmem>>
      %dma_wait3A_451 = tpu.memref_squeeze %dma_wait3A_450 : memref<1x1x1x125xi32, #tpu.memory_space<vmem>> -> memref<125xi32, #tpu.memory_space<vmem>>
      %dma_wait3A_452 = arith.constant 0 : i32
      %dma_wait3A_453 = arith.constant 0 : i32
      %dma_wait3A_454 = tpu.memref_slice %arg2[%dma_wait3A_452, %dma_wait3A_453] : memref<10000x128xf32, #tpu.memory_space<hbm>> -> memref<10000x128xf32, #tpu.memory_space<hbm>>
      tpu.wait_indirect_dma semaphore(%arg10 : memref<!tpu.dma_semaphore, #tpu.memory_space<semaphore_mem>>) src(%dma_wait3A_454 : memref<10000x128xf32, #tpu.memory_space<hbm>>) dst(%arg7 : memref<125x128xf32, #tpu.memory_space<vmem>>)
      %add3A_455 = arith.constant 1 : i32
      %add3A_456 = arith.addi %add3A_420, %add3A_455 : i32
      %run_scoped3A_457 = arith.constant 1 : i32
      %run_scoped3A_458 = arith.constant 0 : i32
      "tpu.region"() ({
        %run_scoped3A_459 = tpu.sem_alloc : memref<!tpu.dma_semaphore, #tpu.memory_space<semaphore_mem>>
        %dma_start3A_460 = arith.constant 0 : i32
        %dma_start3A_461 = tpu.memref_slice %arg5[%run_scoped3A_457, %run_scoped3A_458, %add3A_456, %dma_start3A_460] : memref<2x2x16x125xi32, #tpu.memory_space<vmem>> -> memref<1x1x1x125xi32, #tpu.memory_space<vmem>>
        %dma_start3A_462 = tpu.memref_squeeze %dma_start3A_461 : memref<1x1x1x125xi32, #tpu.memory_space<vmem>> -> memref<125xi32, #tpu.memory_space<vmem>>
        %dma_start3A_463 = arith.constant 0 : i32
        %dma_start3A_464 = arith.constant 0 : i32
        %dma_start3A_465 = tpu.memref_slice %arg8[%dma_start3A_463, %dma_start3A_464] : memref<10240x128xf32, #tpu.memory_space<vmem_shared>> -> memref<10240x128xf32, #tpu.memory_space<vmem_shared>>
        tpu.enqueue_indirect_dma source(%arg7 : memref<125x128xf32, #tpu.memory_space<vmem>>) target(%dma_start3A_465 : memref<10240x128xf32, #tpu.memory_space<vmem_shared>>) offsets(%dma_start3A_462 : memref<125xi32, #tpu.memory_space<vmem>>) semaphore(%run_scoped3A_459 : memref<!tpu.dma_semaphore, #tpu.memory_space<semaphore_mem>>) {add = true}
        %dma_wait3A_466 = arith.constant 0 : i32
        %dma_wait3A_467 = tpu.memref_slice %arg5[%run_scoped3A_457, %run_scoped3A_458, %add3A_456, %dma_wait3A_466] : memref<2x2x16x125xi32, #tpu.memory_space<vmem>> -> memref<1x1x1x125xi32, #tpu.memory_space<vmem>>
        %dma_wait3A_468 = tpu.memref_squeeze %dma_wait3A_467 : memref<1x1x1x125xi32, #tpu.memory_space<vmem>> -> memref<125xi32, #tpu.memory_space<vmem>>
        %dma_wait3A_469 = arith.constant 0 : i32
        %dma_wait3A_470 = arith.constant 0 : i32
        %dma_wait3A_471 = tpu.memref_slice %arg8[%dma_wait3A_469, %dma_wait3A_470] : memref<10240x128xf32, #tpu.memory_space<vmem_shared>> -> memref<10240x128xf32, #tpu.memory_space<vmem_shared>>
        tpu.wait_indirect_dma semaphore(%run_scoped3A_459 : memref<!tpu.dma_semaphore, #tpu.memory_space<semaphore_mem>>) src(%arg7 : memref<125x128xf32, #tpu.memory_space<vmem>>) dst(%dma_wait3A_471 : memref<10240x128xf32, #tpu.memory_space<vmem_shared>>)
        tpu.yield
      }) : () -> ()
    }
    %scan3A_414 = arith.constant 8 : i32
    %barrier3A_415 = arith.constant 0 : index
    tpu.barrier barrier_id(%barrier3A_415)
    "tpu.region"() ({
      %run_scoped3A_416 = tpu.sem_alloc : memref<!tpu.dma_semaphore, #tpu.memory_space<semaphore_mem>>
      %dma_start3A_417 = arith.constant 0 : i32
      %dma_start3A_418 = tpu.memref_slice %arg4[%arg0, %mul3A_7, %dma_start3A_417] : memref<2x10240x128xf32, #tpu.memory_space<hbm>> -> memref<1x640x128xf32, #tpu.memory_space<hbm>>
      %dma_start3A_419 = tpu.memref_squeeze %dma_start3A_418 : memref<1x640x128xf32, #tpu.memory_space<hbm>> -> memref<640x128xf32, #tpu.memory_space<hbm>>
      %dma_start3A_420 = arith.constant 0 : i32
      %dma_start3A_421 = tpu.memref_slice %arg8[%mul3A_7, %dma_start3A_420] : memref<10240x128xf32, #tpu.memory_space<vmem_shared>> -> memref<640x128xf32, #tpu.memory_space<vmem_shared>>
      tpu.enqueue_dma source(%dma_start3A_421 : memref<640x128xf32, #tpu.memory_space<vmem_shared>>) target(%dma_start3A_419 : memref<640x128xf32, #tpu.memory_space<hbm>>) target_semaphore(%run_scoped3A_416 : memref<!tpu.dma_semaphore, #tpu.memory_space<semaphore_mem>>)
      %dma_wait3A_422 = arith.constant 0 : i32
      %dma_wait3A_423 = tpu.memref_slice %arg4[%arg0, %mul3A_7, %dma_wait3A_422] : memref<2x10240x128xf32, #tpu.memory_space<hbm>> -> memref<1x640x128xf32, #tpu.memory_space<hbm>>
      %dma_wait3A_424 = tpu.memref_squeeze %dma_wait3A_423 : memref<1x640x128xf32, #tpu.memory_space<hbm>> -> memref<640x128xf32, #tpu.memory_space<hbm>>
      %dma_wait3A_425 = arith.constant 0 : i32
      %dma_wait3A_426 = tpu.memref_slice %arg8[%mul3A_7, %dma_wait3A_425] : memref<10240x128xf32, #tpu.memory_space<vmem_shared>> -> memref<640x128xf32, #tpu.memory_space<vmem_shared>>
      tpu.wait_dma2 semaphore(%run_scoped3A_416 : memref<!tpu.dma_semaphore, #tpu.memory_space<semaphore_mem>>) src(%dma_wait3A_426 : memref<640x128xf32, #tpu.memory_space<vmem_shared>>) dst(%dma_wait3A_424 : memref<640x128xf32, #tpu.memory_space<hbm>>)
      tpu.yield
    }) : () -> ()
    return
  }
}

module attributes {stable_mosaic.version = 14 : i64} {
  func.func @_scale_body(%arg0: i32, %arg1: memref<2x2x2000x1xf32, #tpu.memory_space<vmem>>, %arg2: memref<2000x128xf32, #tpu.memory_space<vmem>>, %arg3: memref<2000x128xf32, #tpu.memory_space<vmem>>, %arg4: memref<2000x1xf32, #tpu.memory_space<vmem>>) attributes {dimension_semantics = [#tpu.dimension_semantics<arbitrary>], iteration_bounds = array<i64: 5>, scalar_prefetch = 0 : i64, scratch_operands = 0 : i64, tpu.core_type = #tpu.core_type<tc>, window_params = [{transform_indices = @transform_0, window_bounds = array<i64: 2, 2, 2000, 1>}, {transform_indices = @transform_1, window_bounds = array<i64: 2000, 128>}, {transform_indices = @transform_2, window_bounds = array<i64: 2000, 128>}, {transform_indices = @transform_3, window_bounds = array<i64: 2000, 1>}]} {
    %get3A = arith.constant 0 : index
    %get3A_0 = arith.constant 0 : index
    %get3A_1 = arith.constant 0 : index
    %get3A_2 = arith.constant 0 : index
    %get3A_3 = vector.load %arg1[%get3A, %get3A_0, %get3A_1, %get3A_2] : memref<2x2x2000x1xf32, #tpu.memory_space<vmem>>, vector<1x1x2000x1xf32>
    %get3A_4 = vector.shape_cast %get3A_3 : vector<1x1x2000x1xf32> to vector<2000x1xf32>
    %get3A_5 = arith.constant 1 : index
    %get3A_6 = arith.constant 0 : index
    %get3A_7 = arith.constant 0 : index
    %get3A_8 = arith.constant 0 : index
    %get3A_9 = vector.load %arg1[%get3A_5, %get3A_6, %get3A_7, %get3A_8] : memref<2x2x2000x1xf32, #tpu.memory_space<vmem>>, vector<1x1x2000x1xf32>
    %get3A_10 = vector.shape_cast %get3A_9 : vector<1x1x2000x1xf32> to vector<2000x1xf32>
    %add3A = arith.addf %get3A_4, %get3A_10 : vector<2000x1xf32>
    %get3A_11 = arith.constant 0 : index
    %get3A_12 = arith.constant 1 : index
    %get3A_13 = arith.constant 0 : index
    %get3A_14 = arith.constant 0 : index
    %get3A_15 = vector.load %arg1[%get3A_11, %get3A_12, %get3A_13, %get3A_14] : memref<2x2x2000x1xf32, #tpu.memory_space<vmem>>, vector<1x1x2000x1xf32>
    %get3A_16 = vector.shape_cast %get3A_15 : vector<1x1x2000x1xf32> to vector<2000x1xf32>
    %get3A_17 = arith.constant 1 : index
    %get3A_18 = arith.constant 1 : index
    %get3A_19 = arith.constant 0 : index
    %get3A_20 = arith.constant 0 : index
    %get3A_21 = vector.load %arg1[%get3A_17, %get3A_18, %get3A_19, %get3A_20] : memref<2x2x2000x1xf32, #tpu.memory_space<vmem>>, vector<1x1x2000x1xf32>
    %get3A_22 = vector.shape_cast %get3A_21 : vector<1x1x2000x1xf32> to vector<2000x1xf32>
    %add3A_23 = arith.addf %get3A_16, %get3A_22 : vector<2000x1xf32>
    %max3A = arith.constant 1.000000e+00 : f32
    %max3A_24 = vector.broadcast %max3A : f32 to vector<2000x1xf32>
    %max3A_25 = arith.maximumf %add3A, %max3A_24 : vector<2000x1xf32>
    %rsqrt3A = math.rsqrt %max3A_25 : vector<2000x1xf32>
    %max3A_26 = arith.constant 1.000000e+00 : f32
    %max3A_27 = vector.broadcast %max3A_26 : f32 to vector<2000x1xf32>
    %max3A_28 = arith.maximumf %add3A_23, %max3A_27 : vector<2000x1xf32>
    %rsqrt3A_29 = math.rsqrt %max3A_28 : vector<2000x1xf32>
    %get3A_30 = arith.constant 0 : index
    %get3A_31 = arith.constant 0 : index
    %get3A_32 = vector.load %arg2[%get3A_30, %get3A_31] : memref<2000x128xf32, #tpu.memory_space<vmem>>, vector<2000x128xf32>
    %mul3A = vector.broadcast %rsqrt3A : vector<2000x1xf32> to vector<2000x128xf32>
    %mul3A_33 = arith.mulf %get3A_32, %mul3A : vector<2000x128xf32>
    %swap3A = arith.constant 0 : index
    %swap3A_34 = arith.constant 0 : index
    %swap3A_35 = vector.load %arg3[%swap3A, %swap3A_34] : memref<2000x128xf32, #tpu.memory_space<vmem>>, vector<2000x128xf32>
    tpu.vector_store %arg3[%swap3A, %swap3A_34], %mul3A_33 {strides = array<i32>} : memref<2000x128xf32, #tpu.memory_space<vmem>>, vector<2000x128xf32>,
    %swap3A_36 = arith.constant 0 : index
    %swap3A_37 = arith.constant 0 : index
    %swap3A_38 = vector.load %arg4[%swap3A_36, %swap3A_37] : memref<2000x1xf32, #tpu.memory_space<vmem>>, vector<2000x1xf32>
    tpu.vector_store %arg4[%swap3A_36, %swap3A_37], %rsqrt3A_29 {strides = array<i32>} : memref<2000x1xf32, #tpu.memory_space<vmem>>, vector<2000x1xf32>,
    return
  }
  func.func @transform_0(%arg0: i32) -> (i32, i32, i32, i32) {
    %c0_i32 = arith.constant 0 : i32
    %c0_i32_0 = arith.constant 0 : i32
    %c0_i32_1 = arith.constant 0 : i32
    %c0_i32_2 = arith.constant 0 : i32
    return %c0_i32, %c0_i32_0, %arg0, %c0_i32_1 : i32, i32, i32, i32
  }
  func.func @transform_1(%arg0: i32) -> (i32, i32) {
    %c0_i32 = arith.constant 0 : i32
    %c0_i32_0 = arith.constant 0 : i32
    return %arg0, %c0_i32 : i32, i32
  }
  func.func @transform_2(%arg0: i32) -> (i32, i32) {
    %c0_i32 = arith.constant 0 : i32
    %c0_i32_0 = arith.constant 0 : i32
    return %arg0, %c0_i32 : i32, i32
  }
  func.func @transform_3(%arg0: i32) -> (i32, i32) {
    %c0_i32 = arith.constant 0 : i32
    %c0_i32_0 = arith.constant 0 : i32
    return %arg0, %c0_i32 : i32, i32
  }
}

module attributes {stable_mosaic.version = 14 : i64} {
  func.func @_head_body(%arg0: i32, %arg1: memref<2x2000x128xf32, #tpu.memory_space<vmem>>, %arg2: memref<2000x1xf32, #tpu.memory_space<vmem>>, %arg3: memref<128x128xf32, #tpu.memory_space<vmem>>, %arg4: memref<1x128xf32, #tpu.memory_space<vmem>>, %arg5: memref<128x128xf32, #tpu.memory_space<vmem>>, %arg6: memref<1x128xf32, #tpu.memory_space<vmem>>, %arg7: memref<128x2xf32, #tpu.memory_space<vmem>>, %arg8: memref<1x2xf32, #tpu.memory_space<vmem>>, %arg9: memref<1x2xf32, #tpu.memory_space<vmem>>, %arg10: memref<1x128xf32, #tpu.memory_space<vmem>>) attributes {dimension_semantics = [#tpu.dimension_semantics<arbitrary>], iteration_bounds = array<i64: 5>, scalar_prefetch = 0 : i64, scratch_operands = 0 : i64, tpu.core_type = #tpu.core_type<tc>, window_params = [{transform_indices = @transform_0, window_bounds = array<i64: 2, 2000, 128>}, {transform_indices = @transform_1, window_bounds = array<i64: 2000, 1>}, {pipeline_mode = #tpu.pipeline_mode<synchronous>, transform_indices = @transform_2, window_bounds = array<i64: 128, 128>}, {pipeline_mode = #tpu.pipeline_mode<synchronous>, transform_indices = @transform_3, window_bounds = array<i64: 1, 128>}, {pipeline_mode = #tpu.pipeline_mode<synchronous>, transform_indices = @transform_4, window_bounds = array<i64: 128, 128>}, {pipeline_mode = #tpu.pipeline_mode<synchronous>, transform_indices = @transform_5, window_bounds = array<i64: 1, 128>}, {pipeline_mode = #tpu.pipeline_mode<synchronous>, transform_indices = @transform_6, window_bounds = array<i64: 128, 2>}, {pipeline_mode = #tpu.pipeline_mode<synchronous>, transform_indices = @transform_7, window_bounds = array<i64: 1, 2>}, {pipeline_mode = #tpu.pipeline_mode<synchronous>, transform_indices = @transform_8, window_bounds = array<i64: 1, 2>}, {pipeline_mode = #tpu.pipeline_mode<synchronous>, transform_indices = @transform_9, window_bounds = array<i64: 1, 128>}]} {
    %get3A = arith.constant 0 : index
    %get3A_0 = arith.constant 0 : index
    %get3A_1 = arith.constant 0 : index
    %get3A_2 = vector.load %arg1[%get3A, %get3A_0, %get3A_1] : memref<2x2000x128xf32, #tpu.memory_space<vmem>>, vector<1x2000x128xf32>
    %get3A_3 = vector.shape_cast %get3A_2 : vector<1x2000x128xf32> to vector<2000x128xf32>
    %get3A_4 = arith.constant 1 : index
    %get3A_5 = arith.constant 0 : index
    %get3A_6 = arith.constant 0 : index
    %get3A_7 = vector.load %arg1[%get3A_4, %get3A_5, %get3A_6] : memref<2x2000x128xf32, #tpu.memory_space<vmem>>, vector<1x2000x128xf32>
    %get3A_8 = vector.shape_cast %get3A_7 : vector<1x2000x128xf32> to vector<2000x128xf32>
    %add3A = arith.addf %get3A_3, %get3A_8 : vector<2000x128xf32>
    %get3A_9 = arith.constant 0 : index
    %get3A_10 = arith.constant 0 : index
    %get3A_11 = vector.load %arg2[%get3A_9, %get3A_10] : memref<2000x1xf32, #tpu.memory_space<vmem>>, vector<2000x1xf32>
    %mul3A = vector.broadcast %get3A_11 : vector<2000x1xf32> to vector<2000x128xf32>
    %mul3A_12 = arith.mulf %add3A, %mul3A : vector<2000x128xf32>
    %get3A_13 = arith.constant 0 : index
    %get3A_14 = arith.constant 0 : index
    %get3A_15 = vector.load %arg3[%get3A_13, %get3A_14] : memref<128x128xf32, #tpu.memory_space<vmem>>, vector<128x128xf32>
    %dot_general3A = arith.constant dense<0.000000e+00> : vector<2000x128xf32>
    %dot_general3A_16 = tpu.matmul %mul3A_12, %get3A_15, %dot_general3A {dimension_numbers = #tpu.dot_dimension_numbers<[1], [0], [0], [1], [0, 0, 1, 1], [], []>, transpose_lhs_hint = false} : vector<2000x128xf32>, vector<128x128xf32>, vector<2000x128xf32> -> vector<2000x128xf32>
    %get3A_17 = arith.constant 0 : index
    %get3A_18 = arith.constant 0 : index
    %get3A_19 = vector.load %arg4[%get3A_17, %get3A_18] : memref<1x128xf32, #tpu.memory_space<vmem>>, vector<1x128xf32>
    %add3A_20 = vector.broadcast %get3A_19 : vector<1x128xf32> to vector<2000x128xf32>
    %add3A_21 = arith.addf %dot_general3A_16, %add3A_20 : vector<2000x128xf32>
    %max3A = arith.constant 0.000000e+00 : f32
    %max3A_22 = vector.broadcast %max3A : f32 to vector<2000x128xf32>
    %max3A_23 = arith.maximumf %add3A_21, %max3A_22 : vector<2000x128xf32>
    %reduce_sum3A = arith.constant dense<0.000000e+00> : vector<128xf32>
    %reduce_sum3A_24 = vector.multi_reduction <add>, %max3A_23, %reduce_sum3A [0] : vector<2000x128xf32> to vector<128xf32>
    %broadcast_in_dim3A = vector.shape_cast %reduce_sum3A_24 : vector<128xf32> to vector<1x128xf32>
    %eq3A = arith.constant 0 : i32
    %eq3A_25 = arith.cmpi eq, %arg0, %eq3A : i32
    %convert_element_type3A = arith.extui %eq3A_25 : i1 to i32
    %cond3A = arith.constant 0 : i32
    %cond3A_26 = arith.cmpi ne, %convert_element_type3A, %cond3A : i32
    scf.if %cond3A_26 {
      %swap3A_59 = arith.constant 0 : index
      %swap3A_60 = arith.constant 0 : index
      %swap3A_61 = vector.load %arg10[%swap3A_59, %swap3A_60] : memref<1x128xf32, #tpu.memory_space<vmem>>, vector<1x128xf32>
      tpu.vector_store %arg10[%swap3A_59, %swap3A_60], %broadcast_in_dim3A {strides = array<i32>} : memref<1x128xf32, #tpu.memory_space<vmem>>, vector<1x128xf32>,
    } else {
    }
    %gt3A = arith.constant 0 : i32
    %gt3A_27 = arith.cmpi sgt, %arg0, %gt3A : i32
    %convert_element_type3A_28 = arith.extui %gt3A_27 : i1 to i32
    %cond3A_29 = arith.constant 0 : i32
    %cond3A_30 = arith.cmpi ne, %convert_element_type3A_28, %cond3A_29 : i32
    scf.if %cond3A_30 {
      %get3A_59 = arith.constant 0 : index
      %get3A_60 = arith.constant 0 : index
      %get3A_61 = vector.load %arg10[%get3A_59, %get3A_60] : memref<1x128xf32, #tpu.memory_space<vmem>>, vector<1x128xf32>
      %add3A_62 = arith.addf %get3A_61, %broadcast_in_dim3A : vector<1x128xf32>
      %swap3A_63 = arith.constant 0 : index
      %swap3A_64 = arith.constant 0 : index
      %swap3A_65 = vector.load %arg10[%swap3A_63, %swap3A_64] : memref<1x128xf32, #tpu.memory_space<vmem>>, vector<1x128xf32>
      tpu.vector_store %arg10[%swap3A_63, %swap3A_64], %add3A_62 {strides = array<i32>} : memref<1x128xf32, #tpu.memory_space<vmem>>, vector<1x128xf32>,
    } else {
    }
    %get3A_31 = arith.constant 0 : index
    %get3A_32 = arith.constant 0 : index
    %get3A_33 = vector.load %arg10[%get3A_31, %get3A_32] : memref<1x128xf32, #tpu.memory_space<vmem>>, vector<1x128xf32>
    %get3A_34 = arith.constant 0 : index
    %get3A_35 = arith.constant 0 : index
    %get3A_36 = vector.load %arg5[%get3A_34, %get3A_35] : memref<128x128xf32, #tpu.memory_space<vmem>>, vector<128x128xf32>
    %dot_general3A_37 = arith.constant dense<0.000000e+00> : vector<1x128xf32>
    %dot_general3A_38 = tpu.matmul %get3A_33, %get3A_36, %dot_general3A_37 {dimension_numbers = #tpu.dot_dimension_numbers<[1], [0], [0], [1], [0, 0, 1, 1], [], []>, transpose_lhs_hint = false} : vector<1x128xf32>, vector<128x128xf32>, vector<1x128xf32> -> vector<1x128xf32>
    %get3A_39 = arith.constant 0 : index
    %get3A_40 = arith.constant 0 : index
    %get3A_41 = vector.load %arg6[%get3A_39, %get3A_40] : memref<1x128xf32, #tpu.memory_space<vmem>>, vector<1x128xf32>
    %add3A_42 = arith.addf %dot_general3A_38, %get3A_41 : vector<1x128xf32>
    %get3A_43 = arith.constant 0 : index
    %get3A_44 = arith.constant 0 : index
    %get3A_45 = vector.load %arg7[%get3A_43, %get3A_44] : memref<128x2xf32, #tpu.memory_space<vmem>>, vector<128x2xf32>
    %dot_general3A_46 = arith.constant dense<0.000000e+00> : vector<1x2xf32>
    %dot_general3A_47 = tpu.matmul %add3A_42, %get3A_45, %dot_general3A_46 {dimension_numbers = #tpu.dot_dimension_numbers<[1], [0], [0], [1], [0, 0, 1, 1], [], []>, transpose_lhs_hint = false} : vector<1x128xf32>, vector<128x2xf32>, vector<1x2xf32> -> vector<1x2xf32>
    %get3A_48 = arith.constant 0 : index
    %get3A_49 = arith.constant 0 : index
    %get3A_50 = vector.load %arg8[%get3A_48, %get3A_49] : memref<1x2xf32, #tpu.memory_space<vmem>>, vector<1x2xf32>
    %add3A_51 = arith.addf %dot_general3A_47, %get3A_50 : vector<1x2xf32>
    %logistic3A = arith.negf %add3A_51 : vector<1x2xf32>
    %logistic3A_52 = math.exp %logistic3A : vector<1x2xf32>
    %logistic3A_53 = arith.constant 1.000000e+00 : f32
    %logistic3A_54 = vector.broadcast %logistic3A_53 : f32 to vector<1x2xf32>
    %logistic3A_55 = arith.addf %logistic3A_54, %logistic3A_52 : vector<1x2xf32>
    %logistic3A_56 = arith.divf %logistic3A_54, %logistic3A_55 : vector<1x2xf32>
    %swap3A = arith.constant 0 : index
    %swap3A_57 = arith.constant 0 : index
    %swap3A_58 = vector.load %arg9[%swap3A, %swap3A_57] : memref<1x2xf32, #tpu.memory_space<vmem>>, vector<1x2xf32>
    tpu.vector_store %arg9[%swap3A, %swap3A_57], %logistic3A_56 {strides = array<i32>} : memref<1x2xf32, #tpu.memory_space<vmem>>, vector<1x2xf32>,
    return
  }
  func.func @transform_0(%arg0: i32) -> (i32, i32, i32) {
    %c0_i32 = arith.constant 0 : i32
    %c0_i32_0 = arith.constant 0 : i32
    %c0_i32_1 = arith.constant 0 : i32
    return %c0_i32, %arg0, %c0_i32_0 : i32, i32, i32
  }
  func.func @transform_1(%arg0: i32) -> (i32, i32) {
    %c0_i32 = arith.constant 0 : i32
    %c0_i32_0 = arith.constant 0 : i32
    return %arg0, %c0_i32 : i32, i32
  }
  func.func @transform_2(%arg0: i32) -> (i32, i32) {
    %c0_i32 = arith.constant 0 : i32
    %c0_i32_0 = arith.constant 0 : i32
    %c0_i32_1 = arith.constant 0 : i32
    return %c0_i32, %c0_i32_0 : i32, i32
  }
  func.func @transform_3(%arg0: i32) -> (i32, i32) {
    %c0_i32 = arith.constant 0 : i32
    %c0_i32_0 = arith.constant 0 : i32
    %c0_i32_1 = arith.constant 0 : i32
    return %c0_i32, %c0_i32_0 : i32, i32
  }
  func.func @transform_4(%arg0: i32) -> (i32, i32) {
    %c0_i32 = arith.constant 0 : i32
    %c0_i32_0 = arith.constant 0 : i32
    %c0_i32_1 = arith.constant 0 : i32
    return %c0_i32, %c0_i32_0 : i32, i32
  }
  func.func @transform_5(%arg0: i32) -> (i32, i32) {
    %c0_i32 = arith.constant 0 : i32
    %c0_i32_0 = arith.constant 0 : i32
    %c0_i32_1 = arith.constant 0 : i32
    return %c0_i32, %c0_i32_0 : i32, i32
  }
  func.func @transform_6(%arg0: i32) -> (i32, i32) {
    %c0_i32 = arith.constant 0 : i32
    %c0_i32_0 = arith.constant 0 : i32
    %c0_i32_1 = arith.constant 0 : i32
    return %c0_i32, %c0_i32_0 : i32, i32
  }
  func.func @transform_7(%arg0: i32) -> (i32, i32) {
    %c0_i32 = arith.constant 0 : i32
    %c0_i32_0 = arith.constant 0 : i32
    %c0_i32_1 = arith.constant 0 : i32
    return %c0_i32, %c0_i32_0 : i32, i32
  }
  func.func @transform_8(%arg0: i32) -> (i32, i32) {
    %c0_i32 = arith.constant 0 : i32
    %c0_i32_0 = arith.constant 0 : i32
    %c0_i32_1 = arith.constant 0 : i32
    return %c0_i32, %c0_i32_0 : i32, i32
  }
  func.func @transform_9(%arg0: i32) -> (i32, i32) {
    %c0_i32 = arith.constant 0 : i32
    %c0_i32_0 = arith.constant 0 : i32
    %c0_i32_1 = arith.constant 0 : i32
    return %c0_i32, %c0_i32_0 : i32, i32
  }
}

</mosaic_0001>

<sc_bundles>
// kernel: kernel.6.cloned.1.call-start
scs
__scs_entry_jumppad:
0x0: {  	(pc) =	sbr.rel $0x88, $3  }
0x1: {  	(tag) =	ssettag $0x0;
	lr =	simm.s32 $0x1  }
0x2: {  	[smem:$0x3F99] =	sst lr;
	_ =	strace $0xD0000000  }
0x3: {  	_ = 	snop  }
0x4: {  	_ = 	snop  }
0x5: {  	_ = 	snop  }
0x6: {  	_ = 	snop  }
0x7: {  	_ = 	snop  }
__scs_overlays_trampoline_lowered:
0x8: {  	[smem:$0x3FA8] =	sst s0  }
0x9: {  	[smem:$0x3FA9] =	sst s1  }
0xa: {  	[smem:$0x3FAA] =	sst s2  }
0xb: {  	[smem:$0x3FAB] =	sst s3  }
0xc: {  	[smem:$0x3FAC] =	sst s4  }
0xd: {  	[smem:$0x3FAD] =	sst s5  }
0xe: {  	[smem:$0x3FAE] =	sst s6  }
0xf: {  	[smem:$0x3FAF] =	sst s7  }
0x10: {  	[smem:$0x3FB0] =	sst s8  }
0x11: {  	[smem:$0x3FB1] =	sst s9;
	s0 =	simm.s32 @!p0 $0x0  }
0x12: {  	s1 =	sld [smem:$0x3F97];
	s0 =	simm.s32 @p0 $0x1  }
0x13: {  	[smem:$0x3FB2] =	sst s0;
	s0 =	simm.s32 @!p1 $0x0  }
0x14: {  	s2 =	sld [smem:$0x3F96];
	s0 =	simm.s32 @p1 $0x1  }
0x15: {  	[smem:$0x3FB3] =	sst s0;
	s0 =	simm.s32 @!p2 $0x0  }
0x16: {  	s3 =	sld [smem:$0x3FDB];
	s0 =	simm.s32 @p2 $0x1  }
0x17: {  	s4 =	simm.s32 $0x1BF5;
	[smem:$0x3FB5] =	sst s0  }
0x18: {  	s0 =	sld [smem:$0x3F98];
	_ =	swait.ge [sflag:s4], $0x0  }
0x19: {  	s7 =	sld [smem:$0x3F99]  }
0x1a: {  	s8 =	sadd.s32 $0xFFFFE003, lr  }
0x1b: {  	s9 =	sadd.s32 $0xFFFFFEF7, lr;
	s5 =	simm.s32 $0xFFFFFFFF;
	p2 =	slt.u32 s8, $0xFFFFF086  }
0x1c: {  	p1 =	slt.u32 s9, $0xF7A;
	s5 =	simm.s32 @!p2 $0x0  }
0x1d: {  	s5 =	simm.s32 @p1 $0x1;
	p0 =	seq.s32 s7, s2  }
0x1e: {  	s7 =	smul.u32 @!p0 $0xF7A, s2;
	p2 =	seq.s32 @!p0 s5, $0x0  }
0x1f: {  	s9 =	smul.u32 $0xF7A, s1;
	s8 =	simm.s32 @!p0 $0x1BF5;
	p2 =	por !p2, p0  }
0x20: {  	[sflag:s8] =	ssyncset.s32 @!p0 $0xFFFFF086;
	s6 =	sadd.s32 @!p0 s3, s7;
	s7 =	simm.s32 @!p0 $0x108  }
0x21: {  	s3 =	sadd.s32 s3, s9;
	s6 =	sadd.s32 @!p0 $0x88, s6;
	s7 =	simm.s32 @p2 $0x1082  }
0x22: {  	[simem:s7], [sflag:s8] =	dma.local @!p0 [hbm:s6], $0xF7A  }
0x23: {  	s9 =	sor.u32 $0xD0000000, s2;
	s6 =	simm.s32 $0x108;
	_ =	swait.ge @!p0 [sflag:s8], $0x0  }
0x24: {  	s3 =	sadd.s32 $0x88, s3;
	s6 =	simm.s32 @!p1 $0x1082;
	[sflag:s4] =	ssyncset.s32 $0xFFFFF086  }
0x25: {  	[simem:s6], [sflag:s4] =	dma.local [hbm:s3], $0xF7A  }
0x26: {  	[smem:$0x3F99] =	sst s1;
	(tag) =	ssettag s2;
	_ =	strace s9  }
0x27: {  	s1 =	sld [smem:$0x3FA9]  }
0x28: {  	s2 =	sld [smem:$0x3FAA]  }
0x29: {  	s4 =	sld [smem:$0x3FAC]  }
0x2a: {  	p0 =	seq.s32 s5, $0x0;
	s5 =	sld [smem:$0x3FAD]  }
0x2b: {  	s6 =	sld [smem:$0x3FAE]  }
0x2c: {  	s7 =	sld [smem:$0x3FAF]  }
0x2d: {  	s3 =	simm.s32 $0x108;
	s8 =	sld [smem:$0x3FB0]  }
0x2e: {  	s3 =	simm.s32 @!p0 $0x1082;
	s9 =	sld [smem:$0x3FB1]  }
0x2f: {  	lr =	sadd.s32 s0, s3;
	s0 =	sld [smem:$0x3FA8]  }
0x30: {  	s3 =	sld [smem:$0x3FAB]  }
0x31: {  	[smem:$0x3FB4] =	sst s10  }
0x32: {  	s10 =	sld [smem:$0x3FB2];
	_ =	sdelay $0x3  }
0x33: {  	p0 =	seq.s32 s10, $0x1;
	s10 =	sld [smem:$0x3FB4];
	_ =	sdelay $0x3  }
0x34: {  	[smem:$0x3FB4] =	sst s10  }
0x35: {  	s10 =	sld [smem:$0x3FB3];
	_ =	sdelay $0x3  }
0x36: {  	p1 =	seq.s32 s10, $0x1;
	s10 =	sld [smem:$0x3FB4];
	_ =	sdelay $0x3  }
0x37: {  	[smem:$0x3FB4] =	sst s10  }
0x38: {  	s10 =	sld [smem:$0x3FB5]  }
0x39: {  	_ = 	snop;
	(pc) =	sbr.ind lr, $3  }
0x3a: {  	_ = 	snop  }
0x3b: {  	_ = 	snop  }
0x3c: {  	p2 =	seq.s32 s10, $0x1;
	s10 =	sld [smem:$0x3FB4]  }
0x3d: {  	_ =	shalt  }
0x3e: {  	_ =	shalt  }
0x3f: {  	_ =	shalt  }
0x40: {  	_ =	shalt  }
0x41: {  	_ =	shalt  }
0x42: {  	_ =	shalt  }
0x43: {  	_ =	shalt  }
0x44: {  	_ =	shalt  }
0x45: {  	_ =	shalt  }
0x46: {  	_ =	shalt  }
0x47: {  	_ =	shalt  }
0x48: {  	_ =	shalt  }
0x49: {  	_ =	shalt  }
0x4a: {  	_ =	shalt  }
0x4b: {  	_ =	shalt  }
0x4c: {  	_ =	shalt  }
0x4d: {  	_ =	shalt  }
0x4e: {  	_ =	shalt  }
0x4f: {  	_ =	shalt  }
0x50: {  	_ =	shalt  }
0x51: {  	_ =	shalt  }
0x52: {  	_ =	shalt  }
0x53: {  	_ =	shalt  }
0x54: {  	_ =	shalt  }
0x55: {  	_ =	shalt  }
0x56: {  	_ =	shalt  }
0x57: {  	_ =	shalt  }
0x58: {  	_ =	shalt  }
0x59: {  	_ =	shalt  }
0x5a: {  	_ =	shalt  }
0x5b: {  	_ =	shalt  }
0x5c: {  	_ =	shalt  }
0x5d: {  	_ =	shalt  }
0x5e: {  	_ =	shalt  }
0x5f: {  	_ =	shalt  }
0x60: {  	_ =	shalt  }
0x61: {  	_ =	shalt  }
0x62: {  	_ =	shalt  }
0x63: {  	_ =	shalt  }
0x64: {  	_ =	shalt  }
0x65: {  	_ =	shalt  }
0x66: {  	_ =	shalt  }
0x67: {  	_ =	shalt  }
0x68: {  	_ =	shalt  }
0x69: {  	_ =	shalt  }
0x6a: {  	_ =	shalt  }
0x6b: {  	_ =	shalt  }
0x6c: {  	_ =	shalt  }
0x6d: {  	_ =	shalt  }
0x6e: {  	_ =	shalt  }
0x6f: {  	_ =	shalt  }
0x70: {  	_ =	shalt  }
0x71: {  	_ =	shalt  }
0x72: {  	_ =	shalt  }
0x73: {  	_ =	shalt  }
0x74: {  	_ =	shalt  }
0x75: {  	_ =	shalt  }
0x76: {  	_ =	shalt  }
0x77: {  	_ =	shalt  }
0x78: {  	_ =	shalt  }
0x79: {  	_ =	shalt  }
0x7a: {  	_ =	shalt  }
0x7b: {  	_ =	shalt  }
0x7c: {  	_ =	shalt  }
0x7d: {  	_ =	shalt  }
0x7e: {  	_ =	shalt  }
0x7f: {  	_ =	shalt  }
0x80: {  	_ =	shalt  }
0x81: {  	_ =	shalt  }
0x82: {  	_ =	shalt  }
0x83: {  	_ =	shalt  }
0x84: {  	_ =	shalt  }
0x85: {  	_ =	shalt  }
0x86: {  	_ =	shalt  }
0x87: {  	_ =	shalt  }
.Lfunc_end0:
.L_simem_size_0:
called_computation_lowered:
.L_overlay_start_0:
0x88: {  	s2 =	sld [smem:$0x3FD9]  }
0x89: {  	s3 =	sld [smem:$0x3FFE];
	_ =	sdelay $0x1  }
0x8a: {  	s1 =	srdreg.scid  }
0x8b: {  	s0 =	sand.u32 $0x1, s1  }
0x8c: {  	s16 =	sshll.u32 s0, $0xA;
	s2 =	sadd.s32 s3, s2  }
0x8d: {  	s2 =	sadd.s32 s2, s16  }
0x8e: {  	[smem:$0x3FC0] =	sst s2  }
0x8f: {  	_ = 	snop  }
0x90: {  	(tm) =	ssettm $0x1  }
0x91: {  	s17 =	sld [smem:$0x3FFB];
	_ =	sdelay $0x3  }
0x92: {  	_ =	strace s17  }
0x93: {  	s2 =	sld [smem:$0x3FFC];
	_ =	sdelay $0x3  }
0x94: {  	_ =	strace s2  }
0x95: {  	s2 =	sld [smem:$0x3FFD];
	_ =	sdelay $0x3  }
0x96: {  	_ =	strace s2  }
0x97: {  	_ =	strace $0x8FFFFFFF  }
0x98: {  	s18 =	sld [smem:$0x3FDB];
	_ =	sdelay $0x1  }
0x99: {  	s19 =	simm.s32 $_scs_section_size  }
0x9a: {  	s4 =	simm.s32 $_size__tile_overlayer_lowered;
	s5 =	simm.s32 $_tile_overlayer_lowered  }
0x9b: {  	s22 =	simm.s32 $0x1BFF;
	s21 =	sshll.u32 s5, $0x1;
	s2 =	sadd.s32 s19, s18  }
0x9c: {  	s6 =	simm.s32 $0x0;
	s20 =	sshll.u32 s4, $0x1;
	s4 =	sadd.s32 s21, s2  }
0x9d: {  	[timem:s6], [sflag:s22] =	dma.local [hbm:s4], s20  }
0x9e: {  	_ =	swait.ge [sflag:s22], s20  }
0x9f: {  	s3 =	ssub.s32 $0x0, s20;
	[sflag:s22] =	ssyncset.done $0x0  }
0xa0: {  	[sflag:s22] =	ssyncadd.s32 s3;
	_ =	sdelay $0x1  }
0xa1: {  	s23 =	simm.s32 $0x1B8B  }
0xa2: {  	_ =	swait.ge [sflag:s23], $0x1  }
0xa3: {  	[sflag:s23] =	ssyncset.done $0x0  }
0xa4: {  	s25 =	simm.s32 $0x1B8E;
	s24 =	sld [smem:$0x3FFE];
	[sflag:s23] =	ssyncadd.s32 $0xFFFFFFFF  }
0xa5: {  	s26 =	simm.s32 $execute0_lowered;
	[smem:$0x3FD2] =	sst s25  }
0xa6: {  	s4 =	sshll.u32 s26, $0x1;
	_ =	strace $0x80000046;
	[dreg:$0x1] =	wrdreg $0xFFFFFFFF  }
0xa7: {  	s28 =	simm.s32 $_size_execute0_lowered;
	s2 =	sadd.s32 s2, s4;
	[dreg:$0x0] =	wrdreg $0x0  }
0xa8: {  	s4 =	sshll.u32 s28, $0x1;
	[dreg:$0x2] =	wrdreg s2  }
0xa9: {  	[dreg:$0x3] =	wrdreg s4  }
0xaa: {  	[dreg:$0x4] =	wrdreg $0xC0  }
0xab: {  	_ =	task [dreg:s6], $0x5FFFF  }
0xac: {  	[dreg:$0x1] =	wrdreg $0xFFFFFFFF  }
0xad: {  	[dreg:$0x0] =	wrdreg $0x60  }
0xae: {  	[dreg:$0x2] =	wrdreg s24  }
0xaf: {  	[dreg:$0x3] =	wrdreg $0x125000  }
0xb0: {  	[dreg:$0x4] =	wrdreg $0x9  }
0xb1: {  	_ =	task.clear_ibuf [dreg:s6], $0x5FFFF;
	_ =	strace $0x90000046  }
0xb2: {  	s29 =	simm.s32 $0x9;
	_ =	strace $0x80000048  }
0xb3: {  	_ =	swait.ge [sflag:s29], $0x1  }
0xb4: {  	[sflag:s29] =	ssyncadd.s32 $0xFFFFFFFF  }
0xb5: {  	_ =	strace $0x90000048  }
0xb6: {  	_ =	sfence  }
0xb7: {  	s30 =	sld [smem:$0x0];
	_ =	sdelay $0x2  }
0xb8: {  	s31 =	sshll.u32 s1, $0xD;
	s1 =	sshrl.u32 s1, $0x2  }
0xb9: {  	s3 =	sand.u32 $0x4000, s31;
	s1 =	sadd.s32 s1, s30  }
0xba: {  	s0 =	sor.u32 s3, s0;
	s1 =	sshll.u32 s1, $0x11  }
0xbb: {  	s0 =	sor.u32 s1, s0  }
0xbc: {  	s0 =	sadd.s32 $0x8F2B, s0  }
0xbd: {  	[sflag:s0] =	ssyncadd.remote.s32 $0x1  }
0xbe: {  	_ =	sfence.sel $0xFFFF  }
0xbf: {  	[dreg:$0x0] =	wrdreg $0xFFFFFFFF;
	(pc) =	sbr.abs _section_cstart, $3  }
0xc0: {  	[dreg:$0x1] =	wrdreg $0xFFFFFFFF  }
0xc1: {  	_ =	task.clear_ibuf [dreg:s6], $0x2FFFF;
	_ =	strace $0x9FFFFFFF  }
0xc2: {  	(tm) =	ssettm $0x7FFFFFFF  }
0xc3: {  	_ =	shalt  }
tec
execute0_lowered:
.L_overlay_start_1:
0x0: {  	(tag) =	ssettag $0x1  }
0x1: {  	s0 =	rddreg [dreg:$0x0]  }
0x2: {  	s1 =	rddreg [dreg:$0x1]  }
0x3: {  	s3 =	srdreg.scid;
	s8 =	stileid.u32;
	s2 =	simm.s32 $0x0  }
0x4: {  	s29 =	simm.s32 $0x8000;
	s30 =	simm.s32 $0xA800;
	s4 =	smul.u32 $0x280, s8  }
0x5: {  	s31 =	simm.s32 $0x80;
	s3 =	sand.u32 $0x1, s3;
	s17 =	smul.u32 $0x14000, s8  }
0x6: {  	[smem:$0x7FF] =	sst s2;
	s6 =	sshll.u32 s8, $0xC;
	s18 =	smul.u32 $0x1400, s8  }
0x7: {  	s5 =	smul.u32 $0x5000, s3;
	s7 =	sshll.u32 s3, $0xB;
	s3 =	ssub.s32 $0x2, s3  }
0x8: {  	_ =	strace $0x80000047;
	s6 =	sor.u32 s7, s6;
	s19 =	sshrl.u32 s3, $0x1  }
0x9: {  	s20 =	sshrl.u32 s17, $0x2;
	s21 =	sshrl.u32 s18, $0x2;
	s4 =	sadd.s32 s4, s5  }
0xa: {  	s6 =	sadd.s32 s6, s0;
	s3 =	ssub.s32 s3, s19;
	s5 =	sadd.s32 s21, s1  }
0xb: {  	s4 =	sshrl.u32 s4, $0x3;
	s22 =	sadd.s32 $0x2200, s6;
	s23 =	sadd.s32 $0x12200, s6  }
0xc: {  	s25 =	sadd.s32 $0x5000, s5;
	s26 =	sadd.s32 $0xA000, s5;
	s28 =	sadd.s32 $0xF000, s5  }
0xd: {  	s11 =	sadd.s32 $0x14000, s5;
	s12 =	sadd.s32 $0x19000, s5;
	s13 =	sadd.s32 $0x1E000, s5  }
0xe: {  	s14 =	sadd.s32 $0x23000, s5;
	s15 =	sadd.s32 $0x28000, s5;
	[dreg:$0x3] =	wrdreg s22  }
0xf: {  	s16 =	sadd.s32 $0x2D000, s5;
	s17 =	sadd.s32 $0x32000, s5;
	[dreg:$0x4] =	wrdreg s23  }
0x10: {  	s18 =	sadd.s32 $0x37000, s5;
	s19 =	sadd.s32 $0x3C000, s5;
	[dreg:$0x6] =	wrdreg s25  }
0x11: {  	s21 =	sadd.s32 $0x46000, s5;
	s0 =	sadd.s32 s4, s0;
	[dreg:$0x7] =	wrdreg s26  }
0x12: {  	s4 =	sadd.s32 s20, s1;
	[dreg:$0x8] =	wrdreg s28;
	s20 =	sadd.s32 $0x41000, s5  }
0x13: {  	s22 =	sadd.s32 $0x4B000, s5;
	s25 =	smax.u32 s3, $0x1;
	s26 =	simm.s32 $0x1  }
0x14: {  	s1 =	simm.s32 $0x0;
	s24 =	sadd.s32 $0x80, s4;
	s23 =	sadd.s32 $0x22200, s0  }
0x15: {  	v0 =	vimm.f32 $0.0e+00;
	v1 =	vimm.f32 $1.000000000e+00;
	[dreg:$0x5] =	wrdreg s24;
	s24 =	sadd.s32 $0x22700, s0;
	s0 =	simm.s32 $0x100  }
.LBB2_1:
0x16: {  	s3 =	rddreg [dreg:$0x3]  }
0x17: {  	[tilespmem:s2], [sflag:$0x1] =	stream.linear.gather [hbm4b:s3+s2], $0x4000, $0x38;
	[tilespmem:$0x17500] =	vst v63  }
0x18: {  	_ =	swait.ge [sflag:s26], $0x4000  }
0x19: {  	[sflag:s26] =	ssyncset.done $0x0  }
0x1a: {  	s6 =	simm.s32 $0x4000;
	s10 =	rddreg [dreg:$0x4];
	[sflag:s26] =	ssyncadd.s32 $0xFFFFC000  }
0x1b: {  	[tilespmem:s6], [sflag:$0x1] =	stream.linear.gather [hbm4b:s10+s2], $0x4000, $0x38;
	[tilespmem:$0x17500] =	vst v63  }
0x1c: {  	_ =	swait.ge [sflag:s26], $0x4000  }
0x1d: {  	[sflag:s26] =	ssyncset.done $0x0  }
0x1e: {  	s28 =	simm.s32 $0x8040;
	[sflag:s26] =	ssyncadd.s32 $0xFFFFC000  }
0x1f: {  	s3 =	simm.s32 $0xA840;
	[tilespmem:s28+$0xFFFFFFC0] =	vst v0  }
0x20: {  	[tilespmem:s3+$0xFFFFFFC0] =	vst v0  }
0x21: {  	[tilespmem:s28+$0xFFFFFFD0] =	vst v0  }
0x22: {  	[tilespmem:s3+$0xFFFFFFD0] =	vst v0  }
0x23: {  	[tilespmem:s28+$0xFFFFFFE0] =	vst v0  }
0x24: {  	[tilespmem:s3+$0xFFFFFFE0] =	vst v0  }
0x25: {  	[tilespmem:s28+$0xFFFFFFF0] =	vst v0  }
0x26: {  	[tilespmem:s3+$0xFFFFFFF0] =	vst v0  }
0x27: {  	[tilespmem:s28+$0x0] =	vst v0  }
0x28: {  	[tilespmem:s3+$0x0] =	vst v0  }
0x29: {  	[tilespmem:s28+$0x10] =	vst v0  }
0x2a: {  	[tilespmem:s3+$0x10] =	vst v0  }
0x2b: {  	[tilespmem:s28+$0x20] =	vst v0  }
0x2c: {  	[tilespmem:s3+$0x20] =	vst v0  }
0x2d: {  	[tilespmem:s28+$0x30] =	vst v0  }
0x2e: {  	s7 =	simm.s32 $0x80C0;
	s6 =	simm.s32 $0x0;
	[tilespmem:s3+$0x30] =	vst v0  }
.LBB2_2:
0x2f: {  	[tilespmem:s7+$0xFFFFFFC0] =	vst v0;
	s3 =	sadd.s32 $0x80, s3  }
0x30: {  	[tilespmem:s3+$0xFFFFFFC0] =	vst v0  }
0x31: {  	[tilespmem:s7+$0xFFFFFFD0] =	vst v0  }
0x32: {  	[tilespmem:s3+$0xFFFFFFD0] =	vst v0  }
0x33: {  	[tilespmem:s7+$0xFFFFFFE0] =	vst v0  }
0x34: {  	[tilespmem:s3+$0xFFFFFFE0] =	vst v0  }
0x35: {  	[tilespmem:s7+$0xFFFFFFF0] =	vst v0  }
0x36: {  	[tilespmem:s3+$0xFFFFFFF0] =	vst v0  }
0x37: {  	[tilespmem:s7+$0x0] =	vst v0  }
0x38: {  	s6 =	sadd.s32 $0x8, s6;
	[tilespmem:s3+$0x0] =	vst v0  }
0x39: {  	p0 =	slt.u32 s6, $0x278;
	[tilespmem:s7+$0x10] =	vst v0  }
.Ltmp0:
0x3a: {  	[tilespmem:s3+$0x10] =	vst v0;
	(pc) =	sbr.rel @p0 .LBB2_2-.Ltmp0, $4  }
0x3b: {  	[tilespmem:s7+$0x20] =	vst v0  }
0x3c: {  	[tilespmem:s3+$0x20] =	vst v0  }
0x3d: {  	[tilespmem:s7+$0x30] =	vst v0  }
0x3e: {  	s8 =	simm.s32 $0x0;
	s7 =	sadd.s32 $0x80, s7;
	[tilespmem:s3+$0x30] =	vst v0  }
0x3f: {  	s3 =	simm.s32 $0x0  }
.LBB2_4:
0x40: {  	s6 =	sand.u32 $0x70, s3;
	s7 =	sand.u32 $0x3C00, s8  }
0x41: {  	s6 =	sor.u32 s6, s7  }
0x42: {  	v2 =	vld [tilespmem:s6+$0x0];
	_ =	sdelay $0x7  }
0x43: {  	[tilespmem:v2+s29+$0x0] =	vst.idx.add.f32.msk $0xffff, v1  }
0x44: {  	v2 =	vld [tilespmem:s6+$0x4000];
	_ =	sdelay $0x7  }
0x45: {  	[tilespmem:v2+s30+$0x0] =	vst.idx.add.f32.msk $0xffff, v1  }
0x46: {  	v2 =	vld [tilespmem:s6+$0x80];
	_ =	sdelay $0x7  }
0x47: {  	[tilespmem:v2+s29+$0x0] =	vst.idx.add.f32.msk $0xffff, v1  }
0x48: {  	v2 =	vld [tilespmem:s6+$0x4080];
	_ =	sdelay $0x7  }
0x49: {  	[tilespmem:v2+s30+$0x0] =	vst.idx.add.f32.msk $0xffff, v1  }
0x4a: {  	v2 =	vld [tilespmem:s6+$0x100];
	_ =	sdelay $0x7  }
0x4b: {  	[tilespmem:v2+s29+$0x0] =	vst.idx.add.f32.msk $0xffff, v1  }
0x4c: {  	v2 =	vld [tilespmem:s6+$0x4100];
	_ =	sdelay $0x7  }
0x4d: {  	[tilespmem:v2+s30+$0x0] =	vst.idx.add.f32.msk $0xffff, v1  }
0x4e: {  	v2 =	vld [tilespmem:s6+$0x180];
	_ =	sdelay $0x7  }
0x4f: {  	[tilespmem:v2+s29+$0x0] =	vst.idx.add.f32.msk $0xffff, v1  }
0x50: {  	v2 =	vld [tilespmem:s6+$0x4180];
	_ =	sdelay $0x7  }
0x51: {  	[tilespmem:v2+s30+$0x0] =	vst.idx.add.f32.msk $0xffff, v1  }
0x52: {  	v2 =	vld [tilespmem:s6+$0x200];
	_ =	sdelay $0x7  }
0x53: {  	[tilespmem:v2+s29+$0x0] =	vst.idx.add.f32.msk $0xffff, v1  }
0x54: {  	v2 =	vld [tilespmem:s6+$0x4200];
	_ =	sdelay $0x2  }
0x55: {  	p0 =	sne.s32 s3, $0x7C0  }
.Ltmp1:
0x56: {  	_ = 	snop;
	(pc) =	sbr.rel @p0 .LBB2_4-.Ltmp1, $2  }
0x57: {  	_ =	sdelay $0x2  }
0x58: {  	s8 =	sadd.s32 $0x80, s8;
	s3 =	sadd.s32 $0x10, s3;
	[tilespmem:v2+s30+$0x0] =	vst.idx.add.f32.msk $0xffff, v1  }
0x59: {  	[spmem:s4] =	stream.strided.scatter [tilespmem:s29], [sflag:$0x1], $0x2800, s0, s31, $0x38;
	[tilespmem:$0x17500] =	vst v63  }
0x5a: {  	_ =	swait.ge [sflag:s26], $0x2800  }
0x5b: {  	[sflag:s26] =	ssyncset.done $0x0  }
0x5c: {  	s3 =	rddreg [dreg:$0x5];
	[sflag:s26] =	ssyncadd.s32 $0xFFFFD800  }
0x5d: {  	[spmem:s3] =	stream.strided.scatter [tilespmem:s30], [sflag:$0x1], $0x2800, s0, s31, $0x38;
	[tilespmem:$0x17500] =	vst v63  }
0x5e: {  	_ =	swait.ge [sflag:s26], $0x2800  }
0x5f: {  	[sflag:s26] =	ssyncset.done $0x0  }
0x60: {  	[sflag:s26] =	ssyncadd.s32 $0xFFFFD800  }
0x61: {  	s9 =	simm.s32 $0xD000;
	[bflag:$0x0] =	sbarrier.arrive $0xFFFF  }
0x62: {  	[tilespmem:s9], [sflag:$0x1] =	stream.linear.gather [spmem:s5], $0x500, $0x38;
	[tilespmem:$0x17500] =	vst v63  }
0x63: {  	_ =	swait.ge [sflag:s26], $0x500  }
0x64: {  	[sflag:s26] =	ssyncset.done $0x0  }
0x65: {  	s6 =	simm.s32 $0xD500;
	s10 =	rddreg [dreg:$0x6];
	[sflag:s26] =	ssyncadd.s32 $0xFFFFFB00  }
0x66: {  	[tilespmem:s6], [sflag:$0x1] =	stream.linear.gather [spmem:s10], $0x500, $0x38;
	[tilespmem:$0x17500] =	vst v63  }
0x67: {  	_ =	swait.ge [sflag:s26], $0x500  }
0x68: {  	[sflag:s26] =	ssyncset.done $0x0  }
0x69: {  	s8 =	simm.s32 $0xDA00;
	s7 =	rddreg [dreg:$0x7];
	[sflag:s26] =	ssyncadd.s32 $0xFFFFFB00  }
0x6a: {  	[tilespmem:s8], [sflag:$0x1] =	stream.linear.gather [spmem:s7], $0x500, $0x38;
	[tilespmem:$0x17500] =	vst v63  }
0x6b: {  	_ =	swait.ge [sflag:s26], $0x500  }
0x6c: {  	[sflag:s26] =	ssyncset.done $0x0  }
0x6d: {  	s10 =	simm.s32 $0xDF00;
	s9 =	rddreg [dreg:$0x8];
	[sflag:s26] =	ssyncadd.s32 $0xFFFFFB00  }
0x6e: {  	[tilespmem:s10], [sflag:$0x1] =	stream.linear.gather [spmem:s9], $0x500, $0x38;
	[tilespmem:$0x17500] =	vst v63  }
0x6f: {  	_ =	swait.ge [sflag:s26], $0x500  }
0x70: {  	[sflag:s26] =	ssyncset.done $0x0  }
0x71: {  	s7 =	simm.s32 $0xE400;
	[sflag:s26] =	ssyncadd.s32 $0xFFFFFB00  }
0x72: {  	[tilespmem:s7], [sflag:$0x1] =	stream.linear.gather [spmem:s11], $0x500, $0x38;
	[tilespmem:$0x17500] =	vst v63  }
0x73: {  	_ =	swait.ge [sflag:s26], $0x500  }
0x74: {  	[sflag:s26] =	ssyncset.done $0x0  }
0x75: {  	s8 =	simm.s32 $0xE900;
	[sflag:s26] =	ssyncadd.s32 $0xFFFFFB00  }
0x76: {  	[tilespmem:s8], [sflag:$0x1] =	stream.linear.gather [spmem:s12], $0x500, $0x38;
	[tilespmem:$0x17500] =	vst v63  }
0x77: {  	_ =	swait.ge [sflag:s26], $0x500  }
0x78: {  	[sflag:s26] =	ssyncset.done $0x0  }
0x79: {  	s9 =	simm.s32 $0xEE00;
	[sflag:s26] =	ssyncadd.s32 $0xFFFFFB00  }
0x7a: {  	[tilespmem:s9], [sflag:$0x1] =	stream.linear.gather [spmem:s13], $0x500, $0x38;
	[tilespmem:$0x17500] =	vst v63  }
0x7b: {  	_ =	swait.ge [sflag:s26], $0x500  }
0x7c: {  	[sflag:s26] =	ssyncset.done $0x0  }
0x7d: {  	s10 =	simm.s32 $0xF300;
	[sflag:s26] =	ssyncadd.s32 $0xFFFFFB00  }
0x7e: {  	[tilespmem:s10], [sflag:$0x1] =	stream.linear.gather [spmem:s14], $0x500, $0x38;
	[tilespmem:$0x17500] =	vst v63  }
0x7f: {  	_ =	swait.ge [sflag:s26], $0x500  }
0x80: {  	[sflag:s26] =	ssyncset.done $0x0  }
0x81: {  	s6 =	simm.s32 $0xF800;
	[sflag:s26] =	ssyncadd.s32 $0xFFFFFB00  }
0x82: {  	[tilespmem:s6], [sflag:$0x1] =	stream.linear.gather [spmem:s15], $0x500, $0x38;
	[tilespmem:$0x17500] =	vst v63  }
0x83: {  	_ =	swait.ge [sflag:s26], $0x500  }
0x84: {  	[sflag:s26] =	ssyncset.done $0x0  }
0x85: {  	s7 =	simm.s32 $0xFD00;
	[sflag:s26] =	ssyncadd.s32 $0xFFFFFB00  }
0x86: {  	[tilespmem:s7], [sflag:$0x1] =	stream.linear.gather [spmem:s16], $0x500, $0x38;
	[tilespmem:$0x17500] =	vst v63  }
0x87: {  	_ =	swait.ge [sflag:s26], $0x500  }
0x88: {  	[sflag:s26] =	ssyncset.done $0x0  }
0x89: {  	s8 =	simm.s32 $0x10200;
	[sflag:s26] =	ssyncadd.s32 $0xFFFFFB00  }
0x8a: {  	[tilespmem:s8], [sflag:$0x1] =	stream.linear.gather [spmem:s17], $0x500, $0x38;
	[tilespmem:$0x17500] =	vst v63  }
0x8b: {  	_ =	swait.ge [sflag:s26], $0x500  }
0x8c: {  	[sflag:s26] =	ssyncset.done $0x0  }
0x8d: {  	s9 =	simm.s32 $0x10700;
	[sflag:s26] =	ssyncadd.s32 $0xFFFFFB00  }
0x8e: {  	[tilespmem:s9], [sflag:$0x1] =	stream.linear.gather [spmem:s18], $0x500, $0x38;
	[tilespmem:$0x17500] =	vst v63  }
0x8f: {  	_ =	swait.ge [sflag:s26], $0x500  }
0x90: {  	[sflag:s26] =	ssyncset.done $0x0  }
0x91: {  	s10 =	simm.s32 $0x10C00;
	[sflag:s26] =	ssyncadd.s32 $0xFFFFFB00  }
0x92: {  	[tilespmem:s10], [sflag:$0x1] =	stream.linear.gather [spmem:s19], $0x500, $0x38;
	[tilespmem:$0x17500] =	vst v63  }
0x93: {  	_ =	swait.ge [sflag:s26], $0x500  }
0x94: {  	[sflag:s26] =	ssyncset.done $0x0  }
0x95: {  	s6 =	simm.s32 $0x11100;
	[sflag:s26] =	ssyncadd.s32 $0xFFFFFB00  }
0x96: {  	[tilespmem:s6], [sflag:$0x1] =	stream.linear.gather [spmem:s20], $0x500, $0x38;
	[tilespmem:$0x17500] =	vst v63  }
0x97: {  	_ =	swait.ge [sflag:s26], $0x500  }
0x98: {  	[sflag:s26] =	ssyncset.done $0x0  }
0x99: {  	s7 =	simm.s32 $0x11600;
	[sflag:s26] =	ssyncadd.s32 $0xFFFFFB00  }
0x9a: {  	[tilespmem:s7], [sflag:$0x1] =	stream.linear.gather [spmem:s21], $0x500, $0x38;
	[tilespmem:$0x17500] =	vst v63  }
0x9b: {  	_ =	swait.ge [sflag:s26], $0x500  }
0x9c: {  	[sflag:s26] =	ssyncset.done $0x0  }
0x9d: {  	s8 =	simm.s32 $0x11B00;
	[sflag:s26] =	ssyncadd.s32 $0xFFFFFB00  }
0x9e: {  	[tilespmem:s8], [sflag:$0x1] =	stream.linear.gather [spmem:s22], $0x500, $0x38;
	[tilespmem:$0x17500] =	vst v63  }
0x9f: {  	s28 =	simm.s32 $0x0;
	_ =	swait.ge [sflag:s26], $0x500  }
0xa0: {  	s9 =	sand.u32 $0x70, s28;
	s10 =	sand.u32 $0x700, s28;
	[sflag:s26] =	ssyncset.done $0x0  }
0xa1: {  	s7 =	sor.u32 s9, s10;
	[sflag:s26] =	ssyncadd.s32 $0xFFFFFB00  }
0xa2: {  	v2 =	vld [tilespmem:s7+$0xD000]  }
0xa3: {  	v3 =	vld [tilespmem:s7+$0xD500];
	_ =	sdelay $0x1  }
0xa4: {  	v4 =	vld [tilespmem:s7+$0xDA00];
	_ =	sdelay $0x1  }
0xa5: {  	v5 =	vld [tilespmem:s7+$0xDF00]  }
0xa6: {  	v2 =	vadd.f32 v3, v2  }
0xa7: {  	v3 =	vld [tilespmem:s7+$0xE400]  }
0xa8: {  	v2 =	vadd.f32 v4, v2  }
0xa9: {  	v4 =	vld [tilespmem:s7+$0xE900]  }
0xaa: {  	v2 =	vadd.f32 v5, v2  }
0xab: {  	v5 =	vld [tilespmem:s7+$0xEE00]  }
0xac: {  	v2 =	vadd.f32 v3, v2  }
0xad: {  	v3 =	vld [tilespmem:s7+$0xF300]  }
0xae: {  	v2 =	vadd.f32 v4, v2  }
0xaf: {  	v4 =	vld [tilespmem:s7+$0xF800]  }
0xb0: {  	v2 =	vadd.f32 v5, v2  }
0xb1: {  	v5 =	vld [tilespmem:s7+$0xFD00]  }
0xb2: {  	v2 =	vadd.f32 v3, v2  }
0xb3: {  	v3 =	vld [tilespmem:s7+$0x10200]  }
0xb4: {  	v2 =	vadd.f32 v4, v2  }
0xb5: {  	v4 =	vld [tilespmem:s7+$0x10700]  }
0xb6: {  	v2 =	vadd.f32 v5, v2  }
0xb7: {  	v5 =	vld [tilespmem:s7+$0x10C00]  }
0xb8: {  	v2 =	vadd.f32 v3, v2  }
0xb9: {  	v3 =	vld [tilespmem:s7+$0x11100]  }
0xba: {  	v2 =	vadd.f32 v4, v2  }
0xbb: {  	v4 =	vld [tilespmem:s7+$0x11600]  }
0xbc: {  	v2 =	vadd.f32 v5, v2  }
0xbd: {  	v5 =	vld [tilespmem:s7+$0x11B00]  }
0xbe: {  	v2 =	vadd.f32 v3, v2;
	_ =	sdelay $0x1  }
0xbf: {  	v2 =	vadd.f32 v4, v2;
	_ =	sdelay $0x1  }
0xc0: {  	v2 =	vadd.f32 v5, v2  }
0xc1: {  	s3 =	simm.s32 $0x12000  }
0xc2: {  	[tilespmem:s3+$0x0] =	vst v2  }
0xc3: {  	v2 =	vld [tilespmem:s7+$0xD080]  }
0xc4: {  	v3 =	vld [tilespmem:s7+$0xD580];
	_ =	sdelay $0x1  }
0xc5: {  	v4 =	vld [tilespmem:s7+$0xDA80];
	_ =	sdelay $0x1  }
0xc6: {  	v5 =	vld [tilespmem:s7+$0xDF80]  }
0xc7: {  	v2 =	vadd.f32 v3, v2  }
0xc8: {  	v3 =	vld [tilespmem:s7+$0xE480]  }
0xc9: {  	v2 =	vadd.f32 v4, v2  }
0xca: {  	v4 =	vld [tilespmem:s7+$0xE980]  }
0xcb: {  	v2 =	vadd.f32 v5, v2  }
0xcc: {  	v5 =	vld [tilespmem:s7+$0xEE80]  }
0xcd: {  	v2 =	vadd.f32 v3, v2  }
0xce: {  	v3 =	vld [tilespmem:s7+$0xF380]  }
0xcf: {  	v2 =	vadd.f32 v4, v2  }
0xd0: {  	v4 =	vld [tilespmem:s7+$0xF880]  }
0xd1: {  	v2 =	vadd.f32 v5, v2  }
0xd2: {  	v5 =	vld [tilespmem:s7+$0xFD80]  }
0xd3: {  	v2 =	vadd.f32 v3, v2  }
0xd4: {  	v3 =	vld [tilespmem:s7+$0x10280]  }
0xd5: {  	v2 =	vadd.f32 v4, v2  }
0xd6: {  	v4 =	vld [tilespmem:s7+$0x10780]  }
0xd7: {  	v2 =	vadd.f32 v5, v2  }
0xd8: {  	v5 =	vld [tilespmem:s7+$0x10C80]  }
0xd9: {  	v2 =	vadd.f32 v3, v2  }
0xda: {  	v3 =	vld [tilespmem:s7+$0x11180]  }
0xdb: {  	v2 =	vadd.f32 v4, v2  }
0xdc: {  	v4 =	vld [tilespmem:s7+$0x11680]  }
0xdd: {  	v2 =	vadd.f32 v5, v2;
	_ =	sdelay $0x1  }
0xde: {  	v3 =	vadd.f32 v3, v2;
	v2 =	vld [tilespmem:s7+$0x11B80];
	_ =	sdelay $0x1  }
0xdf: {  	s6 =	simm.s32 $0x10;
	s9 =	sand.u32 $0x3F0, s28;
	v3 =	vadd.f32 v4, v3  }
.LBB2_6:
0xe0: {  	p0 =	sne.s32 s6, $0x270  }
0xe1: {  	s28 =	sadd.s32 $0x20, s28;
	s3 =	sadd.s32 $0x10, s3;
	s7 =	smov.u32 s6  }
0xe2: {  	s6 =	sadd.s32 $0x10, s6;
	s8 =	sand.u32 $0x70, s7;
	s10 =	sand.u32 $0x700, s28;
	v2 =	vadd.f32 v2, v3  }
0xe3: {  	s8 =	sor.u32 s8, s10  }
0xe4: {  	[tilespmem:s9+$0x12280] =	vst v2  }
0xe5: {  	v2 =	vld [tilespmem:s8+$0xD000]  }
0xe6: {  	v3 =	vld [tilespmem:s8+$0xD500];
	_ =	sdelay $0x1  }
0xe7: {  	v4 =	vld [tilespmem:s8+$0xDA00];
	_ =	sdelay $0x1  }
0xe8: {  	v5 =	vld [tilespmem:s8+$0xDF00]  }
0xe9: {  	v2 =	vadd.f32 v3, v2  }
0xea: {  	v3 =	vld [tilespmem:s8+$0xE400]  }
0xeb: {  	v2 =	vadd.f32 v4, v2  }
0xec: {  	v4 =	vld [tilespmem:s8+$0xE900]  }
0xed: {  	v2 =	vadd.f32 v5, v2  }
0xee: {  	v5 =	vld [tilespmem:s8+$0xEE00]  }
0xef: {  	v2 =	vadd.f32 v3, v2  }
0xf0: {  	v3 =	vld [tilespmem:s8+$0xF300]  }
0xf1: {  	v2 =	vadd.f32 v4, v2  }
0xf2: {  	v4 =	vld [tilespmem:s8+$0xF800]  }
0xf3: {  	v2 =	vadd.f32 v5, v2  }
0xf4: {  	v5 =	vld [tilespmem:s8+$0xFD00]  }
0xf5: {  	v2 =	vadd.f32 v3, v2  }
0xf6: {  	v3 =	vld [tilespmem:s8+$0x10200]  }
0xf7: {  	v2 =	vadd.f32 v4, v2  }
0xf8: {  	v4 =	vld [tilespmem:s8+$0x10700]  }
0xf9: {  	v2 =	vadd.f32 v5, v2  }
0xfa: {  	v5 =	vld [tilespmem:s8+$0x10C00]  }
0xfb: {  	v2 =	vadd.f32 v3, v2  }
0xfc: {  	v3 =	vld [tilespmem:s8+$0x11100]  }
0xfd: {  	v2 =	vadd.f32 v4, v2  }
0xfe: {  	v4 =	vld [tilespmem:s8+$0x11600]  }
0xff: {  	v2 =	vadd.f32 v5, v2  }
0x100: {  	v5 =	vld [tilespmem:s8+$0x11B00]  }
0x101: {  	v2 =	vadd.f32 v3, v2;
	_ =	sdelay $0x1  }
0x102: {  	v2 =	vadd.f32 v4, v2;
	_ =	sdelay $0x1  }
0x103: {  	v2 =	vadd.f32 v5, v2;
	_ =	sdelay $0x1  }
0x104: {  	[tilespmem:s3+$0x0] =	vst v2  }
0x105: {  	v2 =	vld [tilespmem:s8+$0xD080]  }
0x106: {  	v3 =	vld [tilespmem:s8+$0xD580];
	_ =	sdelay $0x1  }
0x107: {  	v4 =	vld [tilespmem:s8+$0xDA80]  }
0x108: {  	v5 =	vld [tilespmem:s8+$0xDF80];
	_ =	sdelay $0x1  }
0x109: {  	v2 =	vadd.f32 v3, v2;
	v3 =	vld [tilespmem:s8+$0xE480];
	_ =	sdelay $0x1  }
0x10a: {  	v2 =	vadd.f32 v4, v2;
	v4 =	vld [tilespmem:s8+$0xE980];
	_ =	sdelay $0x1  }
0x10b: {  	v2 =	vadd.f32 v5, v2;
	v5 =	vld [tilespmem:s8+$0xEE80];
	_ =	sdelay $0x1  }
0x10c: {  	v2 =	vadd.f32 v3, v2;
	v3 =	vld [tilespmem:s8+$0xF380];
	_ =	sdelay $0x1  }
0x10d: {  	v2 =	vadd.f32 v4, v2;
	v4 =	vld [tilespmem:s8+$0xF880];
	_ =	sdelay $0x1  }
0x10e: {  	v2 =	vadd.f32 v5, v2;
	v5 =	vld [tilespmem:s8+$0xFD80];
	_ =	sdelay $0x1  }
0x10f: {  	v2 =	vadd.f32 v3, v2;
	v3 =	vld [tilespmem:s8+$0x10280];
	_ =	sdelay $0x1  }
0x110: {  	v2 =	vadd.f32 v4, v2;
	v4 =	vld [tilespmem:s8+$0x10780];
	_ =	sdelay $0x1  }
0x111: {  	v2 =	vadd.f32 v5, v2;
	v5 =	vld [tilespmem:s8+$0x10C80];
	_ =	sdelay $0x1  }
0x112: {  	v2 =	vadd.f32 v3, v2;
	v3 =	vld [tilespmem:s8+$0x11180];
	_ =	sdelay $0x1  }
0x113: {  	v2 =	vadd.f32 v4, v2;
	v4 =	vld [tilespmem:s8+$0x11680];
	_ =	sdelay $0x1  }
.Ltmp2:
0x114: {  	v5 =	vadd.f32 v5, v2;
	v2 =	vld [tilespmem:s8+$0x11B80];
	(pc) =	sbr.rel @p0 .LBB2_6-.Ltmp2, $3  }
0x115: {  	_ = 	snop  }
0x116: {  	v3 =	vadd.f32 v3, v5;
	_ =	sdelay $0x1  }
0x117: {  	s9 =	sand.u32 $0x3F0, s7;
	v3 =	vadd.f32 v4, v3  }
0x118: {  	_ = 	snop  }
0x119: {  	v2 =	vadd.f32 v2, v3;
	_ =	sdelay $0x1  }
0x11a: {  	s3 =	simm.s32 $0x12000;
	[tilespmem:s9+$0x12280] =	vst v2  }
0x11b: {  	[hbm4b:s23+s2] =	stream.linear.scatter [tilespmem:s3], [sflag:$0x1], $0x280, $0x38;
	[tilespmem:$0x17500] =	vst v63  }
0x11c: {  	s1 =	sadd.s32 $0x1, s1;
	_ =	swait.ge [sflag:s26], $0x280  }
0x11d: {  	p0 =	sne.s32 s1, s25;
	[sflag:s26] =	ssyncset.done $0x0  }
.Ltmp3:
0x11e: {  	s28 =	simm.s32 $0x12280;
	[sflag:s26] =	ssyncadd.s32 $0xFFFFFD80;
	(pc) =	sbr.rel @p0 .LBB2_1-.Ltmp3, $4  }
0x11f: {  	[hbm4b:s24+s2] =	stream.linear.scatter [tilespmem:s28], [sflag:$0x1], $0x280, $0x38;
	[tilespmem:$0x17500] =	vst v63  }
0x120: {  	_ =	swait.ge [sflag:s26], $0x280  }
0x121: {  	[sflag:s26] =	ssyncset.done $0x0  }
0x122: {  	[sflag:s26] =	ssyncadd.s32 $0xFFFFFD80  }
0x123: {  	_ =	sfence.sel $0x180000  }
0x124: {  	[bflag:$0x0] =	sbarrier.arrive $0xFFFF  }
0x125: {  	_ =	strace $0x90000047  }
0x126: {  	s0 =	stileid.u32;
	[bflag:$0x2] =	sbarrier.arrive $0xFFFF  }
0x127: {  	p0 =	sne.s32 s0, $0x0;
	s0 =	rddreg [dreg:$0x2]  }
0x128: {  	s0 =	sadd.s32 @!p0 $0x100000, s0  }
0x129: {  	[sflag:s0] =	ssyncadd.tile.s32 @!p0 $0x1;
	_ =	shalt  }
.Lfunc_end2:
_tile_overlayer_lowered:
.L_overlay_start_2:
0x12a: {  	(tag) =	ssettag $0x2  }
0x12b: {  	s0 =	rddreg [dreg:$0x0];
	s2 =	stileid.u32  }
0x12c: {  	s1 =	rddreg [dreg:$0x1];
	p0 =	sne.s32 s2, $0x0  }
0x12d: {  	s3 =	rddreg [dreg:$0x2];
	[bflag:$0x3] =	sbarrier.arrive $0xFFFF;
	s2 =	simm.s32 @!p0 $0x1C01  }
0x12e: {  	[timem:s3], [sflag:s2] =	dma.local @!p0 [hbm:s0], s1  }
0x12f: {  	s0 =	simm.s32 @!p0 $0x1  }
0x130: {  	_ =	swait.ge @!p0 [sflag:s0], s1  }
0x131: {  	s1 =	ssub.s32 @!p0 $0x0, s1;
	[sflag:s0] =	ssyncset.done @!p0 $0x0  }
0x132: {  	[sflag:s0] =	ssyncadd.s32 @!p0 s1  }
0x133: {  	[bflag:$0x3] =	sbarrier.arrive $0xFFFF  }
0x134: {  	_ =	shalt  }

// kernel: kernel.9.cloned.1.call-start
scs
__scs_entry_jumppad:
0x0: {  	(pc) =	sbr.rel $0x88, $3  }
0x1: {  	(tag) =	ssettag $0x0;
	lr =	simm.s32 $0x1  }
0x2: {  	[smem:$0x3F99] =	sst lr;
	_ =	strace $0xD0000000  }
0x3: {  	_ = 	snop  }
0x4: {  	_ = 	snop  }
0x5: {  	_ = 	snop  }
0x6: {  	_ = 	snop  }
0x7: {  	_ = 	snop  }
__scs_overlays_trampoline_lowered:
0x8: {  	[smem:$0x3FA8] =	sst s0  }
0x9: {  	[smem:$0x3FA9] =	sst s1  }
0xa: {  	[smem:$0x3FAA] =	sst s2  }
0xb: {  	[smem:$0x3FAB] =	sst s3  }
0xc: {  	[smem:$0x3FAC] =	sst s4  }
0xd: {  	[smem:$0x3FAD] =	sst s5  }
0xe: {  	[smem:$0x3FAE] =	sst s6  }
0xf: {  	[smem:$0x3FAF] =	sst s7  }
0x10: {  	[smem:$0x3FB0] =	sst s8  }
0x11: {  	[smem:$0x3FB1] =	sst s9;
	s0 =	simm.s32 @!p0 $0x0  }
0x12: {  	s1 =	sld [smem:$0x3F97];
	s0 =	simm.s32 @p0 $0x1  }
0x13: {  	[smem:$0x3FB2] =	sst s0;
	s0 =	simm.s32 @!p1 $0x0  }
0x14: {  	s2 =	sld [smem:$0x3F96];
	s0 =	simm.s32 @p1 $0x1  }
0x15: {  	[smem:$0x3FB3] =	sst s0;
	s0 =	simm.s32 @!p2 $0x0  }
0x16: {  	s3 =	sld [smem:$0x3FDB];
	s0 =	simm.s32 @p2 $0x1  }
0x17: {  	s4 =	simm.s32 $0x1BF5;
	[smem:$0x3FB5] =	sst s0  }
0x18: {  	s0 =	sld [smem:$0x3F98];
	_ =	swait.ge [sflag:s4], $0x0  }
0x19: {  	s7 =	sld [smem:$0x3F99]  }
0x1a: {  	s8 =	sadd.s32 $0xFFFFE003, lr  }
0x1b: {  	s9 =	sadd.s32 $0xFFFFFEF7, lr;
	s5 =	simm.s32 $0xFFFFFFFF;
	p2 =	slt.u32 s8, $0xFFFFF086  }
0x1c: {  	p1 =	slt.u32 s9, $0xF7A;
	s5 =	simm.s32 @!p2 $0x0  }
0x1d: {  	s5 =	simm.s32 @p1 $0x1;
	p0 =	seq.s32 s7, s2  }
0x1e: {  	s7 =	smul.u32 @!p0 $0xF7A, s2;
	p2 =	seq.s32 @!p0 s5, $0x0  }
0x1f: {  	s9 =	smul.u32 $0xF7A, s1;
	s8 =	simm.s32 @!p0 $0x1BF5;
	p2 =	por !p2, p0  }
0x20: {  	[sflag:s8] =	ssyncset.s32 @!p0 $0xFFFFF086;
	s6 =	sadd.s32 @!p0 s3, s7;
	s7 =	simm.s32 @!p0 $0x108  }
0x21: {  	s3 =	sadd.s32 s3, s9;
	s6 =	sadd.s32 @!p0 $0x88, s6;
	s7 =	simm.s32 @p2 $0x1082  }
0x22: {  	[simem:s7], [sflag:s8] =	dma.local @!p0 [hbm:s6], $0xF7A  }
0x23: {  	s9 =	sor.u32 $0xD0000000, s2;
	s6 =	simm.s32 $0x108;
	_ =	swait.ge @!p0 [sflag:s8], $0x0  }
0x24: {  	s3 =	sadd.s32 $0x88, s3;
	s6 =	simm.s32 @!p1 $0x1082;
	[sflag:s4] =	ssyncset.s32 $0xFFFFF086  }
0x25: {  	[simem:s6], [sflag:s4] =	dma.local [hbm:s3], $0xF7A  }
0x26: {  	[smem:$0x3F99] =	sst s1;
	(tag) =	ssettag s2;
	_ =	strace s9  }
0x27: {  	s1 =	sld [smem:$0x3FA9]  }
0x28: {  	s2 =	sld [smem:$0x3FAA]  }
0x29: {  	s4 =	sld [smem:$0x3FAC]  }
0x2a: {  	p0 =	seq.s32 s5, $0x0;
	s5 =	sld [smem:$0x3FAD]  }
0x2b: {  	s6 =	sld [smem:$0x3FAE]  }
0x2c: {  	s7 =	sld [smem:$0x3FAF]  }
0x2d: {  	s3 =	simm.s32 $0x108;
	s8 =	sld [smem:$0x3FB0]  }
0x2e: {  	s3 =	simm.s32 @!p0 $0x1082;
	s9 =	sld [smem:$0x3FB1]  }
0x2f: {  	lr =	sadd.s32 s0, s3;
	s0 =	sld [smem:$0x3FA8]  }
0x30: {  	s3 =	sld [smem:$0x3FAB]  }
0x31: {  	[smem:$0x3FB4] =	sst s10  }
0x32: {  	s10 =	sld [smem:$0x3FB2];
	_ =	sdelay $0x3  }
0x33: {  	p0 =	seq.s32 s10, $0x1;
	s10 =	sld [smem:$0x3FB4];
	_ =	sdelay $0x3  }
0x34: {  	[smem:$0x3FB4] =	sst s10  }
0x35: {  	s10 =	sld [smem:$0x3FB3];
	_ =	sdelay $0x3  }
0x36: {  	p1 =	seq.s32 s10, $0x1;
	s10 =	sld [smem:$0x3FB4];
	_ =	sdelay $0x3  }
0x37: {  	[smem:$0x3FB4] =	sst s10  }
0x38: {  	s10 =	sld [smem:$0x3FB5]  }
0x39: {  	_ = 	snop;
	(pc) =	sbr.ind lr, $3  }
0x3a: {  	_ = 	snop  }
0x3b: {  	_ = 	snop  }
0x3c: {  	p2 =	seq.s32 s10, $0x1;
	s10 =	sld [smem:$0x3FB4]  }
0x3d: {  	_ =	shalt  }
0x3e: {  	_ =	shalt  }
0x3f: {  	_ =	shalt  }
0x40: {  	_ =	shalt  }
0x41: {  	_ =	shalt  }
0x42: {  	_ =	shalt  }
0x43: {  	_ =	shalt  }
0x44: {  	_ =	shalt  }
0x45: {  	_ =	shalt  }
0x46: {  	_ =	shalt  }
0x47: {  	_ =	shalt  }
0x48: {  	_ =	shalt  }
0x49: {  	_ =	shalt  }
0x4a: {  	_ =	shalt  }
0x4b: {  	_ =	shalt  }
0x4c: {  	_ =	shalt  }
0x4d: {  	_ =	shalt  }
0x4e: {  	_ =	shalt  }
0x4f: {  	_ =	shalt  }
0x50: {  	_ =	shalt  }
0x51: {  	_ =	shalt  }
0x52: {  	_ =	shalt  }
0x53: {  	_ =	shalt  }
0x54: {  	_ =	shalt  }
0x55: {  	_ =	shalt  }
0x56: {  	_ =	shalt  }
0x57: {  	_ =	shalt  }
0x58: {  	_ =	shalt  }
0x59: {  	_ =	shalt  }
0x5a: {  	_ =	shalt  }
0x5b: {  	_ =	shalt  }
0x5c: {  	_ =	shalt  }
0x5d: {  	_ =	shalt  }
0x5e: {  	_ =	shalt  }
0x5f: {  	_ =	shalt  }
0x60: {  	_ =	shalt  }
0x61: {  	_ =	shalt  }
0x62: {  	_ =	shalt  }
0x63: {  	_ =	shalt  }
0x64: {  	_ =	shalt  }
0x65: {  	_ =	shalt  }
0x66: {  	_ =	shalt  }
0x67: {  	_ =	shalt  }
0x68: {  	_ =	shalt  }
0x69: {  	_ =	shalt  }
0x6a: {  	_ =	shalt  }
0x6b: {  	_ =	shalt  }
0x6c: {  	_ =	shalt  }
0x6d: {  	_ =	shalt  }
0x6e: {  	_ =	shalt  }
0x6f: {  	_ =	shalt  }
0x70: {  	_ =	shalt  }
0x71: {  	_ =	shalt  }
0x72: {  	_ =	shalt  }
0x73: {  	_ =	shalt  }
0x74: {  	_ =	shalt  }
0x75: {  	_ =	shalt  }
0x76: {  	_ =	shalt  }
0x77: {  	_ =	shalt  }
0x78: {  	_ =	shalt  }
0x79: {  	_ =	shalt  }
0x7a: {  	_ =	shalt  }
0x7b: {  	_ =	shalt  }
0x7c: {  	_ =	shalt  }
0x7d: {  	_ =	shalt  }
0x7e: {  	_ =	shalt  }
0x7f: {  	_ =	shalt  }
0x80: {  	_ =	shalt  }
0x81: {  	_ =	shalt  }
0x82: {  	_ =	shalt  }
0x83: {  	_ =	shalt  }
0x84: {  	_ =	shalt  }
0x85: {  	_ =	shalt  }
0x86: {  	_ =	shalt  }
0x87: {  	_ =	shalt  }
.Lfunc_end0:
.L_simem_size_0:
called_computation.1_lowered:
.L_overlay_start_0:
0x88: {  	s2 =	sld [smem:$0x3FD9]  }
0x89: {  	s3 =	sld [smem:$0x3FFE];
	_ =	sdelay $0x1  }
0x8a: {  	s1 =	srdreg.scid  }
0x8b: {  	s0 =	sand.u32 $0x1, s1  }
0x8c: {  	s16 =	sshll.u32 s0, $0xA;
	s2 =	sadd.s32 s3, s2  }
0x8d: {  	s2 =	sadd.s32 s2, s16  }
0x8e: {  	[smem:$0x3FC0] =	sst s2  }
0x8f: {  	_ = 	snop  }
0x90: {  	(tm) =	ssettm $0x1  }
0x91: {  	s17 =	sld [smem:$0x3FFB];
	_ =	sdelay $0x3  }
0x92: {  	_ =	strace s17  }
0x93: {  	s2 =	sld [smem:$0x3FFC];
	_ =	sdelay $0x3  }
0x94: {  	_ =	strace s2  }
0x95: {  	s2 =	sld [smem:$0x3FFD];
	_ =	sdelay $0x3  }
0x96: {  	_ =	strace s2  }
0x97: {  	_ =	strace $0x8FFFFFFF  }
0x98: {  	s18 =	sld [smem:$0x3FDB];
	_ =	sdelay $0x1  }
0x99: {  	s19 =	simm.s32 $_scs_section_size  }
0x9a: {  	s4 =	simm.s32 $_size__tile_overlayer_lowered;
	s5 =	simm.s32 $_tile_overlayer_lowered  }
0x9b: {  	s22 =	simm.s32 $0x1BFF;
	s21 =	sshll.u32 s5, $0x1;
	s2 =	sadd.s32 s19, s18  }
0x9c: {  	s6 =	simm.s32 $0x0;
	s20 =	sshll.u32 s4, $0x1;
	s4 =	sadd.s32 s21, s2  }
0x9d: {  	[timem:s6], [sflag:s22] =	dma.local [hbm:s4], s20  }
0x9e: {  	_ =	swait.ge [sflag:s22], s20  }
0x9f: {  	s3 =	ssub.s32 $0x0, s20;
	[sflag:s22] =	ssyncset.done $0x0  }
0xa0: {  	[sflag:s22] =	ssyncadd.s32 s3;
	_ =	sdelay $0x1  }
0xa1: {  	s23 =	simm.s32 $0x1B8B  }
0xa2: {  	_ =	swait.ge [sflag:s23], $0x1  }
0xa3: {  	[sflag:s23] =	ssyncset.done $0x0  }
0xa4: {  	s25 =	simm.s32 $0x1B8E;
	s24 =	sld [smem:$0x3FFE];
	[sflag:s23] =	ssyncadd.s32 $0xFFFFFFFF  }
0xa5: {  	s26 =	simm.s32 $execute0_lowered;
	[smem:$0x3FD2] =	sst s25  }
0xa6: {  	s4 =	sshll.u32 s26, $0x1;
	_ =	strace $0x80000049;
	[dreg:$0x1] =	wrdreg $0xFFFFFFFF  }
0xa7: {  	s28 =	simm.s32 $_size_execute0_lowered;
	s2 =	sadd.s32 s2, s4;
	[dreg:$0x0] =	wrdreg $0x0  }
0xa8: {  	s4 =	sshll.u32 s28, $0x1;
	[dreg:$0x2] =	wrdreg s2  }
0xa9: {  	[dreg:$0x3] =	wrdreg s4  }
0xaa: {  	[dreg:$0x4] =	wrdreg $0xC0  }
0xab: {  	_ =	task [dreg:s6], $0x5FFFF  }
0xac: {  	[dreg:$0x1] =	wrdreg $0xFFFFFFFF  }
0xad: {  	[dreg:$0x0] =	wrdreg $0x60  }
0xae: {  	[dreg:$0x2] =	wrdreg s24  }
0xaf: {  	[dreg:$0x3] =	wrdreg $0xA0000  }
0xb0: {  	[dreg:$0x4] =	wrdreg $0x9  }
0xb1: {  	_ =	task.clear_ibuf [dreg:s6], $0x5FFFF;
	_ =	strace $0x90000049  }
0xb2: {  	s29 =	simm.s32 $0x9;
	_ =	strace $0x8000004B  }
0xb3: {  	_ =	swait.ge [sflag:s29], $0x1  }
0xb4: {  	[sflag:s29] =	ssyncadd.s32 $0xFFFFFFFF  }
0xb5: {  	_ =	strace $0x9000004B  }
0xb6: {  	_ =	sfence  }
0xb7: {  	s30 =	sld [smem:$0x0];
	_ =	sdelay $0x2  }
0xb8: {  	s31 =	sshll.u32 s1, $0xD;
	s1 =	sshrl.u32 s1, $0x2  }
0xb9: {  	s3 =	sand.u32 $0x4000, s31;
	s1 =	sadd.s32 s1, s30  }
0xba: {  	s0 =	sor.u32 s3, s0;
	s1 =	sshll.u32 s1, $0x11  }
0xbb: {  	s0 =	sor.u32 s1, s0  }
0xbc: {  	s0 =	sadd.s32 $0x8F2B, s0  }
0xbd: {  	[sflag:s0] =	ssyncadd.remote.s32 $0x1  }
0xbe: {  	_ =	sfence.sel $0xFFFF  }
0xbf: {  	[dreg:$0x0] =	wrdreg $0xFFFFFFFF;
	(pc) =	sbr.abs _section_cstart, $3  }
0xc0: {  	[dreg:$0x1] =	wrdreg $0xFFFFFFFF  }
0xc1: {  	_ =	task.clear_ibuf [dreg:s6], $0x2FFFF;
	_ =	strace $0x9FFFFFFF  }
0xc2: {  	(tm) =	ssettm $0x7FFFFFFF  }
0xc3: {  	_ =	shalt  }
tec
execute0_lowered:
.L_overlay_start_1:
0x0: {  	(tag) =	ssettag $0x1  }
0x1: {  	s0 =	srdreg.scid;
	s5 =	rddreg [dreg:$0x0]  }
0x2: {  	s4 =	stileid.u32;
	s2 =	rddreg [dreg:$0x1]  }
0x3: {  	s3 =	simm.s32 $0x0;
	s29 =	simm.s32 $0x7D;
	s31 =	simm.s32 $0x6000  }
0x4: {  	s28 =	simm.s32 $0x800;
	s9 =	simm.s32 $0x980;
	s30 =	simm.s32 $0x1B00  }
0x5: {  	s0 =	sand.u32 $0x1, s0;
	s1 =	sshll.u32 s4, $0x1;
	s8 =	smul.u32 $0x50000, s4  }
0x6: {  	[smem:$0x7FF] =	sst s3;
	s7 =	smul.u32 $0x14000, s4;
	s4 =	sadd.s32 $0x37600, s5  }
0x7: {  	s1 =	sor.u32 s0, s1;
	s6 =	smul.u32 $0x140000, s0;
	s10 =	sshrl.u32 s8, $0x2  }
0x8: {  	_ =	strace $0x8000004A;
	s0 =	ssub.s32 $0x2, s0;
	s12 =	sadd.s32 s10, s2  }
0x9: {  	s6 =	sadd.s32 s7, s6;
	s7 =	sadd.s32 $0x3E80, s12;
	[dreg:$0x14] =	wrdreg s12  }
0xa: {  	s1 =	smul.u32 $0x2800, s1;
	s13 =	sadd.s32 $0x7D00, s12;
	[dreg:$0x3] =	wrdreg s7  }
0xb: {  	s11 =	sshrl.u32 s0, $0x1;
	s14 =	sadd.s32 $0xBB80, s12;
	[dreg:$0x4] =	wrdreg s13  }
0xc: {  	s0 =	ssub.s32 s0, s11;
	s15 =	sadd.s32 $0xFA00, s12;
	[dreg:$0x5] =	wrdreg s14  }
0xd: {  	s1 =	sshrl.u32 s1, $0x3;
	s16 =	sadd.s32 $0x13880, s12;
	[dreg:$0x6] =	wrdreg s15  }
0xe: {  	s0 =	smax.u32 s0, $0x1;
	s1 =	sadd.s32 s1, s5;
	[dreg:$0x7] =	wrdreg s16  }
0xf: {  	s8 =	simm.s32 $0x1880;
	[dreg:$0x13] =	wrdreg s0;
	s17 =	sadd.s32 $0x23600, s1  }
0x10: {  	s10 =	simm.s32 $0x1900;
	s18 =	sadd.s32 $0x2D600, s1;
	[dreg:$0x8] =	wrdreg s17  }
0x11: {  	s11 =	simm.s32 $0xA00;
	s19 =	sadd.s32 $0x23700, s1;
	[dreg:$0x9] =	wrdreg s18  }
0x12: {  	s6 =	sshrl.u32 s6, $0x3;
	s20 =	sadd.s32 $0x2D700, s1;
	[dreg:$0xa] =	wrdreg s19  }
0x13: {  	s12 =	simm.s32 $0x1980;
	s21 =	sadd.s32 $0x23800, s1;
	[dreg:$0xb] =	wrdreg s20  }
0x14: {  	s6 =	sadd.s32 s6, s5;
	s22 =	sadd.s32 $0x2D800, s1;
	[dreg:$0xc] =	wrdreg s21  }
0x15: {  	s13 =	simm.s32 $0xA80;
	s23 =	sadd.s32 $0x23900, s1;
	[dreg:$0xd] =	wrdreg s22  }
0x16: {  	s14 =	simm.s32 $0x1A00;
	s24 =	sadd.s32 $0x2D900, s1;
	[dreg:$0xe] =	wrdreg s23  }
0x17: {  	s15 =	simm.s32 $0xB00;
	s25 =	sadd.s32 $0x23A00, s1;
	[dreg:$0xf] =	wrdreg s24  }
0x18: {  	s16 =	simm.s32 $0x1A80;
	s1 =	sadd.s32 $0x2DA00, s1;
	[dreg:$0x10] =	wrdreg s25  }
0x19: {  	s26 =	sadd.s32 $0x5E800, s6;
	s6 =	simm.s32 $0x2;
	[dreg:$0x11] =	wrdreg s1  }
0x1a: {  	[dreg:$0x12] =	wrdreg s26;
	s23 =	simm.s32 $0x2000;
	s24 =	simm.s32 $0x5  }
0x1b: {  	s1 =	simm.s32 $0x1;
	s17 =	simm.s32 $0x3;
	s18 =	simm.s32 $0x4  }
0x1c: {  	v0 =	vimm.f32 $0.0e+00;
	s19 =	simm.s32 $0x0;
	s25 =	simm.s32 $0x880;
	s26 =	simm.s32 $0xB80  }
.LBB2_1:
0x1d: {  	s20 =	simm.s32 $0x0;
	s21 =	simm.s32 $0x200  }
.LBB2_2:
0x1e: {  	p0 =	sne.s32 s21, $0xF800;
	[tilespmem:s20+$0x2070] =	vst v0  }
0x1f: {  	[tilespmem:s20+$0x2000] =	vst v0  }
0x20: {  	[tilespmem:s20+$0x2010] =	vst v0  }
.Ltmp0:
0x21: {  	[tilespmem:s20+$0x2020] =	vst v0;
	(pc) =	sbr.rel @p0 .LBB2_2-.Ltmp0, $4  }
0x22: {  	[tilespmem:s20+$0x2030] =	vst v0  }
0x23: {  	[tilespmem:s20+$0x2040] =	vst v0  }
0x24: {  	[tilespmem:s20+$0x2050] =	vst v0  }
0x25: {  	[tilespmem:s20+$0x2060] =	vst v0;
	s20 =	sshra.s32 s21, $0x2;
	s21 =	sadd.s32 $0x200, s21  }
0x26: {  	[tilespmem:s20+$0x2070] =	vst v0  }
0x27: {  	[tilespmem:s20+$0x2000] =	vst v0  }
0x28: {  	[tilespmem:s20+$0x2010] =	vst v0  }
0x29: {  	[tilespmem:s20+$0x2020] =	vst v0  }
0x2a: {  	[tilespmem:s20+$0x2030] =	vst v0  }
0x2b: {  	[tilespmem:s20+$0x2040] =	vst v0  }
0x2c: {  	[tilespmem:s20+$0x2050] =	vst v0  }
0x2d: {  	[tilespmem:s20+$0x2060] =	vst v0;
	s0 =	rddreg [dreg:$0x14]  }
0x2e: {  	[spmem:s0] =	stream.linear.scatter [tilespmem:s23], [sflag:$0x5], $0x3E80, $0x38;
	[tilespmem:$0x1E000] =	vst v63  }
0x2f: {  	_ =	swait.ge [sflag:s24], $0x3E80  }
0x30: {  	[sflag:s24] =	ssyncset.done $0x0  }
0x31: {  	s21 =	rddreg [dreg:$0x3];
	[sflag:s24] =	ssyncadd.s32 $0xFFFFC180  }
0x32: {  	[spmem:s21] =	stream.linear.scatter [tilespmem:s23], [sflag:$0x5], $0x3E80, $0x38;
	[tilespmem:$0x1E000] =	vst v63  }
0x33: {  	_ =	swait.ge [sflag:s24], $0x3E80  }
0x34: {  	[sflag:s24] =	ssyncset.done $0x0  }
0x35: {  	s22 =	rddreg [dreg:$0x4];
	[sflag:s24] =	ssyncadd.s32 $0xFFFFC180  }
0x36: {  	[spmem:s22] =	stream.linear.scatter [tilespmem:s23], [sflag:$0x5], $0x3E80, $0x38;
	[tilespmem:$0x1E000] =	vst v63  }
0x37: {  	_ =	swait.ge [sflag:s24], $0x3E80  }
0x38: {  	[sflag:s24] =	ssyncset.done $0x0  }
0x39: {  	s0 =	rddreg [dreg:$0x5];
	[sflag:s24] =	ssyncadd.s32 $0xFFFFC180  }
0x3a: {  	[spmem:s0] =	stream.linear.scatter [tilespmem:s23], [sflag:$0x5], $0x3E80, $0x38;
	[tilespmem:$0x1E000] =	vst v63  }
0x3b: {  	_ =	swait.ge [sflag:s24], $0x3E80  }
0x3c: {  	[sflag:s24] =	ssyncset.done $0x0  }
0x3d: {  	s5 =	rddreg [dreg:$0x6];
	[sflag:s24] =	ssyncadd.s32 $0xFFFFC180  }
0x3e: {  	[spmem:s5] =	stream.linear.scatter [tilespmem:s23], [sflag:$0x5], $0x3E80, $0x38;
	[tilespmem:$0x1E000] =	vst v63  }
0x3f: {  	_ =	swait.ge [sflag:s24], $0x3E80  }
0x40: {  	[sflag:s24] =	ssyncset.done $0x0  }
0x41: {  	s7 =	rddreg [dreg:$0x7];
	[sflag:s24] =	ssyncadd.s32 $0xFFFFC180  }
0x42: {  	[spmem:s7] =	stream.linear.scatter [tilespmem:s23], [sflag:$0x5], $0x780, $0x38;
	[tilespmem:$0x1E000] =	vst v63  }
0x43: {  	_ =	swait.ge [sflag:s24], $0x780  }
0x44: {  	[sflag:s24] =	ssyncset.done $0x0  }
0x45: {  	[sflag:s24] =	ssyncadd.s32 $0xFFFFF880  }
0x46: {  	[bflag:$0x0] =	sbarrier.arrive $0xFFFF  }
0x47: {  	s21 =	rddreg [dreg:$0x8]  }
0x48: {  	[tilespmem:s3], [sflag:$0x5] =	stream.linear.gather [hbm4b:s21+s3], $0x800, $0x38;
	[tilespmem:$0x1E000] =	vst v63  }
0x49: {  	_ =	swait.ge [sflag:s24], $0x800  }
0x4a: {  	[sflag:s24] =	ssyncset.done $0x0  }
0x4b: {  	s0 =	simm.s32 $0x1000;
	s22 =	rddreg [dreg:$0x9];
	[sflag:s24] =	ssyncadd.s32 $0xFFFFF800  }
0x4c: {  	[tilespmem:s0], [sflag:$0x5] =	stream.linear.gather [hbm4b:s22+s3], $0x800, $0x38;
	[tilespmem:$0x1E000] =	vst v63  }
0x4d: {  	_ =	swait.ge [sflag:s24], $0x800  }
0x4e: {  	[sflag:s24] =	ssyncset.done $0x0  }
0x4f: {  	s5 =	rddreg [dreg:$0xa];
	[sflag:s24] =	ssyncadd.s32 $0xFFFFF800  }
0x50: {  	[tilespmem:s28], [sflag:$0x3] =	stream.linear.gather [hbm4b:s5+s3], $0x800, $0x38;
	[tilespmem:$0x1E000] =	vst v63  }
0x51: {  	s7 =	rddreg [dreg:$0xb];
	s5 =	simm.s32 $0x1800  }
0x52: {  	[tilespmem:s5], [sflag:$0x4] =	stream.linear.gather [hbm4b:s7+s3], $0x800, $0x38;
	[tilespmem:$0x1E000] =	vst v63  }
0x53: {  	_ = 	snop  }
0x54: {  	[tilespmem:s23], [sflag:$0x1] =	stream.indirect.gather [hbm4b:s4+s29], $0x80, s3, s29, $0xb8;
	[tilespmem:$0x1E000] =	vst v63  }
0x55: {  	s7 =	simm.s32 $0x80  }
0x56: {  	[tilespmem:s31], [sflag:$0x2] =	stream.indirect.gather [hbm4b:s4+s29], $0x80, s7, s29, $0xb8;
	[tilespmem:$0x1E000] =	vst v63  }
0x57: {  	_ =	swait.ge [sflag:s1], $0x3E80  }
0x58: {  	[sflag:s1] =	ssyncset.done $0x0  }
0x59: {  	[sflag:s1] =	ssyncadd.s32 $0xFFFFC180  }
0x5a: {  	[spmem:s2] =	stream.indirect.scatter.add.f32 [tilespmem:s23], [sflag:$0x5], $0x80, s0, s29, $0xb8;
	[tilespmem:$0x1E000] =	vst v63  }
0x5b: {  	_ =	swait.ge [sflag:s24], $0x3E80  }
0x5c: {  	[sflag:s24] =	ssyncset.done $0x0  }
0x5d: {  	s21 =	simm.s32 $0x100;
	[sflag:s24] =	ssyncadd.s32 $0xFFFFC180  }
0x5e: {  	[tilespmem:s23], [sflag:$0x1] =	stream.indirect.gather [hbm4b:s4+s29], $0x80, s21, s29, $0xb8;
	[tilespmem:$0x1E000] =	vst v63  }
0x5f: {  	_ =	swait.ge [sflag:s6], $0x3E80  }
0x60: {  	[sflag:s6] =	ssyncset.done $0x0  }
0x61: {  	s22 =	simm.s32 $0x1080;
	[sflag:s6] =	ssyncadd.s32 $0xFFFFC180  }
0x62: {  	[spmem:s2] =	stream.indirect.scatter.add.f32 [tilespmem:s31], [sflag:$0x5], $0x80, s22, s29, $0xb8;
	[tilespmem:$0x1E000] =	vst v63  }
0x63: {  	_ =	swait.ge [sflag:s24], $0x3E80  }
0x64: {  	[sflag:s24] =	ssyncset.done $0x0  }
0x65: {  	s20 =	simm.s32 $0x180;
	[sflag:s24] =	ssyncadd.s32 $0xFFFFC180  }
0x66: {  	[tilespmem:s31], [sflag:$0x2] =	stream.indirect.gather [hbm4b:s4+s29], $0x80, s20, s29, $0xb8;
	[tilespmem:$0x1E000] =	vst v63  }
0x67: {  	_ =	swait.ge [sflag:s1], $0x3E80  }
0x68: {  	[sflag:s1] =	ssyncset.done $0x0  }
0x69: {  	s21 =	simm.s32 $0x1100;
	[sflag:s1] =	ssyncadd.s32 $0xFFFFC180  }
0x6a: {  	[spmem:s2] =	stream.indirect.scatter.add.f32 [tilespmem:s23], [sflag:$0x5], $0x80, s21, s29, $0xb8;
	[tilespmem:$0x1E000] =	vst v63  }
0x6b: {  	_ =	swait.ge [sflag:s24], $0x3E80  }
0x6c: {  	[sflag:s24] =	ssyncset.done $0x0  }
0x6d: {  	s22 =	simm.s32 $0x200;
	[sflag:s24] =	ssyncadd.s32 $0xFFFFC180  }
0x6e: {  	[tilespmem:s23], [sflag:$0x1] =	stream.indirect.gather [hbm4b:s4+s29], $0x80, s22, s29, $0xb8;
	[tilespmem:$0x1E000] =	vst v63  }
0x6f: {  	_ =	swait.ge [sflag:s6], $0x3E80  }
0x70: {  	[sflag:s6] =	ssyncset.done $0x0  }
0x71: {  	s20 =	simm.s32 $0x1180;
	[sflag:s6] =	ssyncadd.s32 $0xFFFFC180  }
0x72: {  	[spmem:s2] =	stream.indirect.scatter.add.f32 [tilespmem:s31], [sflag:$0x5], $0x80, s20, s29, $0xb8;
	[tilespmem:$0x1E000] =	vst v63  }
0x73: {  	_ =	swait.ge [sflag:s24], $0x3E80  }
0x74: {  	[sflag:s24] =	ssyncset.done $0x0  }
0x75: {  	s21 =	simm.s32 $0x280;
	[sflag:s24] =	ssyncadd.s32 $0xFFFFC180  }
0x76: {  	[tilespmem:s31], [sflag:$0x2] =	stream.indirect.gather [hbm4b:s4+s29], $0x80, s21, s29, $0xb8;
	[tilespmem:$0x1E000] =	vst v63  }
0x77: {  	_ =	swait.ge [sflag:s1], $0x3E80  }
0x78: {  	[sflag:s1] =	ssyncset.done $0x0  }
0x79: {  	s22 =	simm.s32 $0x1200;
	[sflag:s1] =	ssyncadd.s32 $0xFFFFC180  }
0x7a: {  	[spmem:s2] =	stream.indirect.scatter.add.f32 [tilespmem:s23], [sflag:$0x5], $0x80, s22, s29, $0xb8;
	[tilespmem:$0x1E000] =	vst v63  }
0x7b: {  	_ =	swait.ge [sflag:s24], $0x3E80  }
0x7c: {  	[sflag:s24] =	ssyncset.done $0x0  }
0x7d: {  	s20 =	simm.s32 $0x300;
	[sflag:s24] =	ssyncadd.s32 $0xFFFFC180  }
0x7e: {  	[tilespmem:s23], [sflag:$0x1] =	stream.indirect.gather [hbm4b:s4+s29], $0x80, s20, s29, $0xb8;
	[tilespmem:$0x1E000] =	vst v63  }
0x7f: {  	_ =	swait.ge [sflag:s6], $0x3E80  }
0x80: {  	[sflag:s6] =	ssyncset.done $0x0  }
0x81: {  	s21 =	simm.s32 $0x1280;
	[sflag:s6] =	ssyncadd.s32 $0xFFFFC180  }
0x82: {  	[spmem:s2] =	stream.indirect.scatter.add.f32 [tilespmem:s31], [sflag:$0x5], $0x80, s21, s29, $0xb8;
	[tilespmem:$0x1E000] =	vst v63  }
0x83: {  	_ =	swait.ge [sflag:s24], $0x3E80  }
0x84: {  	[sflag:s24] =	ssyncset.done $0x0  }
0x85: {  	s22 =	simm.s32 $0x380;
	[sflag:s24] =	ssyncadd.s32 $0xFFFFC180  }
0x86: {  	[tilespmem:s31], [sflag:$0x2] =	stream.indirect.gather [hbm4b:s4+s29], $0x80, s22, s29, $0xb8;
	[tilespmem:$0x1E000] =	vst v63  }
0x87: {  	_ =	swait.ge [sflag:s1], $0x3E80  }
0x88: {  	[sflag:s1] =	ssyncset.done $0x0  }
0x89: {  	s20 =	simm.s32 $0x1300;
	[sflag:s1] =	ssyncadd.s32 $0xFFFFC180  }
0x8a: {  	[spmem:s2] =	stream.indirect.scatter.add.f32 [tilespmem:s23], [sflag:$0x5], $0x80, s20, s29, $0xb8;
	[tilespmem:$0x1E000] =	vst v63  }
0x8b: {  	_ =	swait.ge [sflag:s24], $0x3E80  }
0x8c: {  	[sflag:s24] =	ssyncset.done $0x0  }
0x8d: {  	s21 =	simm.s32 $0x400;
	[sflag:s24] =	ssyncadd.s32 $0xFFFFC180  }
0x8e: {  	[tilespmem:s23], [sflag:$0x1] =	stream.indirect.gather [hbm4b:s4+s29], $0x80, s21, s29, $0xb8;
	[tilespmem:$0x1E000] =	vst v63  }
0x8f: {  	_ =	swait.ge [sflag:s6], $0x3E80  }
0x90: {  	[sflag:s6] =	ssyncset.done $0x0  }
0x91: {  	s22 =	simm.s32 $0x1380;
	[sflag:s6] =	ssyncadd.s32 $0xFFFFC180  }
0x92: {  	[spmem:s2] =	stream.indirect.scatter.add.f32 [tilespmem:s31], [sflag:$0x5], $0x80, s22, s29, $0xb8;
	[tilespmem:$0x1E000] =	vst v63  }
0x93: {  	_ =	swait.ge [sflag:s24], $0x3E80  }
0x94: {  	[sflag:s24] =	ssyncset.done $0x0  }
0x95: {  	s20 =	simm.s32 $0x480;
	[sflag:s24] =	ssyncadd.s32 $0xFFFFC180  }
0x96: {  	[tilespmem:s31], [sflag:$0x2] =	stream.indirect.gather [hbm4b:s4+s29], $0x80, s20, s29, $0xb8;
	[tilespmem:$0x1E000] =	vst v63  }
0x97: {  	_ =	swait.ge [sflag:s1], $0x3E80  }
0x98: {  	[sflag:s1] =	ssyncset.done $0x0  }
0x99: {  	s21 =	simm.s32 $0x1400;
	[sflag:s1] =	ssyncadd.s32 $0xFFFFC180  }
0x9a: {  	[spmem:s2] =	stream.indirect.scatter.add.f32 [tilespmem:s23], [sflag:$0x5], $0x80, s21, s29, $0xb8;
	[tilespmem:$0x1E000] =	vst v63  }
0x9b: {  	_ =	swait.ge [sflag:s24], $0x3E80  }
0x9c: {  	[sflag:s24] =	ssyncset.done $0x0  }
0x9d: {  	s22 =	simm.s32 $0x500;
	[sflag:s24] =	ssyncadd.s32 $0xFFFFC180  }
0x9e: {  	[tilespmem:s23], [sflag:$0x1] =	stream.indirect.gather [hbm4b:s4+s29], $0x80, s22, s29, $0xb8;
	[tilespmem:$0x1E000] =	vst v63  }
0x9f: {  	_ =	swait.ge [sflag:s6], $0x3E80  }
0xa0: {  	[sflag:s6] =	ssyncset.done $0x0  }
0xa1: {  	s20 =	simm.s32 $0x1480;
	[sflag:s6] =	ssyncadd.s32 $0xFFFFC180  }
0xa2: {  	[spmem:s2] =	stream.indirect.scatter.add.f32 [tilespmem:s31], [sflag:$0x5], $0x80, s20, s29, $0xb8;
	[tilespmem:$0x1E000] =	vst v63  }
0xa3: {  	_ =	swait.ge [sflag:s24], $0x3E80  }
0xa4: {  	[sflag:s24] =	ssyncset.done $0x0  }
0xa5: {  	s21 =	simm.s32 $0x580;
	[sflag:s24] =	ssyncadd.s32 $0xFFFFC180  }
0xa6: {  	[tilespmem:s31], [sflag:$0x2] =	stream.indirect.gather [hbm4b:s4+s29], $0x80, s21, s29, $0xb8;
	[tilespmem:$0x1E000] =	vst v63  }
0xa7: {  	_ =	swait.ge [sflag:s1], $0x3E80  }
0xa8: {  	[sflag:s1] =	ssyncset.done $0x0  }
0xa9: {  	s22 =	simm.s32 $0x1500;
	[sflag:s1] =	ssyncadd.s32 $0xFFFFC180  }
0xaa: {  	[spmem:s2] =	stream.indirect.scatter.add.f32 [tilespmem:s23], [sflag:$0x5], $0x80, s22, s29, $0xb8;
	[tilespmem:$0x1E000] =	vst v63  }
0xab: {  	_ =	swait.ge [sflag:s24], $0x3E80  }
0xac: {  	[sflag:s24] =	ssyncset.done $0x0  }
0xad: {  	s20 =	simm.s32 $0x600;
	[sflag:s24] =	ssyncadd.s32 $0xFFFFC180  }
0xae: {  	[tilespmem:s23], [sflag:$0x1] =	stream.indirect.gather [hbm4b:s4+s29], $0x80, s20, s29, $0xb8;
	[tilespmem:$0x1E000] =	vst v63  }
0xaf: {  	_ =	swait.ge [sflag:s6], $0x3E80  }
0xb0: {  	[sflag:s6] =	ssyncset.done $0x0  }
0xb1: {  	s21 =	simm.s32 $0x1580;
	[sflag:s6] =	ssyncadd.s32 $0xFFFFC180  }
0xb2: {  	[spmem:s2] =	stream.indirect.scatter.add.f32 [tilespmem:s31], [sflag:$0x5], $0x80, s21, s29, $0xb8;
	[tilespmem:$0x1E000] =	vst v63  }
0xb3: {  	_ =	swait.ge [sflag:s24], $0x3E80  }
0xb4: {  	[sflag:s24] =	ssyncset.done $0x0  }
0xb5: {  	s22 =	simm.s32 $0x680;
	[sflag:s24] =	ssyncadd.s32 $0xFFFFC180  }
0xb6: {  	[tilespmem:s31], [sflag:$0x2] =	stream.indirect.gather [hbm4b:s4+s29], $0x80, s22, s29, $0xb8;
	[tilespmem:$0x1E000] =	vst v63  }
0xb7: {  	_ =	swait.ge [sflag:s1], $0x3E80  }
0xb8: {  	[sflag:s1] =	ssyncset.done $0x0  }
0xb9: {  	s20 =	simm.s32 $0x1600;
	[sflag:s1] =	ssyncadd.s32 $0xFFFFC180  }
0xba: {  	[spmem:s2] =	stream.indirect.scatter.add.f32 [tilespmem:s23], [sflag:$0x5], $0x80, s20, s29, $0xb8;
	[tilespmem:$0x1E000] =	vst v63  }
0xbb: {  	_ =	swait.ge [sflag:s24], $0x3E80  }
0xbc: {  	[sflag:s24] =	ssyncset.done $0x0  }
0xbd: {  	s21 =	simm.s32 $0x700;
	[sflag:s24] =	ssyncadd.s32 $0xFFFFC180  }
0xbe: {  	[tilespmem:s23], [sflag:$0x1] =	stream.indirect.gather [hbm4b:s4+s29], $0x80, s21, s29, $0xb8;
	[tilespmem:$0x1E000] =	vst v63  }
0xbf: {  	_ =	swait.ge [sflag:s6], $0x3E80  }
0xc0: {  	[sflag:s6] =	ssyncset.done $0x0  }
0xc1: {  	s22 =	simm.s32 $0x1680;
	[sflag:s6] =	ssyncadd.s32 $0xFFFFC180  }
0xc2: {  	[spmem:s2] =	stream.indirect.scatter.add.f32 [tilespmem:s31], [sflag:$0x5], $0x80, s22, s29, $0xb8;
	[tilespmem:$0x1E000] =	vst v63  }
0xc3: {  	_ =	swait.ge [sflag:s24], $0x3E80  }
0xc4: {  	[sflag:s24] =	ssyncset.done $0x0  }
0xc5: {  	s20 =	simm.s32 $0x780;
	[sflag:s24] =	ssyncadd.s32 $0xFFFFC180  }
0xc6: {  	[tilespmem:s31], [sflag:$0x2] =	stream.indirect.gather [hbm4b:s4+s29], $0x80, s20, s29, $0xb8;
	[tilespmem:$0x1E000] =	vst v63  }
0xc7: {  	_ =	swait.ge [sflag:s1], $0x3E80  }
0xc8: {  	[sflag:s1] =	ssyncset.done $0x0  }
0xc9: {  	s21 =	simm.s32 $0x1700;
	[sflag:s1] =	ssyncadd.s32 $0xFFFFC180  }
0xca: {  	[spmem:s2] =	stream.indirect.scatter.add.f32 [tilespmem:s23], [sflag:$0x5], $0x80, s21, s29, $0xb8;
	[tilespmem:$0x1E000] =	vst v63  }
0xcb: {  	_ =	swait.ge [sflag:s24], $0x3E80  }
0xcc: {  	[sflag:s24] =	ssyncset.done $0x0  }
0xcd: {  	[sflag:s24] =	ssyncadd.s32 $0xFFFFC180  }
0xce: {  	_ =	swait.ge [sflag:s6], $0x3E80  }
0xcf: {  	[sflag:s6] =	ssyncset.done $0x0  }
0xd0: {  	s22 =	simm.s32 $0x1780;
	[sflag:s6] =	ssyncadd.s32 $0xFFFFC180  }
0xd1: {  	[spmem:s2] =	stream.indirect.scatter.add.f32 [tilespmem:s31], [sflag:$0x5], $0x80, s22, s29, $0xb8;
	[tilespmem:$0x1E000] =	vst v63  }
0xd2: {  	_ =	swait.ge [sflag:s24], $0x3E80  }
0xd3: {  	[sflag:s24] =	ssyncset.done $0x0  }
0xd4: {  	[sflag:s24] =	ssyncadd.s32 $0xFFFFC180  }
0xd5: {  	_ =	swait.ge [sflag:s17], $0x800  }
0xd6: {  	[sflag:s17] =	ssyncset.done $0x0  }
0xd7: {  	[sflag:s17] =	ssyncadd.s32 $0xFFFFF800  }
0xd8: {  	_ =	swait.ge [sflag:s18], $0x800  }
0xd9: {  	[sflag:s18] =	ssyncset.done $0x0  }
0xda: {  	s7 =	rddreg [dreg:$0xc];
	[sflag:s18] =	ssyncadd.s32 $0xFFFFF800  }
0xdb: {  	[tilespmem:s3], [sflag:$0x3] =	stream.linear.gather [hbm4b:s7+s3], $0x800, $0x38;
	[tilespmem:$0x1E000] =	vst v63  }
0xdc: {  	s21 =	rddreg [dreg:$0xd]  }
0xdd: {  	[tilespmem:s0], [sflag:$0x4] =	stream.linear.gather [hbm4b:s21+s3], $0x800, $0x38;
	[tilespmem:$0x1E000] =	vst v63  }
0xde: {  	_ = 	snop  }
0xdf: {  	[tilespmem:s23], [sflag:$0x1] =	stream.indirect.gather [hbm4b:s4+s29], $0x80, s28, s29, $0xb8;
	[tilespmem:$0x1E000] =	vst v63  }
0xe0: {  	_ = 	snop  }
0xe1: {  	[tilespmem:s31], [sflag:$0x2] =	stream.indirect.gather [hbm4b:s4+s29], $0x80, s25, s29, $0xb8;
	[tilespmem:$0x1E000] =	vst v63  }
0xe2: {  	_ =	swait.ge [sflag:s1], $0x3E80  }
0xe3: {  	[sflag:s1] =	ssyncset.done $0x0  }
0xe4: {  	[sflag:s1] =	ssyncadd.s32 $0xFFFFC180  }
0xe5: {  	[spmem:s2] =	stream.indirect.scatter.add.f32 [tilespmem:s23], [sflag:$0x5], $0x80, s5, s29, $0xb8;
	[tilespmem:$0x1E000] =	vst v63  }
0xe6: {  	_ =	swait.ge [sflag:s24], $0x3E80  }
0xe7: {  	[sflag:s24] =	ssyncset.done $0x0  }
0xe8: {  	s7 =	simm.s32 $0x900;
	[sflag:s24] =	ssyncadd.s32 $0xFFFFC180  }
0xe9: {  	[tilespmem:s23], [sflag:$0x1] =	stream.indirect.gather [hbm4b:s4+s29], $0x80, s7, s29, $0xb8;
	[tilespmem:$0x1E000] =	vst v63  }
0xea: {  	_ =	swait.ge [sflag:s6], $0x3E80  }
0xeb: {  	[sflag:s6] =	ssyncset.done $0x0  }
0xec: {  	[sflag:s6] =	ssyncadd.s32 $0xFFFFC180  }
0xed: {  	[spmem:s2] =	stream.indirect.scatter.add.f32 [tilespmem:s31], [sflag:$0x5], $0x80, s8, s29, $0xb8;
	[tilespmem:$0x1E000] =	vst v63  }
0xee: {  	_ =	swait.ge [sflag:s24], $0x3E80  }
0xef: {  	[sflag:s24] =	ssyncset.done $0x0  }
0xf0: {  	[sflag:s24] =	ssyncadd.s32 $0xFFFFC180  }
0xf1: {  	[tilespmem:s31], [sflag:$0x2] =	stream.indirect.gather [hbm4b:s4+s29], $0x80, s9, s29, $0xb8;
	[tilespmem:$0x1E000] =	vst v63  }
0xf2: {  	_ =	swait.ge [sflag:s1], $0x3E80  }
0xf3: {  	[sflag:s1] =	ssyncset.done $0x0  }
0xf4: {  	[sflag:s1] =	ssyncadd.s32 $0xFFFFC180  }
0xf5: {  	[spmem:s2] =	stream.indirect.scatter.add.f32 [tilespmem:s23], [sflag:$0x5], $0x80, s10, s29, $0xb8;
	[tilespmem:$0x1E000] =	vst v63  }
0xf6: {  	_ =	swait.ge [sflag:s24], $0x3E80  }
0xf7: {  	[sflag:s24] =	ssyncset.done $0x0  }
0xf8: {  	[sflag:s24] =	ssyncadd.s32 $0xFFFFC180  }
0xf9: {  	[tilespmem:s23], [sflag:$0x1] =	stream.indirect.gather [hbm4b:s4+s29], $0x80, s11, s29, $0xb8;
	[tilespmem:$0x1E000] =	vst v63  }
0xfa: {  	_ =	swait.ge [sflag:s6], $0x3E80  }
0xfb: {  	[sflag:s6] =	ssyncset.done $0x0  }
0xfc: {  	[sflag:s6] =	ssyncadd.s32 $0xFFFFC180  }
0xfd: {  	[spmem:s2] =	stream.indirect.scatter.add.f32 [tilespmem:s31], [sflag:$0x5], $0x80, s12, s29, $0xb8;
	[tilespmem:$0x1E000] =	vst v63  }
0xfe: {  	_ =	swait.ge [sflag:s24], $0x3E80  }
0xff: {  	[sflag:s24] =	ssyncset.done $0x0  }
0x100: {  	[sflag:s24] =	ssyncadd.s32 $0xFFFFC180  }
0x101: {  	[tilespmem:s31], [sflag:$0x2] =	stream.indirect.gather [hbm4b:s4+s29], $0x80, s13, s29, $0xb8;
	[tilespmem:$0x1E000] =	vst v63  }
0x102: {  	_ =	swait.ge [sflag:s1], $0x3E80  }
0x103: {  	[sflag:s1] =	ssyncset.done $0x0  }
0x104: {  	[sflag:s1] =	ssyncadd.s32 $0xFFFFC180  }
0x105: {  	[spmem:s2] =	stream.indirect.scatter.add.f32 [tilespmem:s23], [sflag:$0x5], $0x80, s14, s29, $0xb8;
	[tilespmem:$0x1E000] =	vst v63  }
0x106: {  	_ =	swait.ge [sflag:s24], $0x3E80  }
0x107: {  	[sflag:s24] =	ssyncset.done $0x0  }
0x108: {  	[sflag:s24] =	ssyncadd.s32 $0xFFFFC180  }
0x109: {  	[tilespmem:s23], [sflag:$0x1] =	stream.indirect.gather [hbm4b:s4+s29], $0x80, s15, s29, $0xb8;
	[tilespmem:$0x1E000] =	vst v63  }
0x10a: {  	_ =	swait.ge [sflag:s6], $0x3E80  }
0x10b: {  	[sflag:s6] =	ssyncset.done $0x0  }
0x10c: {  	[sflag:s6] =	ssyncadd.s32 $0xFFFFC180  }
0x10d: {  	[spmem:s2] =	stream.indirect.scatter.add.f32 [tilespmem:s31], [sflag:$0x5], $0x80, s16, s29, $0xb8;
	[tilespmem:$0x1E000] =	vst v63  }
0x10e: {  	_ =	swait.ge [sflag:s24], $0x3E80  }
0x10f: {  	[sflag:s24] =	ssyncset.done $0x0  }
0x110: {  	[sflag:s24] =	ssyncadd.s32 $0xFFFFC180  }
0x111: {  	[tilespmem:s31], [sflag:$0x2] =	stream.indirect.gather [hbm4b:s4+s29], $0x80, s26, s29, $0xb8;
	[tilespmem:$0x1E000] =	vst v63  }
0x112: {  	_ =	swait.ge [sflag:s1], $0x3E80  }
0x113: {  	[sflag:s1] =	ssyncset.done $0x0  }
0x114: {  	[sflag:s1] =	ssyncadd.s32 $0xFFFFC180  }
0x115: {  	[spmem:s2] =	stream.indirect.scatter.add.f32 [tilespmem:s23], [sflag:$0x5], $0x80, s30, s29, $0xb8;
	[tilespmem:$0x1E000] =	vst v63  }
0x116: {  	_ =	swait.ge [sflag:s24], $0x3E80  }
0x117: {  	[sflag:s24] =	ssyncset.done $0x0  }
0x118: {  	s21 =	simm.s32 $0xC00;
	[sflag:s24] =	ssyncadd.s32 $0xFFFFC180  }
0x119: {  	[tilespmem:s23], [sflag:$0x1] =	stream.indirect.gather [hbm4b:s4+s29], $0x80, s21, s29, $0xb8;
	[tilespmem:$0x1E000] =	vst v63  }
0x11a: {  	_ =	swait.ge [sflag:s6], $0x3E80  }
0x11b: {  	[sflag:s6] =	ssyncset.done $0x0  }
0x11c: {  	s22 =	simm.s32 $0x1B80;
	[sflag:s6] =	ssyncadd.s32 $0xFFFFC180  }
0x11d: {  	[spmem:s2] =	stream.indirect.scatter.add.f32 [tilespmem:s31], [sflag:$0x5], $0x80, s22, s29, $0xb8;
	[tilespmem:$0x1E000] =	vst v63  }
0x11e: {  	_ =	swait.ge [sflag:s24], $0x3E80  }
0x11f: {  	[sflag:s24] =	ssyncset.done $0x0  }
0x120: {  	s20 =	simm.s32 $0xC80;
	[sflag:s24] =	ssyncadd.s32 $0xFFFFC180  }
0x121: {  	[tilespmem:s31], [sflag:$0x2] =	stream.indirect.gather [hbm4b:s4+s29], $0x80, s20, s29, $0xb8;
	[tilespmem:$0x1E000] =	vst v63  }
0x122: {  	_ =	swait.ge [sflag:s1], $0x3E80  }
0x123: {  	[sflag:s1] =	ssyncset.done $0x0  }
0x124: {  	s20 =	simm.s32 $0x1C00;
	[sflag:s1] =	ssyncadd.s32 $0xFFFFC180  }
0x125: {  	[spmem:s2] =	stream.indirect.scatter.add.f32 [tilespmem:s23], [sflag:$0x5], $0x80, s20, s29, $0xb8;
	[tilespmem:$0x1E000] =	vst v63  }
0x126: {  	_ =	swait.ge [sflag:s24], $0x3E80  }
0x127: {  	[sflag:s24] =	ssyncset.done $0x0  }
0x128: {  	s20 =	simm.s32 $0xD00;
	[sflag:s24] =	ssyncadd.s32 $0xFFFFC180  }
0x129: {  	[tilespmem:s23], [sflag:$0x1] =	stream.indirect.gather [hbm4b:s4+s29], $0x80, s20, s29, $0xb8;
	[tilespmem:$0x1E000] =	vst v63  }
0x12a: {  	_ =	swait.ge [sflag:s6], $0x3E80  }
0x12b: {  	[sflag:s6] =	ssyncset.done $0x0  }
0x12c: {  	s20 =	simm.s32 $0x1C80;
	[sflag:s6] =	ssyncadd.s32 $0xFFFFC180  }
0x12d: {  	[spmem:s2] =	stream.indirect.scatter.add.f32 [tilespmem:s31], [sflag:$0x5], $0x80, s20, s29, $0xb8;
	[tilespmem:$0x1E000] =	vst v63  }
0x12e: {  	_ =	swait.ge [sflag:s24], $0x3E80  }
0x12f: {  	[sflag:s24] =	ssyncset.done $0x0  }
0x130: {  	s20 =	simm.s32 $0xD80;
	[sflag:s24] =	ssyncadd.s32 $0xFFFFC180  }
0x131: {  	[tilespmem:s31], [sflag:$0x2] =	stream.indirect.gather [hbm4b:s4+s29], $0x80, s20, s29, $0xb8;
	[tilespmem:$0x1E000] =	vst v63  }
0x132: {  	_ =	swait.ge [sflag:s1], $0x3E80  }
0x133: {  	[sflag:s1] =	ssyncset.done $0x0  }
0x134: {  	s20 =	simm.s32 $0x1D00;
	[sflag:s1] =	ssyncadd.s32 $0xFFFFC180  }
0x135: {  	[spmem:s2] =	stream.indirect.scatter.add.f32 [tilespmem:s23], [sflag:$0x5], $0x80, s20, s29, $0xb8;
	[tilespmem:$0x1E000] =	vst v63  }
0x136: {  	_ =	swait.ge [sflag:s24], $0x3E80  }
0x137: {  	[sflag:s24] =	ssyncset.done $0x0  }
0x138: {  	s20 =	simm.s32 $0xE00;
	[sflag:s24] =	ssyncadd.s32 $0xFFFFC180  }
0x139: {  	[tilespmem:s23], [sflag:$0x1] =	stream.indirect.gather [hbm4b:s4+s29], $0x80, s20, s29, $0xb8;
	[tilespmem:$0x1E000] =	vst v63  }
0x13a: {  	_ =	swait.ge [sflag:s6], $0x3E80  }
0x13b: {  	[sflag:s6] =	ssyncset.done $0x0  }
0x13c: {  	s20 =	simm.s32 $0x1D80;
	[sflag:s6] =	ssyncadd.s32 $0xFFFFC180  }
0x13d: {  	[spmem:s2] =	stream.indirect.scatter.add.f32 [tilespmem:s31], [sflag:$0x5], $0x80, s20, s29, $0xb8;
	[tilespmem:$0x1E000] =	vst v63  }
0x13e: {  	_ =	swait.ge [sflag:s24], $0x3E80  }
0x13f: {  	[sflag:s24] =	ssyncset.done $0x0  }
0x140: {  	s20 =	simm.s32 $0xE80;
	[sflag:s24] =	ssyncadd.s32 $0xFFFFC180  }
0x141: {  	[tilespmem:s31], [sflag:$0x2] =	stream.indirect.gather [hbm4b:s4+s29], $0x80, s20, s29, $0xb8;
	[tilespmem:$0x1E000] =	vst v63  }
0x142: {  	_ =	swait.ge [sflag:s1], $0x3E80  }
0x143: {  	[sflag:s1] =	ssyncset.done $0x0  }
0x144: {  	s20 =	simm.s32 $0x1E00;
	[sflag:s1] =	ssyncadd.s32 $0xFFFFC180  }
0x145: {  	[spmem:s2] =	stream.indirect.scatter.add.f32 [tilespmem:s23], [sflag:$0x5], $0x80, s20, s29, $0xb8;
	[tilespmem:$0x1E000] =	vst v63  }
0x146: {  	_ =	swait.ge [sflag:s24], $0x3E80  }
0x147: {  	[sflag:s24] =	ssyncset.done $0x0  }
0x148: {  	s20 =	simm.s32 $0xF00;
	[sflag:s24] =	ssyncadd.s32 $0xFFFFC180  }
0x149: {  	[tilespmem:s23], [sflag:$0x1] =	stream.indirect.gather [hbm4b:s4+s29], $0x80, s20, s29, $0xb8;
	[tilespmem:$0x1E000] =	vst v63  }
0x14a: {  	_ =	swait.ge [sflag:s6], $0x3E80  }
0x14b: {  	[sflag:s6] =	ssyncset.done $0x0  }
0x14c: {  	s20 =	simm.s32 $0x1E80;
	[sflag:s6] =	ssyncadd.s32 $0xFFFFC180  }
0x14d: {  	[spmem:s2] =	stream.indirect.scatter.add.f32 [tilespmem:s31], [sflag:$0x5], $0x80, s20, s29, $0xb8;
	[tilespmem:$0x1E000] =	vst v63  }
0x14e: {  	_ =	swait.ge [sflag:s24], $0x3E80  }
0x14f: {  	[sflag:s24] =	ssyncset.done $0x0  }
0x150: {  	s20 =	simm.s32 $0xF80;
	[sflag:s24] =	ssyncadd.s32 $0xFFFFC180  }
0x151: {  	[tilespmem:s31], [sflag:$0x2] =	stream.indirect.gather [hbm4b:s4+s29], $0x80, s20, s29, $0xb8;
	[tilespmem:$0x1E000] =	vst v63  }
0x152: {  	_ =	swait.ge [sflag:s1], $0x3E80  }
0x153: {  	[sflag:s1] =	ssyncset.done $0x0  }
0x154: {  	s20 =	simm.s32 $0x1F00;
	[sflag:s1] =	ssyncadd.s32 $0xFFFFC180  }
0x155: {  	[spmem:s2] =	stream.indirect.scatter.add.f32 [tilespmem:s23], [sflag:$0x5], $0x80, s20, s29, $0xb8;
	[tilespmem:$0x1E000] =	vst v63  }
0x156: {  	_ =	swait.ge [sflag:s24], $0x3E80  }
0x157: {  	[sflag:s24] =	ssyncset.done $0x0  }
0x158: {  	[sflag:s24] =	ssyncadd.s32 $0xFFFFC180  }
0x159: {  	_ =	swait.ge [sflag:s6], $0x3E80  }
0x15a: {  	[sflag:s6] =	ssyncset.done $0x0  }
0x15b: {  	s20 =	simm.s32 $0x1F80;
	[sflag:s6] =	ssyncadd.s32 $0xFFFFC180  }
0x15c: {  	[spmem:s2] =	stream.indirect.scatter.add.f32 [tilespmem:s31], [sflag:$0x5], $0x80, s20, s29, $0xb8;
	[tilespmem:$0x1E000] =	vst v63  }
0x15d: {  	_ =	swait.ge [sflag:s24], $0x3E80  }
0x15e: {  	[sflag:s24] =	ssyncset.done $0x0  }
0x15f: {  	[sflag:s24] =	ssyncadd.s32 $0xFFFFC180  }
0x160: {  	_ =	swait.ge [sflag:s17], $0x800  }
0x161: {  	[sflag:s17] =	ssyncset.done $0x0  }
0x162: {  	[sflag:s17] =	ssyncadd.s32 $0xFFFFF800  }
0x163: {  	_ =	swait.ge [sflag:s18], $0x800  }
0x164: {  	[sflag:s18] =	ssyncset.done $0x0  }
0x165: {  	s20 =	rddreg [dreg:$0xe];
	[sflag:s18] =	ssyncadd.s32 $0xFFFFF800  }
0x166: {  	[tilespmem:s28], [sflag:$0x3] =	stream.linear.gather [hbm4b:s20+s3], $0x800, $0x38;
	[tilespmem:$0x1E000] =	vst v63  }
0x167: {  	s20 =	rddreg [dreg:$0xf]  }
0x168: {  	[tilespmem:s5], [sflag:$0x4] =	stream.linear.gather [hbm4b:s20+s3], $0x800, $0x38;
	[tilespmem:$0x1E000] =	vst v63  }
0x169: {  	_ = 	snop  }
0x16a: {  	[tilespmem:s23], [sflag:$0x1] =	stream.indirect.gather [hbm4b:s4+s29], $0x80, s3, s29, $0xb8;
	[tilespmem:$0x1E000] =	vst v63  }
0x16b: {  	s20 =	simm.s32 $0x80  }
0x16c: {  	[tilespmem:s31], [sflag:$0x2] =	stream.indirect.gather [hbm4b:s4+s29], $0x80, s20, s29, $0xb8;
	[tilespmem:$0x1E000] =	vst v63  }
0x16d: {  	_ =	swait.ge [sflag:s1], $0x3E80  }
0x16e: {  	[sflag:s1] =	ssyncset.done $0x0  }
0x16f: {  	[sflag:s1] =	ssyncadd.s32 $0xFFFFC180  }
0x170: {  	[spmem:s2] =	stream.indirect.scatter.add.f32 [tilespmem:s23], [sflag:$0x5], $0x80, s0, s29, $0xb8;
	[tilespmem:$0x1E000] =	vst v63  }
0x171: {  	_ =	swait.ge [sflag:s24], $0x3E80  }
0x172: {  	[sflag:s24] =	ssyncset.done $0x0  }
0x173: {  	s20 =	simm.s32 $0x100;
	[sflag:s24] =	ssyncadd.s32 $0xFFFFC180  }
0x174: {  	[tilespmem:s23], [sflag:$0x1] =	stream.indirect.gather [hbm4b:s4+s29], $0x80, s20, s29, $0xb8;
	[tilespmem:$0x1E000] =	vst v63  }
0x175: {  	_ =	swait.ge [sflag:s6], $0x3E80  }
0x176: {  	[sflag:s6] =	ssyncset.done $0x0  }
0x177: {  	s20 =	simm.s32 $0x1080;
	[sflag:s6] =	ssyncadd.s32 $0xFFFFC180  }
0x178: {  	[spmem:s2] =	stream.indirect.scatter.add.f32 [tilespmem:s31], [sflag:$0x5], $0x80, s20, s29, $0xb8;
	[tilespmem:$0x1E000] =	vst v63  }
0x179: {  	_ =	swait.ge [sflag:s24], $0x3E80  }
0x17a: {  	[sflag:s24] =	ssyncset.done $0x0  }
0x17b: {  	s20 =	simm.s32 $0x180;
	[sflag:s24] =	ssyncadd.s32 $0xFFFFC180  }
0x17c: {  	[tilespmem:s31], [sflag:$0x2] =	stream.indirect.gather [hbm4b:s4+s29], $0x80, s20, s29, $0xb8;
	[tilespmem:$0x1E000] =	vst v63  }
0x17d: {  	_ =	swait.ge [sflag:s1], $0x3E80  }
0x17e: {  	[sflag:s1] =	ssyncset.done $0x0  }
0x17f: {  	s20 =	simm.s32 $0x1100;
	[sflag:s1] =	ssyncadd.s32 $0xFFFFC180  }
0x180: {  	[spmem:s2] =	stream.indirect.scatter.add.f32 [tilespmem:s23], [sflag:$0x5], $0x80, s20, s29, $0xb8;
	[tilespmem:$0x1E000] =	vst v63  }
0x181: {  	_ =	swait.ge [sflag:s24], $0x3E80  }
0x182: {  	[sflag:s24] =	ssyncset.done $0x0  }
0x183: {  	s20 =	simm.s32 $0x200;
	[sflag:s24] =	ssyncadd.s32 $0xFFFFC180  }
0x184: {  	[tilespmem:s23], [sflag:$0x1] =	stream.indirect.gather [hbm4b:s4+s29], $0x80, s20, s29, $0xb8;
	[tilespmem:$0x1E000] =	vst v63  }
0x185: {  	_ =	swait.ge [sflag:s6], $0x3E80  }
0x186: {  	[sflag:s6] =	ssyncset.done $0x0  }
0x187: {  	s20 =	simm.s32 $0x1180;
	[sflag:s6] =	ssyncadd.s32 $0xFFFFC180  }
0x188: {  	[spmem:s2] =	stream.indirect.scatter.add.f32 [tilespmem:s31], [sflag:$0x5], $0x80, s20, s29, $0xb8;
	[tilespmem:$0x1E000] =	vst v63  }
0x189: {  	_ =	swait.ge [sflag:s24], $0x3E80  }
0x18a: {  	[sflag:s24] =	ssyncset.done $0x0  }
0x18b: {  	s20 =	simm.s32 $0x280;
	[sflag:s24] =	ssyncadd.s32 $0xFFFFC180  }
0x18c: {  	[tilespmem:s31], [sflag:$0x2] =	stream.indirect.gather [hbm4b:s4+s29], $0x80, s20, s29, $0xb8;
	[tilespmem:$0x1E000] =	vst v63  }
0x18d: {  	_ =	swait.ge [sflag:s1], $0x3E80  }
0x18e: {  	[sflag:s1] =	ssyncset.done $0x0  }
0x18f: {  	s20 =	simm.s32 $0x1200;
	[sflag:s1] =	ssyncadd.s32 $0xFFFFC180  }
0x190: {  	[spmem:s2] =	stream.indirect.scatter.add.f32 [tilespmem:s23], [sflag:$0x5], $0x80, s20, s29, $0xb8;
	[tilespmem:$0x1E000] =	vst v63  }
0x191: {  	_ =	swait.ge [sflag:s24], $0x3E80  }
0x192: {  	[sflag:s24] =	ssyncset.done $0x0  }
0x193: {  	s20 =	simm.s32 $0x300;
	[sflag:s24] =	ssyncadd.s32 $0xFFFFC180  }
0x194: {  	[tilespmem:s23], [sflag:$0x1] =	stream.indirect.gather [hbm4b:s4+s29], $0x80, s20, s29, $0xb8;
	[tilespmem:$0x1E000] =	vst v63  }
0x195: {  	_ =	swait.ge [sflag:s6], $0x3E80  }
0x196: {  	[sflag:s6] =	ssyncset.done $0x0  }
0x197: {  	s20 =	simm.s32 $0x1280;
	[sflag:s6] =	ssyncadd.s32 $0xFFFFC180  }
0x198: {  	[spmem:s2] =	stream.indirect.scatter.add.f32 [tilespmem:s31], [sflag:$0x5], $0x80, s20, s29, $0xb8;
	[tilespmem:$0x1E000] =	vst v63  }
0x199: {  	_ =	swait.ge [sflag:s24], $0x3E80  }
0x19a: {  	[sflag:s24] =	ssyncset.done $0x0  }
0x19b: {  	s20 =	simm.s32 $0x380;
	[sflag:s24] =	ssyncadd.s32 $0xFFFFC180  }
0x19c: {  	[tilespmem:s31], [sflag:$0x2] =	stream.indirect.gather [hbm4b:s4+s29], $0x80, s20, s29, $0xb8;
	[tilespmem:$0x1E000] =	vst v63  }
0x19d: {  	_ =	swait.ge [sflag:s1], $0x3E80  }
0x19e: {  	[sflag:s1] =	ssyncset.done $0x0  }
0x19f: {  	s20 =	simm.s32 $0x1300;
	[sflag:s1] =	ssyncadd.s32 $0xFFFFC180  }
0x1a0: {  	[spmem:s2] =	stream.indirect.scatter.add.f32 [tilespmem:s23], [sflag:$0x5], $0x80, s20, s29, $0xb8;
	[tilespmem:$0x1E000] =	vst v63  }
0x1a1: {  	_ =	swait.ge [sflag:s24], $0x3E80  }
0x1a2: {  	[sflag:s24] =	ssyncset.done $0x0  }
0x1a3: {  	s20 =	simm.s32 $0x400;
	[sflag:s24] =	ssyncadd.s32 $0xFFFFC180  }
0x1a4: {  	[tilespmem:s23], [sflag:$0x1] =	stream.indirect.gather [hbm4b:s4+s29], $0x80, s20, s29, $0xb8;
	[tilespmem:$0x1E000] =	vst v63  }
0x1a5: {  	_ =	swait.ge [sflag:s6], $0x3E80  }
0x1a6: {  	[sflag:s6] =	ssyncset.done $0x0  }
0x1a7: {  	s20 =	simm.s32 $0x1380;
	[sflag:s6] =	ssyncadd.s32 $0xFFFFC180  }
0x1a8: {  	[spmem:s2] =	stream.indirect.scatter.add.f32 [tilespmem:s31], [sflag:$0x5], $0x80, s20, s29, $0xb8;
	[tilespmem:$0x1E000] =	vst v63  }
0x1a9: {  	_ =	swait.ge [sflag:s24], $0x3E80  }
0x1aa: {  	[sflag:s24] =	ssyncset.done $0x0  }
0x1ab: {  	s20 =	simm.s32 $0x480;
	[sflag:s24] =	ssyncadd.s32 $0xFFFFC180  }
0x1ac: {  	[tilespmem:s31], [sflag:$0x2] =	stream.indirect.gather [hbm4b:s4+s29], $0x80, s20, s29, $0xb8;
	[tilespmem:$0x1E000] =	vst v63  }
0x1ad: {  	_ =	swait.ge [sflag:s1], $0x3E80  }
0x1ae: {  	[sflag:s1] =	ssyncset.done $0x0  }
0x1af: {  	s20 =	simm.s32 $0x1400;
	[sflag:s1] =	ssyncadd.s32 $0xFFFFC180  }
0x1b0: {  	[spmem:s2] =	stream.indirect.scatter.add.f32 [tilespmem:s23], [sflag:$0x5], $0x80, s20, s29, $0xb8;
	[tilespmem:$0x1E000] =	vst v63  }
0x1b1: {  	_ =	swait.ge [sflag:s24], $0x3E80  }
0x1b2: {  	[sflag:s24] =	ssyncset.done $0x0  }
0x1b3: {  	s20 =	simm.s32 $0x500;
	[sflag:s24] =	ssyncadd.s32 $0xFFFFC180  }
0x1b4: {  	[tilespmem:s23], [sflag:$0x1] =	stream.indirect.gather [hbm4b:s4+s29], $0x80, s20, s29, $0xb8;
	[tilespmem:$0x1E000] =	vst v63  }
0x1b5: {  	_ =	swait.ge [sflag:s6], $0x3E80  }
0x1b6: {  	[sflag:s6] =	ssyncset.done $0x0  }
0x1b7: {  	s20 =	simm.s32 $0x1480;
	[sflag:s6] =	ssyncadd.s32 $0xFFFFC180  }
0x1b8: {  	[spmem:s2] =	stream.indirect.scatter.add.f32 [tilespmem:s31], [sflag:$0x5], $0x80, s20, s29, $0xb8;
	[tilespmem:$0x1E000] =	vst v63  }
0x1b9: {  	_ =	swait.ge [sflag:s24], $0x3E80  }
0x1ba: {  	[sflag:s24] =	ssyncset.done $0x0  }
0x1bb: {  	s20 =	simm.s32 $0x580;
	[sflag:s24] =	ssyncadd.s32 $0xFFFFC180  }
0x1bc: {  	[tilespmem:s31], [sflag:$0x2] =	stream.indirect.gather [hbm4b:s4+s29], $0x80, s20, s29, $0xb8;
	[tilespmem:$0x1E000] =	vst v63  }
0x1bd: {  	_ =	swait.ge [sflag:s1], $0x3E80  }
0x1be: {  	[sflag:s1] =	ssyncset.done $0x0  }
0x1bf: {  	s20 =	simm.s32 $0x1500;
	[sflag:s1] =	ssyncadd.s32 $0xFFFFC180  }
0x1c0: {  	[spmem:s2] =	stream.indirect.scatter.add.f32 [tilespmem:s23], [sflag:$0x5], $0x80, s20, s29, $0xb8;
	[tilespmem:$0x1E000] =	vst v63  }
0x1c1: {  	_ =	swait.ge [sflag:s24], $0x3E80  }
0x1c2: {  	[sflag:s24] =	ssyncset.done $0x0  }
0x1c3: {  	s20 =	simm.s32 $0x600;
	[sflag:s24] =	ssyncadd.s32 $0xFFFFC180  }
0x1c4: {  	[tilespmem:s23], [sflag:$0x1] =	stream.indirect.gather [hbm4b:s4+s29], $0x80, s20, s29, $0xb8;
	[tilespmem:$0x1E000] =	vst v63  }
0x1c5: {  	_ =	swait.ge [sflag:s6], $0x3E80  }
0x1c6: {  	[sflag:s6] =	ssyncset.done $0x0  }
0x1c7: {  	s20 =	simm.s32 $0x1580;
	[sflag:s6] =	ssyncadd.s32 $0xFFFFC180  }
0x1c8: {  	[spmem:s2] =	stream.indirect.scatter.add.f32 [tilespmem:s31], [sflag:$0x5], $0x80, s20, s29, $0xb8;
	[tilespmem:$0x1E000] =	vst v63  }
0x1c9: {  	_ =	swait.ge [sflag:s24], $0x3E80  }
0x1ca: {  	[sflag:s24] =	ssyncset.done $0x0  }
0x1cb: {  	s20 =	simm.s32 $0x680;
	[sflag:s24] =	ssyncadd.s32 $0xFFFFC180  }
0x1cc: {  	[tilespmem:s31], [sflag:$0x2] =	stream.indirect.gather [hbm4b:s4+s29], $0x80, s20, s29, $0xb8;
	[tilespmem:$0x1E000] =	vst v63  }
0x1cd: {  	_ =	swait.ge [sflag:s1], $0x3E80  }
0x1ce: {  	[sflag:s1] =	ssyncset.done $0x0  }
0x1cf: {  	s20 =	simm.s32 $0x1600;
	[sflag:s1] =	ssyncadd.s32 $0xFFFFC180  }
0x1d0: {  	[spmem:s2] =	stream.indirect.scatter.add.f32 [tilespmem:s23], [sflag:$0x5], $0x80, s20, s29, $0xb8;
	[tilespmem:$0x1E000] =	vst v63  }
0x1d1: {  	_ =	swait.ge [sflag:s24], $0x3E80  }
0x1d2: {  	[sflag:s24] =	ssyncset.done $0x0  }
0x1d3: {  	s20 =	simm.s32 $0x700;
	[sflag:s24] =	ssyncadd.s32 $0xFFFFC180  }
0x1d4: {  	[tilespmem:s23], [sflag:$0x1] =	stream.indirect.gather [hbm4b:s4+s29], $0x80, s20, s29, $0xb8;
	[tilespmem:$0x1E000] =	vst v63  }
0x1d5: {  	_ =	swait.ge [sflag:s6], $0x3E80  }
0x1d6: {  	[sflag:s6] =	ssyncset.done $0x0  }
0x1d7: {  	s20 =	simm.s32 $0x1680;
	[sflag:s6] =	ssyncadd.s32 $0xFFFFC180  }
0x1d8: {  	[spmem:s2] =	stream.indirect.scatter.add.f32 [tilespmem:s31], [sflag:$0x5], $0x80, s20, s29, $0xb8;
	[tilespmem:$0x1E000] =	vst v63  }
0x1d9: {  	_ =	swait.ge [sflag:s24], $0x3E80  }
0x1da: {  	[sflag:s24] =	ssyncset.done $0x0  }
0x1db: {  	s20 =	simm.s32 $0x780;
	[sflag:s24] =	ssyncadd.s32 $0xFFFFC180  }
0x1dc: {  	[tilespmem:s31], [sflag:$0x2] =	stream.indirect.gather [hbm4b:s4+s29], $0x80, s20, s29, $0xb8;
	[tilespmem:$0x1E000] =	vst v63  }
0x1dd: {  	_ =	swait.ge [sflag:s1], $0x3E80  }
0x1de: {  	[sflag:s1] =	ssyncset.done $0x0  }
0x1df: {  	s20 =	simm.s32 $0x1700;
	[sflag:s1] =	ssyncadd.s32 $0xFFFFC180  }
0x1e0: {  	[spmem:s2] =	stream.indirect.scatter.add.f32 [tilespmem:s23], [sflag:$0x5], $0x80, s20, s29, $0xb8;
	[tilespmem:$0x1E000] =	vst v63  }
0x1e1: {  	_ =	swait.ge [sflag:s24], $0x3E80  }
0x1e2: {  	[sflag:s24] =	ssyncset.done $0x0  }
0x1e3: {  	[sflag:s24] =	ssyncadd.s32 $0xFFFFC180  }
0x1e4: {  	_ =	swait.ge [sflag:s6], $0x3E80  }
0x1e5: {  	[sflag:s6] =	ssyncset.done $0x0  }
0x1e6: {  	s20 =	simm.s32 $0x1780;
	[sflag:s6] =	ssyncadd.s32 $0xFFFFC180  }
0x1e7: {  	[spmem:s2] =	stream.indirect.scatter.add.f32 [tilespmem:s31], [sflag:$0x5], $0x80, s20, s29, $0xb8;
	[tilespmem:$0x1E000] =	vst v63  }
0x1e8: {  	_ =	swait.ge [sflag:s24], $0x3E80  }
0x1e9: {  	[sflag:s24] =	ssyncset.done $0x0  }
0x1ea: {  	[sflag:s24] =	ssyncadd.s32 $0xFFFFC180  }
0x1eb: {  	_ =	swait.ge [sflag:s17], $0x800  }
0x1ec: {  	[sflag:s17] =	ssyncset.done $0x0  }
0x1ed: {  	[sflag:s17] =	ssyncadd.s32 $0xFFFFF800  }
0x1ee: {  	_ =	swait.ge [sflag:s18], $0x800  }
0x1ef: {  	[sflag:s18] =	ssyncset.done $0x0  }
0x1f0: {  	s20 =	rddreg [dreg:$0x10];
	[sflag:s18] =	ssyncadd.s32 $0xFFFFF800  }
0x1f1: {  	[tilespmem:s3], [sflag:$0x3] =	stream.linear.gather [hbm4b:s20+s3], $0x800, $0x38;
	[tilespmem:$0x1E000] =	vst v63  }
0x1f2: {  	s20 =	rddreg [dreg:$0x11]  }
0x1f3: {  	[tilespmem:s0], [sflag:$0x4] =	stream.linear.gather [hbm4b:s20+s3], $0x800, $0x38;
	[tilespmem:$0x1E000] =	vst v63  }
0x1f4: {  	_ = 	snop  }
0x1f5: {  	[tilespmem:s23], [sflag:$0x1] =	stream.indirect.gather [hbm4b:s4+s29], $0x80, s28, s29, $0xb8;
	[tilespmem:$0x1E000] =	vst v63  }
0x1f6: {  	_ = 	snop  }
0x1f7: {  	[tilespmem:s31], [sflag:$0x2] =	stream.indirect.gather [hbm4b:s4+s29], $0x80, s25, s29, $0xb8;
	[tilespmem:$0x1E000] =	vst v63  }
0x1f8: {  	_ =	swait.ge [sflag:s1], $0x3E80  }
0x1f9: {  	[sflag:s1] =	ssyncset.done $0x0  }
0x1fa: {  	[sflag:s1] =	ssyncadd.s32 $0xFFFFC180  }
0x1fb: {  	[spmem:s2] =	stream.indirect.scatter.add.f32 [tilespmem:s23], [sflag:$0x5], $0x80, s5, s29, $0xb8;
	[tilespmem:$0x1E000] =	vst v63  }
0x1fc: {  	_ =	swait.ge [sflag:s24], $0x3E80  }
0x1fd: {  	[sflag:s24] =	ssyncset.done $0x0  }
0x1fe: {  	[sflag:s24] =	ssyncadd.s32 $0xFFFFC180  }
0x1ff: {  	[tilespmem:s23], [sflag:$0x1] =	stream.indirect.gather [hbm4b:s4+s29], $0x80, s7, s29, $0xb8;
	[tilespmem:$0x1E000] =	vst v63  }
0x200: {  	_ =	swait.ge [sflag:s6], $0x3E80  }
0x201: {  	[sflag:s6] =	ssyncset.done $0x0  }
0x202: {  	[sflag:s6] =	ssyncadd.s32 $0xFFFFC180  }
0x203: {  	[spmem:s2] =	stream.indirect.scatter.add.f32 [tilespmem:s31], [sflag:$0x5], $0x80, s8, s29, $0xb8;
	[tilespmem:$0x1E000] =	vst v63  }
0x204: {  	_ =	swait.ge [sflag:s24], $0x3E80  }
0x205: {  	[sflag:s24] =	ssyncset.done $0x0  }
0x206: {  	[sflag:s24] =	ssyncadd.s32 $0xFFFFC180  }
0x207: {  	[tilespmem:s31], [sflag:$0x2] =	stream.indirect.gather [hbm4b:s4+s29], $0x80, s9, s29, $0xb8;
	[tilespmem:$0x1E000] =	vst v63  }
0x208: {  	_ =	swait.ge [sflag:s1], $0x3E80  }
0x209: {  	[sflag:s1] =	ssyncset.done $0x0  }
0x20a: {  	[sflag:s1] =	ssyncadd.s32 $0xFFFFC180  }
0x20b: {  	[spmem:s2] =	stream.indirect.scatter.add.f32 [tilespmem:s23], [sflag:$0x5], $0x80, s10, s29, $0xb8;
	[tilespmem:$0x1E000] =	vst v63  }
0x20c: {  	_ =	swait.ge [sflag:s24], $0x3E80  }
0x20d: {  	[sflag:s24] =	ssyncset.done $0x0  }
0x20e: {  	[sflag:s24] =	ssyncadd.s32 $0xFFFFC180  }
0x20f: {  	[tilespmem:s23], [sflag:$0x1] =	stream.indirect.gather [hbm4b:s4+s29], $0x80, s11, s29, $0xb8;
	[tilespmem:$0x1E000] =	vst v63  }
0x210: {  	_ =	swait.ge [sflag:s6], $0x3E80  }
0x211: {  	[sflag:s6] =	ssyncset.done $0x0  }
0x212: {  	[sflag:s6] =	ssyncadd.s32 $0xFFFFC180  }
0x213: {  	[spmem:s2] =	stream.indirect.scatter.add.f32 [tilespmem:s31], [sflag:$0x5], $0x80, s12, s29, $0xb8;
	[tilespmem:$0x1E000] =	vst v63  }
0x214: {  	_ =	swait.ge [sflag:s24], $0x3E80  }
0x215: {  	[sflag:s24] =	ssyncset.done $0x0  }
0x216: {  	[sflag:s24] =	ssyncadd.s32 $0xFFFFC180  }
0x217: {  	[tilespmem:s31], [sflag:$0x2] =	stream.indirect.gather [hbm4b:s4+s29], $0x80, s13, s29, $0xb8;
	[tilespmem:$0x1E000] =	vst v63  }
0x218: {  	_ =	swait.ge [sflag:s1], $0x3E80  }
0x219: {  	[sflag:s1] =	ssyncset.done $0x0  }
0x21a: {  	[sflag:s1] =	ssyncadd.s32 $0xFFFFC180  }
0x21b: {  	[spmem:s2] =	stream.indirect.scatter.add.f32 [tilespmem:s23], [sflag:$0x5], $0x80, s14, s29, $0xb8;
	[tilespmem:$0x1E000] =	vst v63  }
0x21c: {  	_ =	swait.ge [sflag:s24], $0x3E80  }
0x21d: {  	[sflag:s24] =	ssyncset.done $0x0  }
0x21e: {  	[sflag:s24] =	ssyncadd.s32 $0xFFFFC180  }
0x21f: {  	[tilespmem:s23], [sflag:$0x1] =	stream.indirect.gather [hbm4b:s4+s29], $0x80, s15, s29, $0xb8;
	[tilespmem:$0x1E000] =	vst v63  }
0x220: {  	_ =	swait.ge [sflag:s6], $0x3E80  }
0x221: {  	[sflag:s6] =	ssyncset.done $0x0  }
0x222: {  	[sflag:s6] =	ssyncadd.s32 $0xFFFFC180  }
0x223: {  	[spmem:s2] =	stream.indirect.scatter.add.f32 [tilespmem:s31], [sflag:$0x5], $0x80, s16, s29, $0xb8;
	[tilespmem:$0x1E000] =	vst v63  }
0x224: {  	_ =	swait.ge [sflag:s24], $0x3E80  }
0x225: {  	[sflag:s24] =	ssyncset.done $0x0  }
0x226: {  	[sflag:s24] =	ssyncadd.s32 $0xFFFFC180  }
0x227: {  	[tilespmem:s31], [sflag:$0x2] =	stream.indirect.gather [hbm4b:s4+s29], $0x80, s26, s29, $0xb8;
	[tilespmem:$0x1E000] =	vst v63  }
0x228: {  	_ =	swait.ge [sflag:s1], $0x3E80  }
0x229: {  	[sflag:s1] =	ssyncset.done $0x0  }
0x22a: {  	[sflag:s1] =	ssyncadd.s32 $0xFFFFC180  }
0x22b: {  	[spmem:s2] =	stream.indirect.scatter.add.f32 [tilespmem:s23], [sflag:$0x5], $0x80, s30, s29, $0xb8;
	[tilespmem:$0x1E000] =	vst v63  }
0x22c: {  	_ =	swait.ge [sflag:s24], $0x3E80  }
0x22d: {  	[sflag:s24] =	ssyncset.done $0x0  }
0x22e: {  	[sflag:s24] =	ssyncadd.s32 $0xFFFFC180  }
0x22f: {  	[tilespmem:s23], [sflag:$0x1] =	stream.indirect.gather [hbm4b:s4+s29], $0x80, s21, s29, $0xb8;
	[tilespmem:$0x1E000] =	vst v63  }
0x230: {  	_ =	swait.ge [sflag:s6], $0x3E80  }
0x231: {  	[sflag:s6] =	ssyncset.done $0x0  }
0x232: {  	[sflag:s6] =	ssyncadd.s32 $0xFFFFC180  }
0x233: {  	[spmem:s2] =	stream.indirect.scatter.add.f32 [tilespmem:s31], [sflag:$0x5], $0x80, s22, s29, $0xb8;
	[tilespmem:$0x1E000] =	vst v63  }
0x234: {  	_ =	swait.ge [sflag:s24], $0x3E80  }
0x235: {  	[sflag:s24] =	ssyncset.done $0x0  }
0x236: {  	s22 =	simm.s32 $0xC80;
	[sflag:s24] =	ssyncadd.s32 $0xFFFFC180  }
0x237: {  	[tilespmem:s31], [sflag:$0x2] =	stream.indirect.gather [hbm4b:s4+s29], $0x80, s22, s29, $0xb8;
	[tilespmem:$0x1E000] =	vst v63  }
0x238: {  	_ =	swait.ge [sflag:s1], $0x3E80  }
0x239: {  	[sflag:s1] =	ssyncset.done $0x0  }
0x23a: {  	s7 =	simm.s32 $0x1C00;
	[sflag:s1] =	ssyncadd.s32 $0xFFFFC180  }
0x23b: {  	[spmem:s2] =	stream.indirect.scatter.add.f32 [tilespmem:s23], [sflag:$0x5], $0x80, s7, s29, $0xb8;
	[tilespmem:$0x1E000] =	vst v63  }
0x23c: {  	_ =	swait.ge [sflag:s24], $0x3E80  }
0x23d: {  	[sflag:s24] =	ssyncset.done $0x0  }
0x23e: {  	s20 =	simm.s32 $0xD00;
	[sflag:s24] =	ssyncadd.s32 $0xFFFFC180  }
0x23f: {  	[tilespmem:s23], [sflag:$0x1] =	stream.indirect.gather [hbm4b:s4+s29], $0x80, s20, s29, $0xb8;
	[tilespmem:$0x1E000] =	vst v63  }
0x240: {  	_ =	swait.ge [sflag:s6], $0x3E80  }
0x241: {  	[sflag:s6] =	ssyncset.done $0x0  }
0x242: {  	s21 =	simm.s32 $0x1C80;
	[sflag:s6] =	ssyncadd.s32 $0xFFFFC180  }
0x243: {  	[spmem:s2] =	stream.indirect.scatter.add.f32 [tilespmem:s31], [sflag:$0x5], $0x80, s21, s29, $0xb8;
	[tilespmem:$0x1E000] =	vst v63  }
0x244: {  	_ =	swait.ge [sflag:s24], $0x3E80  }
0x245: {  	[sflag:s24] =	ssyncset.done $0x0  }
0x246: {  	s22 =	simm.s32 $0xD80;
	[sflag:s24] =	ssyncadd.s32 $0xFFFFC180  }
0x247: {  	[tilespmem:s31], [sflag:$0x2] =	stream.indirect.gather [hbm4b:s4+s29], $0x80, s22, s29, $0xb8;
	[tilespmem:$0x1E000] =	vst v63  }
0x248: {  	_ =	swait.ge [sflag:s1], $0x3E80  }
0x249: {  	[sflag:s1] =	ssyncset.done $0x0  }
0x24a: {  	s7 =	simm.s32 $0x1D00;
	[sflag:s1] =	ssyncadd.s32 $0xFFFFC180  }
0x24b: {  	[spmem:s2] =	stream.indirect.scatter.add.f32 [tilespmem:s23], [sflag:$0x5], $0x80, s7, s29, $0xb8;
	[tilespmem:$0x1E000] =	vst v63  }
0x24c: {  	_ =	swait.ge [sflag:s24], $0x3E80  }
0x24d: {  	[sflag:s24] =	ssyncset.done $0x0  }
0x24e: {  	s20 =	simm.s32 $0xE00;
	[sflag:s24] =	ssyncadd.s32 $0xFFFFC180  }
0x24f: {  	[tilespmem:s23], [sflag:$0x1] =	stream.indirect.gather [hbm4b:s4+s29], $0x80, s20, s29, $0xb8;
	[tilespmem:$0x1E000] =	vst v63  }
0x250: {  	_ =	swait.ge [sflag:s6], $0x3E80  }
0x251: {  	[sflag:s6] =	ssyncset.done $0x0  }
0x252: {  	s21 =	simm.s32 $0x1D80;
	[sflag:s6] =	ssyncadd.s32 $0xFFFFC180  }
0x253: {  	[spmem:s2] =	stream.indirect.scatter.add.f32 [tilespmem:s31], [sflag:$0x5], $0x80, s21, s29, $0xb8;
	[tilespmem:$0x1E000] =	vst v63  }
0x254: {  	_ =	swait.ge [sflag:s24], $0x3E80  }
0x255: {  	[sflag:s24] =	ssyncset.done $0x0  }
0x256: {  	s22 =	simm.s32 $0xE80;
	[sflag:s24] =	ssyncadd.s32 $0xFFFFC180  }
0x257: {  	[tilespmem:s31], [sflag:$0x2] =	stream.indirect.gather [hbm4b:s4+s29], $0x80, s22, s29, $0xb8;
	[tilespmem:$0x1E000] =	vst v63  }
0x258: {  	_ =	swait.ge [sflag:s1], $0x3E80  }
0x259: {  	[sflag:s1] =	ssyncset.done $0x0  }
0x25a: {  	s7 =	simm.s32 $0x1E00;
	[sflag:s1] =	ssyncadd.s32 $0xFFFFC180  }
0x25b: {  	[spmem:s2] =	stream.indirect.scatter.add.f32 [tilespmem:s23], [sflag:$0x5], $0x80, s7, s29, $0xb8;
	[tilespmem:$0x1E000] =	vst v63  }
0x25c: {  	_ =	swait.ge [sflag:s24], $0x3E80  }
0x25d: {  	[sflag:s24] =	ssyncset.done $0x0  }
0x25e: {  	s20 =	simm.s32 $0xF00;
	[sflag:s24] =	ssyncadd.s32 $0xFFFFC180  }
0x25f: {  	[tilespmem:s23], [sflag:$0x1] =	stream.indirect.gather [hbm4b:s4+s29], $0x80, s20, s29, $0xb8;
	[tilespmem:$0x1E000] =	vst v63  }
0x260: {  	_ =	swait.ge [sflag:s6], $0x3E80  }
0x261: {  	[sflag:s6] =	ssyncset.done $0x0  }
0x262: {  	s21 =	simm.s32 $0x1E80;
	[sflag:s6] =	ssyncadd.s32 $0xFFFFC180  }
0x263: {  	[spmem:s2] =	stream.indirect.scatter.add.f32 [tilespmem:s31], [sflag:$0x5], $0x80, s21, s29, $0xb8;
	[tilespmem:$0x1E000] =	vst v63  }
0x264: {  	_ =	swait.ge [sflag:s24], $0x3E80  }
0x265: {  	[sflag:s24] =	ssyncset.done $0x0  }
0x266: {  	s22 =	simm.s32 $0xF80;
	[sflag:s24] =	ssyncadd.s32 $0xFFFFC180  }
0x267: {  	[tilespmem:s31], [sflag:$0x2] =	stream.indirect.gather [hbm4b:s4+s29], $0x80, s22, s29, $0xb8;
	[tilespmem:$0x1E000] =	vst v63  }
0x268: {  	_ =	swait.ge [sflag:s1], $0x3E80  }
0x269: {  	[sflag:s1] =	ssyncset.done $0x0  }
0x26a: {  	s7 =	simm.s32 $0x1F00;
	[sflag:s1] =	ssyncadd.s32 $0xFFFFC180  }
0x26b: {  	[spmem:s2] =	stream.indirect.scatter.add.f32 [tilespmem:s23], [sflag:$0x5], $0x80, s7, s29, $0xb8;
	[tilespmem:$0x1E000] =	vst v63  }
0x26c: {  	_ =	swait.ge [sflag:s24], $0x3E80  }
0x26d: {  	[sflag:s24] =	ssyncset.done $0x0  }
0x26e: {  	[sflag:s24] =	ssyncadd.s32 $0xFFFFC180  }
0x26f: {  	_ =	swait.ge [sflag:s6], $0x3E80  }
0x270: {  	[sflag:s6] =	ssyncset.done $0x0  }
0x271: {  	s20 =	simm.s32 $0x1F80;
	[sflag:s6] =	ssyncadd.s32 $0xFFFFC180  }
0x272: {  	[spmem:s2] =	stream.indirect.scatter.add.f32 [tilespmem:s31], [sflag:$0x5], $0x80, s20, s29, $0xb8;
	[tilespmem:$0x1E000] =	vst v63  }
0x273: {  	_ =	swait.ge [sflag:s24], $0x3E80  }
0x274: {  	[sflag:s24] =	ssyncset.done $0x0  }
0x275: {  	[sflag:s24] =	ssyncadd.s32 $0xFFFFC180  }
0x276: {  	_ =	swait.ge [sflag:s17], $0x800  }
0x277: {  	[sflag:s17] =	ssyncset.done $0x0  }
0x278: {  	[sflag:s17] =	ssyncadd.s32 $0xFFFFF800  }
0x279: {  	_ =	swait.ge [sflag:s18], $0x800  }
0x27a: {  	[sflag:s18] =	ssyncset.done $0x0  }
0x27b: {  	[sflag:s18] =	ssyncadd.s32 $0xFFFFF800  }
0x27c: {  	[tilespmem:s23], [sflag:$0x1] =	stream.indirect.gather [hbm4b:s4+s29], $0x80, s3, s29, $0xb8;
	[tilespmem:$0x1E000] =	vst v63  }
0x27d: {  	s21 =	simm.s32 $0x80  }
0x27e: {  	[tilespmem:s31], [sflag:$0x2] =	stream.indirect.gather [hbm4b:s4+s29], $0x80, s21, s29, $0xb8;
	[tilespmem:$0x1E000] =	vst v63  }
0x27f: {  	_ =	swait.ge [sflag:s1], $0x3E80  }
0x280: {  	[sflag:s1] =	ssyncset.done $0x0  }
0x281: {  	[sflag:s1] =	ssyncadd.s32 $0xFFFFC180  }
0x282: {  	[spmem:s2] =	stream.indirect.scatter.add.f32 [tilespmem:s23], [sflag:$0x5], $0x80, s0, s29, $0xb8;
	[tilespmem:$0x1E000] =	vst v63  }
0x283: {  	_ =	swait.ge [sflag:s24], $0x3E80  }
0x284: {  	[sflag:s24] =	ssyncset.done $0x0  }
0x285: {  	s22 =	simm.s32 $0x100;
	[sflag:s24] =	ssyncadd.s32 $0xFFFFC180  }
0x286: {  	[tilespmem:s23], [sflag:$0x1] =	stream.indirect.gather [hbm4b:s4+s29], $0x80, s22, s29, $0xb8;
	[tilespmem:$0x1E000] =	vst v63  }
0x287: {  	_ =	swait.ge [sflag:s6], $0x3E80  }
0x288: {  	[sflag:s6] =	ssyncset.done $0x0  }
0x289: {  	s5 =	simm.s32 $0x1080;
	[sflag:s6] =	ssyncadd.s32 $0xFFFFC180  }
0x28a: {  	[spmem:s2] =	stream.indirect.scatter.add.f32 [tilespmem:s31], [sflag:$0x5], $0x80, s5, s29, $0xb8;
	[tilespmem:$0x1E000] =	vst v63  }
0x28b: {  	_ =	swait.ge [sflag:s24], $0x3E80  }
0x28c: {  	[sflag:s24] =	ssyncset.done $0x0  }
0x28d: {  	s7 =	simm.s32 $0x180;
	[sflag:s24] =	ssyncadd.s32 $0xFFFFC180  }
0x28e: {  	[tilespmem:s31], [sflag:$0x2] =	stream.indirect.gather [hbm4b:s4+s29], $0x80, s7, s29, $0xb8;
	[tilespmem:$0x1E000] =	vst v63  }
0x28f: {  	_ =	swait.ge [sflag:s1], $0x3E80  }
0x290: {  	[sflag:s1] =	ssyncset.done $0x0  }
0x291: {  	s20 =	simm.s32 $0x1100;
	[sflag:s1] =	ssyncadd.s32 $0xFFFFC180  }
0x292: {  	[spmem:s2] =	stream.indirect.scatter.add.f32 [tilespmem:s23], [sflag:$0x5], $0x80, s20, s29, $0xb8;
	[tilespmem:$0x1E000] =	vst v63  }
0x293: {  	_ =	swait.ge [sflag:s24], $0x3E80  }
0x294: {  	[sflag:s24] =	ssyncset.done $0x0  }
0x295: {  	s21 =	simm.s32 $0x200;
	[sflag:s24] =	ssyncadd.s32 $0xFFFFC180  }
0x296: {  	[tilespmem:s23], [sflag:$0x1] =	stream.indirect.gather [hbm4b:s4+s29], $0x80, s21, s29, $0xb8;
	[tilespmem:$0x1E000] =	vst v63  }
0x297: {  	_ =	swait.ge [sflag:s6], $0x3E80  }
0x298: {  	[sflag:s6] =	ssyncset.done $0x0  }
0x299: {  	s22 =	simm.s32 $0x1180;
	[sflag:s6] =	ssyncadd.s32 $0xFFFFC180  }
0x29a: {  	[spmem:s2] =	stream.indirect.scatter.add.f32 [tilespmem:s31], [sflag:$0x5], $0x80, s22, s29, $0xb8;
	[tilespmem:$0x1E000] =	vst v63  }
0x29b: {  	_ =	swait.ge [sflag:s24], $0x3E80  }
0x29c: {  	[sflag:s24] =	ssyncset.done $0x0  }
0x29d: {  	s5 =	simm.s32 $0x280;
	[sflag:s24] =	ssyncadd.s32 $0xFFFFC180  }
0x29e: {  	[tilespmem:s31], [sflag:$0x2] =	stream.indirect.gather [hbm4b:s4+s29], $0x80, s5, s29, $0xb8;
	[tilespmem:$0x1E000] =	vst v63  }
0x29f: {  	_ =	swait.ge [sflag:s1], $0x3E80  }
0x2a0: {  	[sflag:s1] =	ssyncset.done $0x0  }
0x2a1: {  	s7 =	simm.s32 $0x1200;
	[sflag:s1] =	ssyncadd.s32 $0xFFFFC180  }
0x2a2: {  	[spmem:s2] =	stream.indirect.scatter.add.f32 [tilespmem:s23], [sflag:$0x5], $0x80, s7, s29, $0xb8;
	[tilespmem:$0x1E000] =	vst v63  }
0x2a3: {  	_ =	swait.ge [sflag:s24], $0x3E80  }
0x2a4: {  	[sflag:s24] =	ssyncset.done $0x0  }
0x2a5: {  	s20 =	simm.s32 $0x300;
	[sflag:s24] =	ssyncadd.s32 $0xFFFFC180  }
0x2a6: {  	[tilespmem:s23], [sflag:$0x1] =	stream.indirect.gather [hbm4b:s4+s29], $0x80, s20, s29, $0xb8;
	[tilespmem:$0x1E000] =	vst v63  }
0x2a7: {  	_ =	swait.ge [sflag:s6], $0x3E80  }
0x2a8: {  	[sflag:s6] =	ssyncset.done $0x0  }
0x2a9: {  	s21 =	simm.s32 $0x1280;
	[sflag:s6] =	ssyncadd.s32 $0xFFFFC180  }
0x2aa: {  	[spmem:s2] =	stream.indirect.scatter.add.f32 [tilespmem:s31], [sflag:$0x5], $0x80, s21, s29, $0xb8;
	[tilespmem:$0x1E000] =	vst v63  }
0x2ab: {  	_ =	swait.ge [sflag:s24], $0x3E80  }
0x2ac: {  	[sflag:s24] =	ssyncset.done $0x0  }
0x2ad: {  	s22 =	simm.s32 $0x380;
	[sflag:s24] =	ssyncadd.s32 $0xFFFFC180  }
0x2ae: {  	[tilespmem:s31], [sflag:$0x2] =	stream.indirect.gather [hbm4b:s4+s29], $0x80, s22, s29, $0xb8;
	[tilespmem:$0x1E000] =	vst v63  }
0x2af: {  	_ =	swait.ge [sflag:s1], $0x3E80  }
0x2b0: {  	[sflag:s1] =	ssyncset.done $0x0  }
0x2b1: {  	s5 =	simm.s32 $0x1300;
	[sflag:s1] =	ssyncadd.s32 $0xFFFFC180  }
0x2b2: {  	[spmem:s2] =	stream.indirect.scatter.add.f32 [tilespmem:s23], [sflag:$0x5], $0x80, s5, s29, $0xb8;
	[tilespmem:$0x1E000] =	vst v63  }
0x2b3: {  	_ =	swait.ge [sflag:s24], $0x3E80  }
0x2b4: {  	[sflag:s24] =	ssyncset.done $0x0  }
0x2b5: {  	s7 =	simm.s32 $0x400;
	[sflag:s24] =	ssyncadd.s32 $0xFFFFC180  }
0x2b6: {  	[tilespmem:s23], [sflag:$0x1] =	stream.indirect.gather [hbm4b:s4+s29], $0x80, s7, s29, $0xb8;
	[tilespmem:$0x1E000] =	vst v63  }
0x2b7: {  	_ =	swait.ge [sflag:s6], $0x3E80  }
0x2b8: {  	[sflag:s6] =	ssyncset.done $0x0  }
0x2b9: {  	s20 =	simm.s32 $0x1380;
	[sflag:s6] =	ssyncadd.s32 $0xFFFFC180  }
0x2ba: {  	[spmem:s2] =	stream.indirect.scatter.add.f32 [tilespmem:s31], [sflag:$0x5], $0x80, s20, s29, $0xb8;
	[tilespmem:$0x1E000] =	vst v63  }
0x2bb: {  	_ =	swait.ge [sflag:s24], $0x3E80  }
0x2bc: {  	[sflag:s24] =	ssyncset.done $0x0  }
0x2bd: {  	s21 =	simm.s32 $0x480;
	[sflag:s24] =	ssyncadd.s32 $0xFFFFC180  }
0x2be: {  	[tilespmem:s31], [sflag:$0x2] =	stream.indirect.gather [hbm4b:s4+s29], $0x80, s21, s29, $0xb8;
	[tilespmem:$0x1E000] =	vst v63  }
0x2bf: {  	_ =	swait.ge [sflag:s1], $0x3E80  }
0x2c0: {  	[sflag:s1] =	ssyncset.done $0x0  }
0x2c1: {  	s22 =	simm.s32 $0x1400;
	[sflag:s1] =	ssyncadd.s32 $0xFFFFC180  }
0x2c2: {  	[spmem:s2] =	stream.indirect.scatter.add.f32 [tilespmem:s23], [sflag:$0x5], $0x80, s22, s29, $0xb8;
	[tilespmem:$0x1E000] =	vst v63  }
0x2c3: {  	_ =	swait.ge [sflag:s24], $0x3E80  }
0x2c4: {  	[sflag:s24] =	ssyncset.done $0x0  }
0x2c5: {  	s5 =	simm.s32 $0x500;
	[sflag:s24] =	ssyncadd.s32 $0xFFFFC180  }
0x2c6: {  	[tilespmem:s23], [sflag:$0x1] =	stream.indirect.gather [hbm4b:s4+s29], $0x80, s5, s29, $0xb8;
	[tilespmem:$0x1E000] =	vst v63  }
0x2c7: {  	_ =	swait.ge [sflag:s6], $0x3E80  }
0x2c8: {  	[sflag:s6] =	ssyncset.done $0x0  }
0x2c9: {  	s7 =	simm.s32 $0x1480;
	[sflag:s6] =	ssyncadd.s32 $0xFFFFC180  }
0x2ca: {  	[spmem:s2] =	stream.indirect.scatter.add.f32 [tilespmem:s31], [sflag:$0x5], $0x80, s7, s29, $0xb8;
	[tilespmem:$0x1E000] =	vst v63  }
0x2cb: {  	_ =	swait.ge [sflag:s24], $0x3E80  }
0x2cc: {  	[sflag:s24] =	ssyncset.done $0x0  }
0x2cd: {  	s20 =	simm.s32 $0x580;
	[sflag:s24] =	ssyncadd.s32 $0xFFFFC180  }
0x2ce: {  	[tilespmem:s31], [sflag:$0x2] =	stream.indirect.gather [hbm4b:s4+s29], $0x80, s20, s29, $0xb8;
	[tilespmem:$0x1E000] =	vst v63  }
0x2cf: {  	_ =	swait.ge [sflag:s1], $0x3E80  }
0x2d0: {  	[sflag:s1] =	ssyncset.done $0x0  }
0x2d1: {  	s21 =	simm.s32 $0x1500;
	[sflag:s1] =	ssyncadd.s32 $0xFFFFC180  }
0x2d2: {  	[spmem:s2] =	stream.indirect.scatter.add.f32 [tilespmem:s23], [sflag:$0x5], $0x80, s21, s29, $0xb8;
	[tilespmem:$0x1E000] =	vst v63  }
0x2d3: {  	_ =	swait.ge [sflag:s24], $0x3E80  }
0x2d4: {  	[sflag:s24] =	ssyncset.done $0x0  }
0x2d5: {  	s22 =	simm.s32 $0x600;
	[sflag:s24] =	ssyncadd.s32 $0xFFFFC180  }
0x2d6: {  	[tilespmem:s23], [sflag:$0x1] =	stream.indirect.gather [hbm4b:s4+s29], $0x80, s22, s29, $0xb8;
	[tilespmem:$0x1E000] =	vst v63  }
0x2d7: {  	_ =	swait.ge [sflag:s6], $0x3E80  }
0x2d8: {  	[sflag:s6] =	ssyncset.done $0x0  }
0x2d9: {  	s5 =	simm.s32 $0x1580;
	[sflag:s6] =	ssyncadd.s32 $0xFFFFC180  }
0x2da: {  	[spmem:s2] =	stream.indirect.scatter.add.f32 [tilespmem:s31], [sflag:$0x5], $0x80, s5, s29, $0xb8;
	[tilespmem:$0x1E000] =	vst v63  }
0x2db: {  	_ =	swait.ge [sflag:s24], $0x3E80  }
0x2dc: {  	[sflag:s24] =	ssyncset.done $0x0  }
0x2dd: {  	s7 =	simm.s32 $0x680;
	[sflag:s24] =	ssyncadd.s32 $0xFFFFC180  }
0x2de: {  	[tilespmem:s31], [sflag:$0x2] =	stream.indirect.gather [hbm4b:s4+s29], $0x80, s7, s29, $0xb8;
	[tilespmem:$0x1E000] =	vst v63  }
0x2df: {  	_ =	swait.ge [sflag:s1], $0x3E80  }
0x2e0: {  	[sflag:s1] =	ssyncset.done $0x0  }
0x2e1: {  	s20 =	simm.s32 $0x1600;
	[sflag:s1] =	ssyncadd.s32 $0xFFFFC180  }
0x2e2: {  	[spmem:s2] =	stream.indirect.scatter.add.f32 [tilespmem:s23], [sflag:$0x5], $0x80, s20, s29, $0xb8;
	[tilespmem:$0x1E000] =	vst v63  }
0x2e3: {  	_ =	swait.ge [sflag:s24], $0x3E80  }
0x2e4: {  	[sflag:s24] =	ssyncset.done $0x0  }
0x2e5: {  	s21 =	simm.s32 $0x700;
	[sflag:s24] =	ssyncadd.s32 $0xFFFFC180  }
0x2e6: {  	[tilespmem:s23], [sflag:$0x1] =	stream.indirect.gather [hbm4b:s4+s29], $0x80, s21, s29, $0xb8;
	[tilespmem:$0x1E000] =	vst v63  }
0x2e7: {  	_ =	swait.ge [sflag:s6], $0x3E80  }
0x2e8: {  	[sflag:s6] =	ssyncset.done $0x0  }
0x2e9: {  	s22 =	simm.s32 $0x1680;
	[sflag:s6] =	ssyncadd.s32 $0xFFFFC180  }
0x2ea: {  	[spmem:s2] =	stream.indirect.scatter.add.f32 [tilespmem:s31], [sflag:$0x5], $0x80, s22, s29, $0xb8;
	[tilespmem:$0x1E000] =	vst v63  }
0x2eb: {  	_ =	swait.ge [sflag:s24], $0x3E80  }
0x2ec: {  	[sflag:s24] =	ssyncset.done $0x0  }
0x2ed: {  	s5 =	simm.s32 $0x780;
	[sflag:s24] =	ssyncadd.s32 $0xFFFFC180  }
0x2ee: {  	[tilespmem:s31], [sflag:$0x2] =	stream.indirect.gather [hbm4b:s4+s29], $0x80, s5, s29, $0xb8;
	[tilespmem:$0x1E000] =	vst v63  }
0x2ef: {  	_ =	swait.ge [sflag:s1], $0x3E80  }
0x2f0: {  	[sflag:s1] =	ssyncset.done $0x0  }
0x2f1: {  	s7 =	simm.s32 $0x1700;
	[sflag:s1] =	ssyncadd.s32 $0xFFFFC180  }
0x2f2: {  	[spmem:s2] =	stream.indirect.scatter.add.f32 [tilespmem:s23], [sflag:$0x5], $0x80, s7, s29, $0xb8;
	[tilespmem:$0x1E000] =	vst v63  }
0x2f3: {  	_ =	swait.ge [sflag:s24], $0x3E80  }
0x2f4: {  	[sflag:s24] =	ssyncset.done $0x0  }
0x2f5: {  	[sflag:s24] =	ssyncadd.s32 $0xFFFFC180  }
0x2f6: {  	_ =	swait.ge [sflag:s6], $0x3E80  }
0x2f7: {  	[sflag:s6] =	ssyncset.done $0x0  }
0x2f8: {  	s20 =	simm.s32 $0x1780;
	[sflag:s6] =	ssyncadd.s32 $0xFFFFC180  }
0x2f9: {  	[spmem:s2] =	stream.indirect.scatter.add.f32 [tilespmem:s31], [sflag:$0x5], $0x80, s20, s29, $0xb8;
	[tilespmem:$0x1E000] =	vst v63  }
0x2fa: {  	_ =	swait.ge [sflag:s24], $0x3E80  }
0x2fb: {  	[sflag:s24] =	ssyncset.done $0x0  }
0x2fc: {  	[sflag:s24] =	ssyncadd.s32 $0xFFFFC180  }
0x2fd: {  	s21 =	stileid.u32;
	[bflag:$0x0] =	sbarrier.arrive $0xFFFF  }
0x2fe: {  	s20 =	sshll.u32 s21, $0x6;
	s22 =	rddreg [dreg:$0x14]  }
0x2ff: {  	s20 =	sor.u32 $0x1C05, s20;
	s7 =	rddreg [dreg:$0x12];
	s5 =	sshrl.u32 s22, $0x3  }
0x300: {  	[hbm:s7], [sflag:s20] =	dma.local [spmem:s5], $0x2800  }
0x301: {  	_ =	swait.ge [sflag:s24], $0x2800  }
0x302: {  	s19 =	sadd.s32 $0x1, s19;
	s22 =	rddreg [dreg:$0x13]  }
0x303: {  	p0 =	sne.s32 s19, s22  }
.Ltmp1:
0x304: {  	_ = 	snop;
	(pc) =	sbr.rel @p0 .LBB2_1-.Ltmp1, $3  }
0x305: {  	_ =	sdelay $0x1  }
0x306: {  	[sflag:s24] =	ssyncset.done $0x0  }
0x307: {  	[sflag:s24] =	ssyncadd.s32 $0xFFFFD800  }
0x308: {  	_ =	sfence.sel $0x180000  }
0x309: {  	[bflag:$0x0] =	sbarrier.arrive $0xFFFF  }
0x30a: {  	_ =	strace $0x9000004A  }
0x30b: {  	s0 =	stileid.u32;
	[bflag:$0x2] =	sbarrier.arrive $0xFFFF  }
0x30c: {  	p0 =	sne.s32 s0, $0x0;
	s0 =	rddreg [dreg:$0x2]  }
0x30d: {  	s0 =	sadd.s32 @!p0 $0x100000, s0  }
0x30e: {  	[sflag:s0] =	ssyncadd.tile.s32 @!p0 $0x1;
	_ =	shalt  }
.Lfunc_end2:
_tile_overlayer_lowered:
.L_overlay_start_2:
0x30f: {  	(tag) =	ssettag $0x2  }
0x310: {  	s0 =	rddreg [dreg:$0x0];
	s2 =	stileid.u32  }
0x311: {  	s1 =	rddreg [dreg:$0x1];
	p0 =	sne.s32 s2, $0x0  }
0x312: {  	s3 =	rddreg [dreg:$0x2];
	[bflag:$0x3] =	sbarrier.arrive $0xFFFF;
	s2 =	simm.s32 @!p0 $0x1C05  }
0x313: {  	[timem:s3], [sflag:s2] =	dma.local @!p0 [hbm:s0], s1  }
0x314: {  	s0 =	simm.s32 @!p0 $0x5  }
0x315: {  	_ =	swait.ge @!p0 [sflag:s0], s1  }
0x316: {  	s1 =	ssub.s32 @!p0 $0x0, s1;
	[sflag:s0] =	ssyncset.done @!p0 $0x0  }
0x317: {  	[sflag:s0] =	ssyncadd.s32 @!p0 s1  }
0x318: {  	[bflag:$0x3] =	sbarrier.arrive $0xFFFF  }
0x319: {  	_ =	shalt  }

</sc_bundles>
